<compile_context>
chip_gen: v7x
topology: tpu7x:2x2x1
jax: 0.10.2.dev20260603
libtpu: 0.0.44.dev20260713+nightly
codegen_flags: <defaults>
</compile_context>

<pallas_src>
import jax
import jax.numpy as jnp
from jax import lax
from jax.experimental import pallas as pl
from jax.experimental.pallas import tpu as pltpu
from jax.experimental.pallas import tpu_sc as plsc

N, E, D, DE = 10000, 320000, 128, 4
NC, NS = 2, 16
NT = NC * NS
C = 128
NCHUNK = E // C
NPAD = 10240
ROWS_PER_TILE = NPAD // NS
PAIRS = (NCHUNK // NT + 2) // 2
DSTN = 4


def _sc_body(x_hbm, ei_hbm, ea_hbm, wb_hbm, out0_hbm, out1_hbm,
             src_a, ea_a, rows_a, src_b, ea_b, rows_b, dst_v,
             wb_v, shared, isem_a, isem_b, gsem_a, gsem_b, ssem):
    cid = lax.axis_index("c")
    sid = lax.axis_index("s")
    wid = sid * NC + cid

    pltpu.sync_copy(wb_hbm, wb_v)
    wb16 = wb_v[...]
    ws = [jnp.full((16,), wb16[a], jnp.float32) for a in range(DE)]
    bg = jnp.full((16,), wb16[DE], jnp.float32)
    one = jnp.ones((16,), jnp.float32)

    def _zrow(r, carry):
        for f in range(D // 16):
            rows_a[r, pl.ds(f * 16, 16)] = jnp.zeros((16,), jnp.float32)
        return carry

    lax.fori_loop(0, C, _zrow, 0)
    for j in range(ROWS_PER_TILE // C):
        pltpu.sync_copy(rows_a, shared.at[pl.ds(sid * ROWS_PER_TILE + j * C, C)])
    plsc.subcore_barrier()

    nch = (NCHUNK - 1 - wid) // NT + 1

    def chunk_base(k):
        return (wid + k * NT) * C

    def fetch_idx(k, src_v, ea_v, sem, sync):
        base = chunk_base(k)
        copy = pltpu.sync_copy if sync else (
            lambda s_, d_: pltpu.async_copy(s_, d_, sem))
        copy(ei_hbm.at[pl.ds(base, C)], src_v.at[0])
        copy(ei_hbm.at[pl.ds(E + base, C)], dst_v.at[lax.rem(k, DSTN)])
        copy(ea_hbm.at[:, pl.ds(base, C)], ea_v)

    def wait_idx(k, src_v, ea_v, sem):
        base = chunk_base(k)
        pltpu.make_async_copy(ei_hbm.at[pl.ds(base, C)], src_v.at[0], sem).wait()
        pltpu.make_async_copy(ei_hbm.at[pl.ds(E + base, C)],
                              dst_v.at[lax.rem(k, DSTN)], sem).wait()
        pltpu.make_async_copy(ea_hbm.at[:, pl.ds(base, C)], ea_v, sem).wait()

    def scale_rows(ea_v, rows_v):
        def _scale(j, c2):
            z = bg
            for a in range(DE):
                z = z + ws[a] * ea_v[a, pl.ds(j * 16, 16)]
            g16 = one / (one + jnp.exp(-z))
            for t in range(16):
                e = j * 16 + t
                g = jnp.full((16,), g16[t], jnp.float32)
                for f in range(D // 16):
                    sl = pl.ds(f * 16, 16)
                    rows_v[e, sl] = rows_v[e, sl] * g
            return c2

        lax.fori_loop(0, C // 16, _scale, 0)

    def wait_scatter(rows_v):
        pltpu.make_async_copy(rows_v, shared.at[dst_v.at[0]], ssem).wait()

    fetch_idx(0, src_a, ea_a, isem_a, sync=True)
    pltpu.async_copy(x_hbm.at[src_a.at[0]], rows_a, gsem_a)

    @pl.when(1 < nch)
    def _():
        fetch_idx(1, src_b, ea_b, isem_b, sync=False)

    def sub_body(k, cur, nxt):
        (src_c, ea_c, rows_c, gsem_c, _isem_c) = cur
        (src_n, ea_n, rows_n, gsem_n, isem_n) = nxt

        @pl.when(k + 1 < nch)
        def _():
            wait_idx(k + 1, src_n, ea_n, isem_n)

            @pl.when(k >= 1)
            def _():
                wait_scatter(rows_n)

            pltpu.async_copy(x_hbm.at[src_n.at[0]], rows_n, gsem_n)

        pltpu.make_async_copy(x_hbm.at[src_c.at[0]], rows_c, gsem_c).wait()
        scale_rows(ea_c, rows_c)
        pltpu.async_copy(rows_c, shared.at[dst_v.at[lax.rem(k, DSTN)]], ssem,
                         add=True)

        @pl.when(k + 2 < nch)
        def _():
            fetch_idx(k + 2, src_c, ea_c, _isem_c, sync=False)

    buf_a = (src_a, ea_a, rows_a, gsem_a, isem_a)
    buf_b = (src_b, ea_b, rows_b, gsem_b, isem_b)

    def _pair(m, carry):
        k = m * 2

        @pl.when(k < nch)
        def _():
            sub_body(k, buf_a, buf_b)

        @pl.when(k + 1 < nch)
        def _():
            sub_body(k + 1, buf_b, buf_a)

        return carry

    lax.fori_loop(0, PAIRS, _pair, 0)
    wait_scatter(rows_a)
    wait_scatter(rows_b)
    plsc.subcore_barrier()

    @pl.when(cid == 0)
    def _():
        for j in range(ROWS_PER_TILE // C):
            r0 = sid * ROWS_PER_TILE + j * C
            pltpu.sync_copy(shared.at[pl.ds(r0, C)], out0_hbm.at[pl.ds(r0, C)])

    @pl.when(cid == 1)
    def _():
        for j in range(ROWS_PER_TILE // C):
            r0 = sid * ROWS_PER_TILE + j * C
            pltpu.sync_copy(shared.at[pl.ds(r0, C)], out1_hbm.at[pl.ds(r0, C)])


def _sc_aggregate(x, ei_flat, ea_t, wb):
    mesh = plsc.VectorSubcoreMesh(core_axis_name="c", subcore_axis_name="s")
    return pl.kernel(
        _sc_body,
        out_type=(jax.ShapeDtypeStruct((NPAD, D), jnp.float32),
                  jax.ShapeDtypeStruct((NPAD, D), jnp.float32)),
        mesh=mesh,
        scratch_types=[
            pltpu.VMEM((1, C), jnp.int32),
            pltpu.VMEM((DE, C), jnp.float32),
            pltpu.VMEM((C, D), jnp.float32),
            pltpu.VMEM((1, C), jnp.int32),
            pltpu.VMEM((DE, C), jnp.float32),
            pltpu.VMEM((C, D), jnp.float32),
            pltpu.VMEM((DSTN, C), jnp.int32),
            pltpu.VMEM((16,), jnp.float32),
            pltpu.VMEM_SHARED((NPAD, D), jnp.float32),
            pltpu.SemaphoreType.DMA,
            pltpu.SemaphoreType.DMA,
            pltpu.SemaphoreType.DMA,
            pltpu.SemaphoreType.DMA,
            pltpu.SemaphoreType.DMA,
        ],
    )(x, ei_flat, ea_t, wb)


def _xw_body(x_ref, wn_ref, bn_ref, o_ref):
    o_ref[...] = (jnp.dot(x_ref[...], wn_ref[...],
                          preferred_element_type=jnp.float32) + bn_ref[...])


def _xw(x, Wn, bn):
    BN = 2000
    return pl.pallas_call(
        _xw_body,
        grid=(N // BN,),
        in_specs=[
            pl.BlockSpec((BN, D), lambda i: (i, 0)),
            pl.BlockSpec((D, D), lambda i: (0, 0)),
            pl.BlockSpec((1, D), lambda i: (0, 0)),
        ],
        out_specs=pl.BlockSpec((BN, D), lambda i: (i, 0)),
        out_shape=jax.ShapeDtypeStruct((N, D), jnp.float32),
    )(x, Wn[:D], bn.reshape(1, D))


def _out_body(xw_ref, p0_ref, p1_ref, w2_ref, o_ref):
    agg = p0_ref[...] + p1_ref[...]
    o_ref[...] = xw_ref[...] + jnp.dot(agg, w2_ref[...],
                                       preferred_element_type=jnp.float32)


def _node_update(xw, p0, p1, Wn):
    BN = 2000
    return pl.pallas_call(
        _out_body,
        grid=(N // BN,),
        in_specs=[
            pl.BlockSpec((BN, D), lambda i: (i, 0)),
            pl.BlockSpec((BN, D), lambda i: (i, 0)),
            pl.BlockSpec((BN, D), lambda i: (i, 0)),
            pl.BlockSpec((D, D), lambda i: (0, 0)),
        ],
        out_specs=pl.BlockSpec((BN, D), lambda i: (i, 0)),
        out_shape=jax.ShapeDtypeStruct((N, D), jnp.float32),
    )(xw, p0, p1, Wn[D:])


def kernel(x, edge_index, edge_attr, we, beg, Wn, bn):
    ei_flat = edge_index.reshape(2 * E)
    ea_t = edge_attr.T
    wb = jnp.concatenate([we.reshape(DE), beg,
                          jnp.zeros((16 - DE - 1,), jnp.float32)])
    xw = _xw(x, Wn, bn)
    p0, p1 = _sc_aggregate(x, ei_flat, ea_t, wb)
    return _node_update(xw, p0, p1, Wn)

# --- scband reference (transcript-rebuilt; emitter-appended) ---
"""Pipeline reference for scband-acrobot-gn-mpc-13340168421771 (READ-ONLY COPY).

The authoritative reference and input builder live on the scoring server;
editing this copy changes nothing except your own understanding.
"""

import jax, jax.numpy as jnp
import numpy as np


def setup_inputs(seed: int = 0) -> dict:
    key = jax.random.key(seed)
    k1, k2, k3, k4, k5, k6, k7 = jax.random.split(key, 7)
    N, E, D, DE = 10000, 320000, 128, 4
    x = jax.random.normal(k1, (N, D), dtype=jnp.float32)
    edge_index = jax.random.randint(k2, (2, E), 0, N, dtype=jnp.int32)
    edge_attr = jax.random.normal(k3, (E, DE), dtype=jnp.float32)
    # learned params: edge gate + node update linear (graph-network style block)
    we = jax.random.normal(k4, (DE, 1), dtype=jnp.float32) * (1.0 / np.sqrt(DE))
    beg = jnp.zeros((1,), dtype=jnp.float32)
    Wn = jax.random.normal(k5, (2 * D, D), dtype=jnp.float32) * (1.0 / np.sqrt(2 * D))
    bn = jnp.zeros((D,), dtype=jnp.float32)
    return {"x": x, "edge_index": edge_index, "edge_attr": edge_attr,
            "we": we, "beg": beg, "Wn": Wn, "bn": bn}


def reference(x, edge_index, edge_attr, we, beg, Wn, bn):
    # Graph-network message passing step (single propagate step of the GN dynamics model):
    # edge gate from edge features, gather src node feats, scatter-add to dst, node update.
    src = edge_index[0]
    dst = edge_index[1]
    gate = jax.nn.sigmoid(edge_attr @ we + beg)          # [E, 1]
    msg = x[src] * gate                                   # gather + elementwise  [E, D]
    agg = jax.ops.segment_sum(msg, dst, num_segments=x.shape[0])  # scatter-add   [N, D]
    out = jnp.concatenate([x, agg], axis=-1) @ Wn + bn    # node update          [N, D]
    return out

if __name__ == "__main__":
    import jax
    _d = setup_inputs()
    print(jax.jit(kernel)(*tuple(_d.values())))

</pallas_src>

<mosaic_0001>
#map = affine_map<(d0, d1) -> (0, 0)>
#map1 = affine_map<(d0, d1) -> (0)>
module attributes {stable_mosaic.version = 14 : i64} {
  func.func @_sc_body(%arg0: i32, %arg1: i32, %arg2: memref<10000x128xf32, #tpu.memory_space<hbm>>, %arg3: memref<640000xi32, #tpu.memory_space<hbm>>, %arg4: memref<4x320000xf32, #tpu.memory_space<hbm>>, %arg5: memref<16xf32, #tpu.memory_space<hbm>>, %arg6: memref<10240x128xf32, #tpu.memory_space<hbm>>, %arg7: memref<10240x128xf32, #tpu.memory_space<hbm>>, %arg8: memref<1x128xi32, #tpu.memory_space<vmem>>, %arg9: memref<4x128xf32, #tpu.memory_space<vmem>>, %arg10: memref<128x128xf32, #tpu.memory_space<vmem>>, %arg11: memref<1x128xi32, #tpu.memory_space<vmem>>, %arg12: memref<4x128xf32, #tpu.memory_space<vmem>>, %arg13: memref<128x128xf32, #tpu.memory_space<vmem>>, %arg14: memref<4x128xi32, #tpu.memory_space<vmem>>, %arg15: memref<16xf32, #tpu.memory_space<vmem>>, %arg16: memref<10240x128xf32, #tpu.memory_space<vmem_shared>>, %arg17: memref<!tpu.dma_semaphore, #tpu.memory_space<semaphore_mem>>, %arg18: memref<!tpu.dma_semaphore, #tpu.memory_space<semaphore_mem>>, %arg19: memref<!tpu.dma_semaphore, #tpu.memory_space<semaphore_mem>>, %arg20: memref<!tpu.dma_semaphore, #tpu.memory_space<semaphore_mem>>, %arg21: memref<!tpu.dma_semaphore, #tpu.memory_space<semaphore_mem>>) attributes {dimension_semantics = [#tpu.dimension_semantics<core_parallel>, #tpu.dimension_semantics<subcore_parallel>], iteration_bounds = array<i64: 2, 16>, scalar_prefetch = 0 : i64, scratch_operands = 14 : i64, tpu.core_type = #tpu.core_type<sc_vector_subcore>, window_params = [{transform_indices = #map}, {transform_indices = #map1}, {transform_indices = #map}, {transform_indices = #map1}, {transform_indices = #map}, {transform_indices = #map}]} {
    %mul3A = arith.constant 2 : i32
    %mul3A_0 = arith.muli %arg1, %mul3A : i32
    %add3A = arith.addi %mul3A_0, %arg0 : i32
    "tpu.region"() ({
      %run_scoped3A_108 = tpu.sem_alloc : memref<!tpu.dma_semaphore, #tpu.memory_space<semaphore_mem>>
      tpu.enqueue_dma source(%arg5 : memref<16xf32, #tpu.memory_space<hbm>>) target(%arg15 : memref<16xf32, #tpu.memory_space<vmem>>) target_semaphore(%run_scoped3A_108 : memref<!tpu.dma_semaphore, #tpu.memory_space<semaphore_mem>>)
      tpu.wait_dma2 semaphore(%run_scoped3A_108 : memref<!tpu.dma_semaphore, #tpu.memory_space<semaphore_mem>>) src(%arg5 : memref<16xf32, #tpu.memory_space<hbm>>) dst(%arg15 : memref<16xf32, #tpu.memory_space<vmem>>)
      tpu.yield
    }) : () -> ()
    %get3A = arith.constant 0 : index
    %get3A_1 = tpu.vector_load %arg15[%get3A] {strides = array<i32>} : memref<16xf32, #tpu.memory_space<vmem>>, vector<16xf32>,
    %get3A_2 = vector.shape_cast %get3A_1 : vector<16xf32> to vector<16xf32>
    %slice3A = vector.extract_strided_slice %get3A_2 {offsets = [0], sizes = [1], strides = [1]} : vector<16xf32> to vector<1xf32>
    %squeeze3A = vector.extract %slice3A[0] : f32 from vector<1xf32>
    %broadcast_in_dim3A = vector.broadcast %squeeze3A : f32 to vector<16xf32>
    %slice3A_3 = vector.extract_strided_slice %get3A_2 {offsets = [1], sizes = [1], strides = [1]} : vector<16xf32> to vector<1xf32>
    %squeeze3A_4 = vector.extract %slice3A_3[0] : f32 from vector<1xf32>
    %broadcast_in_dim3A_5 = vector.broadcast %squeeze3A_4 : f32 to vector<16xf32>
    %slice3A_6 = vector.extract_strided_slice %get3A_2 {offsets = [2], sizes = [1], strides = [1]} : vector<16xf32> to vector<1xf32>
    %squeeze3A_7 = vector.extract %slice3A_6[0] : f32 from vector<1xf32>
    %broadcast_in_dim3A_8 = vector.broadcast %squeeze3A_7 : f32 to vector<16xf32>
    %slice3A_9 = vector.extract_strided_slice %get3A_2 {offsets = [3], sizes = [1], strides = [1]} : vector<16xf32> to vector<1xf32>
    %squeeze3A_10 = vector.extract %slice3A_9[0] : f32 from vector<1xf32>
    %broadcast_in_dim3A_11 = vector.broadcast %squeeze3A_10 : f32 to vector<16xf32>
    %slice3A_12 = vector.extract_strided_slice %get3A_2 {offsets = [4], sizes = [1], strides = [1]} : vector<16xf32> to vector<1xf32>
    %squeeze3A_13 = vector.extract %slice3A_12[0] : f32 from vector<1xf32>
    %broadcast_in_dim3A_14 = vector.broadcast %squeeze3A_13 : f32 to vector<16xf32>
    %broadcast_in_dim3A_15 = arith.constant 1.000000e+00 : f32
    %broadcast_in_dim3A_16 = vector.broadcast %broadcast_in_dim3A_15 : f32 to vector<16xf32>
    %scan3A = arith.constant 0 : i32
    %scan3A_17 = arith.constant 0 : i32
    %scan3A_18 = arith.constant 128 : i32
    %scan3A_19 = arith.addi %scan3A_17, %scan3A_18 : i32
    %scan3A_20 = arith.constant 1 : i32
    scf.for %scan3A_108 = %scan3A_17 to %scan3A_19 step %scan3A_20  : i32 {
      %broadcast_in_dim3A_109 = arith.constant 0.000000e+00 : f32
      %broadcast_in_dim3A_110 = vector.broadcast %broadcast_in_dim3A_109 : f32 to vector<16xf32>
      %swap3A = arith.index_cast %scan3A_108 : i32 to index
      %swap3A_111 = arith.constant 0 : index
      %swap3A_112 = tpu.vector_load %arg10[%swap3A, %swap3A_111] {strides = array<i32>} : memref<128x128xf32, #tpu.memory_space<vmem>>, vector<1x16xf32>,
      %swap3A_113 = vector.shape_cast %swap3A_112 : vector<1x16xf32> to vector<16xf32>
      %swap3A_114 = vector.shape_cast %broadcast_in_dim3A_110 : vector<16xf32> to vector<1x16xf32>
      tpu.vector_store %arg10[%swap3A, %swap3A_111], %swap3A_114 {strides = array<i32>} : memref<128x128xf32, #tpu.memory_space<vmem>>, vector<1x16xf32>,
      %broadcast_in_dim3A_115 = arith.constant 0.000000e+00 : f32
      %broadcast_in_dim3A_116 = vector.broadcast %broadcast_in_dim3A_115 : f32 to vector<16xf32>
      %swap3A_117 = arith.index_cast %scan3A_108 : i32 to index
      %swap3A_118 = arith.constant 16 : index
      %swap3A_119 = tpu.vector_load %arg10[%swap3A_117, %swap3A_118] {strides = array<i32>} : memref<128x128xf32, #tpu.memory_space<vmem>>, vector<1x16xf32>,
      %swap3A_120 = vector.shape_cast %swap3A_119 : vector<1x16xf32> to vector<16xf32>
      %swap3A_121 = vector.shape_cast %broadcast_in_dim3A_116 : vector<16xf32> to vector<1x16xf32>
      tpu.vector_store %arg10[%swap3A_117, %swap3A_118], %swap3A_121 {strides = array<i32>} : memref<128x128xf32, #tpu.memory_space<vmem>>, vector<1x16xf32>,
      %broadcast_in_dim3A_122 = arith.constant 0.000000e+00 : f32
      %broadcast_in_dim3A_123 = vector.broadcast %broadcast_in_dim3A_122 : f32 to vector<16xf32>
      %swap3A_124 = arith.index_cast %scan3A_108 : i32 to index
      %swap3A_125 = arith.constant 32 : index
      %swap3A_126 = tpu.vector_load %arg10[%swap3A_124, %swap3A_125] {strides = array<i32>} : memref<128x128xf32, #tpu.memory_space<vmem>>, vector<1x16xf32>,
      %swap3A_127 = vector.shape_cast %swap3A_126 : vector<1x16xf32> to vector<16xf32>
      %swap3A_128 = vector.shape_cast %broadcast_in_dim3A_123 : vector<16xf32> to vector<1x16xf32>
      tpu.vector_store %arg10[%swap3A_124, %swap3A_125], %swap3A_128 {strides = array<i32>} : memref<128x128xf32, #tpu.memory_space<vmem>>, vector<1x16xf32>,
      %broadcast_in_dim3A_129 = arith.constant 0.000000e+00 : f32
      %broadcast_in_dim3A_130 = vector.broadcast %broadcast_in_dim3A_129 : f32 to vector<16xf32>
      %swap3A_131 = arith.index_cast %scan3A_108 : i32 to index
      %swap3A_132 = arith.constant 48 : index
      %swap3A_133 = tpu.vector_load %arg10[%swap3A_131, %swap3A_132] {strides = array<i32>} : memref<128x128xf32, #tpu.memory_space<vmem>>, vector<1x16xf32>,
      %swap3A_134 = vector.shape_cast %swap3A_133 : vector<1x16xf32> to vector<16xf32>
      %swap3A_135 = vector.shape_cast %broadcast_in_dim3A_130 : vector<16xf32> to vector<1x16xf32>
      tpu.vector_store %arg10[%swap3A_131, %swap3A_132], %swap3A_135 {strides = array<i32>} : memref<128x128xf32, #tpu.memory_space<vmem>>, vector<1x16xf32>,
      %broadcast_in_dim3A_136 = arith.constant 0.000000e+00 : f32
      %broadcast_in_dim3A_137 = vector.broadcast %broadcast_in_dim3A_136 : f32 to vector<16xf32>
      %swap3A_138 = arith.index_cast %scan3A_108 : i32 to index
      %swap3A_139 = arith.constant 64 : index
      %swap3A_140 = tpu.vector_load %arg10[%swap3A_138, %swap3A_139] {strides = array<i32>} : memref<128x128xf32, #tpu.memory_space<vmem>>, vector<1x16xf32>,
      %swap3A_141 = vector.shape_cast %swap3A_140 : vector<1x16xf32> to vector<16xf32>
      %swap3A_142 = vector.shape_cast %broadcast_in_dim3A_137 : vector<16xf32> to vector<1x16xf32>
      tpu.vector_store %arg10[%swap3A_138, %swap3A_139], %swap3A_142 {strides = array<i32>} : memref<128x128xf32, #tpu.memory_space<vmem>>, vector<1x16xf32>,
      %broadcast_in_dim3A_143 = arith.constant 0.000000e+00 : f32
      %broadcast_in_dim3A_144 = vector.broadcast %broadcast_in_dim3A_143 : f32 to vector<16xf32>
      %swap3A_145 = arith.index_cast %scan3A_108 : i32 to index
      %swap3A_146 = arith.constant 80 : index
      %swap3A_147 = tpu.vector_load %arg10[%swap3A_145, %swap3A_146] {strides = array<i32>} : memref<128x128xf32, #tpu.memory_space<vmem>>, vector<1x16xf32>,
      %swap3A_148 = vector.shape_cast %swap3A_147 : vector<1x16xf32> to vector<16xf32>
      %swap3A_149 = vector.shape_cast %broadcast_in_dim3A_144 : vector<16xf32> to vector<1x16xf32>
      tpu.vector_store %arg10[%swap3A_145, %swap3A_146], %swap3A_149 {strides = array<i32>} : memref<128x128xf32, #tpu.memory_space<vmem>>, vector<1x16xf32>,
      %broadcast_in_dim3A_150 = arith.constant 0.000000e+00 : f32
      %broadcast_in_dim3A_151 = vector.broadcast %broadcast_in_dim3A_150 : f32 to vector<16xf32>
      %swap3A_152 = arith.index_cast %scan3A_108 : i32 to index
      %swap3A_153 = arith.constant 96 : index
      %swap3A_154 = tpu.vector_load %arg10[%swap3A_152, %swap3A_153] {strides = array<i32>} : memref<128x128xf32, #tpu.memory_space<vmem>>, vector<1x16xf32>,
      %swap3A_155 = vector.shape_cast %swap3A_154 : vector<1x16xf32> to vector<16xf32>
      %swap3A_156 = vector.shape_cast %broadcast_in_dim3A_151 : vector<16xf32> to vector<1x16xf32>
      tpu.vector_store %arg10[%swap3A_152, %swap3A_153], %swap3A_156 {strides = array<i32>} : memref<128x128xf32, #tpu.memory_space<vmem>>, vector<1x16xf32>,
      %broadcast_in_dim3A_157 = arith.constant 0.000000e+00 : f32
      %broadcast_in_dim3A_158 = vector.broadcast %broadcast_in_dim3A_157 : f32 to vector<16xf32>
      %swap3A_159 = arith.index_cast %scan3A_108 : i32 to index
      %swap3A_160 = arith.constant 112 : index
      %swap3A_161 = tpu.vector_load %arg10[%swap3A_159, %swap3A_160] {strides = array<i32>} : memref<128x128xf32, #tpu.memory_space<vmem>>, vector<1x16xf32>,
      %swap3A_162 = vector.shape_cast %swap3A_161 : vector<1x16xf32> to vector<16xf32>
      %swap3A_163 = vector.shape_cast %broadcast_in_dim3A_158 : vector<16xf32> to vector<1x16xf32>
      tpu.vector_store %arg10[%swap3A_159, %swap3A_160], %swap3A_163 {strides = array<i32>} : memref<128x128xf32, #tpu.memory_space<vmem>>, vector<1x16xf32>,
    }
    %scan3A_21 = arith.constant 128 : i32
    %mul3A_22 = arith.constant 640 : i32
    %mul3A_23 = arith.muli %arg1, %mul3A_22 : i32
    %add3A_24 = arith.constant 0 : i32
    %add3A_25 = arith.addi %mul3A_23, %add3A_24 : i32
    "tpu.region"() ({
      %run_scoped3A_108 = tpu.sem_alloc : memref<!tpu.dma_semaphore, #tpu.memory_space<semaphore_mem>>
      %dma_start3A_109 = arith.constant 0 : i32
      %dma_start3A_110 = tpu.memref_slice %arg16[%add3A_25, %dma_start3A_109] : memref<10240x128xf32, #tpu.memory_space<vmem_shared>> -> memref<128x128xf32, #tpu.memory_space<vmem_shared>>
      %dma_start3A_111 = arith.constant 0 : i32
      %dma_start3A_112 = tpu.memref_slice %arg16[%add3A_25, %dma_start3A_111] : memref<10240x128xf32, #tpu.memory_space<vmem_shared>> -> memref<128x128xf32, #tpu.memory_space<vmem_shared>>
      tpu.enqueue_dma source(%arg10 : memref<128x128xf32, #tpu.memory_space<vmem>>) target(%dma_start3A_112 : memref<128x128xf32, #tpu.memory_space<vmem_shared>>) target_semaphore(%run_scoped3A_108 : memref<!tpu.dma_semaphore, #tpu.memory_space<semaphore_mem>>)
      %dma_wait3A_113 = arith.constant 0 : i32
      %dma_wait3A_114 = tpu.memref_slice %arg16[%add3A_25, %dma_wait3A_113] : memref<10240x128xf32, #tpu.memory_space<vmem_shared>> -> memref<128x128xf32, #tpu.memory_space<vmem_shared>>
      %dma_wait3A_115 = arith.constant 0 : i32
      %dma_wait3A_116 = tpu.memref_slice %arg16[%add3A_25, %dma_wait3A_115] : memref<10240x128xf32, #tpu.memory_space<vmem_shared>> -> memref<128x128xf32, #tpu.memory_space<vmem_shared>>
      tpu.wait_dma2 semaphore(%run_scoped3A_108 : memref<!tpu.dma_semaphore, #tpu.memory_space<semaphore_mem>>) src(%arg10 : memref<128x128xf32, #tpu.memory_space<vmem>>) dst(%dma_wait3A_116 : memref<128x128xf32, #tpu.memory_space<vmem_shared>>)
      tpu.yield
    }) : () -> ()
    %mul3A_26 = arith.constant 640 : i32
    %mul3A_27 = arith.muli %arg1, %mul3A_26 : i32
    %add3A_28 = arith.constant 128 : i32
    %add3A_29 = arith.addi %mul3A_27, %add3A_28 : i32
    "tpu.region"() ({
      %run_scoped3A_108 = tpu.sem_alloc : memref<!tpu.dma_semaphore, #tpu.memory_space<semaphore_mem>>
      %dma_start3A_109 = arith.constant 0 : i32
      %dma_start3A_110 = tpu.memref_slice %arg16[%add3A_29, %dma_start3A_109] : memref<10240x128xf32, #tpu.memory_space<vmem_shared>> -> memref<128x128xf32, #tpu.memory_space<vmem_shared>>
      %dma_start3A_111 = arith.constant 0 : i32
      %dma_start3A_112 = tpu.memref_slice %arg16[%add3A_29, %dma_start3A_111] : memref<10240x128xf32, #tpu.memory_space<vmem_shared>> -> memref<128x128xf32, #tpu.memory_space<vmem_shared>>
      tpu.enqueue_dma source(%arg10 : memref<128x128xf32, #tpu.memory_space<vmem>>) target(%dma_start3A_112 : memref<128x128xf32, #tpu.memory_space<vmem_shared>>) target_semaphore(%run_scoped3A_108 : memref<!tpu.dma_semaphore, #tpu.memory_space<semaphore_mem>>)
      %dma_wait3A_113 = arith.constant 0 : i32
      %dma_wait3A_114 = tpu.memref_slice %arg16[%add3A_29, %dma_wait3A_113] : memref<10240x128xf32, #tpu.memory_space<vmem_shared>> -> memref<128x128xf32, #tpu.memory_space<vmem_shared>>
      %dma_wait3A_115 = arith.constant 0 : i32
      %dma_wait3A_116 = tpu.memref_slice %arg16[%add3A_29, %dma_wait3A_115] : memref<10240x128xf32, #tpu.memory_space<vmem_shared>> -> memref<128x128xf32, #tpu.memory_space<vmem_shared>>
      tpu.wait_dma2 semaphore(%run_scoped3A_108 : memref<!tpu.dma_semaphore, #tpu.memory_space<semaphore_mem>>) src(%arg10 : memref<128x128xf32, #tpu.memory_space<vmem>>) dst(%dma_wait3A_116 : memref<128x128xf32, #tpu.memory_space<vmem_shared>>)
      tpu.yield
    }) : () -> ()
    %mul3A_30 = arith.constant 640 : i32
    %mul3A_31 = arith.muli %arg1, %mul3A_30 : i32
    %add3A_32 = arith.constant 256 : i32
    %add3A_33 = arith.addi %mul3A_31, %add3A_32 : i32
    "tpu.region"() ({
      %run_scoped3A_108 = tpu.sem_alloc : memref<!tpu.dma_semaphore, #tpu.memory_space<semaphore_mem>>
      %dma_start3A_109 = arith.constant 0 : i32
      %dma_start3A_110 = tpu.memref_slice %arg16[%add3A_33, %dma_start3A_109] : memref<10240x128xf32, #tpu.memory_space<vmem_shared>> -> memref<128x128xf32, #tpu.memory_space<vmem_shared>>
      %dma_start3A_111 = arith.constant 0 : i32
      %dma_start3A_112 = tpu.memref_slice %arg16[%add3A_33, %dma_start3A_111] : memref<10240x128xf32, #tpu.memory_space<vmem_shared>> -> memref<128x128xf32, #tpu.memory_space<vmem_shared>>
      tpu.enqueue_dma source(%arg10 : memref<128x128xf32, #tpu.memory_space<vmem>>) target(%dma_start3A_112 : memref<128x128xf32, #tpu.memory_space<vmem_shared>>) target_semaphore(%run_scoped3A_108 : memref<!tpu.dma_semaphore, #tpu.memory_space<semaphore_mem>>)
      %dma_wait3A_113 = arith.constant 0 : i32
      %dma_wait3A_114 = tpu.memref_slice %arg16[%add3A_33, %dma_wait3A_113] : memref<10240x128xf32, #tpu.memory_space<vmem_shared>> -> memref<128x128xf32, #tpu.memory_space<vmem_shared>>
      %dma_wait3A_115 = arith.constant 0 : i32
      %dma_wait3A_116 = tpu.memref_slice %arg16[%add3A_33, %dma_wait3A_115] : memref<10240x128xf32, #tpu.memory_space<vmem_shared>> -> memref<128x128xf32, #tpu.memory_space<vmem_shared>>
      tpu.wait_dma2 semaphore(%run_scoped3A_108 : memref<!tpu.dma_semaphore, #tpu.memory_space<semaphore_mem>>) src(%arg10 : memref<128x128xf32, #tpu.memory_space<vmem>>) dst(%dma_wait3A_116 : memref<128x128xf32, #tpu.memory_space<vmem_shared>>)
      tpu.yield
    }) : () -> ()
    %mul3A_34 = arith.constant 640 : i32
    %mul3A_35 = arith.muli %arg1, %mul3A_34 : i32
    %add3A_36 = arith.constant 384 : i32
    %add3A_37 = arith.addi %mul3A_35, %add3A_36 : i32
    "tpu.region"() ({
      %run_scoped3A_108 = tpu.sem_alloc : memref<!tpu.dma_semaphore, #tpu.memory_space<semaphore_mem>>
      %dma_start3A_109 = arith.constant 0 : i32
      %dma_start3A_110 = tpu.memref_slice %arg16[%add3A_37, %dma_start3A_109] : memref<10240x128xf32, #tpu.memory_space<vmem_shared>> -> memref<128x128xf32, #tpu.memory_space<vmem_shared>>
      %dma_start3A_111 = arith.constant 0 : i32
      %dma_start3A_112 = tpu.memref_slice %arg16[%add3A_37, %dma_start3A_111] : memref<10240x128xf32, #tpu.memory_space<vmem_shared>> -> memref<128x128xf32, #tpu.memory_space<vmem_shared>>
      tpu.enqueue_dma source(%arg10 : memref<128x128xf32, #tpu.memory_space<vmem>>) target(%dma_start3A_112 : memref<128x128xf32, #tpu.memory_space<vmem_shared>>) target_semaphore(%run_scoped3A_108 : memref<!tpu.dma_semaphore, #tpu.memory_space<semaphore_mem>>)
      %dma_wait3A_113 = arith.constant 0 : i32
      %dma_wait3A_114 = tpu.memref_slice %arg16[%add3A_37, %dma_wait3A_113] : memref<10240x128xf32, #tpu.memory_space<vmem_shared>> -> memref<128x128xf32, #tpu.memory_space<vmem_shared>>
      %dma_wait3A_115 = arith.constant 0 : i32
      %dma_wait3A_116 = tpu.memref_slice %arg16[%add3A_37, %dma_wait3A_115] : memref<10240x128xf32, #tpu.memory_space<vmem_shared>> -> memref<128x128xf32, #tpu.memory_space<vmem_shared>>
      tpu.wait_dma2 semaphore(%run_scoped3A_108 : memref<!tpu.dma_semaphore, #tpu.memory_space<semaphore_mem>>) src(%arg10 : memref<128x128xf32, #tpu.memory_space<vmem>>) dst(%dma_wait3A_116 : memref<128x128xf32, #tpu.memory_space<vmem_shared>>)
      tpu.yield
    }) : () -> ()
    %mul3A_38 = arith.constant 640 : i32
    %mul3A_39 = arith.muli %arg1, %mul3A_38 : i32
    %add3A_40 = arith.constant 512 : i32
    %add3A_41 = arith.addi %mul3A_39, %add3A_40 : i32
    "tpu.region"() ({
      %run_scoped3A_108 = tpu.sem_alloc : memref<!tpu.dma_semaphore, #tpu.memory_space<semaphore_mem>>
      %dma_start3A_109 = arith.constant 0 : i32
      %dma_start3A_110 = tpu.memref_slice %arg16[%add3A_41, %dma_start3A_109] : memref<10240x128xf32, #tpu.memory_space<vmem_shared>> -> memref<128x128xf32, #tpu.memory_space<vmem_shared>>
      %dma_start3A_111 = arith.constant 0 : i32
      %dma_start3A_112 = tpu.memref_slice %arg16[%add3A_41, %dma_start3A_111] : memref<10240x128xf32, #tpu.memory_space<vmem_shared>> -> memref<128x128xf32, #tpu.memory_space<vmem_shared>>
      tpu.enqueue_dma source(%arg10 : memref<128x128xf32, #tpu.memory_space<vmem>>) target(%dma_start3A_112 : memref<128x128xf32, #tpu.memory_space<vmem_shared>>) target_semaphore(%run_scoped3A_108 : memref<!tpu.dma_semaphore, #tpu.memory_space<semaphore_mem>>)
      %dma_wait3A_113 = arith.constant 0 : i32
      %dma_wait3A_114 = tpu.memref_slice %arg16[%add3A_41, %dma_wait3A_113] : memref<10240x128xf32, #tpu.memory_space<vmem_shared>> -> memref<128x128xf32, #tpu.memory_space<vmem_shared>>
      %dma_wait3A_115 = arith.constant 0 : i32
      %dma_wait3A_116 = tpu.memref_slice %arg16[%add3A_41, %dma_wait3A_115] : memref<10240x128xf32, #tpu.memory_space<vmem_shared>> -> memref<128x128xf32, #tpu.memory_space<vmem_shared>>
      tpu.wait_dma2 semaphore(%run_scoped3A_108 : memref<!tpu.dma_semaphore, #tpu.memory_space<semaphore_mem>>) src(%arg10 : memref<128x128xf32, #tpu.memory_space<vmem>>) dst(%dma_wait3A_116 : memref<128x128xf32, #tpu.memory_space<vmem_shared>>)
      tpu.yield
    }) : () -> ()
    %barrier3A = arith.constant 0 : index
    tpu.barrier barrier_id(%barrier3A)
    %sub3A = arith.constant 2499 : i32
    %sub3A_42 = arith.subi %sub3A, %add3A : i32
    %jit3A = arith.constant 32 : i32
    %div3A = arith.divsi %sub3A_42, %jit3A : i32
    %sign3A = arith.constant 0 : i32
    %sign3A_43 = arith.cmpi sgt, %sub3A_42, %sign3A : i32
    %sign3A_44 = arith.extui %sign3A_43 : i1 to i32
    %sign3A_45 = arith.constant 0 : i32
    %sign3A_46 = arith.cmpi slt, %sub3A_42, %sign3A_45 : i32
    %sign3A_47 = arith.extui %sign3A_46 : i1 to i32
    %sign3A_48 = arith.subi %sign3A_44, %sign3A_47 : i32
    %sign3A_49 = arith.constant 0 : i32
    %sign3A_50 = arith.cmpi sgt, %jit3A, %sign3A_49 : i32
    %sign3A_51 = arith.extui %sign3A_50 : i1 to i32
    %sign3A_52 = arith.constant 0 : i32
    %sign3A_53 = arith.cmpi slt, %jit3A, %sign3A_52 : i32
    %sign3A_54 = arith.extui %sign3A_53 : i1 to i32
    %sign3A_55 = arith.subi %sign3A_51, %sign3A_54 : i32
    %ne3A = arith.cmpi ne, %sign3A_48, %sign3A_55 : i32
    %rem3A = arith.remsi %sub3A_42, %jit3A : i32
    %ne3A_56 = arith.constant 0 : i32
    %ne3A_57 = arith.cmpi ne, %rem3A, %ne3A_56 : i32
    %and3A = arith.andi %ne3A, %ne3A_57 : i1
    %sub3A_58 = arith.constant 1 : i32
    %sub3A_59 = arith.subi %div3A, %sub3A_58 : i32
    %select_n3A = arith.select %and3A, %sub3A_59, %div3A : i32
    %add3A_60 = arith.constant 1 : i32
    %add3A_61 = arith.addi %select_n3A, %add3A_60 : i32
    %add3A_62 = arith.constant 0 : i32
    %add3A_63 = arith.addi %add3A, %add3A_62 : i32
    %mul3A_64 = arith.constant 128 : i32
    %mul3A_65 = arith.muli %add3A_63, %mul3A_64 : i32
    %run_scoped3A = arith.constant 0 : i32
    "tpu.region"() ({
      %run_scoped3A_108 = tpu.sem_alloc : memref<!tpu.dma_semaphore, #tpu.memory_space<semaphore_mem>>
      %dma_start3A_109 = arith.constant 0 : i32
      %dma_start3A_110 = tpu.memref_slice %arg8[%run_scoped3A, %dma_start3A_109] : memref<1x128xi32, #tpu.memory_space<vmem>> -> memref<1x128xi32, #tpu.memory_space<vmem>>
      %dma_start3A_111 = tpu.memref_squeeze %dma_start3A_110 : memref<1x128xi32, #tpu.memory_space<vmem>> -> memref<128xi32, #tpu.memory_space<vmem>>
      %dma_start3A_112 = tpu.memref_slice %arg3[%mul3A_65] : memref<640000xi32, #tpu.memory_space<hbm>> -> memref<128xi32, #tpu.memory_space<hbm>>
      %dma_start3A_113 = arith.constant 0 : i32
      %dma_start3A_114 = tpu.memref_slice %arg8[%run_scoped3A, %dma_start3A_113] : memref<1x128xi32, #tpu.memory_space<vmem>> -> memref<1x128xi32, #tpu.memory_space<vmem>>
      %dma_start3A_115 = tpu.memref_squeeze %dma_start3A_114 : memref<1x128xi32, #tpu.memory_space<vmem>> -> memref<128xi32, #tpu.memory_space<vmem>>
      %dma_start3A_116 = tpu.memref_slice %arg3[%mul3A_65] : memref<640000xi32, #tpu.memory_space<hbm>> -> memref<128xi32, #tpu.memory_space<hbm>>
      tpu.enqueue_dma source(%dma_start3A_116 : memref<128xi32, #tpu.memory_space<hbm>>) target(%dma_start3A_115 : memref<128xi32, #tpu.memory_space<vmem>>) target_semaphore(%run_scoped3A_108 : memref<!tpu.dma_semaphore, #tpu.memory_space<semaphore_mem>>)
      %dma_wait3A_117 = arith.constant 0 : i32
      %dma_wait3A_118 = tpu.memref_slice %arg8[%run_scoped3A, %dma_wait3A_117] : memref<1x128xi32, #tpu.memory_space<vmem>> -> memref<1x128xi32, #tpu.memory_space<vmem>>
      %dma_wait3A_119 = tpu.memref_squeeze %dma_wait3A_118 : memref<1x128xi32, #tpu.memory_space<vmem>> -> memref<128xi32, #tpu.memory_space<vmem>>
      %dma_wait3A_120 = tpu.memref_slice %arg3[%mul3A_65] : memref<640000xi32, #tpu.memory_space<hbm>> -> memref<128xi32, #tpu.memory_space<hbm>>
      %dma_wait3A_121 = arith.constant 0 : i32
      %dma_wait3A_122 = tpu.memref_slice %arg8[%run_scoped3A, %dma_wait3A_121] : memref<1x128xi32, #tpu.memory_space<vmem>> -> memref<1x128xi32, #tpu.memory_space<vmem>>
      %dma_wait3A_123 = tpu.memref_squeeze %dma_wait3A_122 : memref<1x128xi32, #tpu.memory_space<vmem>> -> memref<128xi32, #tpu.memory_space<vmem>>
      %dma_wait3A_124 = tpu.memref_slice %arg3[%mul3A_65] : memref<640000xi32, #tpu.memory_space<hbm>> -> memref<128xi32, #tpu.memory_space<hbm>>
      tpu.wait_dma2 semaphore(%run_scoped3A_108 : memref<!tpu.dma_semaphore, #tpu.memory_space<semaphore_mem>>) src(%dma_wait3A_124 : memref<128xi32, #tpu.memory_space<hbm>>) dst(%dma_wait3A_123 : memref<128xi32, #tpu.memory_space<vmem>>)
      tpu.yield
    }) : () -> ()
    %add3A_66 = arith.constant 320000 : i32
    %add3A_67 = arith.addi %add3A_66, %mul3A_65 : i32
    %rem3A_68 = arith.constant 0 : i32
    %rem3A_69 = arith.constant 4 : i32
    %rem3A_70 = arith.remsi %rem3A_68, %rem3A_69 : i32
    "tpu.region"() ({
      %run_scoped3A_108 = tpu.sem_alloc : memref<!tpu.dma_semaphore, #tpu.memory_space<semaphore_mem>>
      %dma_start3A_109 = arith.constant 0 : i32
      %dma_start3A_110 = tpu.memref_slice %arg14[%rem3A_70, %dma_start3A_109] : memref<4x128xi32, #tpu.memory_space<vmem>> -> memref<1x128xi32, #tpu.memory_space<vmem>>
      %dma_start3A_111 = tpu.memref_squeeze %dma_start3A_110 : memref<1x128xi32, #tpu.memory_space<vmem>> -> memref<128xi32, #tpu.memory_space<vmem>>
      %dma_start3A_112 = tpu.memref_slice %arg3[%add3A_67] : memref<640000xi32, #tpu.memory_space<hbm>> -> memref<128xi32, #tpu.memory_space<hbm>>
      %dma_start3A_113 = arith.constant 0 : i32
      %dma_start3A_114 = tpu.memref_slice %arg14[%rem3A_70, %dma_start3A_113] : memref<4x128xi32, #tpu.memory_space<vmem>> -> memref<1x128xi32, #tpu.memory_space<vmem>>
      %dma_start3A_115 = tpu.memref_squeeze %dma_start3A_114 : memref<1x128xi32, #tpu.memory_space<vmem>> -> memref<128xi32, #tpu.memory_space<vmem>>
      %dma_start3A_116 = tpu.memref_slice %arg3[%add3A_67] : memref<640000xi32, #tpu.memory_space<hbm>> -> memref<128xi32, #tpu.memory_space<hbm>>
      tpu.enqueue_dma source(%dma_start3A_116 : memref<128xi32, #tpu.memory_space<hbm>>) target(%dma_start3A_115 : memref<128xi32, #tpu.memory_space<vmem>>) target_semaphore(%run_scoped3A_108 : memref<!tpu.dma_semaphore, #tpu.memory_space<semaphore_mem>>)
      %dma_wait3A_117 = arith.constant 0 : i32
      %dma_wait3A_118 = tpu.memref_slice %arg14[%rem3A_70, %dma_wait3A_117] : memref<4x128xi32, #tpu.memory_space<vmem>> -> memref<1x128xi32, #tpu.memory_space<vmem>>
      %dma_wait3A_119 = tpu.memref_squeeze %dma_wait3A_118 : memref<1x128xi32, #tpu.memory_space<vmem>> -> memref<128xi32, #tpu.memory_space<vmem>>
      %dma_wait3A_120 = tpu.memref_slice %arg3[%add3A_67] : memref<640000xi32, #tpu.memory_space<hbm>> -> memref<128xi32, #tpu.memory_space<hbm>>
      %dma_wait3A_121 = arith.constant 0 : i32
      %dma_wait3A_122 = tpu.memref_slice %arg14[%rem3A_70, %dma_wait3A_121] : memref<4x128xi32, #tpu.memory_space<vmem>> -> memref<1x128xi32, #tpu.memory_space<vmem>>
      %dma_wait3A_123 = tpu.memref_squeeze %dma_wait3A_122 : memref<1x128xi32, #tpu.memory_space<vmem>> -> memref<128xi32, #tpu.memory_space<vmem>>
      %dma_wait3A_124 = tpu.memref_slice %arg3[%add3A_67] : memref<640000xi32, #tpu.memory_space<hbm>> -> memref<128xi32, #tpu.memory_space<hbm>>
      tpu.wait_dma2 semaphore(%run_scoped3A_108 : memref<!tpu.dma_semaphore, #tpu.memory_space<semaphore_mem>>) src(%dma_wait3A_124 : memref<128xi32, #tpu.memory_space<hbm>>) dst(%dma_wait3A_123 : memref<128xi32, #tpu.memory_space<vmem>>)
      tpu.yield
    }) : () -> ()
    "tpu.region"() ({
      %run_scoped3A_108 = tpu.sem_alloc : memref<!tpu.dma_semaphore, #tpu.memory_space<semaphore_mem>>
      %dma_start3A_109 = arith.constant 0 : i32
      %dma_start3A_110 = tpu.memref_slice %arg4[%dma_start3A_109, %mul3A_65] : memref<4x320000xf32, #tpu.memory_space<hbm>> -> memref<4x128xf32, #tpu.memory_space<hbm>>
      %dma_start3A_111 = arith.constant 0 : i32
      %dma_start3A_112 = tpu.memref_slice %arg4[%dma_start3A_111, %mul3A_65] : memref<4x320000xf32, #tpu.memory_space<hbm>> -> memref<4x128xf32, #tpu.memory_space<hbm>>
      tpu.enqueue_dma source(%dma_start3A_112 : memref<4x128xf32, #tpu.memory_space<hbm>>) target(%arg9 : memref<4x128xf32, #tpu.memory_space<vmem>>) target_semaphore(%run_scoped3A_108 : memref<!tpu.dma_semaphore, #tpu.memory_space<semaphore_mem>>)
      %dma_wait3A_113 = arith.constant 0 : i32
      %dma_wait3A_114 = tpu.memref_slice %arg4[%dma_wait3A_113, %mul3A_65] : memref<4x320000xf32, #tpu.memory_space<hbm>> -> memref<4x128xf32, #tpu.memory_space<hbm>>
      %dma_wait3A_115 = arith.constant 0 : i32
      %dma_wait3A_116 = tpu.memref_slice %arg4[%dma_wait3A_115, %mul3A_65] : memref<4x320000xf32, #tpu.memory_space<hbm>> -> memref<4x128xf32, #tpu.memory_space<hbm>>
      tpu.wait_dma2 semaphore(%run_scoped3A_108 : memref<!tpu.dma_semaphore, #tpu.memory_space<semaphore_mem>>) src(%dma_wait3A_116 : memref<4x128xf32, #tpu.memory_space<hbm>>) dst(%arg9 : memref<4x128xf32, #tpu.memory_space<vmem>>)
      tpu.yield
    }) : () -> ()
    %dma_start3A = arith.constant 0 : i32
    %dma_start3A_71 = arith.constant 0 : i32
    %dma_start3A_72 = tpu.memref_slice %arg8[%dma_start3A, %dma_start3A_71] : memref<1x128xi32, #tpu.memory_space<vmem>> -> memref<1x128xi32, #tpu.memory_space<vmem>>
    %dma_start3A_73 = tpu.memref_squeeze %dma_start3A_72 : memref<1x128xi32, #tpu.memory_space<vmem>> -> memref<128xi32, #tpu.memory_space<vmem>>
    %dma_start3A_74 = arith.constant 0 : i32
    %dma_start3A_75 = arith.constant 0 : i32
    %dma_start3A_76 = tpu.memref_slice %arg2[%dma_start3A_74, %dma_start3A_75] : memref<10000x128xf32, #tpu.memory_space<hbm>> -> memref<10000x128xf32, #tpu.memory_space<hbm>>
    tpu.enqueue_indirect_dma source(%dma_start3A_76 : memref<10000x128xf32, #tpu.memory_space<hbm>>) target(%arg10 : memref<128x128xf32, #tpu.memory_space<vmem>>) offsets(%dma_start3A_73 : memref<128xi32, #tpu.memory_space<vmem>>) semaphore(%arg19 : memref<!tpu.dma_semaphore, #tpu.memory_space<semaphore_mem>>)
    %gt3A = arith.constant 1 : i32
    %gt3A_77 = arith.cmpi sgt, %add3A_61, %gt3A : i32
    %convert_element_type3A = arith.extui %gt3A_77 : i1 to i32
    %cond3A = arith.constant 0 : i32
    %cond3A_78 = arith.cmpi ne, %convert_element_type3A, %cond3A : i32
    scf.if %cond3A_78 {
      %add3A_108 = arith.constant 32 : i32
      %add3A_109 = arith.addi %add3A, %add3A_108 : i32
      %mul3A_110 = arith.constant 128 : i32
      %mul3A_111 = arith.muli %add3A_109, %mul3A_110 : i32
      %dma_start3A_112 = arith.constant 0 : i32
      %dma_start3A_113 = arith.constant 0 : i32
      %dma_start3A_114 = tpu.memref_slice %arg11[%dma_start3A_112, %dma_start3A_113] : memref<1x128xi32, #tpu.memory_space<vmem>> -> memref<1x128xi32, #tpu.memory_space<vmem>>
      %dma_start3A_115 = tpu.memref_squeeze %dma_start3A_114 : memref<1x128xi32, #tpu.memory_space<vmem>> -> memref<128xi32, #tpu.memory_space<vmem>>
      %dma_start3A_116 = tpu.memref_slice %arg3[%mul3A_111] : memref<640000xi32, #tpu.memory_space<hbm>> -> memref<128xi32, #tpu.memory_space<hbm>>
      %dma_start3A_117 = arith.constant 0 : i32
      %dma_start3A_118 = tpu.memref_slice %arg11[%dma_start3A_112, %dma_start3A_117] : memref<1x128xi32, #tpu.memory_space<vmem>> -> memref<1x128xi32, #tpu.memory_space<vmem>>
      %dma_start3A_119 = tpu.memref_squeeze %dma_start3A_118 : memref<1x128xi32, #tpu.memory_space<vmem>> -> memref<128xi32, #tpu.memory_space<vmem>>
      %dma_start3A_120 = tpu.memref_slice %arg3[%mul3A_111] : memref<640000xi32, #tpu.memory_space<hbm>> -> memref<128xi32, #tpu.memory_space<hbm>>
      tpu.enqueue_dma source(%dma_start3A_120 : memref<128xi32, #tpu.memory_space<hbm>>) target(%dma_start3A_119 : memref<128xi32, #tpu.memory_space<vmem>>) target_semaphore(%arg18 : memref<!tpu.dma_semaphore, #tpu.memory_space<semaphore_mem>>)
      %add3A_121 = arith.constant 320000 : i32
      %add3A_122 = arith.addi %add3A_121, %mul3A_111 : i32
      %rem3A_123 = arith.constant 1 : i32
      %rem3A_124 = arith.constant 4 : i32
      %rem3A_125 = arith.remsi %rem3A_123, %rem3A_124 : i32
      %dma_start3A_126 = arith.constant 0 : i32
      %dma_start3A_127 = tpu.memref_slice %arg14[%rem3A_125, %dma_start3A_126] : memref<4x128xi32, #tpu.memory_space<vmem>> -> memref<1x128xi32, #tpu.memory_space<vmem>>
      %dma_start3A_128 = tpu.memref_squeeze %dma_start3A_127 : memref<1x128xi32, #tpu.memory_space<vmem>> -> memref<128xi32, #tpu.memory_space<vmem>>
      %dma_start3A_129 = tpu.memref_slice %arg3[%add3A_122] : memref<640000xi32, #tpu.memory_space<hbm>> -> memref<128xi32, #tpu.memory_space<hbm>>
      %dma_start3A_130 = arith.constant 0 : i32
      %dma_start3A_131 = tpu.memref_slice %arg14[%rem3A_125, %dma_start3A_130] : memref<4x128xi32, #tpu.memory_space<vmem>> -> memref<1x128xi32, #tpu.memory_space<vmem>>
      %dma_start3A_132 = tpu.memref_squeeze %dma_start3A_131 : memref<1x128xi32, #tpu.memory_space<vmem>> -> memref<128xi32, #tpu.memory_space<vmem>>
      %dma_start3A_133 = tpu.memref_slice %arg3[%add3A_122] : memref<640000xi32, #tpu.memory_space<hbm>> -> memref<128xi32, #tpu.memory_space<hbm>>
      tpu.enqueue_dma source(%dma_start3A_133 : memref<128xi32, #tpu.memory_space<hbm>>) target(%dma_start3A_132 : memref<128xi32, #tpu.memory_space<vmem>>) target_semaphore(%arg18 : memref<!tpu.dma_semaphore, #tpu.memory_space<semaphore_mem>>)
      %dma_start3A_134 = arith.constant 0 : i32
      %dma_start3A_135 = tpu.memref_slice %arg4[%dma_start3A_134, %mul3A_111] : memref<4x320000xf32, #tpu.memory_space<hbm>> -> memref<4x128xf32, #tpu.memory_space<hbm>>
      %dma_start3A_136 = arith.constant 0 : i32
      %dma_start3A_137 = tpu.memref_slice %arg4[%dma_start3A_136, %mul3A_111] : memref<4x320000xf32, #tpu.memory_space<hbm>> -> memref<4x128xf32, #tpu.memory_space<hbm>>
      tpu.enqueue_dma source(%dma_start3A_137 : memref<4x128xf32, #tpu.memory_space<hbm>>) target(%arg12 : memref<4x128xf32, #tpu.memory_space<vmem>>) target_semaphore(%arg18 : memref<!tpu.dma_semaphore, #tpu.memory_space<semaphore_mem>>)
    } else {
    }
    %scan3A_79 = arith.constant 0 : i32
    %scan3A_80 = arith.constant 0 : i32
    %scan3A_81 = arith.constant 40 : i32
    %scan3A_82 = arith.addi %scan3A_80, %scan3A_81 : i32
    %scan3A_83 = arith.constant 1 : i32
    scf.for %scan3A_108 = %scan3A_80 to %scan3A_82 step %scan3A_83  : i32 {
      %mul3A_109 = arith.constant 2 : i32
      %mul3A_110 = arith.muli %scan3A_108, %mul3A_109 : i32
      %lt3A = arith.cmpi slt, %mul3A_110, %add3A_61 : i32
      %convert_element_type3A_111 = arith.extui %lt3A : i1 to i32
      %cond3A_112 = arith.constant 0 : i32
      %cond3A_113 = arith.cmpi ne, %convert_element_type3A_111, %cond3A_112 : i32
      scf.if %cond3A_113 {
        %add3A_120 = arith.constant 1 : i32
        %add3A_121 = arith.addi %mul3A_110, %add3A_120 : i32
        %lt3A_122 = arith.cmpi slt, %add3A_121, %add3A_61 : i32
        %convert_element_type3A_123 = arith.extui %lt3A_122 : i1 to i32
        %cond3A_124 = arith.constant 0 : i32
        %cond3A_125 = arith.cmpi ne, %convert_element_type3A_123, %cond3A_124 : i32
        scf.if %cond3A_125 {
          %add3A_153 = arith.constant 1 : i32
          %add3A_154 = arith.addi %mul3A_110, %add3A_153 : i32
          %mul3A_155 = arith.constant 32 : i32
          %mul3A_156 = arith.muli %add3A_154, %mul3A_155 : i32
          %add3A_157 = arith.addi %add3A, %mul3A_156 : i32
          %mul3A_158 = arith.constant 128 : i32
          %mul3A_159 = arith.muli %add3A_157, %mul3A_158 : i32
          %dma_wait3A_160 = arith.constant 0 : i32
          %dma_wait3A_161 = arith.constant 0 : i32
          %dma_wait3A_162 = tpu.memref_slice %arg11[%dma_wait3A_160, %dma_wait3A_161] : memref<1x128xi32, #tpu.memory_space<vmem>> -> memref<1x128xi32, #tpu.memory_space<vmem>>
          %dma_wait3A_163 = tpu.memref_squeeze %dma_wait3A_162 : memref<1x128xi32, #tpu.memory_space<vmem>> -> memref<128xi32, #tpu.memory_space<vmem>>
          %dma_wait3A_164 = tpu.memref_slice %arg3[%mul3A_159] : memref<640000xi32, #tpu.memory_space<hbm>> -> memref<128xi32, #tpu.memory_space<hbm>>
          %dma_wait3A_165 = arith.constant 0 : i32
          %dma_wait3A_166 = tpu.memref_slice %arg11[%dma_wait3A_160, %dma_wait3A_165] : memref<1x128xi32, #tpu.memory_space<vmem>> -> memref<1x128xi32, #tpu.memory_space<vmem>>
          %dma_wait3A_167 = tpu.memref_squeeze %dma_wait3A_166 : memref<1x128xi32, #tpu.memory_space<vmem>> -> memref<128xi32, #tpu.memory_space<vmem>>
          %dma_wait3A_168 = tpu.memref_slice %arg3[%mul3A_159] : memref<640000xi32, #tpu.memory_space<hbm>> -> memref<128xi32, #tpu.memory_space<hbm>>
          tpu.wait_dma2 semaphore(%arg18 : memref<!tpu.dma_semaphore, #tpu.memory_space<semaphore_mem>>) src(%dma_wait3A_168 : memref<128xi32, #tpu.memory_space<hbm>>) dst(%dma_wait3A_167 : memref<128xi32, #tpu.memory_space<vmem>>)
          %add3A_169 = arith.constant 320000 : i32
          %add3A_170 = arith.addi %add3A_169, %mul3A_159 : i32
          %rem3A_171 = arith.constant 4 : i32
          %rem3A_172 = arith.remsi %add3A_154, %rem3A_171 : i32
          %dma_wait3A_173 = arith.constant 0 : i32
          %dma_wait3A_174 = tpu.memref_slice %arg14[%rem3A_172, %dma_wait3A_173] : memref<4x128xi32, #tpu.memory_space<vmem>> -> memref<1x128xi32, #tpu.memory_space<vmem>>
          %dma_wait3A_175 = tpu.memref_squeeze %dma_wait3A_174 : memref<1x128xi32, #tpu.memory_space<vmem>> -> memref<128xi32, #tpu.memory_space<vmem>>
          %dma_wait3A_176 = tpu.memref_slice %arg3[%add3A_170] : memref<640000xi32, #tpu.memory_space<hbm>> -> memref<128xi32, #tpu.memory_space<hbm>>
          %dma_wait3A_177 = arith.constant 0 : i32
          %dma_wait3A_178 = tpu.memref_slice %arg14[%rem3A_172, %dma_wait3A_177] : memref<4x128xi32, #tpu.memory_space<vmem>> -> memref<1x128xi32, #tpu.memory_space<vmem>>
          %dma_wait3A_179 = tpu.memref_squeeze %dma_wait3A_178 : memref<1x128xi32, #tpu.memory_space<vmem>> -> memref<128xi32, #tpu.memory_space<vmem>>
          %dma_wait3A_180 = tpu.memref_slice %arg3[%add3A_170] : memref<640000xi32, #tpu.memory_space<hbm>> -> memref<128xi32, #tpu.memory_space<hbm>>
          tpu.wait_dma2 semaphore(%arg18 : memref<!tpu.dma_semaphore, #tpu.memory_space<semaphore_mem>>) src(%dma_wait3A_180 : memref<128xi32, #tpu.memory_space<hbm>>) dst(%dma_wait3A_179 : memref<128xi32, #tpu.memory_space<vmem>>)
          %dma_wait3A_181 = arith.constant 0 : i32
          %dma_wait3A_182 = tpu.memref_slice %arg4[%dma_wait3A_181, %mul3A_159] : memref<4x320000xf32, #tpu.memory_space<hbm>> -> memref<4x128xf32, #tpu.memory_space<hbm>>
          %dma_wait3A_183 = arith.constant 0 : i32
          %dma_wait3A_184 = tpu.memref_slice %arg4[%dma_wait3A_183, %mul3A_159] : memref<4x320000xf32, #tpu.memory_space<hbm>> -> memref<4x128xf32, #tpu.memory_space<hbm>>
          tpu.wait_dma2 semaphore(%arg18 : memref<!tpu.dma_semaphore, #tpu.memory_space<semaphore_mem>>) src(%dma_wait3A_184 : memref<4x128xf32, #tpu.memory_space<hbm>>) dst(%arg12 : memref<4x128xf32, #tpu.memory_space<vmem>>)
          %ge3A = arith.constant 1 : i32
          %ge3A_185 = arith.cmpi sge, %mul3A_110, %ge3A : i32
          %convert_element_type3A_186 = arith.extui %ge3A_185 : i1 to i32
          %cond3A_187 = arith.constant 0 : i32
          %cond3A_188 = arith.cmpi ne, %convert_element_type3A_186, %cond3A_187 : i32
          scf.if %cond3A_188 {
            %dma_wait3A_196 = arith.constant 0 : i32
            %dma_wait3A_197 = arith.constant 0 : i32
            %dma_wait3A_198 = tpu.memref_slice %arg14[%dma_wait3A_196, %dma_wait3A_197] : memref<4x128xi32, #tpu.memory_space<vmem>> -> memref<1x128xi32, #tpu.memory_space<vmem>>
            %dma_wait3A_199 = tpu.memref_squeeze %dma_wait3A_198 : memref<1x128xi32, #tpu.memory_space<vmem>> -> memref<128xi32, #tpu.memory_space<vmem>>
            %dma_wait3A_200 = arith.constant 0 : i32
            %dma_wait3A_201 = arith.constant 0 : i32
            %dma_wait3A_202 = tpu.memref_slice %arg16[%dma_wait3A_200, %dma_wait3A_201] : memref<10240x128xf32, #tpu.memory_space<vmem_shared>> -> memref<10240x128xf32, #tpu.memory_space<vmem_shared>>
            tpu.wait_indirect_dma semaphore(%arg21 : memref<!tpu.dma_semaphore, #tpu.memory_space<semaphore_mem>>) src(%arg13 : memref<128x128xf32, #tpu.memory_space<vmem>>) dst(%dma_wait3A_202 : memref<10240x128xf32, #tpu.memory_space<vmem_shared>>)
          } else {
          }
          %dma_start3A_189 = arith.constant 0 : i32
          %dma_start3A_190 = arith.constant 0 : i32
          %dma_start3A_191 = tpu.memref_slice %arg11[%dma_start3A_189, %dma_start3A_190] : memref<1x128xi32, #tpu.memory_space<vmem>> -> memref<1x128xi32, #tpu.memory_space<vmem>>
          %dma_start3A_192 = tpu.memref_squeeze %dma_start3A_191 : memref<1x128xi32, #tpu.memory_space<vmem>> -> memref<128xi32, #tpu.memory_space<vmem>>
          %dma_start3A_193 = arith.constant 0 : i32
          %dma_start3A_194 = arith.constant 0 : i32
          %dma_start3A_195 = tpu.memref_slice %arg2[%dma_start3A_193, %dma_start3A_194] : memref<10000x128xf32, #tpu.memory_space<hbm>> -> memref<10000x128xf32, #tpu.memory_space<hbm>>
          tpu.enqueue_indirect_dma source(%dma_start3A_195 : memref<10000x128xf32, #tpu.memory_space<hbm>>) target(%arg13 : memref<128x128xf32, #tpu.memory_space<vmem>>) offsets(%dma_start3A_192 : memref<128xi32, #tpu.memory_space<vmem>>) semaphore(%arg20 : memref<!tpu.dma_semaphore, #tpu.memory_space<semaphore_mem>>)
        } else {
        }
        %dma_wait3A_126 = arith.constant 0 : i32
        %dma_wait3A_127 = arith.constant 0 : i32
        %dma_wait3A_128 = tpu.memref_slice %arg8[%dma_wait3A_126, %dma_wait3A_127] : memref<1x128xi32, #tpu.memory_space<vmem>> -> memref<1x128xi32, #tpu.memory_space<vmem>>
        %dma_wait3A_129 = tpu.memref_squeeze %dma_wait3A_128 : memref<1x128xi32, #tpu.memory_space<vmem>> -> memref<128xi32, #tpu.memory_space<vmem>>
        %dma_wait3A_130 = arith.constant 0 : i32
        %dma_wait3A_131 = arith.constant 0 : i32
        %dma_wait3A_132 = tpu.memref_slice %arg2[%dma_wait3A_130, %dma_wait3A_131] : memref<10000x128xf32, #tpu.memory_space<hbm>> -> memref<10000x128xf32, #tpu.memory_space<hbm>>
        tpu.wait_indirect_dma semaphore(%arg19 : memref<!tpu.dma_semaphore, #tpu.memory_space<semaphore_mem>>) src(%dma_wait3A_132 : memref<10000x128xf32, #tpu.memory_space<hbm>>) dst(%arg10 : memref<128x128xf32, #tpu.memory_space<vmem>>)
        %scan3A_133 = arith.constant 0 : i32
        %scan3A_134 = arith.constant 0 : i32
        %scan3A_135 = arith.constant 8 : i32
        %scan3A_136 = arith.addi %scan3A_134, %scan3A_135 : i32
        %scan3A_137 = arith.constant 1 : i32
        scf.for %scan3A_153 = %scan3A_134 to %scan3A_136 step %scan3A_137  : i32 {
          %mul3A_154 = arith.constant 16 : i32
          %mul3A_155 = arith.muli %scan3A_153, %mul3A_154 : i32
          %get3A_156 = arith.constant 0 : i32
          %get3A_157 = arith.index_cast %get3A_156 : i32 to index
          %get3A_158 = arith.index_cast %mul3A_155 : i32 to index
          %get3A_159 = tpu.vector_load %arg9[%get3A_157, %get3A_158] {strides = array<i32>} : memref<4x128xf32, #tpu.memory_space<vmem>>, vector<1x16xf32>,
          %get3A_160 = vector.shape_cast %get3A_159 : vector<1x16xf32> to vector<16xf32>
          %mul3A_161 = arith.mulf %broadcast_in_dim3A, %get3A_160 : vector<16xf32>
          %add3A_162 = arith.addf %broadcast_in_dim3A_14, %mul3A_161 : vector<16xf32>
          %mul3A_163 = arith.constant 16 : i32
          %mul3A_164 = arith.muli %scan3A_153, %mul3A_163 : i32
          %get3A_165 = arith.constant 1 : i32
          %get3A_166 = arith.index_cast %get3A_165 : i32 to index
          %get3A_167 = arith.index_cast %mul3A_164 : i32 to index
          %get3A_168 = tpu.vector_load %arg9[%get3A_166, %get3A_167] {strides = array<i32>} : memref<4x128xf32, #tpu.memory_space<vmem>>, vector<1x16xf32>,
          %get3A_169 = vector.shape_cast %get3A_168 : vector<1x16xf32> to vector<16xf32>
          %mul3A_170 = arith.mulf %broadcast_in_dim3A_5, %get3A_169 : vector<16xf32>
          %add3A_171 = arith.addf %add3A_162, %mul3A_170 : vector<16xf32>
          %mul3A_172 = arith.constant 16 : i32
          %mul3A_173 = arith.muli %scan3A_153, %mul3A_172 : i32
          %get3A_174 = arith.constant 2 : i32
          %get3A_175 = arith.index_cast %get3A_174 : i32 to index
          %get3A_176 = arith.index_cast %mul3A_173 : i32 to index
          %get3A_177 = tpu.vector_load %arg9[%get3A_175, %get3A_176] {strides = array<i32>} : memref<4x128xf32, #tpu.memory_space<vmem>>, vector<1x16xf32>,
          %get3A_178 = vector.shape_cast %get3A_177 : vector<1x16xf32> to vector<16xf32>
          %mul3A_179 = arith.mulf %broadcast_in_dim3A_8, %get3A_178 : vector<16xf32>
          %add3A_180 = arith.addf %add3A_171, %mul3A_179 : vector<16xf32>
          %mul3A_181 = arith.constant 16 : i32
          %mul3A_182 = arith.muli %scan3A_153, %mul3A_181 : i32
          %get3A_183 = arith.constant 3 : i32
          %get3A_184 = arith.index_cast %get3A_183 : i32 to index
          %get3A_185 = arith.index_cast %mul3A_182 : i32 to index
          %get3A_186 = tpu.vector_load %arg9[%get3A_184, %get3A_185] {strides = array<i32>} : memref<4x128xf32, #tpu.memory_space<vmem>>, vector<1x16xf32>,
          %get3A_187 = vector.shape_cast %get3A_186 : vector<1x16xf32> to vector<16xf32>
          %mul3A_188 = arith.mulf %broadcast_in_dim3A_11, %get3A_187 : vector<16xf32>
          %add3A_189 = arith.addf %add3A_180, %mul3A_188 : vector<16xf32>
          %neg3A = arith.constant 0.000000e+00 : f32
          %neg3A_190 = vector.broadcast %neg3A : f32 to vector<16xf32>
          %neg3A_191 = arith.subf %neg3A_190, %add3A_189 : vector<16xf32>
          %exp3A = math.exp %neg3A_191 : vector<16xf32>
          %add3A_192 = arith.addf %broadcast_in_dim3A_16, %exp3A : vector<16xf32>
          %div3A_193 = arith.divf %broadcast_in_dim3A_16, %add3A_192 : vector<16xf32>
          %mul3A_194 = arith.constant 16 : i32
          %mul3A_195 = arith.muli %scan3A_153, %mul3A_194 : i32
          %add3A_196 = arith.constant 0 : i32
          %add3A_197 = arith.addi %mul3A_195, %add3A_196 : i32
          %slice3A_198 = vector.extract_strided_slice %div3A_193 {offsets = [0], sizes = [1], strides = [1]} : vector<16xf32> to vector<1xf32>
          %squeeze3A_199 = vector.extract %slice3A_198[0] : f32 from vector<1xf32>
          %broadcast_in_dim3A_200 = vector.broadcast %squeeze3A_199 : f32 to vector<16xf32>
          %get3A_201 = arith.index_cast %add3A_197 : i32 to index
          %get3A_202 = arith.constant 0 : index
          %get3A_203 = tpu.vector_load %arg10[%get3A_201, %get3A_202] {strides = array<i32>} : memref<128x128xf32, #tpu.memory_space<vmem>>, vector<1x16xf32>,
          %get3A_204 = vector.shape_cast %get3A_203 : vector<1x16xf32> to vector<16xf32>
          %mul3A_205 = arith.mulf %get3A_204, %broadcast_in_dim3A_200 : vector<16xf32>
          %swap3A = arith.index_cast %add3A_197 : i32 to index
          %swap3A_206 = arith.constant 0 : index
          %swap3A_207 = tpu.vector_load %arg10[%swap3A, %swap3A_206] {strides = array<i32>} : memref<128x128xf32, #tpu.memory_space<vmem>>, vector<1x16xf32>,
          %swap3A_208 = vector.shape_cast %swap3A_207 : vector<1x16xf32> to vector<16xf32>
          %swap3A_209 = vector.shape_cast %mul3A_205 : vector<16xf32> to vector<1x16xf32>
          tpu.vector_store %arg10[%swap3A, %swap3A_206], %swap3A_209 {strides = array<i32>} : memref<128x128xf32, #tpu.memory_space<vmem>>, vector<1x16xf32>,
          %get3A_210 = arith.index_cast %add3A_197 : i32 to index
          %get3A_211 = arith.constant 16 : index
          %get3A_212 = tpu.vector_load %arg10[%get3A_210, %get3A_211] {strides = array<i32>} : memref<128x128xf32, #tpu.memory_space<vmem>>, vector<1x16xf32>,
          %get3A_213 = vector.shape_cast %get3A_212 : vector<1x16xf32> to vector<16xf32>
          %mul3A_214 = arith.mulf %get3A_213, %broadcast_in_dim3A_200 : vector<16xf32>
          %swap3A_215 = arith.index_cast %add3A_197 : i32 to index
          %swap3A_216 = arith.constant 16 : index
          %swap3A_217 = tpu.vector_load %arg10[%swap3A_215, %swap3A_216] {strides = array<i32>} : memref<128x128xf32, #tpu.memory_space<vmem>>, vector<1x16xf32>,
          %swap3A_218 = vector.shape_cast %swap3A_217 : vector<1x16xf32> to vector<16xf32>
          %swap3A_219 = vector.shape_cast %mul3A_214 : vector<16xf32> to vector<1x16xf32>
          tpu.vector_store %arg10[%swap3A_215, %swap3A_216], %swap3A_219 {strides = array<i32>} : memref<128x128xf32, #tpu.memory_space<vmem>>, vector<1x16xf32>,
          %get3A_220 = arith.index_cast %add3A_197 : i32 to index
          %get3A_221 = arith.constant 32 : index
          %get3A_222 = tpu.vector_load %arg10[%get3A_220, %get3A_221] {strides = array<i32>} : memref<128x128xf32, #tpu.memory_space<vmem>>, vector<1x16xf32>,
          %get3A_223 = vector.shape_cast %get3A_222 : vector<1x16xf32> to vector<16xf32>
          %mul3A_224 = arith.mulf %get3A_223, %broadcast_in_dim3A_200 : vector<16xf32>
          %swap3A_225 = arith.index_cast %add3A_197 : i32 to index
          %swap3A_226 = arith.constant 32 : index
          %swap3A_227 = tpu.vector_load %arg10[%swap3A_225, %swap3A_226] {strides = array<i32>} : memref<128x128xf32, #tpu.memory_space<vmem>>, vector<1x16xf32>,
          %swap3A_228 = vector.shape_cast %swap3A_227 : vector<1x16xf32> to vector<16xf32>
          %swap3A_229 = vector.shape_cast %mul3A_224 : vector<16xf32> to vector<1x16xf32>
          tpu.vector_store %arg10[%swap3A_225, %swap3A_226], %swap3A_229 {strides = array<i32>} : memref<128x128xf32, #tpu.memory_space<vmem>>, vector<1x16xf32>,
          %get3A_230 = arith.index_cast %add3A_197 : i32 to index
          %get3A_231 = arith.constant 48 : index
          %get3A_232 = tpu.vector_load %arg10[%get3A_230, %get3A_231] {strides = array<i32>} : memref<128x128xf32, #tpu.memory_space<vmem>>, vector<1x16xf32>,
          %get3A_233 = vector.shape_cast %get3A_232 : vector<1x16xf32> to vector<16xf32>
          %mul3A_234 = arith.mulf %get3A_233, %broadcast_in_dim3A_200 : vector<16xf32>
          %swap3A_235 = arith.index_cast %add3A_197 : i32 to index
          %swap3A_236 = arith.constant 48 : index
          %swap3A_237 = tpu.vector_load %arg10[%swap3A_235, %swap3A_236] {strides = array<i32>} : memref<128x128xf32, #tpu.memory_space<vmem>>, vector<1x16xf32>,
          %swap3A_238 = vector.shape_cast %swap3A_237 : vector<1x16xf32> to vector<16xf32>
          %swap3A_239 = vector.shape_cast %mul3A_234 : vector<16xf32> to vector<1x16xf32>
          tpu.vector_store %arg10[%swap3A_235, %swap3A_236], %swap3A_239 {strides = array<i32>} : memref<128x128xf32, #tpu.memory_space<vmem>>, vector<1x16xf32>,
          %get3A_240 = arith.index_cast %add3A_197 : i32 to index
          %get3A_241 = arith.constant 64 : index
          %get3A_242 = tpu.vector_load %arg10[%get3A_240, %get3A_241] {strides = array<i32>} : memref<128x128xf32, #tpu.memory_space<vmem>>, vector<1x16xf32>,
          %get3A_243 = vector.shape_cast %get3A_242 : vector<1x16xf32> to vector<16xf32>
          %mul3A_244 = arith.mulf %get3A_243, %broadcast_in_dim3A_200 : vector<16xf32>
          %swap3A_245 = arith.index_cast %add3A_197 : i32 to index
          %swap3A_246 = arith.constant 64 : index
          %swap3A_247 = tpu.vector_load %arg10[%swap3A_245, %swap3A_246] {strides = array<i32>} : memref<128x128xf32, #tpu.memory_space<vmem>>, vector<1x16xf32>,
          %swap3A_248 = vector.shape_cast %swap3A_247 : vector<1x16xf32> to vector<16xf32>
          %swap3A_249 = vector.shape_cast %mul3A_244 : vector<16xf32> to vector<1x16xf32>
          tpu.vector_store %arg10[%swap3A_245, %swap3A_246], %swap3A_249 {strides = array<i32>} : memref<128x128xf32, #tpu.memory_space<vmem>>, vector<1x16xf32>,
          %get3A_250 = arith.index_cast %add3A_197 : i32 to index
          %get3A_251 = arith.constant 80 : index
          %get3A_252 = tpu.vector_load %arg10[%get3A_250, %get3A_251] {strides = array<i32>} : memref<128x128xf32, #tpu.memory_space<vmem>>, vector<1x16xf32>,
          %get3A_253 = vector.shape_cast %get3A_252 : vector<1x16xf32> to vector<16xf32>
          %mul3A_254 = arith.mulf %get3A_253, %broadcast_in_dim3A_200 : vector<16xf32>
          %swap3A_255 = arith.index_cast %add3A_197 : i32 to index
          %swap3A_256 = arith.constant 80 : index
          %swap3A_257 = tpu.vector_load %arg10[%swap3A_255, %swap3A_256] {strides = array<i32>} : memref<128x128xf32, #tpu.memory_space<vmem>>, vector<1x16xf32>,
          %swap3A_258 = vector.shape_cast %swap3A_257 : vector<1x16xf32> to vector<16xf32>
          %swap3A_259 = vector.shape_cast %mul3A_254 : vector<16xf32> to vector<1x16xf32>
          tpu.vector_store %arg10[%swap3A_255, %swap3A_256], %swap3A_259 {strides = array<i32>} : memref<128x128xf32, #tpu.memory_space<vmem>>, vector<1x16xf32>,
          %get3A_260 = arith.index_cast %add3A_197 : i32 to index
          %get3A_261 = arith.constant 96 : index
          %get3A_262 = tpu.vector_load %arg10[%get3A_260, %get3A_261] {strides = array<i32>} : memref<128x128xf32, #tpu.memory_space<vmem>>, vector<1x16xf32>,
          %get3A_263 = vector.shape_cast %get3A_262 : vector<1x16xf32> to vector<16xf32>
          %mul3A_264 = arith.mulf %get3A_263, %broadcast_in_dim3A_200 : vector<16xf32>
          %swap3A_265 = arith.index_cast %add3A_197 : i32 to index
          %swap3A_266 = arith.constant 96 : index
          %swap3A_267 = tpu.vector_load %arg10[%swap3A_265, %swap3A_266] {strides = array<i32>} : memref<128x128xf32, #tpu.memory_space<vmem>>, vector<1x16xf32>,
          %swap3A_268 = vector.shape_cast %swap3A_267 : vector<1x16xf32> to vector<16xf32>
          %swap3A_269 = vector.shape_cast %mul3A_264 : vector<16xf32> to vector<1x16xf32>
          tpu.vector_store %arg10[%swap3A_265, %swap3A_266], %swap3A_269 {strides = array<i32>} : memref<128x128xf32, #tpu.memory_space<vmem>>, vector<1x16xf32>,
          %get3A_270 = arith.index_cast %add3A_197 : i32 to index
          %get3A_271 = arith.constant 112 : index
          %get3A_272 = tpu.vector_load %arg10[%get3A_270, %get3A_271] {strides = array<i32>} : memref<128x128xf32, #tpu.memory_space<vmem>>, vector<1x16xf32>,
          %get3A_273 = vector.shape_cast %get3A_272 : vector<1x16xf32> to vector<16xf32>
          %mul3A_274 = arith.mulf %get3A_273, %broadcast_in_dim3A_200 : vector<16xf32>
          %swap3A_275 = arith.index_cast %add3A_197 : i32 to index
          %swap3A_276 = arith.constant 112 : index
          %swap3A_277 = tpu.vector_load %arg10[%swap3A_275, %swap3A_276] {strides = array<i32>} : memref<128x128xf32, #tpu.memory_space<vmem>>, vector<1x16xf32>,
          %swap3A_278 = vector.shape_cast %swap3A_277 : vector<1x16xf32> to vector<16xf32>
          %swap3A_279 = vector.shape_cast %mul3A_274 : vector<16xf32> to vector<1x16xf32>
          tpu.vector_store %arg10[%swap3A_275, %swap3A_276], %swap3A_279 {strides = array<i32>} : memref<128x128xf32, #tpu.memory_space<vmem>>, vector<1x16xf32>,
          %mul3A_280 = arith.constant 16 : i32
          %mul3A_281 = arith.muli %scan3A_153, %mul3A_280 : i32
          %add3A_282 = arith.constant 1 : i32
          %add3A_283 = arith.addi %mul3A_281, %add3A_282 : i32
          %slice3A_284 = vector.extract_strided_slice %div3A_193 {offsets = [1], sizes = [1], strides = [1]} : vector<16xf32> to vector<1xf32>
          %squeeze3A_285 = vector.extract %slice3A_284[0] : f32 from vector<1xf32>
          %broadcast_in_dim3A_286 = vector.broadcast %squeeze3A_285 : f32 to vector<16xf32>
          %get3A_287 = arith.index_cast %add3A_283 : i32 to index
          %get3A_288 = arith.constant 0 : index
          %get3A_289 = tpu.vector_load %arg10[%get3A_287, %get3A_288] {strides = array<i32>} : memref<128x128xf32, #tpu.memory_space<vmem>>, vector<1x16xf32>,
          %get3A_290 = vector.shape_cast %get3A_289 : vector<1x16xf32> to vector<16xf32>
          %mul3A_291 = arith.mulf %get3A_290, %broadcast_in_dim3A_286 : vector<16xf32>
          %swap3A_292 = arith.index_cast %add3A_283 : i32 to index
          %swap3A_293 = arith.constant 0 : index
          %swap3A_294 = tpu.vector_load %arg10[%swap3A_292, %swap3A_293] {strides = array<i32>} : memref<128x128xf32, #tpu.memory_space<vmem>>, vector<1x16xf32>,
          %swap3A_295 = vector.shape_cast %swap3A_294 : vector<1x16xf32> to vector<16xf32>
          %swap3A_296 = vector.shape_cast %mul3A_291 : vector<16xf32> to vector<1x16xf32>
          tpu.vector_store %arg10[%swap3A_292, %swap3A_293], %swap3A_296 {strides = array<i32>} : memref<128x128xf32, #tpu.memory_space<vmem>>, vector<1x16xf32>,
          %get3A_297 = arith.index_cast %add3A_283 : i32 to index
          %get3A_298 = arith.constant 16 : index
          %get3A_299 = tpu.vector_load %arg10[%get3A_297, %get3A_298] {strides = array<i32>} : memref<128x128xf32, #tpu.memory_space<vmem>>, vector<1x16xf32>,
          %get3A_300 = vector.shape_cast %get3A_299 : vector<1x16xf32> to vector<16xf32>
          %mul3A_301 = arith.mulf %get3A_300, %broadcast_in_dim3A_286 : vector<16xf32>
          %swap3A_302 = arith.index_cast %add3A_283 : i32 to index
          %swap3A_303 = arith.constant 16 : index
          %swap3A_304 = tpu.vector_load %arg10[%swap3A_302, %swap3A_303] {strides = array<i32>} : memref<128x128xf32, #tpu.memory_space<vmem>>, vector<1x16xf32>,
          %swap3A_305 = vector.shape_cast %swap3A_304 : vector<1x16xf32> to vector<16xf32>
          %swap3A_306 = vector.shape_cast %mul3A_301 : vector<16xf32> to vector<1x16xf32>
          tpu.vector_store %arg10[%swap3A_302, %swap3A_303], %swap3A_306 {strides = array<i32>} : memref<128x128xf32, #tpu.memory_space<vmem>>, vector<1x16xf32>,
          %get3A_307 = arith.index_cast %add3A_283 : i32 to index
          %get3A_308 = arith.constant 32 : index
          %get3A_309 = tpu.vector_load %arg10[%get3A_307, %get3A_308] {strides = array<i32>} : memref<128x128xf32, #tpu.memory_space<vmem>>, vector<1x16xf32>,
          %get3A_310 = vector.shape_cast %get3A_309 : vector<1x16xf32> to vector<16xf32>
          %mul3A_311 = arith.mulf %get3A_310, %broadcast_in_dim3A_286 : vector<16xf32>
          %swap3A_312 = arith.index_cast %add3A_283 : i32 to index
          %swap3A_313 = arith.constant 32 : index
          %swap3A_314 = tpu.vector_load %arg10[%swap3A_312, %swap3A_313] {strides = array<i32>} : memref<128x128xf32, #tpu.memory_space<vmem>>, vector<1x16xf32>,
          %swap3A_315 = vector.shape_cast %swap3A_314 : vector<1x16xf32> to vector<16xf32>
          %swap3A_316 = vector.shape_cast %mul3A_311 : vector<16xf32> to vector<1x16xf32>
          tpu.vector_store %arg10[%swap3A_312, %swap3A_313], %swap3A_316 {strides = array<i32>} : memref<128x128xf32, #tpu.memory_space<vmem>>, vector<1x16xf32>,
          %get3A_317 = arith.index_cast %add3A_283 : i32 to index
          %get3A_318 = arith.constant 48 : index
          %get3A_319 = tpu.vector_load %arg10[%get3A_317, %get3A_318] {strides = array<i32>} : memref<128x128xf32, #tpu.memory_space<vmem>>, vector<1x16xf32>,
          %get3A_320 = vector.shape_cast %get3A_319 : vector<1x16xf32> to vector<16xf32>
          %mul3A_321 = arith.mulf %get3A_320, %broadcast_in_dim3A_286 : vector<16xf32>
          %swap3A_322 = arith.index_cast %add3A_283 : i32 to index
          %swap3A_323 = arith.constant 48 : index
          %swap3A_324 = tpu.vector_load %arg10[%swap3A_322, %swap3A_323] {strides = array<i32>} : memref<128x128xf32, #tpu.memory_space<vmem>>, vector<1x16xf32>,
          %swap3A_325 = vector.shape_cast %swap3A_324 : vector<1x16xf32> to vector<16xf32>
          %swap3A_326 = vector.shape_cast %mul3A_321 : vector<16xf32> to vector<1x16xf32>
          tpu.vector_store %arg10[%swap3A_322, %swap3A_323], %swap3A_326 {strides = array<i32>} : memref<128x128xf32, #tpu.memory_space<vmem>>, vector<1x16xf32>,
          %get3A_327 = arith.index_cast %add3A_283 : i32 to index
          %get3A_328 = arith.constant 64 : index
          %get3A_329 = tpu.vector_load %arg10[%get3A_327, %get3A_328] {strides = array<i32>} : memref<128x128xf32, #tpu.memory_space<vmem>>, vector<1x16xf32>,
          %get3A_330 = vector.shape_cast %get3A_329 : vector<1x16xf32> to vector<16xf32>
          %mul3A_331 = arith.mulf %get3A_330, %broadcast_in_dim3A_286 : vector<16xf32>
          %swap3A_332 = arith.index_cast %add3A_283 : i32 to index
          %swap3A_333 = arith.constant 64 : index
          %swap3A_334 = tpu.vector_load %arg10[%swap3A_332, %swap3A_333] {strides = array<i32>} : memref<128x128xf32, #tpu.memory_space<vmem>>, vector<1x16xf32>,
          %swap3A_335 = vector.shape_cast %swap3A_334 : vector<1x16xf32> to vector<16xf32>
          %swap3A_336 = vector.shape_cast %mul3A_331 : vector<16xf32> to vector<1x16xf32>
          tpu.vector_store %arg10[%swap3A_332, %swap3A_333], %swap3A_336 {strides = array<i32>} : memref<128x128xf32, #tpu.memory_space<vmem>>, vector<1x16xf32>,
          %get3A_337 = arith.index_cast %add3A_283 : i32 to index
          %get3A_338 = arith.constant 80 : index
          %get3A_339 = tpu.vector_load %arg10[%get3A_337, %get3A_338] {strides = array<i32>} : memref<128x128xf32, #tpu.memory_space<vmem>>, vector<1x16xf32>,
          %get3A_340 = vector.shape_cast %get3A_339 : vector<1x16xf32> to vector<16xf32>
          %mul3A_341 = arith.mulf %get3A_340, %broadcast_in_dim3A_286 : vector<16xf32>
          %swap3A_342 = arith.index_cast %add3A_283 : i32 to index
          %swap3A_343 = arith.constant 80 : index
          %swap3A_344 = tpu.vector_load %arg10[%swap3A_342, %swap3A_343] {strides = array<i32>} : memref<128x128xf32, #tpu.memory_space<vmem>>, vector<1x16xf32>,
          %swap3A_345 = vector.shape_cast %swap3A_344 : vector<1x16xf32> to vector<16xf32>
          %swap3A_346 = vector.shape_cast %mul3A_341 : vector<16xf32> to vector<1x16xf32>
          tpu.vector_store %arg10[%swap3A_342, %swap3A_343], %swap3A_346 {strides = array<i32>} : memref<128x128xf32, #tpu.memory_space<vmem>>, vector<1x16xf32>,
          %get3A_347 = arith.index_cast %add3A_283 : i32 to index
          %get3A_348 = arith.constant 96 : index
          %get3A_349 = tpu.vector_load %arg10[%get3A_347, %get3A_348] {strides = array<i32>} : memref<128x128xf32, #tpu.memory_space<vmem>>, vector<1x16xf32>,
          %get3A_350 = vector.shape_cast %get3A_349 : vector<1x16xf32> to vector<16xf32>
          %mul3A_351 = arith.mulf %get3A_350, %broadcast_in_dim3A_286 : vector<16xf32>
          %swap3A_352 = arith.index_cast %add3A_283 : i32 to index
          %swap3A_353 = arith.constant 96 : index
          %swap3A_354 = tpu.vector_load %arg10[%swap3A_352, %swap3A_353] {strides = array<i32>} : memref<128x128xf32, #tpu.memory_space<vmem>>, vector<1x16xf32>,
          %swap3A_355 = vector.shape_cast %swap3A_354 : vector<1x16xf32> to vector<16xf32>
          %swap3A_356 = vector.shape_cast %mul3A_351 : vector<16xf32> to vector<1x16xf32>
          tpu.vector_store %arg10[%swap3A_352, %swap3A_353], %swap3A_356 {strides = array<i32>} : memref<128x128xf32, #tpu.memory_space<vmem>>, vector<1x16xf32>,
          %get3A_357 = arith.index_cast %add3A_283 : i32 to index
          %get3A_358 = arith.constant 112 : index
          %get3A_359 = tpu.vector_load %arg10[%get3A_357, %get3A_358] {strides = array<i32>} : memref<128x128xf32, #tpu.memory_space<vmem>>, vector<1x16xf32>,
          %get3A_360 = vector.shape_cast %get3A_359 : vector<1x16xf32> to vector<16xf32>
          %mul3A_361 = arith.mulf %get3A_360, %broadcast_in_dim3A_286 : vector<16xf32>
          %swap3A_362 = arith.index_cast %add3A_283 : i32 to index
          %swap3A_363 = arith.constant 112 : index
          %swap3A_364 = tpu.vector_load %arg10[%swap3A_362, %swap3A_363] {strides = array<i32>} : memref<128x128xf32, #tpu.memory_space<vmem>>, vector<1x16xf32>,
          %swap3A_365 = vector.shape_cast %swap3A_364 : vector<1x16xf32> to vector<16xf32>
          %swap3A_366 = vector.shape_cast %mul3A_361 : vector<16xf32> to vector<1x16xf32>
          tpu.vector_store %arg10[%swap3A_362, %swap3A_363], %swap3A_366 {strides = array<i32>} : memref<128x128xf32, #tpu.memory_space<vmem>>, vector<1x16xf32>,
          %mul3A_367 = arith.constant 16 : i32
          %mul3A_368 = arith.muli %scan3A_153, %mul3A_367 : i32
          %add3A_369 = arith.constant 2 : i32
          %add3A_370 = arith.addi %mul3A_368, %add3A_369 : i32
          %slice3A_371 = vector.extract_strided_slice %div3A_193 {offsets = [2], sizes = [1], strides = [1]} : vector<16xf32> to vector<1xf32>
          %squeeze3A_372 = vector.extract %slice3A_371[0] : f32 from vector<1xf32>
          %broadcast_in_dim3A_373 = vector.broadcast %squeeze3A_372 : f32 to vector<16xf32>
          %get3A_374 = arith.index_cast %add3A_370 : i32 to index
          %get3A_375 = arith.constant 0 : index
          %get3A_376 = tpu.vector_load %arg10[%get3A_374, %get3A_375] {strides = array<i32>} : memref<128x128xf32, #tpu.memory_space<vmem>>, vector<1x16xf32>,
          %get3A_377 = vector.shape_cast %get3A_376 : vector<1x16xf32> to vector<16xf32>
          %mul3A_378 = arith.mulf %get3A_377, %broadcast_in_dim3A_373 : vector<16xf32>
          %swap3A_379 = arith.index_cast %add3A_370 : i32 to index
          %swap3A_380 = arith.constant 0 : index
          %swap3A_381 = tpu.vector_load %arg10[%swap3A_379, %swap3A_380] {strides = array<i32>} : memref<128x128xf32, #tpu.memory_space<vmem>>, vector<1x16xf32>,
          %swap3A_382 = vector.shape_cast %swap3A_381 : vector<1x16xf32> to vector<16xf32>
          %swap3A_383 = vector.shape_cast %mul3A_378 : vector<16xf32> to vector<1x16xf32>
          tpu.vector_store %arg10[%swap3A_379, %swap3A_380], %swap3A_383 {strides = array<i32>} : memref<128x128xf32, #tpu.memory_space<vmem>>, vector<1x16xf32>,
          %get3A_384 = arith.index_cast %add3A_370 : i32 to index
          %get3A_385 = arith.constant 16 : index
          %get3A_386 = tpu.vector_load %arg10[%get3A_384, %get3A_385] {strides = array<i32>} : memref<128x128xf32, #tpu.memory_space<vmem>>, vector<1x16xf32>,
          %get3A_387 = vector.shape_cast %get3A_386 : vector<1x16xf32> to vector<16xf32>
          %mul3A_388 = arith.mulf %get3A_387, %broadcast_in_dim3A_373 : vector<16xf32>
          %swap3A_389 = arith.index_cast %add3A_370 : i32 to index
          %swap3A_390 = arith.constant 16 : index
          %swap3A_391 = tpu.vector_load %arg10[%swap3A_389, %swap3A_390] {strides = array<i32>} : memref<128x128xf32, #tpu.memory_space<vmem>>, vector<1x16xf32>,
          %swap3A_392 = vector.shape_cast %swap3A_391 : vector<1x16xf32> to vector<16xf32>
          %swap3A_393 = vector.shape_cast %mul3A_388 : vector<16xf32> to vector<1x16xf32>
          tpu.vector_store %arg10[%swap3A_389, %swap3A_390], %swap3A_393 {strides = array<i32>} : memref<128x128xf32, #tpu.memory_space<vmem>>, vector<1x16xf32>,
          %get3A_394 = arith.index_cast %add3A_370 : i32 to index
          %get3A_395 = arith.constant 32 : index
          %get3A_396 = tpu.vector_load %arg10[%get3A_394, %get3A_395] {strides = array<i32>} : memref<128x128xf32, #tpu.memory_space<vmem>>, vector<1x16xf32>,
          %get3A_397 = vector.shape_cast %get3A_396 : vector<1x16xf32> to vector<16xf32>
          %mul3A_398 = arith.mulf %get3A_397, %broadcast_in_dim3A_373 : vector<16xf32>
          %swap3A_399 = arith.index_cast %add3A_370 : i32 to index
          %swap3A_400 = arith.constant 32 : index
          %swap3A_401 = tpu.vector_load %arg10[%swap3A_399, %swap3A_400] {strides = array<i32>} : memref<128x128xf32, #tpu.memory_space<vmem>>, vector<1x16xf32>,
          %swap3A_402 = vector.shape_cast %swap3A_401 : vector<1x16xf32> to vector<16xf32>
          %swap3A_403 = vector.shape_cast %mul3A_398 : vector<16xf32> to vector<1x16xf32>
          tpu.vector_store %arg10[%swap3A_399, %swap3A_400], %swap3A_403 {strides = array<i32>} : memref<128x128xf32, #tpu.memory_space<vmem>>, vector<1x16xf32>,
          %get3A_404 = arith.index_cast %add3A_370 : i32 to index
          %get3A_405 = arith.constant 48 : index
          %get3A_406 = tpu.vector_load %arg10[%get3A_404, %get3A_405] {strides = array<i32>} : memref<128x128xf32, #tpu.memory_space<vmem>>, vector<1x16xf32>,
          %get3A_407 = vector.shape_cast %get3A_406 : vector<1x16xf32> to vector<16xf32>
          %mul3A_408 = arith.mulf %get3A_407, %broadcast_in_dim3A_373 : vector<16xf32>
          %swap3A_409 = arith.index_cast %add3A_370 : i32 to index
          %swap3A_410 = arith.constant 48 : index
          %swap3A_411 = tpu.vector_load %arg10[%swap3A_409, %swap3A_410] {strides = array<i32>} : memref<128x128xf32, #tpu.memory_space<vmem>>, vector<1x16xf32>,
          %swap3A_412 = vector.shape_cast %swap3A_411 : vector<1x16xf32> to vector<16xf32>
          %swap3A_413 = vector.shape_cast %mul3A_408 : vector<16xf32> to vector<1x16xf32>
          tpu.vector_store %arg10[%swap3A_409, %swap3A_410], %swap3A_413 {strides = array<i32>} : memref<128x128xf32, #tpu.memory_space<vmem>>, vector<1x16xf32>,
          %get3A_414 = arith.index_cast %add3A_370 : i32 to index
          %get3A_415 = arith.constant 64 : index
          %get3A_416 = tpu.vector_load %arg10[%get3A_414, %get3A_415] {strides = array<i32>} : memref<128x128xf32, #tpu.memory_space<vmem>>, vector<1x16xf32>,
          %get3A_417 = vector.shape_cast %get3A_416 : vector<1x16xf32> to vector<16xf32>
          %mul3A_418 = arith.mulf %get3A_417, %broadcast_in_dim3A_373 : vector<16xf32>
          %swap3A_419 = arith.index_cast %add3A_370 : i32 to index
          %swap3A_420 = arith.constant 64 : index
          %swap3A_421 = tpu.vector_load %arg10[%swap3A_419, %swap3A_420] {strides = array<i32>} : memref<128x128xf32, #tpu.memory_space<vmem>>, vector<1x16xf32>,
          %swap3A_422 = vector.shape_cast %swap3A_421 : vector<1x16xf32> to vector<16xf32>
          %swap3A_423 = vector.shape_cast %mul3A_418 : vector<16xf32> to vector<1x16xf32>
          tpu.vector_store %arg10[%swap3A_419, %swap3A_420], %swap3A_423 {strides = array<i32>} : memref<128x128xf32, #tpu.memory_space<vmem>>, vector<1x16xf32>,
          %get3A_424 = arith.index_cast %add3A_370 : i32 to index
          %get3A_425 = arith.constant 80 : index
          %get3A_426 = tpu.vector_load %arg10[%get3A_424, %get3A_425] {strides = array<i32>} : memref<128x128xf32, #tpu.memory_space<vmem>>, vector<1x16xf32>,
          %get3A_427 = vector.shape_cast %get3A_426 : vector<1x16xf32> to vector<16xf32>
          %mul3A_428 = arith.mulf %get3A_427, %broadcast_in_dim3A_373 : vector<16xf32>
          %swap3A_429 = arith.index_cast %add3A_370 : i32 to index
          %swap3A_430 = arith.constant 80 : index
          %swap3A_431 = tpu.vector_load %arg10[%swap3A_429, %swap3A_430] {strides = array<i32>} : memref<128x128xf32, #tpu.memory_space<vmem>>, vector<1x16xf32>,
          %swap3A_432 = vector.shape_cast %swap3A_431 : vector<1x16xf32> to vector<16xf32>
          %swap3A_433 = vector.shape_cast %mul3A_428 : vector<16xf32> to vector<1x16xf32>
          tpu.vector_store %arg10[%swap3A_429, %swap3A_430], %swap3A_433 {strides = array<i32>} : memref<128x128xf32, #tpu.memory_space<vmem>>, vector<1x16xf32>,
          %get3A_434 = arith.index_cast %add3A_370 : i32 to index
          %get3A_435 = arith.constant 96 : index
          %get3A_436 = tpu.vector_load %arg10[%get3A_434, %get3A_435] {strides = array<i32>} : memref<128x128xf32, #tpu.memory_space<vmem>>, vector<1x16xf32>,
          %get3A_437 = vector.shape_cast %get3A_436 : vector<1x16xf32> to vector<16xf32>
          %mul3A_438 = arith.mulf %get3A_437, %broadcast_in_dim3A_373 : vector<16xf32>
          %swap3A_439 = arith.index_cast %add3A_370 : i32 to index
          %swap3A_440 = arith.constant 96 : index
          %swap3A_441 = tpu.vector_load %arg10[%swap3A_439, %swap3A_440] {strides = array<i32>} : memref<128x128xf32, #tpu.memory_space<vmem>>, vector<1x16xf32>,
          %swap3A_442 = vector.shape_cast %swap3A_441 : vector<1x16xf32> to vector<16xf32>
          %swap3A_443 = vector.shape_cast %mul3A_438 : vector<16xf32> to vector<1x16xf32>
          tpu.vector_store %arg10[%swap3A_439, %swap3A_440], %swap3A_443 {strides = array<i32>} : memref<128x128xf32, #tpu.memory_space<vmem>>, vector<1x16xf32>,
          %get3A_444 = arith.index_cast %add3A_370 : i32 to index
          %get3A_445 = arith.constant 112 : index
          %get3A_446 = tpu.vector_load %arg10[%get3A_444, %get3A_445] {strides = array<i32>} : memref<128x128xf32, #tpu.memory_space<vmem>>, vector<1x16xf32>,
          %get3A_447 = vector.shape_cast %get3A_446 : vector<1x16xf32> to vector<16xf32>
          %mul3A_448 = arith.mulf %get3A_447, %broadcast_in_dim3A_373 : vector<16xf32>
          %swap3A_449 = arith.index_cast %add3A_370 : i32 to index
          %swap3A_450 = arith.constant 112 : index
          %swap3A_451 = tpu.vector_load %arg10[%swap3A_449, %swap3A_450] {strides = array<i32>} : memref<128x128xf32, #tpu.memory_space<vmem>>, vector<1x16xf32>,
          %swap3A_452 = vector.shape_cast %swap3A_451 : vector<1x16xf32> to vector<16xf32>
          %swap3A_453 = vector.shape_cast %mul3A_448 : vector<16xf32> to vector<1x16xf32>
          tpu.vector_store %arg10[%swap3A_449, %swap3A_450], %swap3A_453 {strides = array<i32>} : memref<128x128xf32, #tpu.memory_space<vmem>>, vector<1x16xf32>,
          %mul3A_454 = arith.constant 16 : i32
          %mul3A_455 = arith.muli %scan3A_153, %mul3A_454 : i32
          %add3A_456 = arith.constant 3 : i32
          %add3A_457 = arith.addi %mul3A_455, %add3A_456 : i32
          %slice3A_458 = vector.extract_strided_slice %div3A_193 {offsets = [3], sizes = [1], strides = [1]} : vector<16xf32> to vector<1xf32>
          %squeeze3A_459 = vector.extract %slice3A_458[0] : f32 from vector<1xf32>
          %broadcast_in_dim3A_460 = vector.broadcast %squeeze3A_459 : f32 to vector<16xf32>
          %get3A_461 = arith.index_cast %add3A_457 : i32 to index
          %get3A_462 = arith.constant 0 : index
          %get3A_463 = tpu.vector_load %arg10[%get3A_461, %get3A_462] {strides = array<i32>} : memref<128x128xf32, #tpu.memory_space<vmem>>, vector<1x16xf32>,
          %get3A_464 = vector.shape_cast %get3A_463 : vector<1x16xf32> to vector<16xf32>
          %mul3A_465 = arith.mulf %get3A_464, %broadcast_in_dim3A_460 : vector<16xf32>
          %swap3A_466 = arith.index_cast %add3A_457 : i32 to index
          %swap3A_467 = arith.constant 0 : index
          %swap3A_468 = tpu.vector_load %arg10[%swap3A_466, %swap3A_467] {strides = array<i32>} : memref<128x128xf32, #tpu.memory_space<vmem>>, vector<1x16xf32>,
          %swap3A_469 = vector.shape_cast %swap3A_468 : vector<1x16xf32> to vector<16xf32>
          %swap3A_470 = vector.shape_cast %mul3A_465 : vector<16xf32> to vector<1x16xf32>
          tpu.vector_store %arg10[%swap3A_466, %swap3A_467], %swap3A_470 {strides = array<i32>} : memref<128x128xf32, #tpu.memory_space<vmem>>, vector<1x16xf32>,
          %get3A_471 = arith.index_cast %add3A_457 : i32 to index
          %get3A_472 = arith.constant 16 : index
          %get3A_473 = tpu.vector_load %arg10[%get3A_471, %get3A_472] {strides = array<i32>} : memref<128x128xf32, #tpu.memory_space<vmem>>, vector<1x16xf32>,
          %get3A_474 = vector.shape_cast %get3A_473 : vector<1x16xf32> to vector<16xf32>
          %mul3A_475 = arith.mulf %get3A_474, %broadcast_in_dim3A_460 : vector<16xf32>
          %swap3A_476 = arith.index_cast %add3A_457 : i32 to index
          %swap3A_477 = arith.constant 16 : index
          %swap3A_478 = tpu.vector_load %arg10[%swap3A_476, %swap3A_477] {strides = array<i32>} : memref<128x128xf32, #tpu.memory_space<vmem>>, vector<1x16xf32>,
          %swap3A_479 = vector.shape_cast %swap3A_478 : vector<1x16xf32> to vector<16xf32>
          %swap3A_480 = vector.shape_cast %mul3A_475 : vector<16xf32> to vector<1x16xf32>
          tpu.vector_store %arg10[%swap3A_476, %swap3A_477], %swap3A_480 {strides = array<i32>} : memref<128x128xf32, #tpu.memory_space<vmem>>, vector<1x16xf32>,
          %get3A_481 = arith.index_cast %add3A_457 : i32 to index
          %get3A_482 = arith.constant 32 : index
          %get3A_483 = tpu.vector_load %arg10[%get3A_481, %get3A_482] {strides = array<i32>} : memref<128x128xf32, #tpu.memory_space<vmem>>, vector<1x16xf32>,
          %get3A_484 = vector.shape_cast %get3A_483 : vector<1x16xf32> to vector<16xf32>
          %mul3A_485 = arith.mulf %get3A_484, %broadcast_in_dim3A_460 : vector<16xf32>
          %swap3A_486 = arith.index_cast %add3A_457 : i32 to index
          %swap3A_487 = arith.constant 32 : index
          %swap3A_488 = tpu.vector_load %arg10[%swap3A_486, %swap3A_487] {strides = array<i32>} : memref<128x128xf32, #tpu.memory_space<vmem>>, vector<1x16xf32>,
          %swap3A_489 = vector.shape_cast %swap3A_488 : vector<1x16xf32> to vector<16xf32>
          %swap3A_490 = vector.shape_cast %mul3A_485 : vector<16xf32> to vector<1x16xf32>
          tpu.vector_store %arg10[%swap3A_486, %swap3A_487], %swap3A_490 {strides = array<i32>} : memref<128x128xf32, #tpu.memory_space<vmem>>, vector<1x16xf32>,
          %get3A_491 = arith.index_cast %add3A_457 : i32 to index
          %get3A_492 = arith.constant 48 : index
          %get3A_493 = tpu.vector_load %arg10[%get3A_491, %get3A_492] {strides = array<i32>} : memref<128x128xf32, #tpu.memory_space<vmem>>, vector<1x16xf32>,
          %get3A_494 = vector.shape_cast %get3A_493 : vector<1x16xf32> to vector<16xf32>
          %mul3A_495 = arith.mulf %get3A_494, %broadcast_in_dim3A_460 : vector<16xf32>
          %swap3A_496 = arith.index_cast %add3A_457 : i32 to index
          %swap3A_497 = arith.constant 48 : index
          %swap3A_498 = tpu.vector_load %arg10[%swap3A_496, %swap3A_497] {strides = array<i32>} : memref<128x128xf32, #tpu.memory_space<vmem>>, vector<1x16xf32>,
          %swap3A_499 = vector.shape_cast %swap3A_498 : vector<1x16xf32> to vector<16xf32>
          %swap3A_500 = vector.shape_cast %mul3A_495 : vector<16xf32> to vector<1x16xf32>
          tpu.vector_store %arg10[%swap3A_496, %swap3A_497], %swap3A_500 {strides = array<i32>} : memref<128x128xf32, #tpu.memory_space<vmem>>, vector<1x16xf32>,
          %get3A_501 = arith.index_cast %add3A_457 : i32 to index
          %get3A_502 = arith.constant 64 : index
          %get3A_503 = tpu.vector_load %arg10[%get3A_501, %get3A_502] {strides = array<i32>} : memref<128x128xf32, #tpu.memory_space<vmem>>, vector<1x16xf32>,
          %get3A_504 = vector.shape_cast %get3A_503 : vector<1x16xf32> to vector<16xf32>
          %mul3A_505 = arith.mulf %get3A_504, %broadcast_in_dim3A_460 : vector<16xf32>
          %swap3A_506 = arith.index_cast %add3A_457 : i32 to index
          %swap3A_507 = arith.constant 64 : index
          %swap3A_508 = tpu.vector_load %arg10[%swap3A_506, %swap3A_507] {strides = array<i32>} : memref<128x128xf32, #tpu.memory_space<vmem>>, vector<1x16xf32>,
          %swap3A_509 = vector.shape_cast %swap3A_508 : vector<1x16xf32> to vector<16xf32>
          %swap3A_510 = vector.shape_cast %mul3A_505 : vector<16xf32> to vector<1x16xf32>
          tpu.vector_store %arg10[%swap3A_506, %swap3A_507], %swap3A_510 {strides = array<i32>} : memref<128x128xf32, #tpu.memory_space<vmem>>, vector<1x16xf32>,
          %get3A_511 = arith.index_cast %add3A_457 : i32 to index
          %get3A_512 = arith.constant 80 : index
          %get3A_513 = tpu.vector_load %arg10[%get3A_511, %get3A_512] {strides = array<i32>} : memref<128x128xf32, #tpu.memory_space<vmem>>, vector<1x16xf32>,
          %get3A_514 = vector.shape_cast %get3A_513 : vector<1x16xf32> to vector<16xf32>
          %mul3A_515 = arith.mulf %get3A_514, %broadcast_in_dim3A_460 : vector<16xf32>
          %swap3A_516 = arith.index_cast %add3A_457 : i32 to index
          %swap3A_517 = arith.constant 80 : index
          %swap3A_518 = tpu.vector_load %arg10[%swap3A_516, %swap3A_517] {strides = array<i32>} : memref<128x128xf32, #tpu.memory_space<vmem>>, vector<1x16xf32>,
          %swap3A_519 = vector.shape_cast %swap3A_518 : vector<1x16xf32> to vector<16xf32>
          %swap3A_520 = vector.shape_cast %mul3A_515 : vector<16xf32> to vector<1x16xf32>
          tpu.vector_store %arg10[%swap3A_516, %swap3A_517], %swap3A_520 {strides = array<i32>} : memref<128x128xf32, #tpu.memory_space<vmem>>, vector<1x16xf32>,
          %get3A_521 = arith.index_cast %add3A_457 : i32 to index
          %get3A_522 = arith.constant 96 : index
          %get3A_523 = tpu.vector_load %arg10[%get3A_521, %get3A_522] {strides = array<i32>} : memref<128x128xf32, #tpu.memory_space<vmem>>, vector<1x16xf32>,
          %get3A_524 = vector.shape_cast %get3A_523 : vector<1x16xf32> to vector<16xf32>
          %mul3A_525 = arith.mulf %get3A_524, %broadcast_in_dim3A_460 : vector<16xf32>
          %swap3A_526 = arith.index_cast %add3A_457 : i32 to index
          %swap3A_527 = arith.constant 96 : index
          %swap3A_528 = tpu.vector_load %arg10[%swap3A_526, %swap3A_527] {strides = array<i32>} : memref<128x128xf32, #tpu.memory_space<vmem>>, vector<1x16xf32>,
          %swap3A_529 = vector.shape_cast %swap3A_528 : vector<1x16xf32> to vector<16xf32>
          %swap3A_530 = vector.shape_cast %mul3A_525 : vector<16xf32> to vector<1x16xf32>
          tpu.vector_store %arg10[%swap3A_526, %swap3A_527], %swap3A_530 {strides = array<i32>} : memref<128x128xf32, #tpu.memory_space<vmem>>, vector<1x16xf32>,
          %get3A_531 = arith.index_cast %add3A_457 : i32 to index
          %get3A_532 = arith.constant 112 : index
          %get3A_533 = tpu.vector_load %arg10[%get3A_531, %get3A_532] {strides = array<i32>} : memref<128x128xf32, #tpu.memory_space<vmem>>, vector<1x16xf32>,
          %get3A_534 = vector.shape_cast %get3A_533 : vector<1x16xf32> to vector<16xf32>
          %mul3A_535 = arith.mulf %get3A_534, %broadcast_in_dim3A_460 : vector<16xf32>
          %swap3A_536 = arith.index_cast %add3A_457 : i32 to index
          %swap3A_537 = arith.constant 112 : index
          %swap3A_538 = tpu.vector_load %arg10[%swap3A_536, %swap3A_537] {strides = array<i32>} : memref<128x128xf32, #tpu.memory_space<vmem>>, vector<1x16xf32>,
          %swap3A_539 = vector.shape_cast %swap3A_538 : vector<1x16xf32> to vector<16xf32>
          %swap3A_540 = vector.shape_cast %mul3A_535 : vector<16xf32> to vector<1x16xf32>
          tpu.vector_store %arg10[%swap3A_536, %swap3A_537], %swap3A_540 {strides = array<i32>} : memref<128x128xf32, #tpu.memory_space<vmem>>, vector<1x16xf32>,
          %mul3A_541 = arith.constant 16 : i32
          %mul3A_542 = arith.muli %scan3A_153, %mul3A_541 : i32
          %add3A_543 = arith.constant 4 : i32
          %add3A_544 = arith.addi %mul3A_542, %add3A_543 : i32
          %slice3A_545 = vector.extract_strided_slice %div3A_193 {offsets = [4], sizes = [1], strides = [1]} : vector<16xf32> to vector<1xf32>
          %squeeze3A_546 = vector.extract %slice3A_545[0] : f32 from vector<1xf32>
          %broadcast_in_dim3A_547 = vector.broadcast %squeeze3A_546 : f32 to vector<16xf32>
          %get3A_548 = arith.index_cast %add3A_544 : i32 to index
          %get3A_549 = arith.constant 0 : index
          %get3A_550 = tpu.vector_load %arg10[%get3A_548, %get3A_549] {strides = array<i32>} : memref<128x128xf32, #tpu.memory_space<vmem>>, vector<1x16xf32>,
          %get3A_551 = vector.shape_cast %get3A_550 : vector<1x16xf32> to vector<16xf32>
          %mul3A_552 = arith.mulf %get3A_551, %broadcast_in_dim3A_547 : vector<16xf32>
          %swap3A_553 = arith.index_cast %add3A_544 : i32 to index
          %swap3A_554 = arith.constant 0 : index
          %swap3A_555 = tpu.vector_load %arg10[%swap3A_553, %swap3A_554] {strides = array<i32>} : memref<128x128xf32, #tpu.memory_space<vmem>>, vector<1x16xf32>,
          %swap3A_556 = vector.shape_cast %swap3A_555 : vector<1x16xf32> to vector<16xf32>
          %swap3A_557 = vector.shape_cast %mul3A_552 : vector<16xf32> to vector<1x16xf32>
          tpu.vector_store %arg10[%swap3A_553, %swap3A_554], %swap3A_557 {strides = array<i32>} : memref<128x128xf32, #tpu.memory_space<vmem>>, vector<1x16xf32>,
          %get3A_558 = arith.index_cast %add3A_544 : i32 to index
          %get3A_559 = arith.constant 16 : index
          %get3A_560 = tpu.vector_load %arg10[%get3A_558, %get3A_559] {strides = array<i32>} : memref<128x128xf32, #tpu.memory_space<vmem>>, vector<1x16xf32>,
          %get3A_561 = vector.shape_cast %get3A_560 : vector<1x16xf32> to vector<16xf32>
          %mul3A_562 = arith.mulf %get3A_561, %broadcast_in_dim3A_547 : vector<16xf32>
          %swap3A_563 = arith.index_cast %add3A_544 : i32 to index
          %swap3A_564 = arith.constant 16 : index
          %swap3A_565 = tpu.vector_load %arg10[%swap3A_563, %swap3A_564] {strides = array<i32>} : memref<128x128xf32, #tpu.memory_space<vmem>>, vector<1x16xf32>,
          %swap3A_566 = vector.shape_cast %swap3A_565 : vector<1x16xf32> to vector<16xf32>
          %swap3A_567 = vector.shape_cast %mul3A_562 : vector<16xf32> to vector<1x16xf32>
          tpu.vector_store %arg10[%swap3A_563, %swap3A_564], %swap3A_567 {strides = array<i32>} : memref<128x128xf32, #tpu.memory_space<vmem>>, vector<1x16xf32>,
          %get3A_568 = arith.index_cast %add3A_544 : i32 to index
          %get3A_569 = arith.constant 32 : index
          %get3A_570 = tpu.vector_load %arg10[%get3A_568, %get3A_569] {strides = array<i32>} : memref<128x128xf32, #tpu.memory_space<vmem>>, vector<1x16xf32>,
          %get3A_571 = vector.shape_cast %get3A_570 : vector<1x16xf32> to vector<16xf32>
          %mul3A_572 = arith.mulf %get3A_571, %broadcast_in_dim3A_547 : vector<16xf32>
          %swap3A_573 = arith.index_cast %add3A_544 : i32 to index
          %swap3A_574 = arith.constant 32 : index
          %swap3A_575 = tpu.vector_load %arg10[%swap3A_573, %swap3A_574] {strides = array<i32>} : memref<128x128xf32, #tpu.memory_space<vmem>>, vector<1x16xf32>,
          %swap3A_576 = vector.shape_cast %swap3A_575 : vector<1x16xf32> to vector<16xf32>
          %swap3A_577 = vector.shape_cast %mul3A_572 : vector<16xf32> to vector<1x16xf32>
          tpu.vector_store %arg10[%swap3A_573, %swap3A_574], %swap3A_577 {strides = array<i32>} : memref<128x128xf32, #tpu.memory_space<vmem>>, vector<1x16xf32>,
          %get3A_578 = arith.index_cast %add3A_544 : i32 to index
          %get3A_579 = arith.constant 48 : index
          %get3A_580 = tpu.vector_load %arg10[%get3A_578, %get3A_579] {strides = array<i32>} : memref<128x128xf32, #tpu.memory_space<vmem>>, vector<1x16xf32>,
          %get3A_581 = vector.shape_cast %get3A_580 : vector<1x16xf32> to vector<16xf32>
          %mul3A_582 = arith.mulf %get3A_581, %broadcast_in_dim3A_547 : vector<16xf32>
          %swap3A_583 = arith.index_cast %add3A_544 : i32 to index
          %swap3A_584 = arith.constant 48 : index
          %swap3A_585 = tpu.vector_load %arg10[%swap3A_583, %swap3A_584] {strides = array<i32>} : memref<128x128xf32, #tpu.memory_space<vmem>>, vector<1x16xf32>,
          %swap3A_586 = vector.shape_cast %swap3A_585 : vector<1x16xf32> to vector<16xf32>
          %swap3A_587 = vector.shape_cast %mul3A_582 : vector<16xf32> to vector<1x16xf32>
          tpu.vector_store %arg10[%swap3A_583, %swap3A_584], %swap3A_587 {strides = array<i32>} : memref<128x128xf32, #tpu.memory_space<vmem>>, vector<1x16xf32>,
          %get3A_588 = arith.index_cast %add3A_544 : i32 to index
          %get3A_589 = arith.constant 64 : index
          %get3A_590 = tpu.vector_load %arg10[%get3A_588, %get3A_589] {strides = array<i32>} : memref<128x128xf32, #tpu.memory_space<vmem>>, vector<1x16xf32>,
          %get3A_591 = vector.shape_cast %get3A_590 : vector<1x16xf32> to vector<16xf32>
          %mul3A_592 = arith.mulf %get3A_591, %broadcast_in_dim3A_547 : vector<16xf32>
          %swap3A_593 = arith.index_cast %add3A_544 : i32 to index
          %swap3A_594 = arith.constant 64 : index
          %swap3A_595 = tpu.vector_load %arg10[%swap3A_593, %swap3A_594] {strides = array<i32>} : memref<128x128xf32, #tpu.memory_space<vmem>>, vector<1x16xf32>,
          %swap3A_596 = vector.shape_cast %swap3A_595 : vector<1x16xf32> to vector<16xf32>
          %swap3A_597 = vector.shape_cast %mul3A_592 : vector<16xf32> to vector<1x16xf32>
          tpu.vector_store %arg10[%swap3A_593, %swap3A_594], %swap3A_597 {strides = array<i32>} : memref<128x128xf32, #tpu.memory_space<vmem>>, vector<1x16xf32>,
          %get3A_598 = arith.index_cast %add3A_544 : i32 to index
          %get3A_599 = arith.constant 80 : index
          %get3A_600 = tpu.vector_load %arg10[%get3A_598, %get3A_599] {strides = array<i32>} : memref<128x128xf32, #tpu.memory_space<vmem>>, vector<1x16xf32>,
          %get3A_601 = vector.shape_cast %get3A_600 : vector<1x16xf32> to vector<16xf32>
          %mul3A_602 = arith.mulf %get3A_601, %broadcast_in_dim3A_547 : vector<16xf32>
          %swap3A_603 = arith.index_cast %add3A_544 : i32 to index
          %swap3A_604 = arith.constant 80 : index
          %swap3A_605 = tpu.vector_load %arg10[%swap3A_603, %swap3A_604] {strides = array<i32>} : memref<128x128xf32, #tpu.memory_space<vmem>>, vector<1x16xf32>,
          %swap3A_606 = vector.shape_cast %swap3A_605 : vector<1x16xf32> to vector<16xf32>
          %swap3A_607 = vector.shape_cast %mul3A_602 : vector<16xf32> to vector<1x16xf32>
          tpu.vector_store %arg10[%swap3A_603, %swap3A_604], %swap3A_607 {strides = array<i32>} : memref<128x128xf32, #tpu.memory_space<vmem>>, vector<1x16xf32>,
          %get3A_608 = arith.index_cast %add3A_544 : i32 to index
          %get3A_609 = arith.constant 96 : index
          %get3A_610 = tpu.vector_load %arg10[%get3A_608, %get3A_609] {strides = array<i32>} : memref<128x128xf32, #tpu.memory_space<vmem>>, vector<1x16xf32>,
          %get3A_611 = vector.shape_cast %get3A_610 : vector<1x16xf32> to vector<16xf32>
          %mul3A_612 = arith.mulf %get3A_611, %broadcast_in_dim3A_547 : vector<16xf32>
          %swap3A_613 = arith.index_cast %add3A_544 : i32 to index
          %swap3A_614 = arith.constant 96 : index
          %swap3A_615 = tpu.vector_load %arg10[%swap3A_613, %swap3A_614] {strides = array<i32>} : memref<128x128xf32, #tpu.memory_space<vmem>>, vector<1x16xf32>,
          %swap3A_616 = vector.shape_cast %swap3A_615 : vector<1x16xf32> to vector<16xf32>
          %swap3A_617 = vector.shape_cast %mul3A_612 : vector<16xf32> to vector<1x16xf32>
          tpu.vector_store %arg10[%swap3A_613, %swap3A_614], %swap3A_617 {strides = array<i32>} : memref<128x128xf32, #tpu.memory_space<vmem>>, vector<1x16xf32>,
          %get3A_618 = arith.index_cast %add3A_544 : i32 to index
          %get3A_619 = arith.constant 112 : index
          %get3A_620 = tpu.vector_load %arg10[%get3A_618, %get3A_619] {strides = array<i32>} : memref<128x128xf32, #tpu.memory_space<vmem>>, vector<1x16xf32>,
          %get3A_621 = vector.shape_cast %get3A_620 : vector<1x16xf32> to vector<16xf32>
          %mul3A_622 = arith.mulf %get3A_621, %broadcast_in_dim3A_547 : vector<16xf32>
          %swap3A_623 = arith.index_cast %add3A_544 : i32 to index
          %swap3A_624 = arith.constant 112 : index
          %swap3A_625 = tpu.vector_load %arg10[%swap3A_623, %swap3A_624] {strides = array<i32>} : memref<128x128xf32, #tpu.memory_space<vmem>>, vector<1x16xf32>,
          %swap3A_626 = vector.shape_cast %swap3A_625 : vector<1x16xf32> to vector<16xf32>
          %swap3A_627 = vector.shape_cast %mul3A_622 : vector<16xf32> to vector<1x16xf32>
          tpu.vector_store %arg10[%swap3A_623, %swap3A_624], %swap3A_627 {strides = array<i32>} : memref<128x128xf32, #tpu.memory_space<vmem>>, vector<1x16xf32>,
          %mul3A_628 = arith.constant 16 : i32
          %mul3A_629 = arith.muli %scan3A_153, %mul3A_628 : i32
          %add3A_630 = arith.constant 5 : i32
          %add3A_631 = arith.addi %mul3A_629, %add3A_630 : i32
          %slice3A_632 = vector.extract_strided_slice %div3A_193 {offsets = [5], sizes = [1], strides = [1]} : vector<16xf32> to vector<1xf32>
          %squeeze3A_633 = vector.extract %slice3A_632[0] : f32 from vector<1xf32>
          %broadcast_in_dim3A_634 = vector.broadcast %squeeze3A_633 : f32 to vector<16xf32>
          %get3A_635 = arith.index_cast %add3A_631 : i32 to index
          %get3A_636 = arith.constant 0 : index
          %get3A_637 = tpu.vector_load %arg10[%get3A_635, %get3A_636] {strides = array<i32>} : memref<128x128xf32, #tpu.memory_space<vmem>>, vector<1x16xf32>,
          %get3A_638 = vector.shape_cast %get3A_637 : vector<1x16xf32> to vector<16xf32>
          %mul3A_639 = arith.mulf %get3A_638, %broadcast_in_dim3A_634 : vector<16xf32>
          %swap3A_640 = arith.index_cast %add3A_631 : i32 to index
          %swap3A_641 = arith.constant 0 : index
          %swap3A_642 = tpu.vector_load %arg10[%swap3A_640, %swap3A_641] {strides = array<i32>} : memref<128x128xf32, #tpu.memory_space<vmem>>, vector<1x16xf32>,
          %swap3A_643 = vector.shape_cast %swap3A_642 : vector<1x16xf32> to vector<16xf32>
          %swap3A_644 = vector.shape_cast %mul3A_639 : vector<16xf32> to vector<1x16xf32>
          tpu.vector_store %arg10[%swap3A_640, %swap3A_641], %swap3A_644 {strides = array<i32>} : memref<128x128xf32, #tpu.memory_space<vmem>>, vector<1x16xf32>,
          %get3A_645 = arith.index_cast %add3A_631 : i32 to index
          %get3A_646 = arith.constant 16 : index
          %get3A_647 = tpu.vector_load %arg10[%get3A_645, %get3A_646] {strides = array<i32>} : memref<128x128xf32, #tpu.memory_space<vmem>>, vector<1x16xf32>,
          %get3A_648 = vector.shape_cast %get3A_647 : vector<1x16xf32> to vector<16xf32>
          %mul3A_649 = arith.mulf %get3A_648, %broadcast_in_dim3A_634 : vector<16xf32>
          %swap3A_650 = arith.index_cast %add3A_631 : i32 to index
          %swap3A_651 = arith.constant 16 : index
          %swap3A_652 = tpu.vector_load %arg10[%swap3A_650, %swap3A_651] {strides = array<i32>} : memref<128x128xf32, #tpu.memory_space<vmem>>, vector<1x16xf32>,
          %swap3A_653 = vector.shape_cast %swap3A_652 : vector<1x16xf32> to vector<16xf32>
          %swap3A_654 = vector.shape_cast %mul3A_649 : vector<16xf32> to vector<1x16xf32>
          tpu.vector_store %arg10[%swap3A_650, %swap3A_651], %swap3A_654 {strides = array<i32>} : memref<128x128xf32, #tpu.memory_space<vmem>>, vector<1x16xf32>,
          %get3A_655 = arith.index_cast %add3A_631 : i32 to index
          %get3A_656 = arith.constant 32 : index
          %get3A_657 = tpu.vector_load %arg10[%get3A_655, %get3A_656] {strides = array<i32>} : memref<128x128xf32, #tpu.memory_space<vmem>>, vector<1x16xf32>,
          %get3A_658 = vector.shape_cast %get3A_657 : vector<1x16xf32> to vector<16xf32>
          %mul3A_659 = arith.mulf %get3A_658, %broadcast_in_dim3A_634 : vector<16xf32>
          %swap3A_660 = arith.index_cast %add3A_631 : i32 to index
          %swap3A_661 = arith.constant 32 : index
          %swap3A_662 = tpu.vector_load %arg10[%swap3A_660, %swap3A_661] {strides = array<i32>} : memref<128x128xf32, #tpu.memory_space<vmem>>, vector<1x16xf32>,
          %swap3A_663 = vector.shape_cast %swap3A_662 : vector<1x16xf32> to vector<16xf32>
          %swap3A_664 = vector.shape_cast %mul3A_659 : vector<16xf32> to vector<1x16xf32>
          tpu.vector_store %arg10[%swap3A_660, %swap3A_661], %swap3A_664 {strides = array<i32>} : memref<128x128xf32, #tpu.memory_space<vmem>>, vector<1x16xf32>,
          %get3A_665 = arith.index_cast %add3A_631 : i32 to index
          %get3A_666 = arith.constant 48 : index
          %get3A_667 = tpu.vector_load %arg10[%get3A_665, %get3A_666] {strides = array<i32>} : memref<128x128xf32, #tpu.memory_space<vmem>>, vector<1x16xf32>,
          %get3A_668 = vector.shape_cast %get3A_667 : vector<1x16xf32> to vector<16xf32>
          %mul3A_669 = arith.mulf %get3A_668, %broadcast_in_dim3A_634 : vector<16xf32>
          %swap3A_670 = arith.index_cast %add3A_631 : i32 to index
          %swap3A_671 = arith.constant 48 : index
          %swap3A_672 = tpu.vector_load %arg10[%swap3A_670, %swap3A_671] {strides = array<i32>} : memref<128x128xf32, #tpu.memory_space<vmem>>, vector<1x16xf32>,
          %swap3A_673 = vector.shape_cast %swap3A_672 : vector<1x16xf32> to vector<16xf32>
          %swap3A_674 = vector.shape_cast %mul3A_669 : vector<16xf32> to vector<1x16xf32>
          tpu.vector_store %arg10[%swap3A_670, %swap3A_671], %swap3A_674 {strides = array<i32>} : memref<128x128xf32, #tpu.memory_space<vmem>>, vector<1x16xf32>,
          %get3A_675 = arith.index_cast %add3A_631 : i32 to index
          %get3A_676 = arith.constant 64 : index
          %get3A_677 = tpu.vector_load %arg10[%get3A_675, %get3A_676] {strides = array<i32>} : memref<128x128xf32, #tpu.memory_space<vmem>>, vector<1x16xf32>,
          %get3A_678 = vector.shape_cast %get3A_677 : vector<1x16xf32> to vector<16xf32>
          %mul3A_679 = arith.mulf %get3A_678, %broadcast_in_dim3A_634 : vector<16xf32>
          %swap3A_680 = arith.index_cast %add3A_631 : i32 to index
          %swap3A_681 = arith.constant 64 : index
          %swap3A_682 = tpu.vector_load %arg10[%swap3A_680, %swap3A_681] {strides = array<i32>} : memref<128x128xf32, #tpu.memory_space<vmem>>, vector<1x16xf32>,
          %swap3A_683 = vector.shape_cast %swap3A_682 : vector<1x16xf32> to vector<16xf32>
          %swap3A_684 = vector.shape_cast %mul3A_679 : vector<16xf32> to vector<1x16xf32>
          tpu.vector_store %arg10[%swap3A_680, %swap3A_681], %swap3A_684 {strides = array<i32>} : memref<128x128xf32, #tpu.memory_space<vmem>>, vector<1x16xf32>,
          %get3A_685 = arith.index_cast %add3A_631 : i32 to index
          %get3A_686 = arith.constant 80 : index
          %get3A_687 = tpu.vector_load %arg10[%get3A_685, %get3A_686] {strides = array<i32>} : memref<128x128xf32, #tpu.memory_space<vmem>>, vector<1x16xf32>,
          %get3A_688 = vector.shape_cast %get3A_687 : vector<1x16xf32> to vector<16xf32>
          %mul3A_689 = arith.mulf %get3A_688, %broadcast_in_dim3A_634 : vector<16xf32>
          %swap3A_690 = arith.index_cast %add3A_631 : i32 to index
          %swap3A_691 = arith.constant 80 : index
          %swap3A_692 = tpu.vector_load %arg10[%swap3A_690, %swap3A_691] {strides = array<i32>} : memref<128x128xf32, #tpu.memory_space<vmem>>, vector<1x16xf32>,
          %swap3A_693 = vector.shape_cast %swap3A_692 : vector<1x16xf32> to vector<16xf32>
          %swap3A_694 = vector.shape_cast %mul3A_689 : vector<16xf32> to vector<1x16xf32>
          tpu.vector_store %arg10[%swap3A_690, %swap3A_691], %swap3A_694 {strides = array<i32>} : memref<128x128xf32, #tpu.memory_space<vmem>>, vector<1x16xf32>,
          %get3A_695 = arith.index_cast %add3A_631 : i32 to index
          %get3A_696 = arith.constant 96 : index
          %get3A_697 = tpu.vector_load %arg10[%get3A_695, %get3A_696] {strides = array<i32>} : memref<128x128xf32, #tpu.memory_space<vmem>>, vector<1x16xf32>,
          %get3A_698 = vector.shape_cast %get3A_697 : vector<1x16xf32> to vector<16xf32>
          %mul3A_699 = arith.mulf %get3A_698, %broadcast_in_dim3A_634 : vector<16xf32>
          %swap3A_700 = arith.index_cast %add3A_631 : i32 to index
          %swap3A_701 = arith.constant 96 : index
          %swap3A_702 = tpu.vector_load %arg10[%swap3A_700, %swap3A_701] {strides = array<i32>} : memref<128x128xf32, #tpu.memory_space<vmem>>, vector<1x16xf32>,
          %swap3A_703 = vector.shape_cast %swap3A_702 : vector<1x16xf32> to vector<16xf32>
          %swap3A_704 = vector.shape_cast %mul3A_699 : vector<16xf32> to vector<1x16xf32>
          tpu.vector_store %arg10[%swap3A_700, %swap3A_701], %swap3A_704 {strides = array<i32>} : memref<128x128xf32, #tpu.memory_space<vmem>>, vector<1x16xf32>,
          %get3A_705 = arith.index_cast %add3A_631 : i32 to index
          %get3A_706 = arith.constant 112 : index
          %get3A_707 = tpu.vector_load %arg10[%get3A_705, %get3A_706] {strides = array<i32>} : memref<128x128xf32, #tpu.memory_space<vmem>>, vector<1x16xf32>,
          %get3A_708 = vector.shape_cast %get3A_707 : vector<1x16xf32> to vector<16xf32>
          %mul3A_709 = arith.mulf %get3A_708, %broadcast_in_dim3A_634 : vector<16xf32>
          %swap3A_710 = arith.index_cast %add3A_631 : i32 to index
          %swap3A_711 = arith.constant 112 : index
          %swap3A_712 = tpu.vector_load %arg10[%swap3A_710, %swap3A_711] {strides = array<i32>} : memref<128x128xf32, #tpu.memory_space<vmem>>, vector<1x16xf32>,
          %swap3A_713 = vector.shape_cast %swap3A_712 : vector<1x16xf32> to vector<16xf32>
          %swap3A_714 = vector.shape_cast %mul3A_709 : vector<16xf32> to vector<1x16xf32>
          tpu.vector_store %arg10[%swap3A_710, %swap3A_711], %swap3A_714 {strides = array<i32>} : memref<128x128xf32, #tpu.memory_space<vmem>>, vector<1x16xf32>,
          %mul3A_715 = arith.constant 16 : i32
          %mul3A_716 = arith.muli %scan3A_153, %mul3A_715 : i32
          %add3A_717 = arith.constant 6 : i32
          %add3A_718 = arith.addi %mul3A_716, %add3A_717 : i32
          %slice3A_719 = vector.extract_strided_slice %div3A_193 {offsets = [6], sizes = [1], strides = [1]} : vector<16xf32> to vector<1xf32>
          %squeeze3A_720 = vector.extract %slice3A_719[0] : f32 from vector<1xf32>
          %broadcast_in_dim3A_721 = vector.broadcast %squeeze3A_720 : f32 to vector<16xf32>
          %get3A_722 = arith.index_cast %add3A_718 : i32 to index
          %get3A_723 = arith.constant 0 : index
          %get3A_724 = tpu.vector_load %arg10[%get3A_722, %get3A_723] {strides = array<i32>} : memref<128x128xf32, #tpu.memory_space<vmem>>, vector<1x16xf32>,
          %get3A_725 = vector.shape_cast %get3A_724 : vector<1x16xf32> to vector<16xf32>
          %mul3A_726 = arith.mulf %get3A_725, %broadcast_in_dim3A_721 : vector<16xf32>
          %swap3A_727 = arith.index_cast %add3A_718 : i32 to index
          %swap3A_728 = arith.constant 0 : index
          %swap3A_729 = tpu.vector_load %arg10[%swap3A_727, %swap3A_728] {strides = array<i32>} : memref<128x128xf32, #tpu.memory_space<vmem>>, vector<1x16xf32>,
          %swap3A_730 = vector.shape_cast %swap3A_729 : vector<1x16xf32> to vector<16xf32>
          %swap3A_731 = vector.shape_cast %mul3A_726 : vector<16xf32> to vector<1x16xf32>
          tpu.vector_store %arg10[%swap3A_727, %swap3A_728], %swap3A_731 {strides = array<i32>} : memref<128x128xf32, #tpu.memory_space<vmem>>, vector<1x16xf32>,
          %get3A_732 = arith.index_cast %add3A_718 : i32 to index
          %get3A_733 = arith.constant 16 : index
          %get3A_734 = tpu.vector_load %arg10[%get3A_732, %get3A_733] {strides = array<i32>} : memref<128x128xf32, #tpu.memory_space<vmem>>, vector<1x16xf32>,
          %get3A_735 = vector.shape_cast %get3A_734 : vector<1x16xf32> to vector<16xf32>
          %mul3A_736 = arith.mulf %get3A_735, %broadcast_in_dim3A_721 : vector<16xf32>
          %swap3A_737 = arith.index_cast %add3A_718 : i32 to index
          %swap3A_738 = arith.constant 16 : index
          %swap3A_739 = tpu.vector_load %arg10[%swap3A_737, %swap3A_738] {strides = array<i32>} : memref<128x128xf32, #tpu.memory_space<vmem>>, vector<1x16xf32>,
          %swap3A_740 = vector.shape_cast %swap3A_739 : vector<1x16xf32> to vector<16xf32>
          %swap3A_741 = vector.shape_cast %mul3A_736 : vector<16xf32> to vector<1x16xf32>
          tpu.vector_store %arg10[%swap3A_737, %swap3A_738], %swap3A_741 {strides = array<i32>} : memref<128x128xf32, #tpu.memory_space<vmem>>, vector<1x16xf32>,
          %get3A_742 = arith.index_cast %add3A_718 : i32 to index
          %get3A_743 = arith.constant 32 : index
          %get3A_744 = tpu.vector_load %arg10[%get3A_742, %get3A_743] {strides = array<i32>} : memref<128x128xf32, #tpu.memory_space<vmem>>, vector<1x16xf32>,
          %get3A_745 = vector.shape_cast %get3A_744 : vector<1x16xf32> to vector<16xf32>
          %mul3A_746 = arith.mulf %get3A_745, %broadcast_in_dim3A_721 : vector<16xf32>
          %swap3A_747 = arith.index_cast %add3A_718 : i32 to index
          %swap3A_748 = arith.constant 32 : index
          %swap3A_749 = tpu.vector_load %arg10[%swap3A_747, %swap3A_748] {strides = array<i32>} : memref<128x128xf32, #tpu.memory_space<vmem>>, vector<1x16xf32>,
          %swap3A_750 = vector.shape_cast %swap3A_749 : vector<1x16xf32> to vector<16xf32>
          %swap3A_751 = vector.shape_cast %mul3A_746 : vector<16xf32> to vector<1x16xf32>
          tpu.vector_store %arg10[%swap3A_747, %swap3A_748], %swap3A_751 {strides = array<i32>} : memref<128x128xf32, #tpu.memory_space<vmem>>, vector<1x16xf32>,
          %get3A_752 = arith.index_cast %add3A_718 : i32 to index
          %get3A_753 = arith.constant 48 : index
          %get3A_754 = tpu.vector_load %arg10[%get3A_752, %get3A_753] {strides = array<i32>} : memref<128x128xf32, #tpu.memory_space<vmem>>, vector<1x16xf32>,
          %get3A_755 = vector.shape_cast %get3A_754 : vector<1x16xf32> to vector<16xf32>
          %mul3A_756 = arith.mulf %get3A_755, %broadcast_in_dim3A_721 : vector<16xf32>
          %swap3A_757 = arith.index_cast %add3A_718 : i32 to index
          %swap3A_758 = arith.constant 48 : index
          %swap3A_759 = tpu.vector_load %arg10[%swap3A_757, %swap3A_758] {strides = array<i32>} : memref<128x128xf32, #tpu.memory_space<vmem>>, vector<1x16xf32>,
          %swap3A_760 = vector.shape_cast %swap3A_759 : vector<1x16xf32> to vector<16xf32>
          %swap3A_761 = vector.shape_cast %mul3A_756 : vector<16xf32> to vector<1x16xf32>
          tpu.vector_store %arg10[%swap3A_757, %swap3A_758], %swap3A_761 {strides = array<i32>} : memref<128x128xf32, #tpu.memory_space<vmem>>, vector<1x16xf32>,
          %get3A_762 = arith.index_cast %add3A_718 : i32 to index
          %get3A_763 = arith.constant 64 : index
          %get3A_764 = tpu.vector_load %arg10[%get3A_762, %get3A_763] {strides = array<i32>} : memref<128x128xf32, #tpu.memory_space<vmem>>, vector<1x16xf32>,
          %get3A_765 = vector.shape_cast %get3A_764 : vector<1x16xf32> to vector<16xf32>
          %mul3A_766 = arith.mulf %get3A_765, %broadcast_in_dim3A_721 : vector<16xf32>
          %swap3A_767 = arith.index_cast %add3A_718 : i32 to index
          %swap3A_768 = arith.constant 64 : index
          %swap3A_769 = tpu.vector_load %arg10[%swap3A_767, %swap3A_768] {strides = array<i32>} : memref<128x128xf32, #tpu.memory_space<vmem>>, vector<1x16xf32>,
          %swap3A_770 = vector.shape_cast %swap3A_769 : vector<1x16xf32> to vector<16xf32>
          %swap3A_771 = vector.shape_cast %mul3A_766 : vector<16xf32> to vector<1x16xf32>
          tpu.vector_store %arg10[%swap3A_767, %swap3A_768], %swap3A_771 {strides = array<i32>} : memref<128x128xf32, #tpu.memory_space<vmem>>, vector<1x16xf32>,
          %get3A_772 = arith.index_cast %add3A_718 : i32 to index
          %get3A_773 = arith.constant 80 : index
          %get3A_774 = tpu.vector_load %arg10[%get3A_772, %get3A_773] {strides = array<i32>} : memref<128x128xf32, #tpu.memory_space<vmem>>, vector<1x16xf32>,
          %get3A_775 = vector.shape_cast %get3A_774 : vector<1x16xf32> to vector<16xf32>
          %mul3A_776 = arith.mulf %get3A_775, %broadcast_in_dim3A_721 : vector<16xf32>
          %swap3A_777 = arith.index_cast %add3A_718 : i32 to index
          %swap3A_778 = arith.constant 80 : index
          %swap3A_779 = tpu.vector_load %arg10[%swap3A_777, %swap3A_778] {strides = array<i32>} : memref<128x128xf32, #tpu.memory_space<vmem>>, vector<1x16xf32>,
          %swap3A_780 = vector.shape_cast %swap3A_779 : vector<1x16xf32> to vector<16xf32>
          %swap3A_781 = vector.shape_cast %mul3A_776 : vector<16xf32> to vector<1x16xf32>
          tpu.vector_store %arg10[%swap3A_777, %swap3A_778], %swap3A_781 {strides = array<i32>} : memref<128x128xf32, #tpu.memory_space<vmem>>, vector<1x16xf32>,
          %get3A_782 = arith.index_cast %add3A_718 : i32 to index
          %get3A_783 = arith.constant 96 : index
          %get3A_784 = tpu.vector_load %arg10[%get3A_782, %get3A_783] {strides = array<i32>} : memref<128x128xf32, #tpu.memory_space<vmem>>, vector<1x16xf32>,
          %get3A_785 = vector.shape_cast %get3A_784 : vector<1x16xf32> to vector<16xf32>
          %mul3A_786 = arith.mulf %get3A_785, %broadcast_in_dim3A_721 : vector<16xf32>
          %swap3A_787 = arith.index_cast %add3A_718 : i32 to index
          %swap3A_788 = arith.constant 96 : index
          %swap3A_789 = tpu.vector_load %arg10[%swap3A_787, %swap3A_788] {strides = array<i32>} : memref<128x128xf32, #tpu.memory_space<vmem>>, vector<1x16xf32>,
          %swap3A_790 = vector.shape_cast %swap3A_789 : vector<1x16xf32> to vector<16xf32>
          %swap3A_791 = vector.shape_cast %mul3A_786 : vector<16xf32> to vector<1x16xf32>
          tpu.vector_store %arg10[%swap3A_787, %swap3A_788], %swap3A_791 {strides = array<i32>} : memref<128x128xf32, #tpu.memory_space<vmem>>, vector<1x16xf32>,
          %get3A_792 = arith.index_cast %add3A_718 : i32 to index
          %get3A_793 = arith.constant 112 : index
          %get3A_794 = tpu.vector_load %arg10[%get3A_792, %get3A_793] {strides = array<i32>} : memref<128x128xf32, #tpu.memory_space<vmem>>, vector<1x16xf32>,
          %get3A_795 = vector.shape_cast %get3A_794 : vector<1x16xf32> to vector<16xf32>
          %mul3A_796 = arith.mulf %get3A_795, %broadcast_in_dim3A_721 : vector<16xf32>
          %swap3A_797 = arith.index_cast %add3A_718 : i32 to index
          %swap3A_798 = arith.constant 112 : index
          %swap3A_799 = tpu.vector_load %arg10[%swap3A_797, %swap3A_798] {strides = array<i32>} : memref<128x128xf32, #tpu.memory_space<vmem>>, vector<1x16xf32>,
          %swap3A_800 = vector.shape_cast %swap3A_799 : vector<1x16xf32> to vector<16xf32>
          %swap3A_801 = vector.shape_cast %mul3A_796 : vector<16xf32> to vector<1x16xf32>
          tpu.vector_store %arg10[%swap3A_797, %swap3A_798], %swap3A_801 {strides = array<i32>} : memref<128x128xf32, #tpu.memory_space<vmem>>, vector<1x16xf32>,
          %mul3A_802 = arith.constant 16 : i32
          %mul3A_803 = arith.muli %scan3A_153, %mul3A_802 : i32
          %add3A_804 = arith.constant 7 : i32
          %add3A_805 = arith.addi %mul3A_803, %add3A_804 : i32
          %slice3A_806 = vector.extract_strided_slice %div3A_193 {offsets = [7], sizes = [1], strides = [1]} : vector<16xf32> to vector<1xf32>
          %squeeze3A_807 = vector.extract %slice3A_806[0] : f32 from vector<1xf32>
          %broadcast_in_dim3A_808 = vector.broadcast %squeeze3A_807 : f32 to vector<16xf32>
          %get3A_809 = arith.index_cast %add3A_805 : i32 to index
          %get3A_810 = arith.constant 0 : index
          %get3A_811 = tpu.vector_load %arg10[%get3A_809, %get3A_810] {strides = array<i32>} : memref<128x128xf32, #tpu.memory_space<vmem>>, vector<1x16xf32>,
          %get3A_812 = vector.shape_cast %get3A_811 : vector<1x16xf32> to vector<16xf32>
          %mul3A_813 = arith.mulf %get3A_812, %broadcast_in_dim3A_808 : vector<16xf32>
          %swap3A_814 = arith.index_cast %add3A_805 : i32 to index
          %swap3A_815 = arith.constant 0 : index
          %swap3A_816 = tpu.vector_load %arg10[%swap3A_814, %swap3A_815] {strides = array<i32>} : memref<128x128xf32, #tpu.memory_space<vmem>>, vector<1x16xf32>,
          %swap3A_817 = vector.shape_cast %swap3A_816 : vector<1x16xf32> to vector<16xf32>
          %swap3A_818 = vector.shape_cast %mul3A_813 : vector<16xf32> to vector<1x16xf32>
          tpu.vector_store %arg10[%swap3A_814, %swap3A_815], %swap3A_818 {strides = array<i32>} : memref<128x128xf32, #tpu.memory_space<vmem>>, vector<1x16xf32>,
          %get3A_819 = arith.index_cast %add3A_805 : i32 to index
          %get3A_820 = arith.constant 16 : index
          %get3A_821 = tpu.vector_load %arg10[%get3A_819, %get3A_820] {strides = array<i32>} : memref<128x128xf32, #tpu.memory_space<vmem>>, vector<1x16xf32>,
          %get3A_822 = vector.shape_cast %get3A_821 : vector<1x16xf32> to vector<16xf32>
          %mul3A_823 = arith.mulf %get3A_822, %broadcast_in_dim3A_808 : vector<16xf32>
          %swap3A_824 = arith.index_cast %add3A_805 : i32 to index
          %swap3A_825 = arith.constant 16 : index
          %swap3A_826 = tpu.vector_load %arg10[%swap3A_824, %swap3A_825] {strides = array<i32>} : memref<128x128xf32, #tpu.memory_space<vmem>>, vector<1x16xf32>,
          %swap3A_827 = vector.shape_cast %swap3A_826 : vector<1x16xf32> to vector<16xf32>
          %swap3A_828 = vector.shape_cast %mul3A_823 : vector<16xf32> to vector<1x16xf32>
          tpu.vector_store %arg10[%swap3A_824, %swap3A_825], %swap3A_828 {strides = array<i32>} : memref<128x128xf32, #tpu.memory_space<vmem>>, vector<1x16xf32>,
          %get3A_829 = arith.index_cast %add3A_805 : i32 to index
          %get3A_830 = arith.constant 32 : index
          %get3A_831 = tpu.vector_load %arg10[%get3A_829, %get3A_830] {strides = array<i32>} : memref<128x128xf32, #tpu.memory_space<vmem>>, vector<1x16xf32>,
          %get3A_832 = vector.shape_cast %get3A_831 : vector<1x16xf32> to vector<16xf32>
          %mul3A_833 = arith.mulf %get3A_832, %broadcast_in_dim3A_808 : vector<16xf32>
          %swap3A_834 = arith.index_cast %add3A_805 : i32 to index
          %swap3A_835 = arith.constant 32 : index
          %swap3A_836 = tpu.vector_load %arg10[%swap3A_834, %swap3A_835] {strides = array<i32>} : memref<128x128xf32, #tpu.memory_space<vmem>>, vector<1x16xf32>,
          %swap3A_837 = vector.shape_cast %swap3A_836 : vector<1x16xf32> to vector<16xf32>
          %swap3A_838 = vector.shape_cast %mul3A_833 : vector<16xf32> to vector<1x16xf32>
          tpu.vector_store %arg10[%swap3A_834, %swap3A_835], %swap3A_838 {strides = array<i32>} : memref<128x128xf32, #tpu.memory_space<vmem>>, vector<1x16xf32>,
          %get3A_839 = arith.index_cast %add3A_805 : i32 to index
          %get3A_840 = arith.constant 48 : index
          %get3A_841 = tpu.vector_load %arg10[%get3A_839, %get3A_840] {strides = array<i32>} : memref<128x128xf32, #tpu.memory_space<vmem>>, vector<1x16xf32>,
          %get3A_842 = vector.shape_cast %get3A_841 : vector<1x16xf32> to vector<16xf32>
          %mul3A_843 = arith.mulf %get3A_842, %broadcast_in_dim3A_808 : vector<16xf32>
          %swap3A_844 = arith.index_cast %add3A_805 : i32 to index
          %swap3A_845 = arith.constant 48 : index
          %swap3A_846 = tpu.vector_load %arg10[%swap3A_844, %swap3A_845] {strides = array<i32>} : memref<128x128xf32, #tpu.memory_space<vmem>>, vector<1x16xf32>,
          %swap3A_847 = vector.shape_cast %swap3A_846 : vector<1x16xf32> to vector<16xf32>
          %swap3A_848 = vector.shape_cast %mul3A_843 : vector<16xf32> to vector<1x16xf32>
          tpu.vector_store %arg10[%swap3A_844, %swap3A_845], %swap3A_848 {strides = array<i32>} : memref<128x128xf32, #tpu.memory_space<vmem>>, vector<1x16xf32>,
          %get3A_849 = arith.index_cast %add3A_805 : i32 to index
          %get3A_850 = arith.constant 64 : index
          %get3A_851 = tpu.vector_load %arg10[%get3A_849, %get3A_850] {strides = array<i32>} : memref<128x128xf32, #tpu.memory_space<vmem>>, vector<1x16xf32>,
          %get3A_852 = vector.shape_cast %get3A_851 : vector<1x16xf32> to vector<16xf32>
          %mul3A_853 = arith.mulf %get3A_852, %broadcast_in_dim3A_808 : vector<16xf32>
          %swap3A_854 = arith.index_cast %add3A_805 : i32 to index
          %swap3A_855 = arith.constant 64 : index
          %swap3A_856 = tpu.vector_load %arg10[%swap3A_854, %swap3A_855] {strides = array<i32>} : memref<128x128xf32, #tpu.memory_space<vmem>>, vector<1x16xf32>,
          %swap3A_857 = vector.shape_cast %swap3A_856 : vector<1x16xf32> to vector<16xf32>
          %swap3A_858 = vector.shape_cast %mul3A_853 : vector<16xf32> to vector<1x16xf32>
          tpu.vector_store %arg10[%swap3A_854, %swap3A_855], %swap3A_858 {strides = array<i32>} : memref<128x128xf32, #tpu.memory_space<vmem>>, vector<1x16xf32>,
          %get3A_859 = arith.index_cast %add3A_805 : i32 to index
          %get3A_860 = arith.constant 80 : index
          %get3A_861 = tpu.vector_load %arg10[%get3A_859, %get3A_860] {strides = array<i32>} : memref<128x128xf32, #tpu.memory_space<vmem>>, vector<1x16xf32>,
          %get3A_862 = vector.shape_cast %get3A_861 : vector<1x16xf32> to vector<16xf32>
          %mul3A_863 = arith.mulf %get3A_862, %broadcast_in_dim3A_808 : vector<16xf32>
          %swap3A_864 = arith.index_cast %add3A_805 : i32 to index
          %swap3A_865 = arith.constant 80 : index
          %swap3A_866 = tpu.vector_load %arg10[%swap3A_864, %swap3A_865] {strides = array<i32>} : memref<128x128xf32, #tpu.memory_space<vmem>>, vector<1x16xf32>,
          %swap3A_867 = vector.shape_cast %swap3A_866 : vector<1x16xf32> to vector<16xf32>
          %swap3A_868 = vector.shape_cast %mul3A_863 : vector<16xf32> to vector<1x16xf32>
          tpu.vector_store %arg10[%swap3A_864, %swap3A_865], %swap3A_868 {strides = array<i32>} : memref<128x128xf32, #tpu.memory_space<vmem>>, vector<1x16xf32>,
          %get3A_869 = arith.index_cast %add3A_805 : i32 to index
          %get3A_870 = arith.constant 96 : index
          %get3A_871 = tpu.vector_load %arg10[%get3A_869, %get3A_870] {strides = array<i32>} : memref<128x128xf32, #tpu.memory_space<vmem>>, vector<1x16xf32>,
          %get3A_872 = vector.shape_cast %get3A_871 : vector<1x16xf32> to vector<16xf32>
          %mul3A_873 = arith.mulf %get3A_872, %broadcast_in_dim3A_808 : vector<16xf32>
          %swap3A_874 = arith.index_cast %add3A_805 : i32 to index
          %swap3A_875 = arith.constant 96 : index
          %swap3A_876 = tpu.vector_load %arg10[%swap3A_874, %swap3A_875] {strides = array<i32>} : memref<128x128xf32, #tpu.memory_space<vmem>>, vector<1x16xf32>,
          %swap3A_877 = vector.shape_cast %swap3A_876 : vector<1x16xf32> to vector<16xf32>
          %swap3A_878 = vector.shape_cast %mul3A_873 : vector<16xf32> to vector<1x16xf32>
          tpu.vector_store %arg10[%swap3A_874, %swap3A_875], %swap3A_878 {strides = array<i32>} : memref<128x128xf32, #tpu.memory_space<vmem>>, vector<1x16xf32>,
          %get3A_879 = arith.index_cast %add3A_805 : i32 to index
          %get3A_880 = arith.constant 112 : index
          %get3A_881 = tpu.vector_load %arg10[%get3A_879, %get3A_880] {strides = array<i32>} : memref<128x128xf32, #tpu.memory_space<vmem>>, vector<1x16xf32>,
          %get3A_882 = vector.shape_cast %get3A_881 : vector<1x16xf32> to vector<16xf32>
          %mul3A_883 = arith.mulf %get3A_882, %broadcast_in_dim3A_808 : vector<16xf32>
          %swap3A_884 = arith.index_cast %add3A_805 : i32 to index
          %swap3A_885 = arith.constant 112 : index
          %swap3A_886 = tpu.vector_load %arg10[%swap3A_884, %swap3A_885] {strides = array<i32>} : memref<128x128xf32, #tpu.memory_space<vmem>>, vector<1x16xf32>,
          %swap3A_887 = vector.shape_cast %swap3A_886 : vector<1x16xf32> to vector<16xf32>
          %swap3A_888 = vector.shape_cast %mul3A_883 : vector<16xf32> to vector<1x16xf32>
          tpu.vector_store %arg10[%swap3A_884, %swap3A_885], %swap3A_888 {strides = array<i32>} : memref<128x128xf32, #tpu.memory_space<vmem>>, vector<1x16xf32>,
          %mul3A_889 = arith.constant 16 : i32
          %mul3A_890 = arith.muli %scan3A_153, %mul3A_889 : i32
          %add3A_891 = arith.constant 8 : i32
          %add3A_892 = arith.addi %mul3A_890, %add3A_891 : i32
          %slice3A_893 = vector.extract_strided_slice %div3A_193 {offsets = [8], sizes = [1], strides = [1]} : vector<16xf32> to vector<1xf32>
          %squeeze3A_894 = vector.extract %slice3A_893[0] : f32 from vector<1xf32>
          %broadcast_in_dim3A_895 = vector.broadcast %squeeze3A_894 : f32 to vector<16xf32>
          %get3A_896 = arith.index_cast %add3A_892 : i32 to index
          %get3A_897 = arith.constant 0 : index
          %get3A_898 = tpu.vector_load %arg10[%get3A_896, %get3A_897] {strides = array<i32>} : memref<128x128xf32, #tpu.memory_space<vmem>>, vector<1x16xf32>,
          %get3A_899 = vector.shape_cast %get3A_898 : vector<1x16xf32> to vector<16xf32>
          %mul3A_900 = arith.mulf %get3A_899, %broadcast_in_dim3A_895 : vector<16xf32>
          %swap3A_901 = arith.index_cast %add3A_892 : i32 to index
          %swap3A_902 = arith.constant 0 : index
          %swap3A_903 = tpu.vector_load %arg10[%swap3A_901, %swap3A_902] {strides = array<i32>} : memref<128x128xf32, #tpu.memory_space<vmem>>, vector<1x16xf32>,
          %swap3A_904 = vector.shape_cast %swap3A_903 : vector<1x16xf32> to vector<16xf32>
          %swap3A_905 = vector.shape_cast %mul3A_900 : vector<16xf32> to vector<1x16xf32>
          tpu.vector_store %arg10[%swap3A_901, %swap3A_902], %swap3A_905 {strides = array<i32>} : memref<128x128xf32, #tpu.memory_space<vmem>>, vector<1x16xf32>,
          %get3A_906 = arith.index_cast %add3A_892 : i32 to index
          %get3A_907 = arith.constant 16 : index
          %get3A_908 = tpu.vector_load %arg10[%get3A_906, %get3A_907] {strides = array<i32>} : memref<128x128xf32, #tpu.memory_space<vmem>>, vector<1x16xf32>,
          %get3A_909 = vector.shape_cast %get3A_908 : vector<1x16xf32> to vector<16xf32>
          %mul3A_910 = arith.mulf %get3A_909, %broadcast_in_dim3A_895 : vector<16xf32>
          %swap3A_911 = arith.index_cast %add3A_892 : i32 to index
          %swap3A_912 = arith.constant 16 : index
          %swap3A_913 = tpu.vector_load %arg10[%swap3A_911, %swap3A_912] {strides = array<i32>} : memref<128x128xf32, #tpu.memory_space<vmem>>, vector<1x16xf32>,
          %swap3A_914 = vector.shape_cast %swap3A_913 : vector<1x16xf32> to vector<16xf32>
          %swap3A_915 = vector.shape_cast %mul3A_910 : vector<16xf32> to vector<1x16xf32>
          tpu.vector_store %arg10[%swap3A_911, %swap3A_912], %swap3A_915 {strides = array<i32>} : memref<128x128xf32, #tpu.memory_space<vmem>>, vector<1x16xf32>,
          %get3A_916 = arith.index_cast %add3A_892 : i32 to index
          %get3A_917 = arith.constant 32 : index
          %get3A_918 = tpu.vector_load %arg10[%get3A_916, %get3A_917] {strides = array<i32>} : memref<128x128xf32, #tpu.memory_space<vmem>>, vector<1x16xf32>,
          %get3A_919 = vector.shape_cast %get3A_918 : vector<1x16xf32> to vector<16xf32>
          %mul3A_920 = arith.mulf %get3A_919, %broadcast_in_dim3A_895 : vector<16xf32>
          %swap3A_921 = arith.index_cast %add3A_892 : i32 to index
          %swap3A_922 = arith.constant 32 : index
          %swap3A_923 = tpu.vector_load %arg10[%swap3A_921, %swap3A_922] {strides = array<i32>} : memref<128x128xf32, #tpu.memory_space<vmem>>, vector<1x16xf32>,
          %swap3A_924 = vector.shape_cast %swap3A_923 : vector<1x16xf32> to vector<16xf32>
          %swap3A_925 = vector.shape_cast %mul3A_920 : vector<16xf32> to vector<1x16xf32>
          tpu.vector_store %arg10[%swap3A_921, %swap3A_922], %swap3A_925 {strides = array<i32>} : memref<128x128xf32, #tpu.memory_space<vmem>>, vector<1x16xf32>,
          %get3A_926 = arith.index_cast %add3A_892 : i32 to index
          %get3A_927 = arith.constant 48 : index
          %get3A_928 = tpu.vector_load %arg10[%get3A_926, %get3A_927] {strides = array<i32>} : memref<128x128xf32, #tpu.memory_space<vmem>>, vector<1x16xf32>,
          %get3A_929 = vector.shape_cast %get3A_928 : vector<1x16xf32> to vector<16xf32>
          %mul3A_930 = arith.mulf %get3A_929, %broadcast_in_dim3A_895 : vector<16xf32>
          %swap3A_931 = arith.index_cast %add3A_892 : i32 to index
          %swap3A_932 = arith.constant 48 : index
          %swap3A_933 = tpu.vector_load %arg10[%swap3A_931, %swap3A_932] {strides = array<i32>} : memref<128x128xf32, #tpu.memory_space<vmem>>, vector<1x16xf32>,
          %swap3A_934 = vector.shape_cast %swap3A_933 : vector<1x16xf32> to vector<16xf32>
          %swap3A_935 = vector.shape_cast %mul3A_930 : vector<16xf32> to vector<1x16xf32>
          tpu.vector_store %arg10[%swap3A_931, %swap3A_932], %swap3A_935 {strides = array<i32>} : memref<128x128xf32, #tpu.memory_space<vmem>>, vector<1x16xf32>,
          %get3A_936 = arith.index_cast %add3A_892 : i32 to index
          %get3A_937 = arith.constant 64 : index
          %get3A_938 = tpu.vector_load %arg10[%get3A_936, %get3A_937] {strides = array<i32>} : memref<128x128xf32, #tpu.memory_space<vmem>>, vector<1x16xf32>,
          %get3A_939 = vector.shape_cast %get3A_938 : vector<1x16xf32> to vector<16xf32>
          %mul3A_940 = arith.mulf %get3A_939, %broadcast_in_dim3A_895 : vector<16xf32>
          %swap3A_941 = arith.index_cast %add3A_892 : i32 to index
          %swap3A_942 = arith.constant 64 : index
          %swap3A_943 = tpu.vector_load %arg10[%swap3A_941, %swap3A_942] {strides = array<i32>} : memref<128x128xf32, #tpu.memory_space<vmem>>, vector<1x16xf32>,
          %swap3A_944 = vector.shape_cast %swap3A_943 : vector<1x16xf32> to vector<16xf32>
          %swap3A_945 = vector.shape_cast %mul3A_940 : vector<16xf32> to vector<1x16xf32>
          tpu.vector_store %arg10[%swap3A_941, %swap3A_942], %swap3A_945 {strides = array<i32>} : memref<128x128xf32, #tpu.memory_space<vmem>>, vector<1x16xf32>,
          %get3A_946 = arith.index_cast %add3A_892 : i32 to index
          %get3A_947 = arith.constant 80 : index
          %get3A_948 = tpu.vector_load %arg10[%get3A_946, %get3A_947] {strides = array<i32>} : memref<128x128xf32, #tpu.memory_space<vmem>>, vector<1x16xf32>,
          %get3A_949 = vector.shape_cast %get3A_948 : vector<1x16xf32> to vector<16xf32>
          %mul3A_950 = arith.mulf %get3A_949, %broadcast_in_dim3A_895 : vector<16xf32>
          %swap3A_951 = arith.index_cast %add3A_892 : i32 to index
          %swap3A_952 = arith.constant 80 : index
          %swap3A_953 = tpu.vector_load %arg10[%swap3A_951, %swap3A_952] {strides = array<i32>} : memref<128x128xf32, #tpu.memory_space<vmem>>, vector<1x16xf32>,
          %swap3A_954 = vector.shape_cast %swap3A_953 : vector<1x16xf32> to vector<16xf32>
          %swap3A_955 = vector.shape_cast %mul3A_950 : vector<16xf32> to vector<1x16xf32>
          tpu.vector_store %arg10[%swap3A_951, %swap3A_952], %swap3A_955 {strides = array<i32>} : memref<128x128xf32, #tpu.memory_space<vmem>>, vector<1x16xf32>,
          %get3A_956 = arith.index_cast %add3A_892 : i32 to index
          %get3A_957 = arith.constant 96 : index
          %get3A_958 = tpu.vector_load %arg10[%get3A_956, %get3A_957] {strides = array<i32>} : memref<128x128xf32, #tpu.memory_space<vmem>>, vector<1x16xf32>,
          %get3A_959 = vector.shape_cast %get3A_958 : vector<1x16xf32> to vector<16xf32>
          %mul3A_960 = arith.mulf %get3A_959, %broadcast_in_dim3A_895 : vector<16xf32>
          %swap3A_961 = arith.index_cast %add3A_892 : i32 to index
          %swap3A_962 = arith.constant 96 : index
          %swap3A_963 = tpu.vector_load %arg10[%swap3A_961, %swap3A_962] {strides = array<i32>} : memref<128x128xf32, #tpu.memory_space<vmem>>, vector<1x16xf32>,
          %swap3A_964 = vector.shape_cast %swap3A_963 : vector<1x16xf32> to vector<16xf32>
          %swap3A_965 = vector.shape_cast %mul3A_960 : vector<16xf32> to vector<1x16xf32>
          tpu.vector_store %arg10[%swap3A_961, %swap3A_962], %swap3A_965 {strides = array<i32>} : memref<128x128xf32, #tpu.memory_space<vmem>>, vector<1x16xf32>,
          %get3A_966 = arith.index_cast %add3A_892 : i32 to index
          %get3A_967 = arith.constant 112 : index
          %get3A_968 = tpu.vector_load %arg10[%get3A_966, %get3A_967] {strides = array<i32>} : memref<128x128xf32, #tpu.memory_space<vmem>>, vector<1x16xf32>,
          %get3A_969 = vector.shape_cast %get3A_968 : vector<1x16xf32> to vector<16xf32>
          %mul3A_970 = arith.mulf %get3A_969, %broadcast_in_dim3A_895 : vector<16xf32>
          %swap3A_971 = arith.index_cast %add3A_892 : i32 to index
          %swap3A_972 = arith.constant 112 : index
          %swap3A_973 = tpu.vector_load %arg10[%swap3A_971, %swap3A_972] {strides = array<i32>} : memref<128x128xf32, #tpu.memory_space<vmem>>, vector<1x16xf32>,
          %swap3A_974 = vector.shape_cast %swap3A_973 : vector<1x16xf32> to vector<16xf32>
          %swap3A_975 = vector.shape_cast %mul3A_970 : vector<16xf32> to vector<1x16xf32>
          tpu.vector_store %arg10[%swap3A_971, %swap3A_972], %swap3A_975 {strides = array<i32>} : memref<128x128xf32, #tpu.memory_space<vmem>>, vector<1x16xf32>,
          %mul3A_976 = arith.constant 16 : i32
          %mul3A_977 = arith.muli %scan3A_153, %mul3A_976 : i32
          %add3A_978 = arith.constant 9 : i32
          %add3A_979 = arith.addi %mul3A_977, %add3A_978 : i32
          %slice3A_980 = vector.extract_strided_slice %div3A_193 {offsets = [9], sizes = [1], strides = [1]} : vector<16xf32> to vector<1xf32>
          %squeeze3A_981 = vector.extract %slice3A_980[0] : f32 from vector<1xf32>
          %broadcast_in_dim3A_982 = vector.broadcast %squeeze3A_981 : f32 to vector<16xf32>
          %get3A_983 = arith.index_cast %add3A_979 : i32 to index
          %get3A_984 = arith.constant 0 : index
          %get3A_985 = tpu.vector_load %arg10[%get3A_983, %get3A_984] {strides = array<i32>} : memref<128x128xf32, #tpu.memory_space<vmem>>, vector<1x16xf32>,
          %get3A_986 = vector.shape_cast %get3A_985 : vector<1x16xf32> to vector<16xf32>
          %mul3A_987 = arith.mulf %get3A_986, %broadcast_in_dim3A_982 : vector<16xf32>
          %swap3A_988 = arith.index_cast %add3A_979 : i32 to index
          %swap3A_989 = arith.constant 0 : index
          %swap3A_990 = tpu.vector_load %arg10[%swap3A_988, %swap3A_989] {strides = array<i32>} : memref<128x128xf32, #tpu.memory_space<vmem>>, vector<1x16xf32>,
          %swap3A_991 = vector.shape_cast %swap3A_990 : vector<1x16xf32> to vector<16xf32>
          %swap3A_992 = vector.shape_cast %mul3A_987 : vector<16xf32> to vector<1x16xf32>
          tpu.vector_store %arg10[%swap3A_988, %swap3A_989], %swap3A_992 {strides = array<i32>} : memref<128x128xf32, #tpu.memory_space<vmem>>, vector<1x16xf32>,
          %get3A_993 = arith.index_cast %add3A_979 : i32 to index
          %get3A_994 = arith.constant 16 : index
          %get3A_995 = tpu.vector_load %arg10[%get3A_993, %get3A_994] {strides = array<i32>} : memref<128x128xf32, #tpu.memory_space<vmem>>, vector<1x16xf32>,
          %get3A_996 = vector.shape_cast %get3A_995 : vector<1x16xf32> to vector<16xf32>
          %mul3A_997 = arith.mulf %get3A_996, %broadcast_in_dim3A_982 : vector<16xf32>
          %swap3A_998 = arith.index_cast %add3A_979 : i32 to index
          %swap3A_999 = arith.constant 16 : index
          %swap3A_1000 = tpu.vector_load %arg10[%swap3A_998, %swap3A_999] {strides = array<i32>} : memref<128x128xf32, #tpu.memory_space<vmem>>, vector<1x16xf32>,
          %swap3A_1001 = vector.shape_cast %swap3A_1000 : vector<1x16xf32> to vector<16xf32>
          %swap3A_1002 = vector.shape_cast %mul3A_997 : vector<16xf32> to vector<1x16xf32>
          tpu.vector_store %arg10[%swap3A_998, %swap3A_999], %swap3A_1002 {strides = array<i32>} : memref<128x128xf32, #tpu.memory_space<vmem>>, vector<1x16xf32>,
          %get3A_1003 = arith.index_cast %add3A_979 : i32 to index
          %get3A_1004 = arith.constant 32 : index
          %get3A_1005 = tpu.vector_load %arg10[%get3A_1003, %get3A_1004] {strides = array<i32>} : memref<128x128xf32, #tpu.memory_space<vmem>>, vector<1x16xf32>,
          %get3A_1006 = vector.shape_cast %get3A_1005 : vector<1x16xf32> to vector<16xf32>
          %mul3A_1007 = arith.mulf %get3A_1006, %broadcast_in_dim3A_982 : vector<16xf32>
          %swap3A_1008 = arith.index_cast %add3A_979 : i32 to index
          %swap3A_1009 = arith.constant 32 : index
          %swap3A_1010 = tpu.vector_load %arg10[%swap3A_1008, %swap3A_1009] {strides = array<i32>} : memref<128x128xf32, #tpu.memory_space<vmem>>, vector<1x16xf32>,
          %swap3A_1011 = vector.shape_cast %swap3A_1010 : vector<1x16xf32> to vector<16xf32>
          %swap3A_1012 = vector.shape_cast %mul3A_1007 : vector<16xf32> to vector<1x16xf32>
          tpu.vector_store %arg10[%swap3A_1008, %swap3A_1009], %swap3A_1012 {strides = array<i32>} : memref<128x128xf32, #tpu.memory_space<vmem>>, vector<1x16xf32>,
          %get3A_1013 = arith.index_cast %add3A_979 : i32 to index
          %get3A_1014 = arith.constant 48 : index
          %get3A_1015 = tpu.vector_load %arg10[%get3A_1013, %get3A_1014] {strides = array<i32>} : memref<128x128xf32, #tpu.memory_space<vmem>>, vector<1x16xf32>,
          %get3A_1016 = vector.shape_cast %get3A_1015 : vector<1x16xf32> to vector<16xf32>
          %mul3A_1017 = arith.mulf %get3A_1016, %broadcast_in_dim3A_982 : vector<16xf32>
          %swap3A_1018 = arith.index_cast %add3A_979 : i32 to index
          %swap3A_1019 = arith.constant 48 : index
          %swap3A_1020 = tpu.vector_load %arg10[%swap3A_1018, %swap3A_1019] {strides = array<i32>} : memref<128x128xf32, #tpu.memory_space<vmem>>, vector<1x16xf32>,
          %swap3A_1021 = vector.shape_cast %swap3A_1020 : vector<1x16xf32> to vector<16xf32>
          %swap3A_1022 = vector.shape_cast %mul3A_1017 : vector<16xf32> to vector<1x16xf32>
          tpu.vector_store %arg10[%swap3A_1018, %swap3A_1019], %swap3A_1022 {strides = array<i32>} : memref<128x128xf32, #tpu.memory_space<vmem>>, vector<1x16xf32>,
          %get3A_1023 = arith.index_cast %add3A_979 : i32 to index
          %get3A_1024 = arith.constant 64 : index
          %get3A_1025 = tpu.vector_load %arg10[%get3A_1023, %get3A_1024] {strides = array<i32>} : memref<128x128xf32, #tpu.memory_space<vmem>>, vector<1x16xf32>,
          %get3A_1026 = vector.shape_cast %get3A_1025 : vector<1x16xf32> to vector<16xf32>
          %mul3A_1027 = arith.mulf %get3A_1026, %broadcast_in_dim3A_982 : vector<16xf32>
          %swap3A_1028 = arith.index_cast %add3A_979 : i32 to index
          %swap3A_1029 = arith.constant 64 : index
          %swap3A_1030 = tpu.vector_load %arg10[%swap3A_1028, %swap3A_1029] {strides = array<i32>} : memref<128x128xf32, #tpu.memory_space<vmem>>, vector<1x16xf32>,
          %swap3A_1031 = vector.shape_cast %swap3A_1030 : vector<1x16xf32> to vector<16xf32>
          %swap3A_1032 = vector.shape_cast %mul3A_1027 : vector<16xf32> to vector<1x16xf32>
          tpu.vector_store %arg10[%swap3A_1028, %swap3A_1029], %swap3A_1032 {strides = array<i32>} : memref<128x128xf32, #tpu.memory_space<vmem>>, vector<1x16xf32>,
          %get3A_1033 = arith.index_cast %add3A_979 : i32 to index
          %get3A_1034 = arith.constant 80 : index
          %get3A_1035 = tpu.vector_load %arg10[%get3A_1033, %get3A_1034] {strides = array<i32>} : memref<128x128xf32, #tpu.memory_space<vmem>>, vector<1x16xf32>,
          %get3A_1036 = vector.shape_cast %get3A_1035 : vector<1x16xf32> to vector<16xf32>
          %mul3A_1037 = arith.mulf %get3A_1036, %broadcast_in_dim3A_982 : vector<16xf32>
          %swap3A_1038 = arith.index_cast %add3A_979 : i32 to index
          %swap3A_1039 = arith.constant 80 : index
          %swap3A_1040 = tpu.vector_load %arg10[%swap3A_1038, %swap3A_1039] {strides = array<i32>} : memref<128x128xf32, #tpu.memory_space<vmem>>, vector<1x16xf32>,
          %swap3A_1041 = vector.shape_cast %swap3A_1040 : vector<1x16xf32> to vector<16xf32>
          %swap3A_1042 = vector.shape_cast %mul3A_1037 : vector<16xf32> to vector<1x16xf32>
          tpu.vector_store %arg10[%swap3A_1038, %swap3A_1039], %swap3A_1042 {strides = array<i32>} : memref<128x128xf32, #tpu.memory_space<vmem>>, vector<1x16xf32>,
          %get3A_1043 = arith.index_cast %add3A_979 : i32 to index
          %get3A_1044 = arith.constant 96 : index
          %get3A_1045 = tpu.vector_load %arg10[%get3A_1043, %get3A_1044] {strides = array<i32>} : memref<128x128xf32, #tpu.memory_space<vmem>>, vector<1x16xf32>,
          %get3A_1046 = vector.shape_cast %get3A_1045 : vector<1x16xf32> to vector<16xf32>
          %mul3A_1047 = arith.mulf %get3A_1046, %broadcast_in_dim3A_982 : vector<16xf32>
          %swap3A_1048 = arith.index_cast %add3A_979 : i32 to index
          %swap3A_1049 = arith.constant 96 : index
          %swap3A_1050 = tpu.vector_load %arg10[%swap3A_1048, %swap3A_1049] {strides = array<i32>} : memref<128x128xf32, #tpu.memory_space<vmem>>, vector<1x16xf32>,
          %swap3A_1051 = vector.shape_cast %swap3A_1050 : vector<1x16xf32> to vector<16xf32>
          %swap3A_1052 = vector.shape_cast %mul3A_1047 : vector<16xf32> to vector<1x16xf32>
          tpu.vector_store %arg10[%swap3A_1048, %swap3A_1049], %swap3A_1052 {strides = array<i32>} : memref<128x128xf32, #tpu.memory_space<vmem>>, vector<1x16xf32>,
          %get3A_1053 = arith.index_cast %add3A_979 : i32 to index
          %get3A_1054 = arith.constant 112 : index
          %get3A_1055 = tpu.vector_load %arg10[%get3A_1053, %get3A_1054] {strides = array<i32>} : memref<128x128xf32, #tpu.memory_space<vmem>>, vector<1x16xf32>,
          %get3A_1056 = vector.shape_cast %get3A_1055 : vector<1x16xf32> to vector<16xf32>
          %mul3A_1057 = arith.mulf %get3A_1056, %broadcast_in_dim3A_982 : vector<16xf32>
          %swap3A_1058 = arith.index_cast %add3A_979 : i32 to index
          %swap3A_1059 = arith.constant 112 : index
          %swap3A_1060 = tpu.vector_load %arg10[%swap3A_1058, %swap3A_1059] {strides = array<i32>} : memref<128x128xf32, #tpu.memory_space<vmem>>, vector<1x16xf32>,
          %swap3A_1061 = vector.shape_cast %swap3A_1060 : vector<1x16xf32> to vector<16xf32>
          %swap3A_1062 = vector.shape_cast %mul3A_1057 : vector<16xf32> to vector<1x16xf32>
          tpu.vector_store %arg10[%swap3A_1058, %swap3A_1059], %swap3A_1062 {strides = array<i32>} : memref<128x128xf32, #tpu.memory_space<vmem>>, vector<1x16xf32>,
          %mul3A_1063 = arith.constant 16 : i32
          %mul3A_1064 = arith.muli %scan3A_153, %mul3A_1063 : i32
          %add3A_1065 = arith.constant 10 : i32
          %add3A_1066 = arith.addi %mul3A_1064, %add3A_1065 : i32
          %slice3A_1067 = vector.extract_strided_slice %div3A_193 {offsets = [10], sizes = [1], strides = [1]} : vector<16xf32> to vector<1xf32>
          %squeeze3A_1068 = vector.extract %slice3A_1067[0] : f32 from vector<1xf32>
          %broadcast_in_dim3A_1069 = vector.broadcast %squeeze3A_1068 : f32 to vector<16xf32>
          %get3A_1070 = arith.index_cast %add3A_1066 : i32 to index
          %get3A_1071 = arith.constant 0 : index
          %get3A_1072 = tpu.vector_load %arg10[%get3A_1070, %get3A_1071] {strides = array<i32>} : memref<128x128xf32, #tpu.memory_space<vmem>>, vector<1x16xf32>,
          %get3A_1073 = vector.shape_cast %get3A_1072 : vector<1x16xf32> to vector<16xf32>
          %mul3A_1074 = arith.mulf %get3A_1073, %broadcast_in_dim3A_1069 : vector<16xf32>
          %swap3A_1075 = arith.index_cast %add3A_1066 : i32 to index
          %swap3A_1076 = arith.constant 0 : index
          %swap3A_1077 = tpu.vector_load %arg10[%swap3A_1075, %swap3A_1076] {strides = array<i32>} : memref<128x128xf32, #tpu.memory_space<vmem>>, vector<1x16xf32>,
          %swap3A_1078 = vector.shape_cast %swap3A_1077 : vector<1x16xf32> to vector<16xf32>
          %swap3A_1079 = vector.shape_cast %mul3A_1074 : vector<16xf32> to vector<1x16xf32>
          tpu.vector_store %arg10[%swap3A_1075, %swap3A_1076], %swap3A_1079 {strides = array<i32>} : memref<128x128xf32, #tpu.memory_space<vmem>>, vector<1x16xf32>,
          %get3A_1080 = arith.index_cast %add3A_1066 : i32 to index
          %get3A_1081 = arith.constant 16 : index
          %get3A_1082 = tpu.vector_load %arg10[%get3A_1080, %get3A_1081] {strides = array<i32>} : memref<128x128xf32, #tpu.memory_space<vmem>>, vector<1x16xf32>,
          %get3A_1083 = vector.shape_cast %get3A_1082 : vector<1x16xf32> to vector<16xf32>
          %mul3A_1084 = arith.mulf %get3A_1083, %broadcast_in_dim3A_1069 : vector<16xf32>
          %swap3A_1085 = arith.index_cast %add3A_1066 : i32 to index
          %swap3A_1086 = arith.constant 16 : index
          %swap3A_1087 = tpu.vector_load %arg10[%swap3A_1085, %swap3A_1086] {strides = array<i32>} : memref<128x128xf32, #tpu.memory_space<vmem>>, vector<1x16xf32>,
          %swap3A_1088 = vector.shape_cast %swap3A_1087 : vector<1x16xf32> to vector<16xf32>
          %swap3A_1089 = vector.shape_cast %mul3A_1084 : vector<16xf32> to vector<1x16xf32>
          tpu.vector_store %arg10[%swap3A_1085, %swap3A_1086], %swap3A_1089 {strides = array<i32>} : memref<128x128xf32, #tpu.memory_space<vmem>>, vector<1x16xf32>,
          %get3A_1090 = arith.index_cast %add3A_1066 : i32 to index
          %get3A_1091 = arith.constant 32 : index
          %get3A_1092 = tpu.vector_load %arg10[%get3A_1090, %get3A_1091] {strides = array<i32>} : memref<128x128xf32, #tpu.memory_space<vmem>>, vector<1x16xf32>,
          %get3A_1093 = vector.shape_cast %get3A_1092 : vector<1x16xf32> to vector<16xf32>
          %mul3A_1094 = arith.mulf %get3A_1093, %broadcast_in_dim3A_1069 : vector<16xf32>
          %swap3A_1095 = arith.index_cast %add3A_1066 : i32 to index
          %swap3A_1096 = arith.constant 32 : index
          %swap3A_1097 = tpu.vector_load %arg10[%swap3A_1095, %swap3A_1096] {strides = array<i32>} : memref<128x128xf32, #tpu.memory_space<vmem>>, vector<1x16xf32>,
          %swap3A_1098 = vector.shape_cast %swap3A_1097 : vector<1x16xf32> to vector<16xf32>
          %swap3A_1099 = vector.shape_cast %mul3A_1094 : vector<16xf32> to vector<1x16xf32>
          tpu.vector_store %arg10[%swap3A_1095, %swap3A_1096], %swap3A_1099 {strides = array<i32>} : memref<128x128xf32, #tpu.memory_space<vmem>>, vector<1x16xf32>,
          %get3A_1100 = arith.index_cast %add3A_1066 : i32 to index
          %get3A_1101 = arith.constant 48 : index
          %get3A_1102 = tpu.vector_load %arg10[%get3A_1100, %get3A_1101] {strides = array<i32>} : memref<128x128xf32, #tpu.memory_space<vmem>>, vector<1x16xf32>,
          %get3A_1103 = vector.shape_cast %get3A_1102 : vector<1x16xf32> to vector<16xf32>
          %mul3A_1104 = arith.mulf %get3A_1103, %broadcast_in_dim3A_1069 : vector<16xf32>
          %swap3A_1105 = arith.index_cast %add3A_1066 : i32 to index
          %swap3A_1106 = arith.constant 48 : index
          %swap3A_1107 = tpu.vector_load %arg10[%swap3A_1105, %swap3A_1106] {strides = array<i32>} : memref<128x128xf32, #tpu.memory_space<vmem>>, vector<1x16xf32>,
          %swap3A_1108 = vector.shape_cast %swap3A_1107 : vector<1x16xf32> to vector<16xf32>
          %swap3A_1109 = vector.shape_cast %mul3A_1104 : vector<16xf32> to vector<1x16xf32>
          tpu.vector_store %arg10[%swap3A_1105, %swap3A_1106], %swap3A_1109 {strides = array<i32>} : memref<128x128xf32, #tpu.memory_space<vmem>>, vector<1x16xf32>,
          %get3A_1110 = arith.index_cast %add3A_1066 : i32 to index
          %get3A_1111 = arith.constant 64 : index
          %get3A_1112 = tpu.vector_load %arg10[%get3A_1110, %get3A_1111] {strides = array<i32>} : memref<128x128xf32, #tpu.memory_space<vmem>>, vector<1x16xf32>,
          %get3A_1113 = vector.shape_cast %get3A_1112 : vector<1x16xf32> to vector<16xf32>
          %mul3A_1114 = arith.mulf %get3A_1113, %broadcast_in_dim3A_1069 : vector<16xf32>
          %swap3A_1115 = arith.index_cast %add3A_1066 : i32 to index
          %swap3A_1116 = arith.constant 64 : index
          %swap3A_1117 = tpu.vector_load %arg10[%swap3A_1115, %swap3A_1116] {strides = array<i32>} : memref<128x128xf32, #tpu.memory_space<vmem>>, vector<1x16xf32>,
          %swap3A_1118 = vector.shape_cast %swap3A_1117 : vector<1x16xf32> to vector<16xf32>
          %swap3A_1119 = vector.shape_cast %mul3A_1114 : vector<16xf32> to vector<1x16xf32>
          tpu.vector_store %arg10[%swap3A_1115, %swap3A_1116], %swap3A_1119 {strides = array<i32>} : memref<128x128xf32, #tpu.memory_space<vmem>>, vector<1x16xf32>,
          %get3A_1120 = arith.index_cast %add3A_1066 : i32 to index
          %get3A_1121 = arith.constant 80 : index
          %get3A_1122 = tpu.vector_load %arg10[%get3A_1120, %get3A_1121] {strides = array<i32>} : memref<128x128xf32, #tpu.memory_space<vmem>>, vector<1x16xf32>,
          %get3A_1123 = vector.shape_cast %get3A_1122 : vector<1x16xf32> to vector<16xf32>
          %mul3A_1124 = arith.mulf %get3A_1123, %broadcast_in_dim3A_1069 : vector<16xf32>
          %swap3A_1125 = arith.index_cast %add3A_1066 : i32 to index
          %swap3A_1126 = arith.constant 80 : index
          %swap3A_1127 = tpu.vector_load %arg10[%swap3A_1125, %swap3A_1126] {strides = array<i32>} : memref<128x128xf32, #tpu.memory_space<vmem>>, vector<1x16xf32>,
          %swap3A_1128 = vector.shape_cast %swap3A_1127 : vector<1x16xf32> to vector<16xf32>
          %swap3A_1129 = vector.shape_cast %mul3A_1124 : vector<16xf32> to vector<1x16xf32>
          tpu.vector_store %arg10[%swap3A_1125, %swap3A_1126], %swap3A_1129 {strides = array<i32>} : memref<128x128xf32, #tpu.memory_space<vmem>>, vector<1x16xf32>,
          %get3A_1130 = arith.index_cast %add3A_1066 : i32 to index
          %get3A_1131 = arith.constant 96 : index
          %get3A_1132 = tpu.vector_load %arg10[%get3A_1130, %get3A_1131] {strides = array<i32>} : memref<128x128xf32, #tpu.memory_space<vmem>>, vector<1x16xf32>,
          %get3A_1133 = vector.shape_cast %get3A_1132 : vector<1x16xf32> to vector<16xf32>
          %mul3A_1134 = arith.mulf %get3A_1133, %broadcast_in_dim3A_1069 : vector<16xf32>
          %swap3A_1135 = arith.index_cast %add3A_1066 : i32 to index
          %swap3A_1136 = arith.constant 96 : index
          %swap3A_1137 = tpu.vector_load %arg10[%swap3A_1135, %swap3A_1136] {strides = array<i32>} : memref<128x128xf32, #tpu.memory_space<vmem>>, vector<1x16xf32>,
          %swap3A_1138 = vector.shape_cast %swap3A_1137 : vector<1x16xf32> to vector<16xf32>
          %swap3A_1139 = vector.shape_cast %mul3A_1134 : vector<16xf32> to vector<1x16xf32>
          tpu.vector_store %arg10[%swap3A_1135, %swap3A_1136], %swap3A_1139 {strides = array<i32>} : memref<128x128xf32, #tpu.memory_space<vmem>>, vector<1x16xf32>,
          %get3A_1140 = arith.index_cast %add3A_1066 : i32 to index
          %get3A_1141 = arith.constant 112 : index
          %get3A_1142 = tpu.vector_load %arg10[%get3A_1140, %get3A_1141] {strides = array<i32>} : memref<128x128xf32, #tpu.memory_space<vmem>>, vector<1x16xf32>,
          %get3A_1143 = vector.shape_cast %get3A_1142 : vector<1x16xf32> to vector<16xf32>
          %mul3A_1144 = arith.mulf %get3A_1143, %broadcast_in_dim3A_1069 : vector<16xf32>
          %swap3A_1145 = arith.index_cast %add3A_1066 : i32 to index
          %swap3A_1146 = arith.constant 112 : index
          %swap3A_1147 = tpu.vector_load %arg10[%swap3A_1145, %swap3A_1146] {strides = array<i32>} : memref<128x128xf32, #tpu.memory_space<vmem>>, vector<1x16xf32>,
          %swap3A_1148 = vector.shape_cast %swap3A_1147 : vector<1x16xf32> to vector<16xf32>
          %swap3A_1149 = vector.shape_cast %mul3A_1144 : vector<16xf32> to vector<1x16xf32>
          tpu.vector_store %arg10[%swap3A_1145, %swap3A_1146], %swap3A_1149 {strides = array<i32>} : memref<128x128xf32, #tpu.memory_space<vmem>>, vector<1x16xf32>,
          %mul3A_1150 = arith.constant 16 : i32
          %mul3A_1151 = arith.muli %scan3A_153, %mul3A_1150 : i32
          %add3A_1152 = arith.constant 11 : i32
          %add3A_1153 = arith.addi %mul3A_1151, %add3A_1152 : i32
          %slice3A_1154 = vector.extract_strided_slice %div3A_193 {offsets = [11], sizes = [1], strides = [1]} : vector<16xf32> to vector<1xf32>
          %squeeze3A_1155 = vector.extract %slice3A_1154[0] : f32 from vector<1xf32>
          %broadcast_in_dim3A_1156 = vector.broadcast %squeeze3A_1155 : f32 to vector<16xf32>
          %get3A_1157 = arith.index_cast %add3A_1153 : i32 to index
          %get3A_1158 = arith.constant 0 : index
          %get3A_1159 = tpu.vector_load %arg10[%get3A_1157, %get3A_1158] {strides = array<i32>} : memref<128x128xf32, #tpu.memory_space<vmem>>, vector<1x16xf32>,
          %get3A_1160 = vector.shape_cast %get3A_1159 : vector<1x16xf32> to vector<16xf32>
          %mul3A_1161 = arith.mulf %get3A_1160, %broadcast_in_dim3A_1156 : vector<16xf32>
          %swap3A_1162 = arith.index_cast %add3A_1153 : i32 to index
          %swap3A_1163 = arith.constant 0 : index
          %swap3A_1164 = tpu.vector_load %arg10[%swap3A_1162, %swap3A_1163] {strides = array<i32>} : memref<128x128xf32, #tpu.memory_space<vmem>>, vector<1x16xf32>,
          %swap3A_1165 = vector.shape_cast %swap3A_1164 : vector<1x16xf32> to vector<16xf32>
          %swap3A_1166 = vector.shape_cast %mul3A_1161 : vector<16xf32> to vector<1x16xf32>
          tpu.vector_store %arg10[%swap3A_1162, %swap3A_1163], %swap3A_1166 {strides = array<i32>} : memref<128x128xf32, #tpu.memory_space<vmem>>, vector<1x16xf32>,
          %get3A_1167 = arith.index_cast %add3A_1153 : i32 to index
          %get3A_1168 = arith.constant 16 : index
          %get3A_1169 = tpu.vector_load %arg10[%get3A_1167, %get3A_1168] {strides = array<i32>} : memref<128x128xf32, #tpu.memory_space<vmem>>, vector<1x16xf32>,
          %get3A_1170 = vector.shape_cast %get3A_1169 : vector<1x16xf32> to vector<16xf32>
          %mul3A_1171 = arith.mulf %get3A_1170, %broadcast_in_dim3A_1156 : vector<16xf32>
          %swap3A_1172 = arith.index_cast %add3A_1153 : i32 to index
          %swap3A_1173 = arith.constant 16 : index
          %swap3A_1174 = tpu.vector_load %arg10[%swap3A_1172, %swap3A_1173] {strides = array<i32>} : memref<128x128xf32, #tpu.memory_space<vmem>>, vector<1x16xf32>,
          %swap3A_1175 = vector.shape_cast %swap3A_1174 : vector<1x16xf32> to vector<16xf32>
          %swap3A_1176 = vector.shape_cast %mul3A_1171 : vector<16xf32> to vector<1x16xf32>
          tpu.vector_store %arg10[%swap3A_1172, %swap3A_1173], %swap3A_1176 {strides = array<i32>} : memref<128x128xf32, #tpu.memory_space<vmem>>, vector<1x16xf32>,
          %get3A_1177 = arith.index_cast %add3A_1153 : i32 to index
          %get3A_1178 = arith.constant 32 : index
          %get3A_1179 = tpu.vector_load %arg10[%get3A_1177, %get3A_1178] {strides = array<i32>} : memref<128x128xf32, #tpu.memory_space<vmem>>, vector<1x16xf32>,
          %get3A_1180 = vector.shape_cast %get3A_1179 : vector<1x16xf32> to vector<16xf32>
          %mul3A_1181 = arith.mulf %get3A_1180, %broadcast_in_dim3A_1156 : vector<16xf32>
          %swap3A_1182 = arith.index_cast %add3A_1153 : i32 to index
          %swap3A_1183 = arith.constant 32 : index
          %swap3A_1184 = tpu.vector_load %arg10[%swap3A_1182, %swap3A_1183] {strides = array<i32>} : memref<128x128xf32, #tpu.memory_space<vmem>>, vector<1x16xf32>,
          %swap3A_1185 = vector.shape_cast %swap3A_1184 : vector<1x16xf32> to vector<16xf32>
          %swap3A_1186 = vector.shape_cast %mul3A_1181 : vector<16xf32> to vector<1x16xf32>
          tpu.vector_store %arg10[%swap3A_1182, %swap3A_1183], %swap3A_1186 {strides = array<i32>} : memref<128x128xf32, #tpu.memory_space<vmem>>, vector<1x16xf32>,
          %get3A_1187 = arith.index_cast %add3A_1153 : i32 to index
          %get3A_1188 = arith.constant 48 : index
          %get3A_1189 = tpu.vector_load %arg10[%get3A_1187, %get3A_1188] {strides = array<i32>} : memref<128x128xf32, #tpu.memory_space<vmem>>, vector<1x16xf32>,
          %get3A_1190 = vector.shape_cast %get3A_1189 : vector<1x16xf32> to vector<16xf32>
          %mul3A_1191 = arith.mulf %get3A_1190, %broadcast_in_dim3A_1156 : vector<16xf32>
          %swap3A_1192 = arith.index_cast %add3A_1153 : i32 to index
          %swap3A_1193 = arith.constant 48 : index
          %swap3A_1194 = tpu.vector_load %arg10[%swap3A_1192, %swap3A_1193] {strides = array<i32>} : memref<128x128xf32, #tpu.memory_space<vmem>>, vector<1x16xf32>,
          %swap3A_1195 = vector.shape_cast %swap3A_1194 : vector<1x16xf32> to vector<16xf32>
          %swap3A_1196 = vector.shape_cast %mul3A_1191 : vector<16xf32> to vector<1x16xf32>
          tpu.vector_store %arg10[%swap3A_1192, %swap3A_1193], %swap3A_1196 {strides = array<i32>} : memref<128x128xf32, #tpu.memory_space<vmem>>, vector<1x16xf32>,
          %get3A_1197 = arith.index_cast %add3A_1153 : i32 to index
          %get3A_1198 = arith.constant 64 : index
          %get3A_1199 = tpu.vector_load %arg10[%get3A_1197, %get3A_1198] {strides = array<i32>} : memref<128x128xf32, #tpu.memory_space<vmem>>, vector<1x16xf32>,
          %get3A_1200 = vector.shape_cast %get3A_1199 : vector<1x16xf32> to vector<16xf32>
          %mul3A_1201 = arith.mulf %get3A_1200, %broadcast_in_dim3A_1156 : vector<16xf32>
          %swap3A_1202 = arith.index_cast %add3A_1153 : i32 to index
          %swap3A_1203 = arith.constant 64 : index
          %swap3A_1204 = tpu.vector_load %arg10[%swap3A_1202, %swap3A_1203] {strides = array<i32>} : memref<128x128xf32, #tpu.memory_space<vmem>>, vector<1x16xf32>,
          %swap3A_1205 = vector.shape_cast %swap3A_1204 : vector<1x16xf32> to vector<16xf32>
          %swap3A_1206 = vector.shape_cast %mul3A_1201 : vector<16xf32> to vector<1x16xf32>
          tpu.vector_store %arg10[%swap3A_1202, %swap3A_1203], %swap3A_1206 {strides = array<i32>} : memref<128x128xf32, #tpu.memory_space<vmem>>, vector<1x16xf32>,
          %get3A_1207 = arith.index_cast %add3A_1153 : i32 to index
          %get3A_1208 = arith.constant 80 : index
          %get3A_1209 = tpu.vector_load %arg10[%get3A_1207, %get3A_1208] {strides = array<i32>} : memref<128x128xf32, #tpu.memory_space<vmem>>, vector<1x16xf32>,
          %get3A_1210 = vector.shape_cast %get3A_1209 : vector<1x16xf32> to vector<16xf32>
          %mul3A_1211 = arith.mulf %get3A_1210, %broadcast_in_dim3A_1156 : vector<16xf32>
          %swap3A_1212 = arith.index_cast %add3A_1153 : i32 to index
          %swap3A_1213 = arith.constant 80 : index
          %swap3A_1214 = tpu.vector_load %arg10[%swap3A_1212, %swap3A_1213] {strides = array<i32>} : memref<128x128xf32, #tpu.memory_space<vmem>>, vector<1x16xf32>,
          %swap3A_1215 = vector.shape_cast %swap3A_1214 : vector<1x16xf32> to vector<16xf32>
          %swap3A_1216 = vector.shape_cast %mul3A_1211 : vector<16xf32> to vector<1x16xf32>
          tpu.vector_store %arg10[%swap3A_1212, %swap3A_1213], %swap3A_1216 {strides = array<i32>} : memref<128x128xf32, #tpu.memory_space<vmem>>, vector<1x16xf32>,
          %get3A_1217 = arith.index_cast %add3A_1153 : i32 to index
          %get3A_1218 = arith.constant 96 : index
          %get3A_1219 = tpu.vector_load %arg10[%get3A_1217, %get3A_1218] {strides = array<i32>} : memref<128x128xf32, #tpu.memory_space<vmem>>, vector<1x16xf32>,
          %get3A_1220 = vector.shape_cast %get3A_1219 : vector<1x16xf32> to vector<16xf32>
          %mul3A_1221 = arith.mulf %get3A_1220, %broadcast_in_dim3A_1156 : vector<16xf32>
          %swap3A_1222 = arith.index_cast %add3A_1153 : i32 to index
          %swap3A_1223 = arith.constant 96 : index
          %swap3A_1224 = tpu.vector_load %arg10[%swap3A_1222, %swap3A_1223] {strides = array<i32>} : memref<128x128xf32, #tpu.memory_space<vmem>>, vector<1x16xf32>,
          %swap3A_1225 = vector.shape_cast %swap3A_1224 : vector<1x16xf32> to vector<16xf32>
          %swap3A_1226 = vector.shape_cast %mul3A_1221 : vector<16xf32> to vector<1x16xf32>
          tpu.vector_store %arg10[%swap3A_1222, %swap3A_1223], %swap3A_1226 {strides = array<i32>} : memref<128x128xf32, #tpu.memory_space<vmem>>, vector<1x16xf32>,
          %get3A_1227 = arith.index_cast %add3A_1153 : i32 to index
          %get3A_1228 = arith.constant 112 : index
          %get3A_1229 = tpu.vector_load %arg10[%get3A_1227, %get3A_1228] {strides = array<i32>} : memref<128x128xf32, #tpu.memory_space<vmem>>, vector<1x16xf32>,
          %get3A_1230 = vector.shape_cast %get3A_1229 : vector<1x16xf32> to vector<16xf32>
          %mul3A_1231 = arith.mulf %get3A_1230, %broadcast_in_dim3A_1156 : vector<16xf32>
          %swap3A_1232 = arith.index_cast %add3A_1153 : i32 to index
          %swap3A_1233 = arith.constant 112 : index
          %swap3A_1234 = tpu.vector_load %arg10[%swap3A_1232, %swap3A_1233] {strides = array<i32>} : memref<128x128xf32, #tpu.memory_space<vmem>>, vector<1x16xf32>,
          %swap3A_1235 = vector.shape_cast %swap3A_1234 : vector<1x16xf32> to vector<16xf32>
          %swap3A_1236 = vector.shape_cast %mul3A_1231 : vector<16xf32> to vector<1x16xf32>
          tpu.vector_store %arg10[%swap3A_1232, %swap3A_1233], %swap3A_1236 {strides = array<i32>} : memref<128x128xf32, #tpu.memory_space<vmem>>, vector<1x16xf32>,
          %mul3A_1237 = arith.constant 16 : i32
          %mul3A_1238 = arith.muli %scan3A_153, %mul3A_1237 : i32
          %add3A_1239 = arith.constant 12 : i32
          %add3A_1240 = arith.addi %mul3A_1238, %add3A_1239 : i32
          %slice3A_1241 = vector.extract_strided_slice %div3A_193 {offsets = [12], sizes = [1], strides = [1]} : vector<16xf32> to vector<1xf32>
          %squeeze3A_1242 = vector.extract %slice3A_1241[0] : f32 from vector<1xf32>
          %broadcast_in_dim3A_1243 = vector.broadcast %squeeze3A_1242 : f32 to vector<16xf32>
          %get3A_1244 = arith.index_cast %add3A_1240 : i32 to index
          %get3A_1245 = arith.constant 0 : index
          %get3A_1246 = tpu.vector_load %arg10[%get3A_1244, %get3A_1245] {strides = array<i32>} : memref<128x128xf32, #tpu.memory_space<vmem>>, vector<1x16xf32>,
          %get3A_1247 = vector.shape_cast %get3A_1246 : vector<1x16xf32> to vector<16xf32>
          %mul3A_1248 = arith.mulf %get3A_1247, %broadcast_in_dim3A_1243 : vector<16xf32>
          %swap3A_1249 = arith.index_cast %add3A_1240 : i32 to index
          %swap3A_1250 = arith.constant 0 : index
          %swap3A_1251 = tpu.vector_load %arg10[%swap3A_1249, %swap3A_1250] {strides = array<i32>} : memref<128x128xf32, #tpu.memory_space<vmem>>, vector<1x16xf32>,
          %swap3A_1252 = vector.shape_cast %swap3A_1251 : vector<1x16xf32> to vector<16xf32>
          %swap3A_1253 = vector.shape_cast %mul3A_1248 : vector<16xf32> to vector<1x16xf32>
          tpu.vector_store %arg10[%swap3A_1249, %swap3A_1250], %swap3A_1253 {strides = array<i32>} : memref<128x128xf32, #tpu.memory_space<vmem>>, vector<1x16xf32>,
          %get3A_1254 = arith.index_cast %add3A_1240 : i32 to index
          %get3A_1255 = arith.constant 16 : index
          %get3A_1256 = tpu.vector_load %arg10[%get3A_1254, %get3A_1255] {strides = array<i32>} : memref<128x128xf32, #tpu.memory_space<vmem>>, vector<1x16xf32>,
          %get3A_1257 = vector.shape_cast %get3A_1256 : vector<1x16xf32> to vector<16xf32>
          %mul3A_1258 = arith.mulf %get3A_1257, %broadcast_in_dim3A_1243 : vector<16xf32>
          %swap3A_1259 = arith.index_cast %add3A_1240 : i32 to index
          %swap3A_1260 = arith.constant 16 : index
          %swap3A_1261 = tpu.vector_load %arg10[%swap3A_1259, %swap3A_1260] {strides = array<i32>} : memref<128x128xf32, #tpu.memory_space<vmem>>, vector<1x16xf32>,
          %swap3A_1262 = vector.shape_cast %swap3A_1261 : vector<1x16xf32> to vector<16xf32>
          %swap3A_1263 = vector.shape_cast %mul3A_1258 : vector<16xf32> to vector<1x16xf32>
          tpu.vector_store %arg10[%swap3A_1259, %swap3A_1260], %swap3A_1263 {strides = array<i32>} : memref<128x128xf32, #tpu.memory_space<vmem>>, vector<1x16xf32>,
          %get3A_1264 = arith.index_cast %add3A_1240 : i32 to index
          %get3A_1265 = arith.constant 32 : index
          %get3A_1266 = tpu.vector_load %arg10[%get3A_1264, %get3A_1265] {strides = array<i32>} : memref<128x128xf32, #tpu.memory_space<vmem>>, vector<1x16xf32>,
          %get3A_1267 = vector.shape_cast %get3A_1266 : vector<1x16xf32> to vector<16xf32>
          %mul3A_1268 = arith.mulf %get3A_1267, %broadcast_in_dim3A_1243 : vector<16xf32>
          %swap3A_1269 = arith.index_cast %add3A_1240 : i32 to index
          %swap3A_1270 = arith.constant 32 : index
          %swap3A_1271 = tpu.vector_load %arg10[%swap3A_1269, %swap3A_1270] {strides = array<i32>} : memref<128x128xf32, #tpu.memory_space<vmem>>, vector<1x16xf32>,
          %swap3A_1272 = vector.shape_cast %swap3A_1271 : vector<1x16xf32> to vector<16xf32>
          %swap3A_1273 = vector.shape_cast %mul3A_1268 : vector<16xf32> to vector<1x16xf32>
          tpu.vector_store %arg10[%swap3A_1269, %swap3A_1270], %swap3A_1273 {strides = array<i32>} : memref<128x128xf32, #tpu.memory_space<vmem>>, vector<1x16xf32>,
          %get3A_1274 = arith.index_cast %add3A_1240 : i32 to index
          %get3A_1275 = arith.constant 48 : index
          %get3A_1276 = tpu.vector_load %arg10[%get3A_1274, %get3A_1275] {strides = array<i32>} : memref<128x128xf32, #tpu.memory_space<vmem>>, vector<1x16xf32>,
          %get3A_1277 = vector.shape_cast %get3A_1276 : vector<1x16xf32> to vector<16xf32>
          %mul3A_1278 = arith.mulf %get3A_1277, %broadcast_in_dim3A_1243 : vector<16xf32>
          %swap3A_1279 = arith.index_cast %add3A_1240 : i32 to index
          %swap3A_1280 = arith.constant 48 : index
          %swap3A_1281 = tpu.vector_load %arg10[%swap3A_1279, %swap3A_1280] {strides = array<i32>} : memref<128x128xf32, #tpu.memory_space<vmem>>, vector<1x16xf32>,
          %swap3A_1282 = vector.shape_cast %swap3A_1281 : vector<1x16xf32> to vector<16xf32>
          %swap3A_1283 = vector.shape_cast %mul3A_1278 : vector<16xf32> to vector<1x16xf32>
          tpu.vector_store %arg10[%swap3A_1279, %swap3A_1280], %swap3A_1283 {strides = array<i32>} : memref<128x128xf32, #tpu.memory_space<vmem>>, vector<1x16xf32>,
          %get3A_1284 = arith.index_cast %add3A_1240 : i32 to index
          %get3A_1285 = arith.constant 64 : index
          %get3A_1286 = tpu.vector_load %arg10[%get3A_1284, %get3A_1285] {strides = array<i32>} : memref<128x128xf32, #tpu.memory_space<vmem>>, vector<1x16xf32>,
          %get3A_1287 = vector.shape_cast %get3A_1286 : vector<1x16xf32> to vector<16xf32>
          %mul3A_1288 = arith.mulf %get3A_1287, %broadcast_in_dim3A_1243 : vector<16xf32>
          %swap3A_1289 = arith.index_cast %add3A_1240 : i32 to index
          %swap3A_1290 = arith.constant 64 : index
          %swap3A_1291 = tpu.vector_load %arg10[%swap3A_1289, %swap3A_1290] {strides = array<i32>} : memref<128x128xf32, #tpu.memory_space<vmem>>, vector<1x16xf32>,
          %swap3A_1292 = vector.shape_cast %swap3A_1291 : vector<1x16xf32> to vector<16xf32>
          %swap3A_1293 = vector.shape_cast %mul3A_1288 : vector<16xf32> to vector<1x16xf32>
          tpu.vector_store %arg10[%swap3A_1289, %swap3A_1290], %swap3A_1293 {strides = array<i32>} : memref<128x128xf32, #tpu.memory_space<vmem>>, vector<1x16xf32>,
          %get3A_1294 = arith.index_cast %add3A_1240 : i32 to index
          %get3A_1295 = arith.constant 80 : index
          %get3A_1296 = tpu.vector_load %arg10[%get3A_1294, %get3A_1295] {strides = array<i32>} : memref<128x128xf32, #tpu.memory_space<vmem>>, vector<1x16xf32>,
          %get3A_1297 = vector.shape_cast %get3A_1296 : vector<1x16xf32> to vector<16xf32>
          %mul3A_1298 = arith.mulf %get3A_1297, %broadcast_in_dim3A_1243 : vector<16xf32>
          %swap3A_1299 = arith.index_cast %add3A_1240 : i32 to index
          %swap3A_1300 = arith.constant 80 : index
          %swap3A_1301 = tpu.vector_load %arg10[%swap3A_1299, %swap3A_1300] {strides = array<i32>} : memref<128x128xf32, #tpu.memory_space<vmem>>, vector<1x16xf32>,
          %swap3A_1302 = vector.shape_cast %swap3A_1301 : vector<1x16xf32> to vector<16xf32>
          %swap3A_1303 = vector.shape_cast %mul3A_1298 : vector<16xf32> to vector<1x16xf32>
          tpu.vector_store %arg10[%swap3A_1299, %swap3A_1300], %swap3A_1303 {strides = array<i32>} : memref<128x128xf32, #tpu.memory_space<vmem>>, vector<1x16xf32>,
          %get3A_1304 = arith.index_cast %add3A_1240 : i32 to index
          %get3A_1305 = arith.constant 96 : index
          %get3A_1306 = tpu.vector_load %arg10[%get3A_1304, %get3A_1305] {strides = array<i32>} : memref<128x128xf32, #tpu.memory_space<vmem>>, vector<1x16xf32>,
          %get3A_1307 = vector.shape_cast %get3A_1306 : vector<1x16xf32> to vector<16xf32>
          %mul3A_1308 = arith.mulf %get3A_1307, %broadcast_in_dim3A_1243 : vector<16xf32>
          %swap3A_1309 = arith.index_cast %add3A_1240 : i32 to index
          %swap3A_1310 = arith.constant 96 : index
          %swap3A_1311 = tpu.vector_load %arg10[%swap3A_1309, %swap3A_1310] {strides = array<i32>} : memref<128x128xf32, #tpu.memory_space<vmem>>, vector<1x16xf32>,
          %swap3A_1312 = vector.shape_cast %swap3A_1311 : vector<1x16xf32> to vector<16xf32>
          %swap3A_1313 = vector.shape_cast %mul3A_1308 : vector<16xf32> to vector<1x16xf32>
          tpu.vector_store %arg10[%swap3A_1309, %swap3A_1310], %swap3A_1313 {strides = array<i32>} : memref<128x128xf32, #tpu.memory_space<vmem>>, vector<1x16xf32>,
          %get3A_1314 = arith.index_cast %add3A_1240 : i32 to index
          %get3A_1315 = arith.constant 112 : index
          %get3A_1316 = tpu.vector_load %arg10[%get3A_1314, %get3A_1315] {strides = array<i32>} : memref<128x128xf32, #tpu.memory_space<vmem>>, vector<1x16xf32>,
          %get3A_1317 = vector.shape_cast %get3A_1316 : vector<1x16xf32> to vector<16xf32>
          %mul3A_1318 = arith.mulf %get3A_1317, %broadcast_in_dim3A_1243 : vector<16xf32>
          %swap3A_1319 = arith.index_cast %add3A_1240 : i32 to index
          %swap3A_1320 = arith.constant 112 : index
          %swap3A_1321 = tpu.vector_load %arg10[%swap3A_1319, %swap3A_1320] {strides = array<i32>} : memref<128x128xf32, #tpu.memory_space<vmem>>, vector<1x16xf32>,
          %swap3A_1322 = vector.shape_cast %swap3A_1321 : vector<1x16xf32> to vector<16xf32>
          %swap3A_1323 = vector.shape_cast %mul3A_1318 : vector<16xf32> to vector<1x16xf32>
          tpu.vector_store %arg10[%swap3A_1319, %swap3A_1320], %swap3A_1323 {strides = array<i32>} : memref<128x128xf32, #tpu.memory_space<vmem>>, vector<1x16xf32>,
          %mul3A_1324 = arith.constant 16 : i32
          %mul3A_1325 = arith.muli %scan3A_153, %mul3A_1324 : i32
          %add3A_1326 = arith.constant 13 : i32
          %add3A_1327 = arith.addi %mul3A_1325, %add3A_1326 : i32
          %slice3A_1328 = vector.extract_strided_slice %div3A_193 {offsets = [13], sizes = [1], strides = [1]} : vector<16xf32> to vector<1xf32>
          %squeeze3A_1329 = vector.extract %slice3A_1328[0] : f32 from vector<1xf32>
          %broadcast_in_dim3A_1330 = vector.broadcast %squeeze3A_1329 : f32 to vector<16xf32>
          %get3A_1331 = arith.index_cast %add3A_1327 : i32 to index
          %get3A_1332 = arith.constant 0 : index
          %get3A_1333 = tpu.vector_load %arg10[%get3A_1331, %get3A_1332] {strides = array<i32>} : memref<128x128xf32, #tpu.memory_space<vmem>>, vector<1x16xf32>,
          %get3A_1334 = vector.shape_cast %get3A_1333 : vector<1x16xf32> to vector<16xf32>
          %mul3A_1335 = arith.mulf %get3A_1334, %broadcast_in_dim3A_1330 : vector<16xf32>
          %swap3A_1336 = arith.index_cast %add3A_1327 : i32 to index
          %swap3A_1337 = arith.constant 0 : index
          %swap3A_1338 = tpu.vector_load %arg10[%swap3A_1336, %swap3A_1337] {strides = array<i32>} : memref<128x128xf32, #tpu.memory_space<vmem>>, vector<1x16xf32>,
          %swap3A_1339 = vector.shape_cast %swap3A_1338 : vector<1x16xf32> to vector<16xf32>
          %swap3A_1340 = vector.shape_cast %mul3A_1335 : vector<16xf32> to vector<1x16xf32>
          tpu.vector_store %arg10[%swap3A_1336, %swap3A_1337], %swap3A_1340 {strides = array<i32>} : memref<128x128xf32, #tpu.memory_space<vmem>>, vector<1x16xf32>,
          %get3A_1341 = arith.index_cast %add3A_1327 : i32 to index
          %get3A_1342 = arith.constant 16 : index
          %get3A_1343 = tpu.vector_load %arg10[%get3A_1341, %get3A_1342] {strides = array<i32>} : memref<128x128xf32, #tpu.memory_space<vmem>>, vector<1x16xf32>,
          %get3A_1344 = vector.shape_cast %get3A_1343 : vector<1x16xf32> to vector<16xf32>
          %mul3A_1345 = arith.mulf %get3A_1344, %broadcast_in_dim3A_1330 : vector<16xf32>
          %swap3A_1346 = arith.index_cast %add3A_1327 : i32 to index
          %swap3A_1347 = arith.constant 16 : index
          %swap3A_1348 = tpu.vector_load %arg10[%swap3A_1346, %swap3A_1347] {strides = array<i32>} : memref<128x128xf32, #tpu.memory_space<vmem>>, vector<1x16xf32>,
          %swap3A_1349 = vector.shape_cast %swap3A_1348 : vector<1x16xf32> to vector<16xf32>
          %swap3A_1350 = vector.shape_cast %mul3A_1345 : vector<16xf32> to vector<1x16xf32>
          tpu.vector_store %arg10[%swap3A_1346, %swap3A_1347], %swap3A_1350 {strides = array<i32>} : memref<128x128xf32, #tpu.memory_space<vmem>>, vector<1x16xf32>,
          %get3A_1351 = arith.index_cast %add3A_1327 : i32 to index
          %get3A_1352 = arith.constant 32 : index
          %get3A_1353 = tpu.vector_load %arg10[%get3A_1351, %get3A_1352] {strides = array<i32>} : memref<128x128xf32, #tpu.memory_space<vmem>>, vector<1x16xf32>,
          %get3A_1354 = vector.shape_cast %get3A_1353 : vector<1x16xf32> to vector<16xf32>
          %mul3A_1355 = arith.mulf %get3A_1354, %broadcast_in_dim3A_1330 : vector<16xf32>
          %swap3A_1356 = arith.index_cast %add3A_1327 : i32 to index
          %swap3A_1357 = arith.constant 32 : index
          %swap3A_1358 = tpu.vector_load %arg10[%swap3A_1356, %swap3A_1357] {strides = array<i32>} : memref<128x128xf32, #tpu.memory_space<vmem>>, vector<1x16xf32>,
          %swap3A_1359 = vector.shape_cast %swap3A_1358 : vector<1x16xf32> to vector<16xf32>
          %swap3A_1360 = vector.shape_cast %mul3A_1355 : vector<16xf32> to vector<1x16xf32>
          tpu.vector_store %arg10[%swap3A_1356, %swap3A_1357], %swap3A_1360 {strides = array<i32>} : memref<128x128xf32, #tpu.memory_space<vmem>>, vector<1x16xf32>,
          %get3A_1361 = arith.index_cast %add3A_1327 : i32 to index
          %get3A_1362 = arith.constant 48 : index
          %get3A_1363 = tpu.vector_load %arg10[%get3A_1361, %get3A_1362] {strides = array<i32>} : memref<128x128xf32, #tpu.memory_space<vmem>>, vector<1x16xf32>,
          %get3A_1364 = vector.shape_cast %get3A_1363 : vector<1x16xf32> to vector<16xf32>
          %mul3A_1365 = arith.mulf %get3A_1364, %broadcast_in_dim3A_1330 : vector<16xf32>
          %swap3A_1366 = arith.index_cast %add3A_1327 : i32 to index
          %swap3A_1367 = arith.constant 48 : index
          %swap3A_1368 = tpu.vector_load %arg10[%swap3A_1366, %swap3A_1367] {strides = array<i32>} : memref<128x128xf32, #tpu.memory_space<vmem>>, vector<1x16xf32>,
          %swap3A_1369 = vector.shape_cast %swap3A_1368 : vector<1x16xf32> to vector<16xf32>
          %swap3A_1370 = vector.shape_cast %mul3A_1365 : vector<16xf32> to vector<1x16xf32>
          tpu.vector_store %arg10[%swap3A_1366, %swap3A_1367], %swap3A_1370 {strides = array<i32>} : memref<128x128xf32, #tpu.memory_space<vmem>>, vector<1x16xf32>,
          %get3A_1371 = arith.index_cast %add3A_1327 : i32 to index
          %get3A_1372 = arith.constant 64 : index
          %get3A_1373 = tpu.vector_load %arg10[%get3A_1371, %get3A_1372] {strides = array<i32>} : memref<128x128xf32, #tpu.memory_space<vmem>>, vector<1x16xf32>,
          %get3A_1374 = vector.shape_cast %get3A_1373 : vector<1x16xf32> to vector<16xf32>
          %mul3A_1375 = arith.mulf %get3A_1374, %broadcast_in_dim3A_1330 : vector<16xf32>
          %swap3A_1376 = arith.index_cast %add3A_1327 : i32 to index
          %swap3A_1377 = arith.constant 64 : index
          %swap3A_1378 = tpu.vector_load %arg10[%swap3A_1376, %swap3A_1377] {strides = array<i32>} : memref<128x128xf32, #tpu.memory_space<vmem>>, vector<1x16xf32>,
          %swap3A_1379 = vector.shape_cast %swap3A_1378 : vector<1x16xf32> to vector<16xf32>
          %swap3A_1380 = vector.shape_cast %mul3A_1375 : vector<16xf32> to vector<1x16xf32>
          tpu.vector_store %arg10[%swap3A_1376, %swap3A_1377], %swap3A_1380 {strides = array<i32>} : memref<128x128xf32, #tpu.memory_space<vmem>>, vector<1x16xf32>,
          %get3A_1381 = arith.index_cast %add3A_1327 : i32 to index
          %get3A_1382 = arith.constant 80 : index
          %get3A_1383 = tpu.vector_load %arg10[%get3A_1381, %get3A_1382] {strides = array<i32>} : memref<128x128xf32, #tpu.memory_space<vmem>>, vector<1x16xf32>,
          %get3A_1384 = vector.shape_cast %get3A_1383 : vector<1x16xf32> to vector<16xf32>
          %mul3A_1385 = arith.mulf %get3A_1384, %broadcast_in_dim3A_1330 : vector<16xf32>
          %swap3A_1386 = arith.index_cast %add3A_1327 : i32 to index
          %swap3A_1387 = arith.constant 80 : index
          %swap3A_1388 = tpu.vector_load %arg10[%swap3A_1386, %swap3A_1387] {strides = array<i32>} : memref<128x128xf32, #tpu.memory_space<vmem>>, vector<1x16xf32>,
          %swap3A_1389 = vector.shape_cast %swap3A_1388 : vector<1x16xf32> to vector<16xf32>
          %swap3A_1390 = vector.shape_cast %mul3A_1385 : vector<16xf32> to vector<1x16xf32>
          tpu.vector_store %arg10[%swap3A_1386, %swap3A_1387], %swap3A_1390 {strides = array<i32>} : memref<128x128xf32, #tpu.memory_space<vmem>>, vector<1x16xf32>,
          %get3A_1391 = arith.index_cast %add3A_1327 : i32 to index
          %get3A_1392 = arith.constant 96 : index
          %get3A_1393 = tpu.vector_load %arg10[%get3A_1391, %get3A_1392] {strides = array<i32>} : memref<128x128xf32, #tpu.memory_space<vmem>>, vector<1x16xf32>,
          %get3A_1394 = vector.shape_cast %get3A_1393 : vector<1x16xf32> to vector<16xf32>
          %mul3A_1395 = arith.mulf %get3A_1394, %broadcast_in_dim3A_1330 : vector<16xf32>
          %swap3A_1396 = arith.index_cast %add3A_1327 : i32 to index
          %swap3A_1397 = arith.constant 96 : index
          %swap3A_1398 = tpu.vector_load %arg10[%swap3A_1396, %swap3A_1397] {strides = array<i32>} : memref<128x128xf32, #tpu.memory_space<vmem>>, vector<1x16xf32>,
          %swap3A_1399 = vector.shape_cast %swap3A_1398 : vector<1x16xf32> to vector<16xf32>
          %swap3A_1400 = vector.shape_cast %mul3A_1395 : vector<16xf32> to vector<1x16xf32>
          tpu.vector_store %arg10[%swap3A_1396, %swap3A_1397], %swap3A_1400 {strides = array<i32>} : memref<128x128xf32, #tpu.memory_space<vmem>>, vector<1x16xf32>,
          %get3A_1401 = arith.index_cast %add3A_1327 : i32 to index
          %get3A_1402 = arith.constant 112 : index
          %get3A_1403 = tpu.vector_load %arg10[%get3A_1401, %get3A_1402] {strides = array<i32>} : memref<128x128xf32, #tpu.memory_space<vmem>>, vector<1x16xf32>,
          %get3A_1404 = vector.shape_cast %get3A_1403 : vector<1x16xf32> to vector<16xf32>
          %mul3A_1405 = arith.mulf %get3A_1404, %broadcast_in_dim3A_1330 : vector<16xf32>
          %swap3A_1406 = arith.index_cast %add3A_1327 : i32 to index
          %swap3A_1407 = arith.constant 112 : index
          %swap3A_1408 = tpu.vector_load %arg10[%swap3A_1406, %swap3A_1407] {strides = array<i32>} : memref<128x128xf32, #tpu.memory_space<vmem>>, vector<1x16xf32>,
          %swap3A_1409 = vector.shape_cast %swap3A_1408 : vector<1x16xf32> to vector<16xf32>
          %swap3A_1410 = vector.shape_cast %mul3A_1405 : vector<16xf32> to vector<1x16xf32>
          tpu.vector_store %arg10[%swap3A_1406, %swap3A_1407], %swap3A_1410 {strides = array<i32>} : memref<128x128xf32, #tpu.memory_space<vmem>>, vector<1x16xf32>,
          %mul3A_1411 = arith.constant 16 : i32
          %mul3A_1412 = arith.muli %scan3A_153, %mul3A_1411 : i32
          %add3A_1413 = arith.constant 14 : i32
          %add3A_1414 = arith.addi %mul3A_1412, %add3A_1413 : i32
          %slice3A_1415 = vector.extract_strided_slice %div3A_193 {offsets = [14], sizes = [1], strides = [1]} : vector<16xf32> to vector<1xf32>
          %squeeze3A_1416 = vector.extract %slice3A_1415[0] : f32 from vector<1xf32>
          %broadcast_in_dim3A_1417 = vector.broadcast %squeeze3A_1416 : f32 to vector<16xf32>
          %get3A_1418 = arith.index_cast %add3A_1414 : i32 to index
          %get3A_1419 = arith.constant 0 : index
          %get3A_1420 = tpu.vector_load %arg10[%get3A_1418, %get3A_1419] {strides = array<i32>} : memref<128x128xf32, #tpu.memory_space<vmem>>, vector<1x16xf32>,
          %get3A_1421 = vector.shape_cast %get3A_1420 : vector<1x16xf32> to vector<16xf32>
          %mul3A_1422 = arith.mulf %get3A_1421, %broadcast_in_dim3A_1417 : vector<16xf32>
          %swap3A_1423 = arith.index_cast %add3A_1414 : i32 to index
          %swap3A_1424 = arith.constant 0 : index
          %swap3A_1425 = tpu.vector_load %arg10[%swap3A_1423, %swap3A_1424] {strides = array<i32>} : memref<128x128xf32, #tpu.memory_space<vmem>>, vector<1x16xf32>,
          %swap3A_1426 = vector.shape_cast %swap3A_1425 : vector<1x16xf32> to vector<16xf32>
          %swap3A_1427 = vector.shape_cast %mul3A_1422 : vector<16xf32> to vector<1x16xf32>
          tpu.vector_store %arg10[%swap3A_1423, %swap3A_1424], %swap3A_1427 {strides = array<i32>} : memref<128x128xf32, #tpu.memory_space<vmem>>, vector<1x16xf32>,
          %get3A_1428 = arith.index_cast %add3A_1414 : i32 to index
          %get3A_1429 = arith.constant 16 : index
          %get3A_1430 = tpu.vector_load %arg10[%get3A_1428, %get3A_1429] {strides = array<i32>} : memref<128x128xf32, #tpu.memory_space<vmem>>, vector<1x16xf32>,
          %get3A_1431 = vector.shape_cast %get3A_1430 : vector<1x16xf32> to vector<16xf32>
          %mul3A_1432 = arith.mulf %get3A_1431, %broadcast_in_dim3A_1417 : vector<16xf32>
          %swap3A_1433 = arith.index_cast %add3A_1414 : i32 to index
          %swap3A_1434 = arith.constant 16 : index
          %swap3A_1435 = tpu.vector_load %arg10[%swap3A_1433, %swap3A_1434] {strides = array<i32>} : memref<128x128xf32, #tpu.memory_space<vmem>>, vector<1x16xf32>,
          %swap3A_1436 = vector.shape_cast %swap3A_1435 : vector<1x16xf32> to vector<16xf32>
          %swap3A_1437 = vector.shape_cast %mul3A_1432 : vector<16xf32> to vector<1x16xf32>
          tpu.vector_store %arg10[%swap3A_1433, %swap3A_1434], %swap3A_1437 {strides = array<i32>} : memref<128x128xf32, #tpu.memory_space<vmem>>, vector<1x16xf32>,
          %get3A_1438 = arith.index_cast %add3A_1414 : i32 to index
          %get3A_1439 = arith.constant 32 : index
          %get3A_1440 = tpu.vector_load %arg10[%get3A_1438, %get3A_1439] {strides = array<i32>} : memref<128x128xf32, #tpu.memory_space<vmem>>, vector<1x16xf32>,
          %get3A_1441 = vector.shape_cast %get3A_1440 : vector<1x16xf32> to vector<16xf32>
          %mul3A_1442 = arith.mulf %get3A_1441, %broadcast_in_dim3A_1417 : vector<16xf32>
          %swap3A_1443 = arith.index_cast %add3A_1414 : i32 to index
          %swap3A_1444 = arith.constant 32 : index
          %swap3A_1445 = tpu.vector_load %arg10[%swap3A_1443, %swap3A_1444] {strides = array<i32>} : memref<128x128xf32, #tpu.memory_space<vmem>>, vector<1x16xf32>,
          %swap3A_1446 = vector.shape_cast %swap3A_1445 : vector<1x16xf32> to vector<16xf32>
          %swap3A_1447 = vector.shape_cast %mul3A_1442 : vector<16xf32> to vector<1x16xf32>
          tpu.vector_store %arg10[%swap3A_1443, %swap3A_1444], %swap3A_1447 {strides = array<i32>} : memref<128x128xf32, #tpu.memory_space<vmem>>, vector<1x16xf32>,
          %get3A_1448 = arith.index_cast %add3A_1414 : i32 to index
          %get3A_1449 = arith.constant 48 : index
          %get3A_1450 = tpu.vector_load %arg10[%get3A_1448, %get3A_1449] {strides = array<i32>} : memref<128x128xf32, #tpu.memory_space<vmem>>, vector<1x16xf32>,
          %get3A_1451 = vector.shape_cast %get3A_1450 : vector<1x16xf32> to vector<16xf32>
          %mul3A_1452 = arith.mulf %get3A_1451, %broadcast_in_dim3A_1417 : vector<16xf32>
          %swap3A_1453 = arith.index_cast %add3A_1414 : i32 to index
          %swap3A_1454 = arith.constant 48 : index
          %swap3A_1455 = tpu.vector_load %arg10[%swap3A_1453, %swap3A_1454] {strides = array<i32>} : memref<128x128xf32, #tpu.memory_space<vmem>>, vector<1x16xf32>,
          %swap3A_1456 = vector.shape_cast %swap3A_1455 : vector<1x16xf32> to vector<16xf32>
          %swap3A_1457 = vector.shape_cast %mul3A_1452 : vector<16xf32> to vector<1x16xf32>
          tpu.vector_store %arg10[%swap3A_1453, %swap3A_1454], %swap3A_1457 {strides = array<i32>} : memref<128x128xf32, #tpu.memory_space<vmem>>, vector<1x16xf32>,
          %get3A_1458 = arith.index_cast %add3A_1414 : i32 to index
          %get3A_1459 = arith.constant 64 : index
          %get3A_1460 = tpu.vector_load %arg10[%get3A_1458, %get3A_1459] {strides = array<i32>} : memref<128x128xf32, #tpu.memory_space<vmem>>, vector<1x16xf32>,
          %get3A_1461 = vector.shape_cast %get3A_1460 : vector<1x16xf32> to vector<16xf32>
          %mul3A_1462 = arith.mulf %get3A_1461, %broadcast_in_dim3A_1417 : vector<16xf32>
          %swap3A_1463 = arith.index_cast %add3A_1414 : i32 to index
          %swap3A_1464 = arith.constant 64 : index
          %swap3A_1465 = tpu.vector_load %arg10[%swap3A_1463, %swap3A_1464] {strides = array<i32>} : memref<128x128xf32, #tpu.memory_space<vmem>>, vector<1x16xf32>,
          %swap3A_1466 = vector.shape_cast %swap3A_1465 : vector<1x16xf32> to vector<16xf32>
          %swap3A_1467 = vector.shape_cast %mul3A_1462 : vector<16xf32> to vector<1x16xf32>
          tpu.vector_store %arg10[%swap3A_1463, %swap3A_1464], %swap3A_1467 {strides = array<i32>} : memref<128x128xf32, #tpu.memory_space<vmem>>, vector<1x16xf32>,
          %get3A_1468 = arith.index_cast %add3A_1414 : i32 to index
          %get3A_1469 = arith.constant 80 : index
          %get3A_1470 = tpu.vector_load %arg10[%get3A_1468, %get3A_1469] {strides = array<i32>} : memref<128x128xf32, #tpu.memory_space<vmem>>, vector<1x16xf32>,
          %get3A_1471 = vector.shape_cast %get3A_1470 : vector<1x16xf32> to vector<16xf32>
          %mul3A_1472 = arith.mulf %get3A_1471, %broadcast_in_dim3A_1417 : vector<16xf32>
          %swap3A_1473 = arith.index_cast %add3A_1414 : i32 to index
          %swap3A_1474 = arith.constant 80 : index
          %swap3A_1475 = tpu.vector_load %arg10[%swap3A_1473, %swap3A_1474] {strides = array<i32>} : memref<128x128xf32, #tpu.memory_space<vmem>>, vector<1x16xf32>,
          %swap3A_1476 = vector.shape_cast %swap3A_1475 : vector<1x16xf32> to vector<16xf32>
          %swap3A_1477 = vector.shape_cast %mul3A_1472 : vector<16xf32> to vector<1x16xf32>
          tpu.vector_store %arg10[%swap3A_1473, %swap3A_1474], %swap3A_1477 {strides = array<i32>} : memref<128x128xf32, #tpu.memory_space<vmem>>, vector<1x16xf32>,
          %get3A_1478 = arith.index_cast %add3A_1414 : i32 to index
          %get3A_1479 = arith.constant 96 : index
          %get3A_1480 = tpu.vector_load %arg10[%get3A_1478, %get3A_1479] {strides = array<i32>} : memref<128x128xf32, #tpu.memory_space<vmem>>, vector<1x16xf32>,
          %get3A_1481 = vector.shape_cast %get3A_1480 : vector<1x16xf32> to vector<16xf32>
          %mul3A_1482 = arith.mulf %get3A_1481, %broadcast_in_dim3A_1417 : vector<16xf32>
          %swap3A_1483 = arith.index_cast %add3A_1414 : i32 to index
          %swap3A_1484 = arith.constant 96 : index
          %swap3A_1485 = tpu.vector_load %arg10[%swap3A_1483, %swap3A_1484] {strides = array<i32>} : memref<128x128xf32, #tpu.memory_space<vmem>>, vector<1x16xf32>,
          %swap3A_1486 = vector.shape_cast %swap3A_1485 : vector<1x16xf32> to vector<16xf32>
          %swap3A_1487 = vector.shape_cast %mul3A_1482 : vector<16xf32> to vector<1x16xf32>
          tpu.vector_store %arg10[%swap3A_1483, %swap3A_1484], %swap3A_1487 {strides = array<i32>} : memref<128x128xf32, #tpu.memory_space<vmem>>, vector<1x16xf32>,
          %get3A_1488 = arith.index_cast %add3A_1414 : i32 to index
          %get3A_1489 = arith.constant 112 : index
          %get3A_1490 = tpu.vector_load %arg10[%get3A_1488, %get3A_1489] {strides = array<i32>} : memref<128x128xf32, #tpu.memory_space<vmem>>, vector<1x16xf32>,
          %get3A_1491 = vector.shape_cast %get3A_1490 : vector<1x16xf32> to vector<16xf32>
          %mul3A_1492 = arith.mulf %get3A_1491, %broadcast_in_dim3A_1417 : vector<16xf32>
          %swap3A_1493 = arith.index_cast %add3A_1414 : i32 to index
          %swap3A_1494 = arith.constant 112 : index
          %swap3A_1495 = tpu.vector_load %arg10[%swap3A_1493, %swap3A_1494] {strides = array<i32>} : memref<128x128xf32, #tpu.memory_space<vmem>>, vector<1x16xf32>,
          %swap3A_1496 = vector.shape_cast %swap3A_1495 : vector<1x16xf32> to vector<16xf32>
          %swap3A_1497 = vector.shape_cast %mul3A_1492 : vector<16xf32> to vector<1x16xf32>
          tpu.vector_store %arg10[%swap3A_1493, %swap3A_1494], %swap3A_1497 {strides = array<i32>} : memref<128x128xf32, #tpu.memory_space<vmem>>, vector<1x16xf32>,
          %mul3A_1498 = arith.constant 16 : i32
          %mul3A_1499 = arith.muli %scan3A_153, %mul3A_1498 : i32
          %add3A_1500 = arith.constant 15 : i32
          %add3A_1501 = arith.addi %mul3A_1499, %add3A_1500 : i32
          %slice3A_1502 = vector.extract_strided_slice %div3A_193 {offsets = [15], sizes = [1], strides = [1]} : vector<16xf32> to vector<1xf32>
          %squeeze3A_1503 = vector.extract %slice3A_1502[0] : f32 from vector<1xf32>
          %broadcast_in_dim3A_1504 = vector.broadcast %squeeze3A_1503 : f32 to vector<16xf32>
          %get3A_1505 = arith.index_cast %add3A_1501 : i32 to index
          %get3A_1506 = arith.constant 0 : index
          %get3A_1507 = tpu.vector_load %arg10[%get3A_1505, %get3A_1506] {strides = array<i32>} : memref<128x128xf32, #tpu.memory_space<vmem>>, vector<1x16xf32>,
          %get3A_1508 = vector.shape_cast %get3A_1507 : vector<1x16xf32> to vector<16xf32>
          %mul3A_1509 = arith.mulf %get3A_1508, %broadcast_in_dim3A_1504 : vector<16xf32>
          %swap3A_1510 = arith.index_cast %add3A_1501 : i32 to index
          %swap3A_1511 = arith.constant 0 : index
          %swap3A_1512 = tpu.vector_load %arg10[%swap3A_1510, %swap3A_1511] {strides = array<i32>} : memref<128x128xf32, #tpu.memory_space<vmem>>, vector<1x16xf32>,
          %swap3A_1513 = vector.shape_cast %swap3A_1512 : vector<1x16xf32> to vector<16xf32>
          %swap3A_1514 = vector.shape_cast %mul3A_1509 : vector<16xf32> to vector<1x16xf32>
          tpu.vector_store %arg10[%swap3A_1510, %swap3A_1511], %swap3A_1514 {strides = array<i32>} : memref<128x128xf32, #tpu.memory_space<vmem>>, vector<1x16xf32>,
          %get3A_1515 = arith.index_cast %add3A_1501 : i32 to index
          %get3A_1516 = arith.constant 16 : index
          %get3A_1517 = tpu.vector_load %arg10[%get3A_1515, %get3A_1516] {strides = array<i32>} : memref<128x128xf32, #tpu.memory_space<vmem>>, vector<1x16xf32>,
          %get3A_1518 = vector.shape_cast %get3A_1517 : vector<1x16xf32> to vector<16xf32>
          %mul3A_1519 = arith.mulf %get3A_1518, %broadcast_in_dim3A_1504 : vector<16xf32>
          %swap3A_1520 = arith.index_cast %add3A_1501 : i32 to index
          %swap3A_1521 = arith.constant 16 : index
          %swap3A_1522 = tpu.vector_load %arg10[%swap3A_1520, %swap3A_1521] {strides = array<i32>} : memref<128x128xf32, #tpu.memory_space<vmem>>, vector<1x16xf32>,
          %swap3A_1523 = vector.shape_cast %swap3A_1522 : vector<1x16xf32> to vector<16xf32>
          %swap3A_1524 = vector.shape_cast %mul3A_1519 : vector<16xf32> to vector<1x16xf32>
          tpu.vector_store %arg10[%swap3A_1520, %swap3A_1521], %swap3A_1524 {strides = array<i32>} : memref<128x128xf32, #tpu.memory_space<vmem>>, vector<1x16xf32>,
          %get3A_1525 = arith.index_cast %add3A_1501 : i32 to index
          %get3A_1526 = arith.constant 32 : index
          %get3A_1527 = tpu.vector_load %arg10[%get3A_1525, %get3A_1526] {strides = array<i32>} : memref<128x128xf32, #tpu.memory_space<vmem>>, vector<1x16xf32>,
          %get3A_1528 = vector.shape_cast %get3A_1527 : vector<1x16xf32> to vector<16xf32>
          %mul3A_1529 = arith.mulf %get3A_1528, %broadcast_in_dim3A_1504 : vector<16xf32>
          %swap3A_1530 = arith.index_cast %add3A_1501 : i32 to index
          %swap3A_1531 = arith.constant 32 : index
          %swap3A_1532 = tpu.vector_load %arg10[%swap3A_1530, %swap3A_1531] {strides = array<i32>} : memref<128x128xf32, #tpu.memory_space<vmem>>, vector<1x16xf32>,
          %swap3A_1533 = vector.shape_cast %swap3A_1532 : vector<1x16xf32> to vector<16xf32>
          %swap3A_1534 = vector.shape_cast %mul3A_1529 : vector<16xf32> to vector<1x16xf32>
          tpu.vector_store %arg10[%swap3A_1530, %swap3A_1531], %swap3A_1534 {strides = array<i32>} : memref<128x128xf32, #tpu.memory_space<vmem>>, vector<1x16xf32>,
          %get3A_1535 = arith.index_cast %add3A_1501 : i32 to index
          %get3A_1536 = arith.constant 48 : index
          %get3A_1537 = tpu.vector_load %arg10[%get3A_1535, %get3A_1536] {strides = array<i32>} : memref<128x128xf32, #tpu.memory_space<vmem>>, vector<1x16xf32>,
          %get3A_1538 = vector.shape_cast %get3A_1537 : vector<1x16xf32> to vector<16xf32>
          %mul3A_1539 = arith.mulf %get3A_1538, %broadcast_in_dim3A_1504 : vector<16xf32>
          %swap3A_1540 = arith.index_cast %add3A_1501 : i32 to index
          %swap3A_1541 = arith.constant 48 : index
          %swap3A_1542 = tpu.vector_load %arg10[%swap3A_1540, %swap3A_1541] {strides = array<i32>} : memref<128x128xf32, #tpu.memory_space<vmem>>, vector<1x16xf32>,
          %swap3A_1543 = vector.shape_cast %swap3A_1542 : vector<1x16xf32> to vector<16xf32>
          %swap3A_1544 = vector.shape_cast %mul3A_1539 : vector<16xf32> to vector<1x16xf32>
          tpu.vector_store %arg10[%swap3A_1540, %swap3A_1541], %swap3A_1544 {strides = array<i32>} : memref<128x128xf32, #tpu.memory_space<vmem>>, vector<1x16xf32>,
          %get3A_1545 = arith.index_cast %add3A_1501 : i32 to index
          %get3A_1546 = arith.constant 64 : index
          %get3A_1547 = tpu.vector_load %arg10[%get3A_1545, %get3A_1546] {strides = array<i32>} : memref<128x128xf32, #tpu.memory_space<vmem>>, vector<1x16xf32>,
          %get3A_1548 = vector.shape_cast %get3A_1547 : vector<1x16xf32> to vector<16xf32>
          %mul3A_1549 = arith.mulf %get3A_1548, %broadcast_in_dim3A_1504 : vector<16xf32>
          %swap3A_1550 = arith.index_cast %add3A_1501 : i32 to index
          %swap3A_1551 = arith.constant 64 : index
          %swap3A_1552 = tpu.vector_load %arg10[%swap3A_1550, %swap3A_1551] {strides = array<i32>} : memref<128x128xf32, #tpu.memory_space<vmem>>, vector<1x16xf32>,
          %swap3A_1553 = vector.shape_cast %swap3A_1552 : vector<1x16xf32> to vector<16xf32>
          %swap3A_1554 = vector.shape_cast %mul3A_1549 : vector<16xf32> to vector<1x16xf32>
          tpu.vector_store %arg10[%swap3A_1550, %swap3A_1551], %swap3A_1554 {strides = array<i32>} : memref<128x128xf32, #tpu.memory_space<vmem>>, vector<1x16xf32>,
          %get3A_1555 = arith.index_cast %add3A_1501 : i32 to index
          %get3A_1556 = arith.constant 80 : index
          %get3A_1557 = tpu.vector_load %arg10[%get3A_1555, %get3A_1556] {strides = array<i32>} : memref<128x128xf32, #tpu.memory_space<vmem>>, vector<1x16xf32>,
          %get3A_1558 = vector.shape_cast %get3A_1557 : vector<1x16xf32> to vector<16xf32>
          %mul3A_1559 = arith.mulf %get3A_1558, %broadcast_in_dim3A_1504 : vector<16xf32>
          %swap3A_1560 = arith.index_cast %add3A_1501 : i32 to index
          %swap3A_1561 = arith.constant 80 : index
          %swap3A_1562 = tpu.vector_load %arg10[%swap3A_1560, %swap3A_1561] {strides = array<i32>} : memref<128x128xf32, #tpu.memory_space<vmem>>, vector<1x16xf32>,
          %swap3A_1563 = vector.shape_cast %swap3A_1562 : vector<1x16xf32> to vector<16xf32>
          %swap3A_1564 = vector.shape_cast %mul3A_1559 : vector<16xf32> to vector<1x16xf32>
          tpu.vector_store %arg10[%swap3A_1560, %swap3A_1561], %swap3A_1564 {strides = array<i32>} : memref<128x128xf32, #tpu.memory_space<vmem>>, vector<1x16xf32>,
          %get3A_1565 = arith.index_cast %add3A_1501 : i32 to index
          %get3A_1566 = arith.constant 96 : index
          %get3A_1567 = tpu.vector_load %arg10[%get3A_1565, %get3A_1566] {strides = array<i32>} : memref<128x128xf32, #tpu.memory_space<vmem>>, vector<1x16xf32>,
          %get3A_1568 = vector.shape_cast %get3A_1567 : vector<1x16xf32> to vector<16xf32>
          %mul3A_1569 = arith.mulf %get3A_1568, %broadcast_in_dim3A_1504 : vector<16xf32>
          %swap3A_1570 = arith.index_cast %add3A_1501 : i32 to index
          %swap3A_1571 = arith.constant 96 : index
          %swap3A_1572 = tpu.vector_load %arg10[%swap3A_1570, %swap3A_1571] {strides = array<i32>} : memref<128x128xf32, #tpu.memory_space<vmem>>, vector<1x16xf32>,
          %swap3A_1573 = vector.shape_cast %swap3A_1572 : vector<1x16xf32> to vector<16xf32>
          %swap3A_1574 = vector.shape_cast %mul3A_1569 : vector<16xf32> to vector<1x16xf32>
          tpu.vector_store %arg10[%swap3A_1570, %swap3A_1571], %swap3A_1574 {strides = array<i32>} : memref<128x128xf32, #tpu.memory_space<vmem>>, vector<1x16xf32>,
          %get3A_1575 = arith.index_cast %add3A_1501 : i32 to index
          %get3A_1576 = arith.constant 112 : index
          %get3A_1577 = tpu.vector_load %arg10[%get3A_1575, %get3A_1576] {strides = array<i32>} : memref<128x128xf32, #tpu.memory_space<vmem>>, vector<1x16xf32>,
          %get3A_1578 = vector.shape_cast %get3A_1577 : vector<1x16xf32> to vector<16xf32>
          %mul3A_1579 = arith.mulf %get3A_1578, %broadcast_in_dim3A_1504 : vector<16xf32>
          %swap3A_1580 = arith.index_cast %add3A_1501 : i32 to index
          %swap3A_1581 = arith.constant 112 : index
          %swap3A_1582 = tpu.vector_load %arg10[%swap3A_1580, %swap3A_1581] {strides = array<i32>} : memref<128x128xf32, #tpu.memory_space<vmem>>, vector<1x16xf32>,
          %swap3A_1583 = vector.shape_cast %swap3A_1582 : vector<1x16xf32> to vector<16xf32>
          %swap3A_1584 = vector.shape_cast %mul3A_1579 : vector<16xf32> to vector<1x16xf32>
          tpu.vector_store %arg10[%swap3A_1580, %swap3A_1581], %swap3A_1584 {strides = array<i32>} : memref<128x128xf32, #tpu.memory_space<vmem>>, vector<1x16xf32>,
        }
        %scan3A_138 = arith.constant 8 : i32
        %rem3A_139 = arith.constant 4 : i32
        %rem3A_140 = arith.remsi %mul3A_110, %rem3A_139 : i32
        %dma_start3A_141 = arith.constant 0 : i32
        %dma_start3A_142 = tpu.memref_slice %arg14[%rem3A_140, %dma_start3A_141] : memref<4x128xi32, #tpu.memory_space<vmem>> -> memref<1x128xi32, #tpu.memory_space<vmem>>
        %dma_start3A_143 = tpu.memref_squeeze %dma_start3A_142 : memref<1x128xi32, #tpu.memory_space<vmem>> -> memref<128xi32, #tpu.memory_space<vmem>>
        %dma_start3A_144 = arith.constant 0 : i32
        %dma_start3A_145 = arith.constant 0 : i32
        %dma_start3A_146 = tpu.memref_slice %arg16[%dma_start3A_144, %dma_start3A_145] : memref<10240x128xf32, #tpu.memory_space<vmem_shared>> -> memref<10240x128xf32, #tpu.memory_space<vmem_shared>>
        tpu.enqueue_indirect_dma source(%arg10 : memref<128x128xf32, #tpu.memory_space<vmem>>) target(%dma_start3A_146 : memref<10240x128xf32, #tpu.memory_space<vmem_shared>>) offsets(%dma_start3A_143 : memref<128xi32, #tpu.memory_space<vmem>>) semaphore(%arg21 : memref<!tpu.dma_semaphore, #tpu.memory_space<semaphore_mem>>) {add = true}
        %add3A_147 = arith.constant 2 : i32
        %add3A_148 = arith.addi %mul3A_110, %add3A_147 : i32
        %lt3A_149 = arith.cmpi slt, %add3A_148, %add3A_61 : i32
        %convert_element_type3A_150 = arith.extui %lt3A_149 : i1 to i32
        %cond3A_151 = arith.constant 0 : i32
        %cond3A_152 = arith.cmpi ne, %convert_element_type3A_150, %cond3A_151 : i32
        scf.if %cond3A_152 {
          %add3A_153 = arith.constant 2 : i32
          %add3A_154 = arith.addi %mul3A_110, %add3A_153 : i32
          %mul3A_155 = arith.constant 32 : i32
          %mul3A_156 = arith.muli %add3A_154, %mul3A_155 : i32
          %add3A_157 = arith.addi %add3A, %mul3A_156 : i32
          %mul3A_158 = arith.constant 128 : i32
          %mul3A_159 = arith.muli %add3A_157, %mul3A_158 : i32
          %dma_start3A_160 = arith.constant 0 : i32
          %dma_start3A_161 = arith.constant 0 : i32
          %dma_start3A_162 = tpu.memref_slice %arg8[%dma_start3A_160, %dma_start3A_161] : memref<1x128xi32, #tpu.memory_space<vmem>> -> memref<1x128xi32, #tpu.memory_space<vmem>>
          %dma_start3A_163 = tpu.memref_squeeze %dma_start3A_162 : memref<1x128xi32, #tpu.memory_space<vmem>> -> memref<128xi32, #tpu.memory_space<vmem>>
          %dma_start3A_164 = tpu.memref_slice %arg3[%mul3A_159] : memref<640000xi32, #tpu.memory_space<hbm>> -> memref<128xi32, #tpu.memory_space<hbm>>
          %dma_start3A_165 = arith.constant 0 : i32
          %dma_start3A_166 = tpu.memref_slice %arg8[%dma_start3A_160, %dma_start3A_165] : memref<1x128xi32, #tpu.memory_space<vmem>> -> memref<1x128xi32, #tpu.memory_space<vmem>>
          %dma_start3A_167 = tpu.memref_squeeze %dma_start3A_166 : memref<1x128xi32, #tpu.memory_space<vmem>> -> memref<128xi32, #tpu.memory_space<vmem>>
          %dma_start3A_168 = tpu.memref_slice %arg3[%mul3A_159] : memref<640000xi32, #tpu.memory_space<hbm>> -> memref<128xi32, #tpu.memory_space<hbm>>
          tpu.enqueue_dma source(%dma_start3A_168 : memref<128xi32, #tpu.memory_space<hbm>>) target(%dma_start3A_167 : memref<128xi32, #tpu.memory_space<vmem>>) target_semaphore(%arg17 : memref<!tpu.dma_semaphore, #tpu.memory_space<semaphore_mem>>)
          %add3A_169 = arith.constant 320000 : i32
          %add3A_170 = arith.addi %add3A_169, %mul3A_159 : i32
          %rem3A_171 = arith.constant 4 : i32
          %rem3A_172 = arith.remsi %add3A_154, %rem3A_171 : i32
          %dma_start3A_173 = arith.constant 0 : i32
          %dma_start3A_174 = tpu.memref_slice %arg14[%rem3A_172, %dma_start3A_173] : memref<4x128xi32, #tpu.memory_space<vmem>> -> memref<1x128xi32, #tpu.memory_space<vmem>>
          %dma_start3A_175 = tpu.memref_squeeze %dma_start3A_174 : memref<1x128xi32, #tpu.memory_space<vmem>> -> memref<128xi32, #tpu.memory_space<vmem>>
          %dma_start3A_176 = tpu.memref_slice %arg3[%add3A_170] : memref<640000xi32, #tpu.memory_space<hbm>> -> memref<128xi32, #tpu.memory_space<hbm>>
          %dma_start3A_177 = arith.constant 0 : i32
          %dma_start3A_178 = tpu.memref_slice %arg14[%rem3A_172, %dma_start3A_177] : memref<4x128xi32, #tpu.memory_space<vmem>> -> memref<1x128xi32, #tpu.memory_space<vmem>>
          %dma_start3A_179 = tpu.memref_squeeze %dma_start3A_178 : memref<1x128xi32, #tpu.memory_space<vmem>> -> memref<128xi32, #tpu.memory_space<vmem>>
          %dma_start3A_180 = tpu.memref_slice %arg3[%add3A_170] : memref<640000xi32, #tpu.memory_space<hbm>> -> memref<128xi32, #tpu.memory_space<hbm>>
          tpu.enqueue_dma source(%dma_start3A_180 : memref<128xi32, #tpu.memory_space<hbm>>) target(%dma_start3A_179 : memref<128xi32, #tpu.memory_space<vmem>>) target_semaphore(%arg17 : memref<!tpu.dma_semaphore, #tpu.memory_space<semaphore_mem>>)
          %dma_start3A_181 = arith.constant 0 : i32
          %dma_start3A_182 = tpu.memref_slice %arg4[%dma_start3A_181, %mul3A_159] : memref<4x320000xf32, #tpu.memory_space<hbm>> -> memref<4x128xf32, #tpu.memory_space<hbm>>
          %dma_start3A_183 = arith.constant 0 : i32
          %dma_start3A_184 = tpu.memref_slice %arg4[%dma_start3A_183, %mul3A_159] : memref<4x320000xf32, #tpu.memory_space<hbm>> -> memref<4x128xf32, #tpu.memory_space<hbm>>
          tpu.enqueue_dma source(%dma_start3A_184 : memref<4x128xf32, #tpu.memory_space<hbm>>) target(%arg9 : memref<4x128xf32, #tpu.memory_space<vmem>>) target_semaphore(%arg17 : memref<!tpu.dma_semaphore, #tpu.memory_space<semaphore_mem>>)
        } else {
        }
      } else {
      }
      %add3A_114 = arith.constant 1 : i32
      %add3A_115 = arith.addi %mul3A_110, %add3A_114 : i32
      %lt3A_116 = arith.cmpi slt, %add3A_115, %add3A_61 : i32
      %convert_element_type3A_117 = arith.extui %lt3A_116 : i1 to i32
      %cond3A_118 = arith.constant 0 : i32
      %cond3A_119 = arith.cmpi ne, %convert_element_type3A_117, %cond3A_118 : i32
      scf.if %cond3A_119 {
        %add3A_120 = arith.constant 1 : i32
        %add3A_121 = arith.addi %mul3A_110, %add3A_120 : i32
        %add3A_122 = arith.constant 1 : i32
        %add3A_123 = arith.addi %add3A_121, %add3A_122 : i32
        %lt3A_124 = arith.cmpi slt, %add3A_123, %add3A_61 : i32
        %convert_element_type3A_125 = arith.extui %lt3A_124 : i1 to i32
        %cond3A_126 = arith.constant 0 : i32
        %cond3A_127 = arith.cmpi ne, %convert_element_type3A_125, %cond3A_126 : i32
        scf.if %cond3A_127 {
          %add3A_155 = arith.constant 1 : i32
          %add3A_156 = arith.addi %add3A_121, %add3A_155 : i32
          %mul3A_157 = arith.constant 32 : i32
          %mul3A_158 = arith.muli %add3A_156, %mul3A_157 : i32
          %add3A_159 = arith.addi %add3A, %mul3A_158 : i32
          %mul3A_160 = arith.constant 128 : i32
          %mul3A_161 = arith.muli %add3A_159, %mul3A_160 : i32
          %dma_wait3A_162 = arith.constant 0 : i32
          %dma_wait3A_163 = arith.constant 0 : i32
          %dma_wait3A_164 = tpu.memref_slice %arg8[%dma_wait3A_162, %dma_wait3A_163] : memref<1x128xi32, #tpu.memory_space<vmem>> -> memref<1x128xi32, #tpu.memory_space<vmem>>
          %dma_wait3A_165 = tpu.memref_squeeze %dma_wait3A_164 : memref<1x128xi32, #tpu.memory_space<vmem>> -> memref<128xi32, #tpu.memory_space<vmem>>
          %dma_wait3A_166 = tpu.memref_slice %arg3[%mul3A_161] : memref<640000xi32, #tpu.memory_space<hbm>> -> memref<128xi32, #tpu.memory_space<hbm>>
          %dma_wait3A_167 = arith.constant 0 : i32
          %dma_wait3A_168 = tpu.memref_slice %arg8[%dma_wait3A_162, %dma_wait3A_167] : memref<1x128xi32, #tpu.memory_space<vmem>> -> memref<1x128xi32, #tpu.memory_space<vmem>>
          %dma_wait3A_169 = tpu.memref_squeeze %dma_wait3A_168 : memref<1x128xi32, #tpu.memory_space<vmem>> -> memref<128xi32, #tpu.memory_space<vmem>>
          %dma_wait3A_170 = tpu.memref_slice %arg3[%mul3A_161] : memref<640000xi32, #tpu.memory_space<hbm>> -> memref<128xi32, #tpu.memory_space<hbm>>
          tpu.wait_dma2 semaphore(%arg17 : memref<!tpu.dma_semaphore, #tpu.memory_space<semaphore_mem>>) src(%dma_wait3A_170 : memref<128xi32, #tpu.memory_space<hbm>>) dst(%dma_wait3A_169 : memref<128xi32, #tpu.memory_space<vmem>>)
          %add3A_171 = arith.constant 320000 : i32
          %add3A_172 = arith.addi %add3A_171, %mul3A_161 : i32
          %rem3A_173 = arith.constant 4 : i32
          %rem3A_174 = arith.remsi %add3A_156, %rem3A_173 : i32
          %dma_wait3A_175 = arith.constant 0 : i32
          %dma_wait3A_176 = tpu.memref_slice %arg14[%rem3A_174, %dma_wait3A_175] : memref<4x128xi32, #tpu.memory_space<vmem>> -> memref<1x128xi32, #tpu.memory_space<vmem>>
          %dma_wait3A_177 = tpu.memref_squeeze %dma_wait3A_176 : memref<1x128xi32, #tpu.memory_space<vmem>> -> memref<128xi32, #tpu.memory_space<vmem>>
          %dma_wait3A_178 = tpu.memref_slice %arg3[%add3A_172] : memref<640000xi32, #tpu.memory_space<hbm>> -> memref<128xi32, #tpu.memory_space<hbm>>
          %dma_wait3A_179 = arith.constant 0 : i32
          %dma_wait3A_180 = tpu.memref_slice %arg14[%rem3A_174, %dma_wait3A_179] : memref<4x128xi32, #tpu.memory_space<vmem>> -> memref<1x128xi32, #tpu.memory_space<vmem>>
          %dma_wait3A_181 = tpu.memref_squeeze %dma_wait3A_180 : memref<1x128xi32, #tpu.memory_space<vmem>> -> memref<128xi32, #tpu.memory_space<vmem>>
          %dma_wait3A_182 = tpu.memref_slice %arg3[%add3A_172] : memref<640000xi32, #tpu.memory_space<hbm>> -> memref<128xi32, #tpu.memory_space<hbm>>
          tpu.wait_dma2 semaphore(%arg17 : memref<!tpu.dma_semaphore, #tpu.memory_space<semaphore_mem>>) src(%dma_wait3A_182 : memref<128xi32, #tpu.memory_space<hbm>>) dst(%dma_wait3A_181 : memref<128xi32, #tpu.memory_space<vmem>>)
          %dma_wait3A_183 = arith.constant 0 : i32
          %dma_wait3A_184 = tpu.memref_slice %arg4[%dma_wait3A_183, %mul3A_161] : memref<4x320000xf32, #tpu.memory_space<hbm>> -> memref<4x128xf32, #tpu.memory_space<hbm>>
          %dma_wait3A_185 = arith.constant 0 : i32
          %dma_wait3A_186 = tpu.memref_slice %arg4[%dma_wait3A_185, %mul3A_161] : memref<4x320000xf32, #tpu.memory_space<hbm>> -> memref<4x128xf32, #tpu.memory_space<hbm>>
          tpu.wait_dma2 semaphore(%arg17 : memref<!tpu.dma_semaphore, #tpu.memory_space<semaphore_mem>>) src(%dma_wait3A_186 : memref<4x128xf32, #tpu.memory_space<hbm>>) dst(%arg9 : memref<4x128xf32, #tpu.memory_space<vmem>>)
          %ge3A = arith.constant 1 : i32
          %ge3A_187 = arith.cmpi sge, %add3A_121, %ge3A : i32
          %convert_element_type3A_188 = arith.extui %ge3A_187 : i1 to i32
          %cond3A_189 = arith.constant 0 : i32
          %cond3A_190 = arith.cmpi ne, %convert_element_type3A_188, %cond3A_189 : i32
          scf.if %cond3A_190 {
            %dma_wait3A_198 = arith.constant 0 : i32
            %dma_wait3A_199 = arith.constant 0 : i32
            %dma_wait3A_200 = tpu.memref_slice %arg14[%dma_wait3A_198, %dma_wait3A_199] : memref<4x128xi32, #tpu.memory_space<vmem>> -> memref<1x128xi32, #tpu.memory_space<vmem>>
            %dma_wait3A_201 = tpu.memref_squeeze %dma_wait3A_200 : memref<1x128xi32, #tpu.memory_space<vmem>> -> memref<128xi32, #tpu.memory_space<vmem>>
            %dma_wait3A_202 = arith.constant 0 : i32
            %dma_wait3A_203 = arith.constant 0 : i32
            %dma_wait3A_204 = tpu.memref_slice %arg16[%dma_wait3A_202, %dma_wait3A_203] : memref<10240x128xf32, #tpu.memory_space<vmem_shared>> -> memref<10240x128xf32, #tpu.memory_space<vmem_shared>>
            tpu.wait_indirect_dma semaphore(%arg21 : memref<!tpu.dma_semaphore, #tpu.memory_space<semaphore_mem>>) src(%arg10 : memref<128x128xf32, #tpu.memory_space<vmem>>) dst(%dma_wait3A_204 : memref<10240x128xf32, #tpu.memory_space<vmem_shared>>)
          } else {
          }
          %dma_start3A_191 = arith.constant 0 : i32
          %dma_start3A_192 = arith.constant 0 : i32
          %dma_start3A_193 = tpu.memref_slice %arg8[%dma_start3A_191, %dma_start3A_192] : memref<1x128xi32, #tpu.memory_space<vmem>> -> memref<1x128xi32, #tpu.memory_space<vmem>>
          %dma_start3A_194 = tpu.memref_squeeze %dma_start3A_193 : memref<1x128xi32, #tpu.memory_space<vmem>> -> memref<128xi32, #tpu.memory_space<vmem>>
          %dma_start3A_195 = arith.constant 0 : i32
          %dma_start3A_196 = arith.constant 0 : i32
          %dma_start3A_197 = tpu.memref_slice %arg2[%dma_start3A_195, %dma_start3A_196] : memref<10000x128xf32, #tpu.memory_space<hbm>> -> memref<10000x128xf32, #tpu.memory_space<hbm>>
          tpu.enqueue_indirect_dma source(%dma_start3A_197 : memref<10000x128xf32, #tpu.memory_space<hbm>>) target(%arg10 : memref<128x128xf32, #tpu.memory_space<vmem>>) offsets(%dma_start3A_194 : memref<128xi32, #tpu.memory_space<vmem>>) semaphore(%arg19 : memref<!tpu.dma_semaphore, #tpu.memory_space<semaphore_mem>>)
        } else {
        }
        %dma_wait3A_128 = arith.constant 0 : i32
        %dma_wait3A_129 = arith.constant 0 : i32
        %dma_wait3A_130 = tpu.memref_slice %arg11[%dma_wait3A_128, %dma_wait3A_129] : memref<1x128xi32, #tpu.memory_space<vmem>> -> memref<1x128xi32, #tpu.memory_space<vmem>>
        %dma_wait3A_131 = tpu.memref_squeeze %dma_wait3A_130 : memref<1x128xi32, #tpu.memory_space<vmem>> -> memref<128xi32, #tpu.memory_space<vmem>>
        %dma_wait3A_132 = arith.constant 0 : i32
        %dma_wait3A_133 = arith.constant 0 : i32
        %dma_wait3A_134 = tpu.memref_slice %arg2[%dma_wait3A_132, %dma_wait3A_133] : memref<10000x128xf32, #tpu.memory_space<hbm>> -> memref<10000x128xf32, #tpu.memory_space<hbm>>
        tpu.wait_indirect_dma semaphore(%arg20 : memref<!tpu.dma_semaphore, #tpu.memory_space<semaphore_mem>>) src(%dma_wait3A_134 : memref<10000x128xf32, #tpu.memory_space<hbm>>) dst(%arg13 : memref<128x128xf32, #tpu.memory_space<vmem>>)
        %scan3A_135 = arith.constant 0 : i32
        %scan3A_136 = arith.constant 0 : i32
        %scan3A_137 = arith.constant 8 : i32
        %scan3A_138 = arith.addi %scan3A_136, %scan3A_137 : i32
        %scan3A_139 = arith.constant 1 : i32
        scf.for %scan3A_155 = %scan3A_136 to %scan3A_138 step %scan3A_139  : i32 {
          %mul3A_156 = arith.constant 16 : i32
          %mul3A_157 = arith.muli %scan3A_155, %mul3A_156 : i32
          %get3A_158 = arith.constant 0 : i32
          %get3A_159 = arith.index_cast %get3A_158 : i32 to index
          %get3A_160 = arith.index_cast %mul3A_157 : i32 to index
          %get3A_161 = tpu.vector_load %arg12[%get3A_159, %get3A_160] {strides = array<i32>} : memref<4x128xf32, #tpu.memory_space<vmem>>, vector<1x16xf32>,
          %get3A_162 = vector.shape_cast %get3A_161 : vector<1x16xf32> to vector<16xf32>
          %mul3A_163 = arith.mulf %broadcast_in_dim3A, %get3A_162 : vector<16xf32>
          %add3A_164 = arith.addf %broadcast_in_dim3A_14, %mul3A_163 : vector<16xf32>
          %mul3A_165 = arith.constant 16 : i32
          %mul3A_166 = arith.muli %scan3A_155, %mul3A_165 : i32
          %get3A_167 = arith.constant 1 : i32
          %get3A_168 = arith.index_cast %get3A_167 : i32 to index
          %get3A_169 = arith.index_cast %mul3A_166 : i32 to index
          %get3A_170 = tpu.vector_load %arg12[%get3A_168, %get3A_169] {strides = array<i32>} : memref<4x128xf32, #tpu.memory_space<vmem>>, vector<1x16xf32>,
          %get3A_171 = vector.shape_cast %get3A_170 : vector<1x16xf32> to vector<16xf32>
          %mul3A_172 = arith.mulf %broadcast_in_dim3A_5, %get3A_171 : vector<16xf32>
          %add3A_173 = arith.addf %add3A_164, %mul3A_172 : vector<16xf32>
          %mul3A_174 = arith.constant 16 : i32
          %mul3A_175 = arith.muli %scan3A_155, %mul3A_174 : i32
          %get3A_176 = arith.constant 2 : i32
          %get3A_177 = arith.index_cast %get3A_176 : i32 to index
          %get3A_178 = arith.index_cast %mul3A_175 : i32 to index
          %get3A_179 = tpu.vector_load %arg12[%get3A_177, %get3A_178] {strides = array<i32>} : memref<4x128xf32, #tpu.memory_space<vmem>>, vector<1x16xf32>,
          %get3A_180 = vector.shape_cast %get3A_179 : vector<1x16xf32> to vector<16xf32>
          %mul3A_181 = arith.mulf %broadcast_in_dim3A_8, %get3A_180 : vector<16xf32>
          %add3A_182 = arith.addf %add3A_173, %mul3A_181 : vector<16xf32>
          %mul3A_183 = arith.constant 16 : i32
          %mul3A_184 = arith.muli %scan3A_155, %mul3A_183 : i32
          %get3A_185 = arith.constant 3 : i32
          %get3A_186 = arith.index_cast %get3A_185 : i32 to index
          %get3A_187 = arith.index_cast %mul3A_184 : i32 to index
          %get3A_188 = tpu.vector_load %arg12[%get3A_186, %get3A_187] {strides = array<i32>} : memref<4x128xf32, #tpu.memory_space<vmem>>, vector<1x16xf32>,
          %get3A_189 = vector.shape_cast %get3A_188 : vector<1x16xf32> to vector<16xf32>
          %mul3A_190 = arith.mulf %broadcast_in_dim3A_11, %get3A_189 : vector<16xf32>
          %add3A_191 = arith.addf %add3A_182, %mul3A_190 : vector<16xf32>
          %neg3A = arith.constant 0.000000e+00 : f32
          %neg3A_192 = vector.broadcast %neg3A : f32 to vector<16xf32>
          %neg3A_193 = arith.subf %neg3A_192, %add3A_191 : vector<16xf32>
          %exp3A = math.exp %neg3A_193 : vector<16xf32>
          %add3A_194 = arith.addf %broadcast_in_dim3A_16, %exp3A : vector<16xf32>
          %div3A_195 = arith.divf %broadcast_in_dim3A_16, %add3A_194 : vector<16xf32>
          %mul3A_196 = arith.constant 16 : i32
          %mul3A_197 = arith.muli %scan3A_155, %mul3A_196 : i32
          %add3A_198 = arith.constant 0 : i32
          %add3A_199 = arith.addi %mul3A_197, %add3A_198 : i32
          %slice3A_200 = vector.extract_strided_slice %div3A_195 {offsets = [0], sizes = [1], strides = [1]} : vector<16xf32> to vector<1xf32>
          %squeeze3A_201 = vector.extract %slice3A_200[0] : f32 from vector<1xf32>
          %broadcast_in_dim3A_202 = vector.broadcast %squeeze3A_201 : f32 to vector<16xf32>
          %get3A_203 = arith.index_cast %add3A_199 : i32 to index
          %get3A_204 = arith.constant 0 : index
          %get3A_205 = tpu.vector_load %arg13[%get3A_203, %get3A_204] {strides = array<i32>} : memref<128x128xf32, #tpu.memory_space<vmem>>, vector<1x16xf32>,
          %get3A_206 = vector.shape_cast %get3A_205 : vector<1x16xf32> to vector<16xf32>
          %mul3A_207 = arith.mulf %get3A_206, %broadcast_in_dim3A_202 : vector<16xf32>
          %swap3A = arith.index_cast %add3A_199 : i32 to index
          %swap3A_208 = arith.constant 0 : index
          %swap3A_209 = tpu.vector_load %arg13[%swap3A, %swap3A_208] {strides = array<i32>} : memref<128x128xf32, #tpu.memory_space<vmem>>, vector<1x16xf32>,
          %swap3A_210 = vector.shape_cast %swap3A_209 : vector<1x16xf32> to vector<16xf32>
          %swap3A_211 = vector.shape_cast %mul3A_207 : vector<16xf32> to vector<1x16xf32>
          tpu.vector_store %arg13[%swap3A, %swap3A_208], %swap3A_211 {strides = array<i32>} : memref<128x128xf32, #tpu.memory_space<vmem>>, vector<1x16xf32>,
          %get3A_212 = arith.index_cast %add3A_199 : i32 to index
          %get3A_213 = arith.constant 16 : index
          %get3A_214 = tpu.vector_load %arg13[%get3A_212, %get3A_213] {strides = array<i32>} : memref<128x128xf32, #tpu.memory_space<vmem>>, vector<1x16xf32>,
          %get3A_215 = vector.shape_cast %get3A_214 : vector<1x16xf32> to vector<16xf32>
          %mul3A_216 = arith.mulf %get3A_215, %broadcast_in_dim3A_202 : vector<16xf32>
          %swap3A_217 = arith.index_cast %add3A_199 : i32 to index
          %swap3A_218 = arith.constant 16 : index
          %swap3A_219 = tpu.vector_load %arg13[%swap3A_217, %swap3A_218] {strides = array<i32>} : memref<128x128xf32, #tpu.memory_space<vmem>>, vector<1x16xf32>,
          %swap3A_220 = vector.shape_cast %swap3A_219 : vector<1x16xf32> to vector<16xf32>
          %swap3A_221 = vector.shape_cast %mul3A_216 : vector<16xf32> to vector<1x16xf32>
          tpu.vector_store %arg13[%swap3A_217, %swap3A_218], %swap3A_221 {strides = array<i32>} : memref<128x128xf32, #tpu.memory_space<vmem>>, vector<1x16xf32>,
          %get3A_222 = arith.index_cast %add3A_199 : i32 to index
          %get3A_223 = arith.constant 32 : index
          %get3A_224 = tpu.vector_load %arg13[%get3A_222, %get3A_223] {strides = array<i32>} : memref<128x128xf32, #tpu.memory_space<vmem>>, vector<1x16xf32>,
          %get3A_225 = vector.shape_cast %get3A_224 : vector<1x16xf32> to vector<16xf32>
          %mul3A_226 = arith.mulf %get3A_225, %broadcast_in_dim3A_202 : vector<16xf32>
          %swap3A_227 = arith.index_cast %add3A_199 : i32 to index
          %swap3A_228 = arith.constant 32 : index
          %swap3A_229 = tpu.vector_load %arg13[%swap3A_227, %swap3A_228] {strides = array<i32>} : memref<128x128xf32, #tpu.memory_space<vmem>>, vector<1x16xf32>,
          %swap3A_230 = vector.shape_cast %swap3A_229 : vector<1x16xf32> to vector<16xf32>
          %swap3A_231 = vector.shape_cast %mul3A_226 : vector<16xf32> to vector<1x16xf32>
          tpu.vector_store %arg13[%swap3A_227, %swap3A_228], %swap3A_231 {strides = array<i32>} : memref<128x128xf32, #tpu.memory_space<vmem>>, vector<1x16xf32>,
          %get3A_232 = arith.index_cast %add3A_199 : i32 to index
          %get3A_233 = arith.constant 48 : index
          %get3A_234 = tpu.vector_load %arg13[%get3A_232, %get3A_233] {strides = array<i32>} : memref<128x128xf32, #tpu.memory_space<vmem>>, vector<1x16xf32>,
          %get3A_235 = vector.shape_cast %get3A_234 : vector<1x16xf32> to vector<16xf32>
          %mul3A_236 = arith.mulf %get3A_235, %broadcast_in_dim3A_202 : vector<16xf32>
          %swap3A_237 = arith.index_cast %add3A_199 : i32 to index
          %swap3A_238 = arith.constant 48 : index
          %swap3A_239 = tpu.vector_load %arg13[%swap3A_237, %swap3A_238] {strides = array<i32>} : memref<128x128xf32, #tpu.memory_space<vmem>>, vector<1x16xf32>,
          %swap3A_240 = vector.shape_cast %swap3A_239 : vector<1x16xf32> to vector<16xf32>
          %swap3A_241 = vector.shape_cast %mul3A_236 : vector<16xf32> to vector<1x16xf32>
          tpu.vector_store %arg13[%swap3A_237, %swap3A_238], %swap3A_241 {strides = array<i32>} : memref<128x128xf32, #tpu.memory_space<vmem>>, vector<1x16xf32>,
          %get3A_242 = arith.index_cast %add3A_199 : i32 to index
          %get3A_243 = arith.constant 64 : index
          %get3A_244 = tpu.vector_load %arg13[%get3A_242, %get3A_243] {strides = array<i32>} : memref<128x128xf32, #tpu.memory_space<vmem>>, vector<1x16xf32>,
          %get3A_245 = vector.shape_cast %get3A_244 : vector<1x16xf32> to vector<16xf32>
          %mul3A_246 = arith.mulf %get3A_245, %broadcast_in_dim3A_202 : vector<16xf32>
          %swap3A_247 = arith.index_cast %add3A_199 : i32 to index
          %swap3A_248 = arith.constant 64 : index
          %swap3A_249 = tpu.vector_load %arg13[%swap3A_247, %swap3A_248] {strides = array<i32>} : memref<128x128xf32, #tpu.memory_space<vmem>>, vector<1x16xf32>,
          %swap3A_250 = vector.shape_cast %swap3A_249 : vector<1x16xf32> to vector<16xf32>
          %swap3A_251 = vector.shape_cast %mul3A_246 : vector<16xf32> to vector<1x16xf32>
          tpu.vector_store %arg13[%swap3A_247, %swap3A_248], %swap3A_251 {strides = array<i32>} : memref<128x128xf32, #tpu.memory_space<vmem>>, vector<1x16xf32>,
          %get3A_252 = arith.index_cast %add3A_199 : i32 to index
          %get3A_253 = arith.constant 80 : index
          %get3A_254 = tpu.vector_load %arg13[%get3A_252, %get3A_253] {strides = array<i32>} : memref<128x128xf32, #tpu.memory_space<vmem>>, vector<1x16xf32>,
          %get3A_255 = vector.shape_cast %get3A_254 : vector<1x16xf32> to vector<16xf32>
          %mul3A_256 = arith.mulf %get3A_255, %broadcast_in_dim3A_202 : vector<16xf32>
          %swap3A_257 = arith.index_cast %add3A_199 : i32 to index
          %swap3A_258 = arith.constant 80 : index
          %swap3A_259 = tpu.vector_load %arg13[%swap3A_257, %swap3A_258] {strides = array<i32>} : memref<128x128xf32, #tpu.memory_space<vmem>>, vector<1x16xf32>,
          %swap3A_260 = vector.shape_cast %swap3A_259 : vector<1x16xf32> to vector<16xf32>
          %swap3A_261 = vector.shape_cast %mul3A_256 : vector<16xf32> to vector<1x16xf32>
          tpu.vector_store %arg13[%swap3A_257, %swap3A_258], %swap3A_261 {strides = array<i32>} : memref<128x128xf32, #tpu.memory_space<vmem>>, vector<1x16xf32>,
          %get3A_262 = arith.index_cast %add3A_199 : i32 to index
          %get3A_263 = arith.constant 96 : index
          %get3A_264 = tpu.vector_load %arg13[%get3A_262, %get3A_263] {strides = array<i32>} : memref<128x128xf32, #tpu.memory_space<vmem>>, vector<1x16xf32>,
          %get3A_265 = vector.shape_cast %get3A_264 : vector<1x16xf32> to vector<16xf32>
          %mul3A_266 = arith.mulf %get3A_265, %broadcast_in_dim3A_202 : vector<16xf32>
          %swap3A_267 = arith.index_cast %add3A_199 : i32 to index
          %swap3A_268 = arith.constant 96 : index
          %swap3A_269 = tpu.vector_load %arg13[%swap3A_267, %swap3A_268] {strides = array<i32>} : memref<128x128xf32, #tpu.memory_space<vmem>>, vector<1x16xf32>,
          %swap3A_270 = vector.shape_cast %swap3A_269 : vector<1x16xf32> to vector<16xf32>
          %swap3A_271 = vector.shape_cast %mul3A_266 : vector<16xf32> to vector<1x16xf32>
          tpu.vector_store %arg13[%swap3A_267, %swap3A_268], %swap3A_271 {strides = array<i32>} : memref<128x128xf32, #tpu.memory_space<vmem>>, vector<1x16xf32>,
          %get3A_272 = arith.index_cast %add3A_199 : i32 to index
          %get3A_273 = arith.constant 112 : index
          %get3A_274 = tpu.vector_load %arg13[%get3A_272, %get3A_273] {strides = array<i32>} : memref<128x128xf32, #tpu.memory_space<vmem>>, vector<1x16xf32>,
          %get3A_275 = vector.shape_cast %get3A_274 : vector<1x16xf32> to vector<16xf32>
          %mul3A_276 = arith.mulf %get3A_275, %broadcast_in_dim3A_202 : vector<16xf32>
          %swap3A_277 = arith.index_cast %add3A_199 : i32 to index
          %swap3A_278 = arith.constant 112 : index
          %swap3A_279 = tpu.vector_load %arg13[%swap3A_277, %swap3A_278] {strides = array<i32>} : memref<128x128xf32, #tpu.memory_space<vmem>>, vector<1x16xf32>,
          %swap3A_280 = vector.shape_cast %swap3A_279 : vector<1x16xf32> to vector<16xf32>
          %swap3A_281 = vector.shape_cast %mul3A_276 : vector<16xf32> to vector<1x16xf32>
          tpu.vector_store %arg13[%swap3A_277, %swap3A_278], %swap3A_281 {strides = array<i32>} : memref<128x128xf32, #tpu.memory_space<vmem>>, vector<1x16xf32>,
          %mul3A_282 = arith.constant 16 : i32
          %mul3A_283 = arith.muli %scan3A_155, %mul3A_282 : i32
          %add3A_284 = arith.constant 1 : i32
          %add3A_285 = arith.addi %mul3A_283, %add3A_284 : i32
          %slice3A_286 = vector.extract_strided_slice %div3A_195 {offsets = [1], sizes = [1], strides = [1]} : vector<16xf32> to vector<1xf32>
          %squeeze3A_287 = vector.extract %slice3A_286[0] : f32 from vector<1xf32>
          %broadcast_in_dim3A_288 = vector.broadcast %squeeze3A_287 : f32 to vector<16xf32>
          %get3A_289 = arith.index_cast %add3A_285 : i32 to index
          %get3A_290 = arith.constant 0 : index
          %get3A_291 = tpu.vector_load %arg13[%get3A_289, %get3A_290] {strides = array<i32>} : memref<128x128xf32, #tpu.memory_space<vmem>>, vector<1x16xf32>,
          %get3A_292 = vector.shape_cast %get3A_291 : vector<1x16xf32> to vector<16xf32>
          %mul3A_293 = arith.mulf %get3A_292, %broadcast_in_dim3A_288 : vector<16xf32>
          %swap3A_294 = arith.index_cast %add3A_285 : i32 to index
          %swap3A_295 = arith.constant 0 : index
          %swap3A_296 = tpu.vector_load %arg13[%swap3A_294, %swap3A_295] {strides = array<i32>} : memref<128x128xf32, #tpu.memory_space<vmem>>, vector<1x16xf32>,
          %swap3A_297 = vector.shape_cast %swap3A_296 : vector<1x16xf32> to vector<16xf32>
          %swap3A_298 = vector.shape_cast %mul3A_293 : vector<16xf32> to vector<1x16xf32>
          tpu.vector_store %arg13[%swap3A_294, %swap3A_295], %swap3A_298 {strides = array<i32>} : memref<128x128xf32, #tpu.memory_space<vmem>>, vector<1x16xf32>,
          %get3A_299 = arith.index_cast %add3A_285 : i32 to index
          %get3A_300 = arith.constant 16 : index
          %get3A_301 = tpu.vector_load %arg13[%get3A_299, %get3A_300] {strides = array<i32>} : memref<128x128xf32, #tpu.memory_space<vmem>>, vector<1x16xf32>,
          %get3A_302 = vector.shape_cast %get3A_301 : vector<1x16xf32> to vector<16xf32>
          %mul3A_303 = arith.mulf %get3A_302, %broadcast_in_dim3A_288 : vector<16xf32>
          %swap3A_304 = arith.index_cast %add3A_285 : i32 to index
          %swap3A_305 = arith.constant 16 : index
          %swap3A_306 = tpu.vector_load %arg13[%swap3A_304, %swap3A_305] {strides = array<i32>} : memref<128x128xf32, #tpu.memory_space<vmem>>, vector<1x16xf32>,
          %swap3A_307 = vector.shape_cast %swap3A_306 : vector<1x16xf32> to vector<16xf32>
          %swap3A_308 = vector.shape_cast %mul3A_303 : vector<16xf32> to vector<1x16xf32>
          tpu.vector_store %arg13[%swap3A_304, %swap3A_305], %swap3A_308 {strides = array<i32>} : memref<128x128xf32, #tpu.memory_space<vmem>>, vector<1x16xf32>,
          %get3A_309 = arith.index_cast %add3A_285 : i32 to index
          %get3A_310 = arith.constant 32 : index
          %get3A_311 = tpu.vector_load %arg13[%get3A_309, %get3A_310] {strides = array<i32>} : memref<128x128xf32, #tpu.memory_space<vmem>>, vector<1x16xf32>,
          %get3A_312 = vector.shape_cast %get3A_311 : vector<1x16xf32> to vector<16xf32>
          %mul3A_313 = arith.mulf %get3A_312, %broadcast_in_dim3A_288 : vector<16xf32>
          %swap3A_314 = arith.index_cast %add3A_285 : i32 to index
          %swap3A_315 = arith.constant 32 : index
          %swap3A_316 = tpu.vector_load %arg13[%swap3A_314, %swap3A_315] {strides = array<i32>} : memref<128x128xf32, #tpu.memory_space<vmem>>, vector<1x16xf32>,
          %swap3A_317 = vector.shape_cast %swap3A_316 : vector<1x16xf32> to vector<16xf32>
          %swap3A_318 = vector.shape_cast %mul3A_313 : vector<16xf32> to vector<1x16xf32>
          tpu.vector_store %arg13[%swap3A_314, %swap3A_315], %swap3A_318 {strides = array<i32>} : memref<128x128xf32, #tpu.memory_space<vmem>>, vector<1x16xf32>,
          %get3A_319 = arith.index_cast %add3A_285 : i32 to index
          %get3A_320 = arith.constant 48 : index
          %get3A_321 = tpu.vector_load %arg13[%get3A_319, %get3A_320] {strides = array<i32>} : memref<128x128xf32, #tpu.memory_space<vmem>>, vector<1x16xf32>,
          %get3A_322 = vector.shape_cast %get3A_321 : vector<1x16xf32> to vector<16xf32>
          %mul3A_323 = arith.mulf %get3A_322, %broadcast_in_dim3A_288 : vector<16xf32>
          %swap3A_324 = arith.index_cast %add3A_285 : i32 to index
          %swap3A_325 = arith.constant 48 : index
          %swap3A_326 = tpu.vector_load %arg13[%swap3A_324, %swap3A_325] {strides = array<i32>} : memref<128x128xf32, #tpu.memory_space<vmem>>, vector<1x16xf32>,
          %swap3A_327 = vector.shape_cast %swap3A_326 : vector<1x16xf32> to vector<16xf32>
          %swap3A_328 = vector.shape_cast %mul3A_323 : vector<16xf32> to vector<1x16xf32>
          tpu.vector_store %arg13[%swap3A_324, %swap3A_325], %swap3A_328 {strides = array<i32>} : memref<128x128xf32, #tpu.memory_space<vmem>>, vector<1x16xf32>,
          %get3A_329 = arith.index_cast %add3A_285 : i32 to index
          %get3A_330 = arith.constant 64 : index
          %get3A_331 = tpu.vector_load %arg13[%get3A_329, %get3A_330] {strides = array<i32>} : memref<128x128xf32, #tpu.memory_space<vmem>>, vector<1x16xf32>,
          %get3A_332 = vector.shape_cast %get3A_331 : vector<1x16xf32> to vector<16xf32>
          %mul3A_333 = arith.mulf %get3A_332, %broadcast_in_dim3A_288 : vector<16xf32>
          %swap3A_334 = arith.index_cast %add3A_285 : i32 to index
          %swap3A_335 = arith.constant 64 : index
          %swap3A_336 = tpu.vector_load %arg13[%swap3A_334, %swap3A_335] {strides = array<i32>} : memref<128x128xf32, #tpu.memory_space<vmem>>, vector<1x16xf32>,
          %swap3A_337 = vector.shape_cast %swap3A_336 : vector<1x16xf32> to vector<16xf32>
          %swap3A_338 = vector.shape_cast %mul3A_333 : vector<16xf32> to vector<1x16xf32>
          tpu.vector_store %arg13[%swap3A_334, %swap3A_335], %swap3A_338 {strides = array<i32>} : memref<128x128xf32, #tpu.memory_space<vmem>>, vector<1x16xf32>,
          %get3A_339 = arith.index_cast %add3A_285 : i32 to index
          %get3A_340 = arith.constant 80 : index
          %get3A_341 = tpu.vector_load %arg13[%get3A_339, %get3A_340] {strides = array<i32>} : memref<128x128xf32, #tpu.memory_space<vmem>>, vector<1x16xf32>,
          %get3A_342 = vector.shape_cast %get3A_341 : vector<1x16xf32> to vector<16xf32>
          %mul3A_343 = arith.mulf %get3A_342, %broadcast_in_dim3A_288 : vector<16xf32>
          %swap3A_344 = arith.index_cast %add3A_285 : i32 to index
          %swap3A_345 = arith.constant 80 : index
          %swap3A_346 = tpu.vector_load %arg13[%swap3A_344, %swap3A_345] {strides = array<i32>} : memref<128x128xf32, #tpu.memory_space<vmem>>, vector<1x16xf32>,
          %swap3A_347 = vector.shape_cast %swap3A_346 : vector<1x16xf32> to vector<16xf32>
          %swap3A_348 = vector.shape_cast %mul3A_343 : vector<16xf32> to vector<1x16xf32>
          tpu.vector_store %arg13[%swap3A_344, %swap3A_345], %swap3A_348 {strides = array<i32>} : memref<128x128xf32, #tpu.memory_space<vmem>>, vector<1x16xf32>,
          %get3A_349 = arith.index_cast %add3A_285 : i32 to index
          %get3A_350 = arith.constant 96 : index
          %get3A_351 = tpu.vector_load %arg13[%get3A_349, %get3A_350] {strides = array<i32>} : memref<128x128xf32, #tpu.memory_space<vmem>>, vector<1x16xf32>,
          %get3A_352 = vector.shape_cast %get3A_351 : vector<1x16xf32> to vector<16xf32>
          %mul3A_353 = arith.mulf %get3A_352, %broadcast_in_dim3A_288 : vector<16xf32>
          %swap3A_354 = arith.index_cast %add3A_285 : i32 to index
          %swap3A_355 = arith.constant 96 : index
          %swap3A_356 = tpu.vector_load %arg13[%swap3A_354, %swap3A_355] {strides = array<i32>} : memref<128x128xf32, #tpu.memory_space<vmem>>, vector<1x16xf32>,
          %swap3A_357 = vector.shape_cast %swap3A_356 : vector<1x16xf32> to vector<16xf32>
          %swap3A_358 = vector.shape_cast %mul3A_353 : vector<16xf32> to vector<1x16xf32>
          tpu.vector_store %arg13[%swap3A_354, %swap3A_355], %swap3A_358 {strides = array<i32>} : memref<128x128xf32, #tpu.memory_space<vmem>>, vector<1x16xf32>,
          %get3A_359 = arith.index_cast %add3A_285 : i32 to index
          %get3A_360 = arith.constant 112 : index
          %get3A_361 = tpu.vector_load %arg13[%get3A_359, %get3A_360] {strides = array<i32>} : memref<128x128xf32, #tpu.memory_space<vmem>>, vector<1x16xf32>,
          %get3A_362 = vector.shape_cast %get3A_361 : vector<1x16xf32> to vector<16xf32>
          %mul3A_363 = arith.mulf %get3A_362, %broadcast_in_dim3A_288 : vector<16xf32>
          %swap3A_364 = arith.index_cast %add3A_285 : i32 to index
          %swap3A_365 = arith.constant 112 : index
          %swap3A_366 = tpu.vector_load %arg13[%swap3A_364, %swap3A_365] {strides = array<i32>} : memref<128x128xf32, #tpu.memory_space<vmem>>, vector<1x16xf32>,
          %swap3A_367 = vector.shape_cast %swap3A_366 : vector<1x16xf32> to vector<16xf32>
          %swap3A_368 = vector.shape_cast %mul3A_363 : vector<16xf32> to vector<1x16xf32>
          tpu.vector_store %arg13[%swap3A_364, %swap3A_365], %swap3A_368 {strides = array<i32>} : memref<128x128xf32, #tpu.memory_space<vmem>>, vector<1x16xf32>,
          %mul3A_369 = arith.constant 16 : i32
          %mul3A_370 = arith.muli %scan3A_155, %mul3A_369 : i32
          %add3A_371 = arith.constant 2 : i32
          %add3A_372 = arith.addi %mul3A_370, %add3A_371 : i32
          %slice3A_373 = vector.extract_strided_slice %div3A_195 {offsets = [2], sizes = [1], strides = [1]} : vector<16xf32> to vector<1xf32>
          %squeeze3A_374 = vector.extract %slice3A_373[0] : f32 from vector<1xf32>
          %broadcast_in_dim3A_375 = vector.broadcast %squeeze3A_374 : f32 to vector<16xf32>
          %get3A_376 = arith.index_cast %add3A_372 : i32 to index
          %get3A_377 = arith.constant 0 : index
          %get3A_378 = tpu.vector_load %arg13[%get3A_376, %get3A_377] {strides = array<i32>} : memref<128x128xf32, #tpu.memory_space<vmem>>, vector<1x16xf32>,
          %get3A_379 = vector.shape_cast %get3A_378 : vector<1x16xf32> to vector<16xf32>
          %mul3A_380 = arith.mulf %get3A_379, %broadcast_in_dim3A_375 : vector<16xf32>
          %swap3A_381 = arith.index_cast %add3A_372 : i32 to index
          %swap3A_382 = arith.constant 0 : index
          %swap3A_383 = tpu.vector_load %arg13[%swap3A_381, %swap3A_382] {strides = array<i32>} : memref<128x128xf32, #tpu.memory_space<vmem>>, vector<1x16xf32>,
          %swap3A_384 = vector.shape_cast %swap3A_383 : vector<1x16xf32> to vector<16xf32>
          %swap3A_385 = vector.shape_cast %mul3A_380 : vector<16xf32> to vector<1x16xf32>
          tpu.vector_store %arg13[%swap3A_381, %swap3A_382], %swap3A_385 {strides = array<i32>} : memref<128x128xf32, #tpu.memory_space<vmem>>, vector<1x16xf32>,
          %get3A_386 = arith.index_cast %add3A_372 : i32 to index
          %get3A_387 = arith.constant 16 : index
          %get3A_388 = tpu.vector_load %arg13[%get3A_386, %get3A_387] {strides = array<i32>} : memref<128x128xf32, #tpu.memory_space<vmem>>, vector<1x16xf32>,
          %get3A_389 = vector.shape_cast %get3A_388 : vector<1x16xf32> to vector<16xf32>
          %mul3A_390 = arith.mulf %get3A_389, %broadcast_in_dim3A_375 : vector<16xf32>
          %swap3A_391 = arith.index_cast %add3A_372 : i32 to index
          %swap3A_392 = arith.constant 16 : index
          %swap3A_393 = tpu.vector_load %arg13[%swap3A_391, %swap3A_392] {strides = array<i32>} : memref<128x128xf32, #tpu.memory_space<vmem>>, vector<1x16xf32>,
          %swap3A_394 = vector.shape_cast %swap3A_393 : vector<1x16xf32> to vector<16xf32>
          %swap3A_395 = vector.shape_cast %mul3A_390 : vector<16xf32> to vector<1x16xf32>
          tpu.vector_store %arg13[%swap3A_391, %swap3A_392], %swap3A_395 {strides = array<i32>} : memref<128x128xf32, #tpu.memory_space<vmem>>, vector<1x16xf32>,
          %get3A_396 = arith.index_cast %add3A_372 : i32 to index
          %get3A_397 = arith.constant 32 : index
          %get3A_398 = tpu.vector_load %arg13[%get3A_396, %get3A_397] {strides = array<i32>} : memref<128x128xf32, #tpu.memory_space<vmem>>, vector<1x16xf32>,
          %get3A_399 = vector.shape_cast %get3A_398 : vector<1x16xf32> to vector<16xf32>
          %mul3A_400 = arith.mulf %get3A_399, %broadcast_in_dim3A_375 : vector<16xf32>
          %swap3A_401 = arith.index_cast %add3A_372 : i32 to index
          %swap3A_402 = arith.constant 32 : index
          %swap3A_403 = tpu.vector_load %arg13[%swap3A_401, %swap3A_402] {strides = array<i32>} : memref<128x128xf32, #tpu.memory_space<vmem>>, vector<1x16xf32>,
          %swap3A_404 = vector.shape_cast %swap3A_403 : vector<1x16xf32> to vector<16xf32>
          %swap3A_405 = vector.shape_cast %mul3A_400 : vector<16xf32> to vector<1x16xf32>
          tpu.vector_store %arg13[%swap3A_401, %swap3A_402], %swap3A_405 {strides = array<i32>} : memref<128x128xf32, #tpu.memory_space<vmem>>, vector<1x16xf32>,
          %get3A_406 = arith.index_cast %add3A_372 : i32 to index
          %get3A_407 = arith.constant 48 : index
          %get3A_408 = tpu.vector_load %arg13[%get3A_406, %get3A_407] {strides = array<i32>} : memref<128x128xf32, #tpu.memory_space<vmem>>, vector<1x16xf32>,
          %get3A_409 = vector.shape_cast %get3A_408 : vector<1x16xf32> to vector<16xf32>
          %mul3A_410 = arith.mulf %get3A_409, %broadcast_in_dim3A_375 : vector<16xf32>
          %swap3A_411 = arith.index_cast %add3A_372 : i32 to index
          %swap3A_412 = arith.constant 48 : index
          %swap3A_413 = tpu.vector_load %arg13[%swap3A_411, %swap3A_412] {strides = array<i32>} : memref<128x128xf32, #tpu.memory_space<vmem>>, vector<1x16xf32>,
          %swap3A_414 = vector.shape_cast %swap3A_413 : vector<1x16xf32> to vector<16xf32>
          %swap3A_415 = vector.shape_cast %mul3A_410 : vector<16xf32> to vector<1x16xf32>
          tpu.vector_store %arg13[%swap3A_411, %swap3A_412], %swap3A_415 {strides = array<i32>} : memref<128x128xf32, #tpu.memory_space<vmem>>, vector<1x16xf32>,
          %get3A_416 = arith.index_cast %add3A_372 : i32 to index
          %get3A_417 = arith.constant 64 : index
          %get3A_418 = tpu.vector_load %arg13[%get3A_416, %get3A_417] {strides = array<i32>} : memref<128x128xf32, #tpu.memory_space<vmem>>, vector<1x16xf32>,
          %get3A_419 = vector.shape_cast %get3A_418 : vector<1x16xf32> to vector<16xf32>
          %mul3A_420 = arith.mulf %get3A_419, %broadcast_in_dim3A_375 : vector<16xf32>
          %swap3A_421 = arith.index_cast %add3A_372 : i32 to index
          %swap3A_422 = arith.constant 64 : index
          %swap3A_423 = tpu.vector_load %arg13[%swap3A_421, %swap3A_422] {strides = array<i32>} : memref<128x128xf32, #tpu.memory_space<vmem>>, vector<1x16xf32>,
          %swap3A_424 = vector.shape_cast %swap3A_423 : vector<1x16xf32> to vector<16xf32>
          %swap3A_425 = vector.shape_cast %mul3A_420 : vector<16xf32> to vector<1x16xf32>
          tpu.vector_store %arg13[%swap3A_421, %swap3A_422], %swap3A_425 {strides = array<i32>} : memref<128x128xf32, #tpu.memory_space<vmem>>, vector<1x16xf32>,
          %get3A_426 = arith.index_cast %add3A_372 : i32 to index
          %get3A_427 = arith.constant 80 : index
          %get3A_428 = tpu.vector_load %arg13[%get3A_426, %get3A_427] {strides = array<i32>} : memref<128x128xf32, #tpu.memory_space<vmem>>, vector<1x16xf32>,
          %get3A_429 = vector.shape_cast %get3A_428 : vector<1x16xf32> to vector<16xf32>
          %mul3A_430 = arith.mulf %get3A_429, %broadcast_in_dim3A_375 : vector<16xf32>
          %swap3A_431 = arith.index_cast %add3A_372 : i32 to index
          %swap3A_432 = arith.constant 80 : index
          %swap3A_433 = tpu.vector_load %arg13[%swap3A_431, %swap3A_432] {strides = array<i32>} : memref<128x128xf32, #tpu.memory_space<vmem>>, vector<1x16xf32>,
          %swap3A_434 = vector.shape_cast %swap3A_433 : vector<1x16xf32> to vector<16xf32>
          %swap3A_435 = vector.shape_cast %mul3A_430 : vector<16xf32> to vector<1x16xf32>
          tpu.vector_store %arg13[%swap3A_431, %swap3A_432], %swap3A_435 {strides = array<i32>} : memref<128x128xf32, #tpu.memory_space<vmem>>, vector<1x16xf32>,
          %get3A_436 = arith.index_cast %add3A_372 : i32 to index
          %get3A_437 = arith.constant 96 : index
          %get3A_438 = tpu.vector_load %arg13[%get3A_436, %get3A_437] {strides = array<i32>} : memref<128x128xf32, #tpu.memory_space<vmem>>, vector<1x16xf32>,
          %get3A_439 = vector.shape_cast %get3A_438 : vector<1x16xf32> to vector<16xf32>
          %mul3A_440 = arith.mulf %get3A_439, %broadcast_in_dim3A_375 : vector<16xf32>
          %swap3A_441 = arith.index_cast %add3A_372 : i32 to index
          %swap3A_442 = arith.constant 96 : index
          %swap3A_443 = tpu.vector_load %arg13[%swap3A_441, %swap3A_442] {strides = array<i32>} : memref<128x128xf32, #tpu.memory_space<vmem>>, vector<1x16xf32>,
          %swap3A_444 = vector.shape_cast %swap3A_443 : vector<1x16xf32> to vector<16xf32>
          %swap3A_445 = vector.shape_cast %mul3A_440 : vector<16xf32> to vector<1x16xf32>
          tpu.vector_store %arg13[%swap3A_441, %swap3A_442], %swap3A_445 {strides = array<i32>} : memref<128x128xf32, #tpu.memory_space<vmem>>, vector<1x16xf32>,
          %get3A_446 = arith.index_cast %add3A_372 : i32 to index
          %get3A_447 = arith.constant 112 : index
          %get3A_448 = tpu.vector_load %arg13[%get3A_446, %get3A_447] {strides = array<i32>} : memref<128x128xf32, #tpu.memory_space<vmem>>, vector<1x16xf32>,
          %get3A_449 = vector.shape_cast %get3A_448 : vector<1x16xf32> to vector<16xf32>
          %mul3A_450 = arith.mulf %get3A_449, %broadcast_in_dim3A_375 : vector<16xf32>
          %swap3A_451 = arith.index_cast %add3A_372 : i32 to index
          %swap3A_452 = arith.constant 112 : index
          %swap3A_453 = tpu.vector_load %arg13[%swap3A_451, %swap3A_452] {strides = array<i32>} : memref<128x128xf32, #tpu.memory_space<vmem>>, vector<1x16xf32>,
          %swap3A_454 = vector.shape_cast %swap3A_453 : vector<1x16xf32> to vector<16xf32>
          %swap3A_455 = vector.shape_cast %mul3A_450 : vector<16xf32> to vector<1x16xf32>
          tpu.vector_store %arg13[%swap3A_451, %swap3A_452], %swap3A_455 {strides = array<i32>} : memref<128x128xf32, #tpu.memory_space<vmem>>, vector<1x16xf32>,
          %mul3A_456 = arith.constant 16 : i32
          %mul3A_457 = arith.muli %scan3A_155, %mul3A_456 : i32
          %add3A_458 = arith.constant 3 : i32
          %add3A_459 = arith.addi %mul3A_457, %add3A_458 : i32
          %slice3A_460 = vector.extract_strided_slice %div3A_195 {offsets = [3], sizes = [1], strides = [1]} : vector<16xf32> to vector<1xf32>
          %squeeze3A_461 = vector.extract %slice3A_460[0] : f32 from vector<1xf32>
          %broadcast_in_dim3A_462 = vector.broadcast %squeeze3A_461 : f32 to vector<16xf32>
          %get3A_463 = arith.index_cast %add3A_459 : i32 to index
          %get3A_464 = arith.constant 0 : index
          %get3A_465 = tpu.vector_load %arg13[%get3A_463, %get3A_464] {strides = array<i32>} : memref<128x128xf32, #tpu.memory_space<vmem>>, vector<1x16xf32>,
          %get3A_466 = vector.shape_cast %get3A_465 : vector<1x16xf32> to vector<16xf32>
          %mul3A_467 = arith.mulf %get3A_466, %broadcast_in_dim3A_462 : vector<16xf32>
          %swap3A_468 = arith.index_cast %add3A_459 : i32 to index
          %swap3A_469 = arith.constant 0 : index
          %swap3A_470 = tpu.vector_load %arg13[%swap3A_468, %swap3A_469] {strides = array<i32>} : memref<128x128xf32, #tpu.memory_space<vmem>>, vector<1x16xf32>,
          %swap3A_471 = vector.shape_cast %swap3A_470 : vector<1x16xf32> to vector<16xf32>
          %swap3A_472 = vector.shape_cast %mul3A_467 : vector<16xf32> to vector<1x16xf32>
          tpu.vector_store %arg13[%swap3A_468, %swap3A_469], %swap3A_472 {strides = array<i32>} : memref<128x128xf32, #tpu.memory_space<vmem>>, vector<1x16xf32>,
          %get3A_473 = arith.index_cast %add3A_459 : i32 to index
          %get3A_474 = arith.constant 16 : index
          %get3A_475 = tpu.vector_load %arg13[%get3A_473, %get3A_474] {strides = array<i32>} : memref<128x128xf32, #tpu.memory_space<vmem>>, vector<1x16xf32>,
          %get3A_476 = vector.shape_cast %get3A_475 : vector<1x16xf32> to vector<16xf32>
          %mul3A_477 = arith.mulf %get3A_476, %broadcast_in_dim3A_462 : vector<16xf32>
          %swap3A_478 = arith.index_cast %add3A_459 : i32 to index
          %swap3A_479 = arith.constant 16 : index
          %swap3A_480 = tpu.vector_load %arg13[%swap3A_478, %swap3A_479] {strides = array<i32>} : memref<128x128xf32, #tpu.memory_space<vmem>>, vector<1x16xf32>,
          %swap3A_481 = vector.shape_cast %swap3A_480 : vector<1x16xf32> to vector<16xf32>
          %swap3A_482 = vector.shape_cast %mul3A_477 : vector<16xf32> to vector<1x16xf32>
          tpu.vector_store %arg13[%swap3A_478, %swap3A_479], %swap3A_482 {strides = array<i32>} : memref<128x128xf32, #tpu.memory_space<vmem>>, vector<1x16xf32>,
          %get3A_483 = arith.index_cast %add3A_459 : i32 to index
          %get3A_484 = arith.constant 32 : index
          %get3A_485 = tpu.vector_load %arg13[%get3A_483, %get3A_484] {strides = array<i32>} : memref<128x128xf32, #tpu.memory_space<vmem>>, vector<1x16xf32>,
          %get3A_486 = vector.shape_cast %get3A_485 : vector<1x16xf32> to vector<16xf32>
          %mul3A_487 = arith.mulf %get3A_486, %broadcast_in_dim3A_462 : vector<16xf32>
          %swap3A_488 = arith.index_cast %add3A_459 : i32 to index
          %swap3A_489 = arith.constant 32 : index
          %swap3A_490 = tpu.vector_load %arg13[%swap3A_488, %swap3A_489] {strides = array<i32>} : memref<128x128xf32, #tpu.memory_space<vmem>>, vector<1x16xf32>,
          %swap3A_491 = vector.shape_cast %swap3A_490 : vector<1x16xf32> to vector<16xf32>
          %swap3A_492 = vector.shape_cast %mul3A_487 : vector<16xf32> to vector<1x16xf32>
          tpu.vector_store %arg13[%swap3A_488, %swap3A_489], %swap3A_492 {strides = array<i32>} : memref<128x128xf32, #tpu.memory_space<vmem>>, vector<1x16xf32>,
          %get3A_493 = arith.index_cast %add3A_459 : i32 to index
          %get3A_494 = arith.constant 48 : index
          %get3A_495 = tpu.vector_load %arg13[%get3A_493, %get3A_494] {strides = array<i32>} : memref<128x128xf32, #tpu.memory_space<vmem>>, vector<1x16xf32>,
          %get3A_496 = vector.shape_cast %get3A_495 : vector<1x16xf32> to vector<16xf32>
          %mul3A_497 = arith.mulf %get3A_496, %broadcast_in_dim3A_462 : vector<16xf32>
          %swap3A_498 = arith.index_cast %add3A_459 : i32 to index
          %swap3A_499 = arith.constant 48 : index
          %swap3A_500 = tpu.vector_load %arg13[%swap3A_498, %swap3A_499] {strides = array<i32>} : memref<128x128xf32, #tpu.memory_space<vmem>>, vector<1x16xf32>,
          %swap3A_501 = vector.shape_cast %swap3A_500 : vector<1x16xf32> to vector<16xf32>
          %swap3A_502 = vector.shape_cast %mul3A_497 : vector<16xf32> to vector<1x16xf32>
          tpu.vector_store %arg13[%swap3A_498, %swap3A_499], %swap3A_502 {strides = array<i32>} : memref<128x128xf32, #tpu.memory_space<vmem>>, vector<1x16xf32>,
          %get3A_503 = arith.index_cast %add3A_459 : i32 to index
          %get3A_504 = arith.constant 64 : index
          %get3A_505 = tpu.vector_load %arg13[%get3A_503, %get3A_504] {strides = array<i32>} : memref<128x128xf32, #tpu.memory_space<vmem>>, vector<1x16xf32>,
          %get3A_506 = vector.shape_cast %get3A_505 : vector<1x16xf32> to vector<16xf32>
          %mul3A_507 = arith.mulf %get3A_506, %broadcast_in_dim3A_462 : vector<16xf32>
          %swap3A_508 = arith.index_cast %add3A_459 : i32 to index
          %swap3A_509 = arith.constant 64 : index
          %swap3A_510 = tpu.vector_load %arg13[%swap3A_508, %swap3A_509] {strides = array<i32>} : memref<128x128xf32, #tpu.memory_space<vmem>>, vector<1x16xf32>,
          %swap3A_511 = vector.shape_cast %swap3A_510 : vector<1x16xf32> to vector<16xf32>
          %swap3A_512 = vector.shape_cast %mul3A_507 : vector<16xf32> to vector<1x16xf32>
          tpu.vector_store %arg13[%swap3A_508, %swap3A_509], %swap3A_512 {strides = array<i32>} : memref<128x128xf32, #tpu.memory_space<vmem>>, vector<1x16xf32>,
          %get3A_513 = arith.index_cast %add3A_459 : i32 to index
          %get3A_514 = arith.constant 80 : index
          %get3A_515 = tpu.vector_load %arg13[%get3A_513, %get3A_514] {strides = array<i32>} : memref<128x128xf32, #tpu.memory_space<vmem>>, vector<1x16xf32>,
          %get3A_516 = vector.shape_cast %get3A_515 : vector<1x16xf32> to vector<16xf32>
          %mul3A_517 = arith.mulf %get3A_516, %broadcast_in_dim3A_462 : vector<16xf32>
          %swap3A_518 = arith.index_cast %add3A_459 : i32 to index
          %swap3A_519 = arith.constant 80 : index
          %swap3A_520 = tpu.vector_load %arg13[%swap3A_518, %swap3A_519] {strides = array<i32>} : memref<128x128xf32, #tpu.memory_space<vmem>>, vector<1x16xf32>,
          %swap3A_521 = vector.shape_cast %swap3A_520 : vector<1x16xf32> to vector<16xf32>
          %swap3A_522 = vector.shape_cast %mul3A_517 : vector<16xf32> to vector<1x16xf32>
          tpu.vector_store %arg13[%swap3A_518, %swap3A_519], %swap3A_522 {strides = array<i32>} : memref<128x128xf32, #tpu.memory_space<vmem>>, vector<1x16xf32>,
          %get3A_523 = arith.index_cast %add3A_459 : i32 to index
          %get3A_524 = arith.constant 96 : index
          %get3A_525 = tpu.vector_load %arg13[%get3A_523, %get3A_524] {strides = array<i32>} : memref<128x128xf32, #tpu.memory_space<vmem>>, vector<1x16xf32>,
          %get3A_526 = vector.shape_cast %get3A_525 : vector<1x16xf32> to vector<16xf32>
          %mul3A_527 = arith.mulf %get3A_526, %broadcast_in_dim3A_462 : vector<16xf32>
          %swap3A_528 = arith.index_cast %add3A_459 : i32 to index
          %swap3A_529 = arith.constant 96 : index
          %swap3A_530 = tpu.vector_load %arg13[%swap3A_528, %swap3A_529] {strides = array<i32>} : memref<128x128xf32, #tpu.memory_space<vmem>>, vector<1x16xf32>,
          %swap3A_531 = vector.shape_cast %swap3A_530 : vector<1x16xf32> to vector<16xf32>
          %swap3A_532 = vector.shape_cast %mul3A_527 : vector<16xf32> to vector<1x16xf32>
          tpu.vector_store %arg13[%swap3A_528, %swap3A_529], %swap3A_532 {strides = array<i32>} : memref<128x128xf32, #tpu.memory_space<vmem>>, vector<1x16xf32>,
          %get3A_533 = arith.index_cast %add3A_459 : i32 to index
          %get3A_534 = arith.constant 112 : index
          %get3A_535 = tpu.vector_load %arg13[%get3A_533, %get3A_534] {strides = array<i32>} : memref<128x128xf32, #tpu.memory_space<vmem>>, vector<1x16xf32>,
          %get3A_536 = vector.shape_cast %get3A_535 : vector<1x16xf32> to vector<16xf32>
          %mul3A_537 = arith.mulf %get3A_536, %broadcast_in_dim3A_462 : vector<16xf32>
          %swap3A_538 = arith.index_cast %add3A_459 : i32 to index
          %swap3A_539 = arith.constant 112 : index
          %swap3A_540 = tpu.vector_load %arg13[%swap3A_538, %swap3A_539] {strides = array<i32>} : memref<128x128xf32, #tpu.memory_space<vmem>>, vector<1x16xf32>,
          %swap3A_541 = vector.shape_cast %swap3A_540 : vector<1x16xf32> to vector<16xf32>
          %swap3A_542 = vector.shape_cast %mul3A_537 : vector<16xf32> to vector<1x16xf32>
          tpu.vector_store %arg13[%swap3A_538, %swap3A_539], %swap3A_542 {strides = array<i32>} : memref<128x128xf32, #tpu.memory_space<vmem>>, vector<1x16xf32>,
          %mul3A_543 = arith.constant 16 : i32
          %mul3A_544 = arith.muli %scan3A_155, %mul3A_543 : i32
          %add3A_545 = arith.constant 4 : i32
          %add3A_546 = arith.addi %mul3A_544, %add3A_545 : i32
          %slice3A_547 = vector.extract_strided_slice %div3A_195 {offsets = [4], sizes = [1], strides = [1]} : vector<16xf32> to vector<1xf32>
          %squeeze3A_548 = vector.extract %slice3A_547[0] : f32 from vector<1xf32>
          %broadcast_in_dim3A_549 = vector.broadcast %squeeze3A_548 : f32 to vector<16xf32>
          %get3A_550 = arith.index_cast %add3A_546 : i32 to index
          %get3A_551 = arith.constant 0 : index
          %get3A_552 = tpu.vector_load %arg13[%get3A_550, %get3A_551] {strides = array<i32>} : memref<128x128xf32, #tpu.memory_space<vmem>>, vector<1x16xf32>,
          %get3A_553 = vector.shape_cast %get3A_552 : vector<1x16xf32> to vector<16xf32>
          %mul3A_554 = arith.mulf %get3A_553, %broadcast_in_dim3A_549 : vector<16xf32>
          %swap3A_555 = arith.index_cast %add3A_546 : i32 to index
          %swap3A_556 = arith.constant 0 : index
          %swap3A_557 = tpu.vector_load %arg13[%swap3A_555, %swap3A_556] {strides = array<i32>} : memref<128x128xf32, #tpu.memory_space<vmem>>, vector<1x16xf32>,
          %swap3A_558 = vector.shape_cast %swap3A_557 : vector<1x16xf32> to vector<16xf32>
          %swap3A_559 = vector.shape_cast %mul3A_554 : vector<16xf32> to vector<1x16xf32>
          tpu.vector_store %arg13[%swap3A_555, %swap3A_556], %swap3A_559 {strides = array<i32>} : memref<128x128xf32, #tpu.memory_space<vmem>>, vector<1x16xf32>,
          %get3A_560 = arith.index_cast %add3A_546 : i32 to index
          %get3A_561 = arith.constant 16 : index
          %get3A_562 = tpu.vector_load %arg13[%get3A_560, %get3A_561] {strides = array<i32>} : memref<128x128xf32, #tpu.memory_space<vmem>>, vector<1x16xf32>,
          %get3A_563 = vector.shape_cast %get3A_562 : vector<1x16xf32> to vector<16xf32>
          %mul3A_564 = arith.mulf %get3A_563, %broadcast_in_dim3A_549 : vector<16xf32>
          %swap3A_565 = arith.index_cast %add3A_546 : i32 to index
          %swap3A_566 = arith.constant 16 : index
          %swap3A_567 = tpu.vector_load %arg13[%swap3A_565, %swap3A_566] {strides = array<i32>} : memref<128x128xf32, #tpu.memory_space<vmem>>, vector<1x16xf32>,
          %swap3A_568 = vector.shape_cast %swap3A_567 : vector<1x16xf32> to vector<16xf32>
          %swap3A_569 = vector.shape_cast %mul3A_564 : vector<16xf32> to vector<1x16xf32>
          tpu.vector_store %arg13[%swap3A_565, %swap3A_566], %swap3A_569 {strides = array<i32>} : memref<128x128xf32, #tpu.memory_space<vmem>>, vector<1x16xf32>,
          %get3A_570 = arith.index_cast %add3A_546 : i32 to index
          %get3A_571 = arith.constant 32 : index
          %get3A_572 = tpu.vector_load %arg13[%get3A_570, %get3A_571] {strides = array<i32>} : memref<128x128xf32, #tpu.memory_space<vmem>>, vector<1x16xf32>,
          %get3A_573 = vector.shape_cast %get3A_572 : vector<1x16xf32> to vector<16xf32>
          %mul3A_574 = arith.mulf %get3A_573, %broadcast_in_dim3A_549 : vector<16xf32>
          %swap3A_575 = arith.index_cast %add3A_546 : i32 to index
          %swap3A_576 = arith.constant 32 : index
          %swap3A_577 = tpu.vector_load %arg13[%swap3A_575, %swap3A_576] {strides = array<i32>} : memref<128x128xf32, #tpu.memory_space<vmem>>, vector<1x16xf32>,
          %swap3A_578 = vector.shape_cast %swap3A_577 : vector<1x16xf32> to vector<16xf32>
          %swap3A_579 = vector.shape_cast %mul3A_574 : vector<16xf32> to vector<1x16xf32>
          tpu.vector_store %arg13[%swap3A_575, %swap3A_576], %swap3A_579 {strides = array<i32>} : memref<128x128xf32, #tpu.memory_space<vmem>>, vector<1x16xf32>,
          %get3A_580 = arith.index_cast %add3A_546 : i32 to index
          %get3A_581 = arith.constant 48 : index
          %get3A_582 = tpu.vector_load %arg13[%get3A_580, %get3A_581] {strides = array<i32>} : memref<128x128xf32, #tpu.memory_space<vmem>>, vector<1x16xf32>,
          %get3A_583 = vector.shape_cast %get3A_582 : vector<1x16xf32> to vector<16xf32>
          %mul3A_584 = arith.mulf %get3A_583, %broadcast_in_dim3A_549 : vector<16xf32>
          %swap3A_585 = arith.index_cast %add3A_546 : i32 to index
          %swap3A_586 = arith.constant 48 : index
          %swap3A_587 = tpu.vector_load %arg13[%swap3A_585, %swap3A_586] {strides = array<i32>} : memref<128x128xf32, #tpu.memory_space<vmem>>, vector<1x16xf32>,
          %swap3A_588 = vector.shape_cast %swap3A_587 : vector<1x16xf32> to vector<16xf32>
          %swap3A_589 = vector.shape_cast %mul3A_584 : vector<16xf32> to vector<1x16xf32>
          tpu.vector_store %arg13[%swap3A_585, %swap3A_586], %swap3A_589 {strides = array<i32>} : memref<128x128xf32, #tpu.memory_space<vmem>>, vector<1x16xf32>,
          %get3A_590 = arith.index_cast %add3A_546 : i32 to index
          %get3A_591 = arith.constant 64 : index
          %get3A_592 = tpu.vector_load %arg13[%get3A_590, %get3A_591] {strides = array<i32>} : memref<128x128xf32, #tpu.memory_space<vmem>>, vector<1x16xf32>,
          %get3A_593 = vector.shape_cast %get3A_592 : vector<1x16xf32> to vector<16xf32>
          %mul3A_594 = arith.mulf %get3A_593, %broadcast_in_dim3A_549 : vector<16xf32>
          %swap3A_595 = arith.index_cast %add3A_546 : i32 to index
          %swap3A_596 = arith.constant 64 : index
          %swap3A_597 = tpu.vector_load %arg13[%swap3A_595, %swap3A_596] {strides = array<i32>} : memref<128x128xf32, #tpu.memory_space<vmem>>, vector<1x16xf32>,
          %swap3A_598 = vector.shape_cast %swap3A_597 : vector<1x16xf32> to vector<16xf32>
          %swap3A_599 = vector.shape_cast %mul3A_594 : vector<16xf32> to vector<1x16xf32>
          tpu.vector_store %arg13[%swap3A_595, %swap3A_596], %swap3A_599 {strides = array<i32>} : memref<128x128xf32, #tpu.memory_space<vmem>>, vector<1x16xf32>,
          %get3A_600 = arith.index_cast %add3A_546 : i32 to index
          %get3A_601 = arith.constant 80 : index
          %get3A_602 = tpu.vector_load %arg13[%get3A_600, %get3A_601] {strides = array<i32>} : memref<128x128xf32, #tpu.memory_space<vmem>>, vector<1x16xf32>,
          %get3A_603 = vector.shape_cast %get3A_602 : vector<1x16xf32> to vector<16xf32>
          %mul3A_604 = arith.mulf %get3A_603, %broadcast_in_dim3A_549 : vector<16xf32>
          %swap3A_605 = arith.index_cast %add3A_546 : i32 to index
          %swap3A_606 = arith.constant 80 : index
          %swap3A_607 = tpu.vector_load %arg13[%swap3A_605, %swap3A_606] {strides = array<i32>} : memref<128x128xf32, #tpu.memory_space<vmem>>, vector<1x16xf32>,
          %swap3A_608 = vector.shape_cast %swap3A_607 : vector<1x16xf32> to vector<16xf32>
          %swap3A_609 = vector.shape_cast %mul3A_604 : vector<16xf32> to vector<1x16xf32>
          tpu.vector_store %arg13[%swap3A_605, %swap3A_606], %swap3A_609 {strides = array<i32>} : memref<128x128xf32, #tpu.memory_space<vmem>>, vector<1x16xf32>,
          %get3A_610 = arith.index_cast %add3A_546 : i32 to index
          %get3A_611 = arith.constant 96 : index
          %get3A_612 = tpu.vector_load %arg13[%get3A_610, %get3A_611] {strides = array<i32>} : memref<128x128xf32, #tpu.memory_space<vmem>>, vector<1x16xf32>,
          %get3A_613 = vector.shape_cast %get3A_612 : vector<1x16xf32> to vector<16xf32>
          %mul3A_614 = arith.mulf %get3A_613, %broadcast_in_dim3A_549 : vector<16xf32>
          %swap3A_615 = arith.index_cast %add3A_546 : i32 to index
          %swap3A_616 = arith.constant 96 : index
          %swap3A_617 = tpu.vector_load %arg13[%swap3A_615, %swap3A_616] {strides = array<i32>} : memref<128x128xf32, #tpu.memory_space<vmem>>, vector<1x16xf32>,
          %swap3A_618 = vector.shape_cast %swap3A_617 : vector<1x16xf32> to vector<16xf32>
          %swap3A_619 = vector.shape_cast %mul3A_614 : vector<16xf32> to vector<1x16xf32>
          tpu.vector_store %arg13[%swap3A_615, %swap3A_616], %swap3A_619 {strides = array<i32>} : memref<128x128xf32, #tpu.memory_space<vmem>>, vector<1x16xf32>,
          %get3A_620 = arith.index_cast %add3A_546 : i32 to index
          %get3A_621 = arith.constant 112 : index
          %get3A_622 = tpu.vector_load %arg13[%get3A_620, %get3A_621] {strides = array<i32>} : memref<128x128xf32, #tpu.memory_space<vmem>>, vector<1x16xf32>,
          %get3A_623 = vector.shape_cast %get3A_622 : vector<1x16xf32> to vector<16xf32>
          %mul3A_624 = arith.mulf %get3A_623, %broadcast_in_dim3A_549 : vector<16xf32>
          %swap3A_625 = arith.index_cast %add3A_546 : i32 to index
          %swap3A_626 = arith.constant 112 : index
          %swap3A_627 = tpu.vector_load %arg13[%swap3A_625, %swap3A_626] {strides = array<i32>} : memref<128x128xf32, #tpu.memory_space<vmem>>, vector<1x16xf32>,
          %swap3A_628 = vector.shape_cast %swap3A_627 : vector<1x16xf32> to vector<16xf32>
          %swap3A_629 = vector.shape_cast %mul3A_624 : vector<16xf32> to vector<1x16xf32>
          tpu.vector_store %arg13[%swap3A_625, %swap3A_626], %swap3A_629 {strides = array<i32>} : memref<128x128xf32, #tpu.memory_space<vmem>>, vector<1x16xf32>,
          %mul3A_630 = arith.constant 16 : i32
          %mul3A_631 = arith.muli %scan3A_155, %mul3A_630 : i32
          %add3A_632 = arith.constant 5 : i32
          %add3A_633 = arith.addi %mul3A_631, %add3A_632 : i32
          %slice3A_634 = vector.extract_strided_slice %div3A_195 {offsets = [5], sizes = [1], strides = [1]} : vector<16xf32> to vector<1xf32>
          %squeeze3A_635 = vector.extract %slice3A_634[0] : f32 from vector<1xf32>
          %broadcast_in_dim3A_636 = vector.broadcast %squeeze3A_635 : f32 to vector<16xf32>
          %get3A_637 = arith.index_cast %add3A_633 : i32 to index
          %get3A_638 = arith.constant 0 : index
          %get3A_639 = tpu.vector_load %arg13[%get3A_637, %get3A_638] {strides = array<i32>} : memref<128x128xf32, #tpu.memory_space<vmem>>, vector<1x16xf32>,
          %get3A_640 = vector.shape_cast %get3A_639 : vector<1x16xf32> to vector<16xf32>
          %mul3A_641 = arith.mulf %get3A_640, %broadcast_in_dim3A_636 : vector<16xf32>
          %swap3A_642 = arith.index_cast %add3A_633 : i32 to index
          %swap3A_643 = arith.constant 0 : index
          %swap3A_644 = tpu.vector_load %arg13[%swap3A_642, %swap3A_643] {strides = array<i32>} : memref<128x128xf32, #tpu.memory_space<vmem>>, vector<1x16xf32>,
          %swap3A_645 = vector.shape_cast %swap3A_644 : vector<1x16xf32> to vector<16xf32>
          %swap3A_646 = vector.shape_cast %mul3A_641 : vector<16xf32> to vector<1x16xf32>
          tpu.vector_store %arg13[%swap3A_642, %swap3A_643], %swap3A_646 {strides = array<i32>} : memref<128x128xf32, #tpu.memory_space<vmem>>, vector<1x16xf32>,
          %get3A_647 = arith.index_cast %add3A_633 : i32 to index
          %get3A_648 = arith.constant 16 : index
          %get3A_649 = tpu.vector_load %arg13[%get3A_647, %get3A_648] {strides = array<i32>} : memref<128x128xf32, #tpu.memory_space<vmem>>, vector<1x16xf32>,
          %get3A_650 = vector.shape_cast %get3A_649 : vector<1x16xf32> to vector<16xf32>
          %mul3A_651 = arith.mulf %get3A_650, %broadcast_in_dim3A_636 : vector<16xf32>
          %swap3A_652 = arith.index_cast %add3A_633 : i32 to index
          %swap3A_653 = arith.constant 16 : index
          %swap3A_654 = tpu.vector_load %arg13[%swap3A_652, %swap3A_653] {strides = array<i32>} : memref<128x128xf32, #tpu.memory_space<vmem>>, vector<1x16xf32>,
          %swap3A_655 = vector.shape_cast %swap3A_654 : vector<1x16xf32> to vector<16xf32>
          %swap3A_656 = vector.shape_cast %mul3A_651 : vector<16xf32> to vector<1x16xf32>
          tpu.vector_store %arg13[%swap3A_652, %swap3A_653], %swap3A_656 {strides = array<i32>} : memref<128x128xf32, #tpu.memory_space<vmem>>, vector<1x16xf32>,
          %get3A_657 = arith.index_cast %add3A_633 : i32 to index
          %get3A_658 = arith.constant 32 : index
          %get3A_659 = tpu.vector_load %arg13[%get3A_657, %get3A_658] {strides = array<i32>} : memref<128x128xf32, #tpu.memory_space<vmem>>, vector<1x16xf32>,
          %get3A_660 = vector.shape_cast %get3A_659 : vector<1x16xf32> to vector<16xf32>
          %mul3A_661 = arith.mulf %get3A_660, %broadcast_in_dim3A_636 : vector<16xf32>
          %swap3A_662 = arith.index_cast %add3A_633 : i32 to index
          %swap3A_663 = arith.constant 32 : index
          %swap3A_664 = tpu.vector_load %arg13[%swap3A_662, %swap3A_663] {strides = array<i32>} : memref<128x128xf32, #tpu.memory_space<vmem>>, vector<1x16xf32>,
          %swap3A_665 = vector.shape_cast %swap3A_664 : vector<1x16xf32> to vector<16xf32>
          %swap3A_666 = vector.shape_cast %mul3A_661 : vector<16xf32> to vector<1x16xf32>
          tpu.vector_store %arg13[%swap3A_662, %swap3A_663], %swap3A_666 {strides = array<i32>} : memref<128x128xf32, #tpu.memory_space<vmem>>, vector<1x16xf32>,
          %get3A_667 = arith.index_cast %add3A_633 : i32 to index
          %get3A_668 = arith.constant 48 : index
          %get3A_669 = tpu.vector_load %arg13[%get3A_667, %get3A_668] {strides = array<i32>} : memref<128x128xf32, #tpu.memory_space<vmem>>, vector<1x16xf32>,
          %get3A_670 = vector.shape_cast %get3A_669 : vector<1x16xf32> to vector<16xf32>
          %mul3A_671 = arith.mulf %get3A_670, %broadcast_in_dim3A_636 : vector<16xf32>
          %swap3A_672 = arith.index_cast %add3A_633 : i32 to index
          %swap3A_673 = arith.constant 48 : index
          %swap3A_674 = tpu.vector_load %arg13[%swap3A_672, %swap3A_673] {strides = array<i32>} : memref<128x128xf32, #tpu.memory_space<vmem>>, vector<1x16xf32>,
          %swap3A_675 = vector.shape_cast %swap3A_674 : vector<1x16xf32> to vector<16xf32>
          %swap3A_676 = vector.shape_cast %mul3A_671 : vector<16xf32> to vector<1x16xf32>
          tpu.vector_store %arg13[%swap3A_672, %swap3A_673], %swap3A_676 {strides = array<i32>} : memref<128x128xf32, #tpu.memory_space<vmem>>, vector<1x16xf32>,
          %get3A_677 = arith.index_cast %add3A_633 : i32 to index
          %get3A_678 = arith.constant 64 : index
          %get3A_679 = tpu.vector_load %arg13[%get3A_677, %get3A_678] {strides = array<i32>} : memref<128x128xf32, #tpu.memory_space<vmem>>, vector<1x16xf32>,
          %get3A_680 = vector.shape_cast %get3A_679 : vector<1x16xf32> to vector<16xf32>
          %mul3A_681 = arith.mulf %get3A_680, %broadcast_in_dim3A_636 : vector<16xf32>
          %swap3A_682 = arith.index_cast %add3A_633 : i32 to index
          %swap3A_683 = arith.constant 64 : index
          %swap3A_684 = tpu.vector_load %arg13[%swap3A_682, %swap3A_683] {strides = array<i32>} : memref<128x128xf32, #tpu.memory_space<vmem>>, vector<1x16xf32>,
          %swap3A_685 = vector.shape_cast %swap3A_684 : vector<1x16xf32> to vector<16xf32>
          %swap3A_686 = vector.shape_cast %mul3A_681 : vector<16xf32> to vector<1x16xf32>
          tpu.vector_store %arg13[%swap3A_682, %swap3A_683], %swap3A_686 {strides = array<i32>} : memref<128x128xf32, #tpu.memory_space<vmem>>, vector<1x16xf32>,
          %get3A_687 = arith.index_cast %add3A_633 : i32 to index
          %get3A_688 = arith.constant 80 : index
          %get3A_689 = tpu.vector_load %arg13[%get3A_687, %get3A_688] {strides = array<i32>} : memref<128x128xf32, #tpu.memory_space<vmem>>, vector<1x16xf32>,
          %get3A_690 = vector.shape_cast %get3A_689 : vector<1x16xf32> to vector<16xf32>
          %mul3A_691 = arith.mulf %get3A_690, %broadcast_in_dim3A_636 : vector<16xf32>
          %swap3A_692 = arith.index_cast %add3A_633 : i32 to index
          %swap3A_693 = arith.constant 80 : index
          %swap3A_694 = tpu.vector_load %arg13[%swap3A_692, %swap3A_693] {strides = array<i32>} : memref<128x128xf32, #tpu.memory_space<vmem>>, vector<1x16xf32>,
          %swap3A_695 = vector.shape_cast %swap3A_694 : vector<1x16xf32> to vector<16xf32>
          %swap3A_696 = vector.shape_cast %mul3A_691 : vector<16xf32> to vector<1x16xf32>
          tpu.vector_store %arg13[%swap3A_692, %swap3A_693], %swap3A_696 {strides = array<i32>} : memref<128x128xf32, #tpu.memory_space<vmem>>, vector<1x16xf32>,
          %get3A_697 = arith.index_cast %add3A_633 : i32 to index
          %get3A_698 = arith.constant 96 : index
          %get3A_699 = tpu.vector_load %arg13[%get3A_697, %get3A_698] {strides = array<i32>} : memref<128x128xf32, #tpu.memory_space<vmem>>, vector<1x16xf32>,
          %get3A_700 = vector.shape_cast %get3A_699 : vector<1x16xf32> to vector<16xf32>
          %mul3A_701 = arith.mulf %get3A_700, %broadcast_in_dim3A_636 : vector<16xf32>
          %swap3A_702 = arith.index_cast %add3A_633 : i32 to index
          %swap3A_703 = arith.constant 96 : index
          %swap3A_704 = tpu.vector_load %arg13[%swap3A_702, %swap3A_703] {strides = array<i32>} : memref<128x128xf32, #tpu.memory_space<vmem>>, vector<1x16xf32>,
          %swap3A_705 = vector.shape_cast %swap3A_704 : vector<1x16xf32> to vector<16xf32>
          %swap3A_706 = vector.shape_cast %mul3A_701 : vector<16xf32> to vector<1x16xf32>
          tpu.vector_store %arg13[%swap3A_702, %swap3A_703], %swap3A_706 {strides = array<i32>} : memref<128x128xf32, #tpu.memory_space<vmem>>, vector<1x16xf32>,
          %get3A_707 = arith.index_cast %add3A_633 : i32 to index
          %get3A_708 = arith.constant 112 : index
          %get3A_709 = tpu.vector_load %arg13[%get3A_707, %get3A_708] {strides = array<i32>} : memref<128x128xf32, #tpu.memory_space<vmem>>, vector<1x16xf32>,
          %get3A_710 = vector.shape_cast %get3A_709 : vector<1x16xf32> to vector<16xf32>
          %mul3A_711 = arith.mulf %get3A_710, %broadcast_in_dim3A_636 : vector<16xf32>
          %swap3A_712 = arith.index_cast %add3A_633 : i32 to index
          %swap3A_713 = arith.constant 112 : index
          %swap3A_714 = tpu.vector_load %arg13[%swap3A_712, %swap3A_713] {strides = array<i32>} : memref<128x128xf32, #tpu.memory_space<vmem>>, vector<1x16xf32>,
          %swap3A_715 = vector.shape_cast %swap3A_714 : vector<1x16xf32> to vector<16xf32>
          %swap3A_716 = vector.shape_cast %mul3A_711 : vector<16xf32> to vector<1x16xf32>
          tpu.vector_store %arg13[%swap3A_712, %swap3A_713], %swap3A_716 {strides = array<i32>} : memref<128x128xf32, #tpu.memory_space<vmem>>, vector<1x16xf32>,
          %mul3A_717 = arith.constant 16 : i32
          %mul3A_718 = arith.muli %scan3A_155, %mul3A_717 : i32
          %add3A_719 = arith.constant 6 : i32
          %add3A_720 = arith.addi %mul3A_718, %add3A_719 : i32
          %slice3A_721 = vector.extract_strided_slice %div3A_195 {offsets = [6], sizes = [1], strides = [1]} : vector<16xf32> to vector<1xf32>
          %squeeze3A_722 = vector.extract %slice3A_721[0] : f32 from vector<1xf32>
          %broadcast_in_dim3A_723 = vector.broadcast %squeeze3A_722 : f32 to vector<16xf32>
          %get3A_724 = arith.index_cast %add3A_720 : i32 to index
          %get3A_725 = arith.constant 0 : index
          %get3A_726 = tpu.vector_load %arg13[%get3A_724, %get3A_725] {strides = array<i32>} : memref<128x128xf32, #tpu.memory_space<vmem>>, vector<1x16xf32>,
          %get3A_727 = vector.shape_cast %get3A_726 : vector<1x16xf32> to vector<16xf32>
          %mul3A_728 = arith.mulf %get3A_727, %broadcast_in_dim3A_723 : vector<16xf32>
          %swap3A_729 = arith.index_cast %add3A_720 : i32 to index
          %swap3A_730 = arith.constant 0 : index
          %swap3A_731 = tpu.vector_load %arg13[%swap3A_729, %swap3A_730] {strides = array<i32>} : memref<128x128xf32, #tpu.memory_space<vmem>>, vector<1x16xf32>,
          %swap3A_732 = vector.shape_cast %swap3A_731 : vector<1x16xf32> to vector<16xf32>
          %swap3A_733 = vector.shape_cast %mul3A_728 : vector<16xf32> to vector<1x16xf32>
          tpu.vector_store %arg13[%swap3A_729, %swap3A_730], %swap3A_733 {strides = array<i32>} : memref<128x128xf32, #tpu.memory_space<vmem>>, vector<1x16xf32>,
          %get3A_734 = arith.index_cast %add3A_720 : i32 to index
          %get3A_735 = arith.constant 16 : index
          %get3A_736 = tpu.vector_load %arg13[%get3A_734, %get3A_735] {strides = array<i32>} : memref<128x128xf32, #tpu.memory_space<vmem>>, vector<1x16xf32>,
          %get3A_737 = vector.shape_cast %get3A_736 : vector<1x16xf32> to vector<16xf32>
          %mul3A_738 = arith.mulf %get3A_737, %broadcast_in_dim3A_723 : vector<16xf32>
          %swap3A_739 = arith.index_cast %add3A_720 : i32 to index
          %swap3A_740 = arith.constant 16 : index
          %swap3A_741 = tpu.vector_load %arg13[%swap3A_739, %swap3A_740] {strides = array<i32>} : memref<128x128xf32, #tpu.memory_space<vmem>>, vector<1x16xf32>,
          %swap3A_742 = vector.shape_cast %swap3A_741 : vector<1x16xf32> to vector<16xf32>
          %swap3A_743 = vector.shape_cast %mul3A_738 : vector<16xf32> to vector<1x16xf32>
          tpu.vector_store %arg13[%swap3A_739, %swap3A_740], %swap3A_743 {strides = array<i32>} : memref<128x128xf32, #tpu.memory_space<vmem>>, vector<1x16xf32>,
          %get3A_744 = arith.index_cast %add3A_720 : i32 to index
          %get3A_745 = arith.constant 32 : index
          %get3A_746 = tpu.vector_load %arg13[%get3A_744, %get3A_745] {strides = array<i32>} : memref<128x128xf32, #tpu.memory_space<vmem>>, vector<1x16xf32>,
          %get3A_747 = vector.shape_cast %get3A_746 : vector<1x16xf32> to vector<16xf32>
          %mul3A_748 = arith.mulf %get3A_747, %broadcast_in_dim3A_723 : vector<16xf32>
          %swap3A_749 = arith.index_cast %add3A_720 : i32 to index
          %swap3A_750 = arith.constant 32 : index
          %swap3A_751 = tpu.vector_load %arg13[%swap3A_749, %swap3A_750] {strides = array<i32>} : memref<128x128xf32, #tpu.memory_space<vmem>>, vector<1x16xf32>,
          %swap3A_752 = vector.shape_cast %swap3A_751 : vector<1x16xf32> to vector<16xf32>
          %swap3A_753 = vector.shape_cast %mul3A_748 : vector<16xf32> to vector<1x16xf32>
          tpu.vector_store %arg13[%swap3A_749, %swap3A_750], %swap3A_753 {strides = array<i32>} : memref<128x128xf32, #tpu.memory_space<vmem>>, vector<1x16xf32>,
          %get3A_754 = arith.index_cast %add3A_720 : i32 to index
          %get3A_755 = arith.constant 48 : index
          %get3A_756 = tpu.vector_load %arg13[%get3A_754, %get3A_755] {strides = array<i32>} : memref<128x128xf32, #tpu.memory_space<vmem>>, vector<1x16xf32>,
          %get3A_757 = vector.shape_cast %get3A_756 : vector<1x16xf32> to vector<16xf32>
          %mul3A_758 = arith.mulf %get3A_757, %broadcast_in_dim3A_723 : vector<16xf32>
          %swap3A_759 = arith.index_cast %add3A_720 : i32 to index
          %swap3A_760 = arith.constant 48 : index
          %swap3A_761 = tpu.vector_load %arg13[%swap3A_759, %swap3A_760] {strides = array<i32>} : memref<128x128xf32, #tpu.memory_space<vmem>>, vector<1x16xf32>,
          %swap3A_762 = vector.shape_cast %swap3A_761 : vector<1x16xf32> to vector<16xf32>
          %swap3A_763 = vector.shape_cast %mul3A_758 : vector<16xf32> to vector<1x16xf32>
          tpu.vector_store %arg13[%swap3A_759, %swap3A_760], %swap3A_763 {strides = array<i32>} : memref<128x128xf32, #tpu.memory_space<vmem>>, vector<1x16xf32>,
          %get3A_764 = arith.index_cast %add3A_720 : i32 to index
          %get3A_765 = arith.constant 64 : index
          %get3A_766 = tpu.vector_load %arg13[%get3A_764, %get3A_765] {strides = array<i32>} : memref<128x128xf32, #tpu.memory_space<vmem>>, vector<1x16xf32>,
          %get3A_767 = vector.shape_cast %get3A_766 : vector<1x16xf32> to vector<16xf32>
          %mul3A_768 = arith.mulf %get3A_767, %broadcast_in_dim3A_723 : vector<16xf32>
          %swap3A_769 = arith.index_cast %add3A_720 : i32 to index
          %swap3A_770 = arith.constant 64 : index
          %swap3A_771 = tpu.vector_load %arg13[%swap3A_769, %swap3A_770] {strides = array<i32>} : memref<128x128xf32, #tpu.memory_space<vmem>>, vector<1x16xf32>,
          %swap3A_772 = vector.shape_cast %swap3A_771 : vector<1x16xf32> to vector<16xf32>
          %swap3A_773 = vector.shape_cast %mul3A_768 : vector<16xf32> to vector<1x16xf32>
          tpu.vector_store %arg13[%swap3A_769, %swap3A_770], %swap3A_773 {strides = array<i32>} : memref<128x128xf32, #tpu.memory_space<vmem>>, vector<1x16xf32>,
          %get3A_774 = arith.index_cast %add3A_720 : i32 to index
          %get3A_775 = arith.constant 80 : index
          %get3A_776 = tpu.vector_load %arg13[%get3A_774, %get3A_775] {strides = array<i32>} : memref<128x128xf32, #tpu.memory_space<vmem>>, vector<1x16xf32>,
          %get3A_777 = vector.shape_cast %get3A_776 : vector<1x16xf32> to vector<16xf32>
          %mul3A_778 = arith.mulf %get3A_777, %broadcast_in_dim3A_723 : vector<16xf32>
          %swap3A_779 = arith.index_cast %add3A_720 : i32 to index
          %swap3A_780 = arith.constant 80 : index
          %swap3A_781 = tpu.vector_load %arg13[%swap3A_779, %swap3A_780] {strides = array<i32>} : memref<128x128xf32, #tpu.memory_space<vmem>>, vector<1x16xf32>,
          %swap3A_782 = vector.shape_cast %swap3A_781 : vector<1x16xf32> to vector<16xf32>
          %swap3A_783 = vector.shape_cast %mul3A_778 : vector<16xf32> to vector<1x16xf32>
          tpu.vector_store %arg13[%swap3A_779, %swap3A_780], %swap3A_783 {strides = array<i32>} : memref<128x128xf32, #tpu.memory_space<vmem>>, vector<1x16xf32>,
          %get3A_784 = arith.index_cast %add3A_720 : i32 to index
          %get3A_785 = arith.constant 96 : index
          %get3A_786 = tpu.vector_load %arg13[%get3A_784, %get3A_785] {strides = array<i32>} : memref<128x128xf32, #tpu.memory_space<vmem>>, vector<1x16xf32>,
          %get3A_787 = vector.shape_cast %get3A_786 : vector<1x16xf32> to vector<16xf32>
          %mul3A_788 = arith.mulf %get3A_787, %broadcast_in_dim3A_723 : vector<16xf32>
          %swap3A_789 = arith.index_cast %add3A_720 : i32 to index
          %swap3A_790 = arith.constant 96 : index
          %swap3A_791 = tpu.vector_load %arg13[%swap3A_789, %swap3A_790] {strides = array<i32>} : memref<128x128xf32, #tpu.memory_space<vmem>>, vector<1x16xf32>,
          %swap3A_792 = vector.shape_cast %swap3A_791 : vector<1x16xf32> to vector<16xf32>
          %swap3A_793 = vector.shape_cast %mul3A_788 : vector<16xf32> to vector<1x16xf32>
          tpu.vector_store %arg13[%swap3A_789, %swap3A_790], %swap3A_793 {strides = array<i32>} : memref<128x128xf32, #tpu.memory_space<vmem>>, vector<1x16xf32>,
          %get3A_794 = arith.index_cast %add3A_720 : i32 to index
          %get3A_795 = arith.constant 112 : index
          %get3A_796 = tpu.vector_load %arg13[%get3A_794, %get3A_795] {strides = array<i32>} : memref<128x128xf32, #tpu.memory_space<vmem>>, vector<1x16xf32>,
          %get3A_797 = vector.shape_cast %get3A_796 : vector<1x16xf32> to vector<16xf32>
          %mul3A_798 = arith.mulf %get3A_797, %broadcast_in_dim3A_723 : vector<16xf32>
          %swap3A_799 = arith.index_cast %add3A_720 : i32 to index
          %swap3A_800 = arith.constant 112 : index
          %swap3A_801 = tpu.vector_load %arg13[%swap3A_799, %swap3A_800] {strides = array<i32>} : memref<128x128xf32, #tpu.memory_space<vmem>>, vector<1x16xf32>,
          %swap3A_802 = vector.shape_cast %swap3A_801 : vector<1x16xf32> to vector<16xf32>
          %swap3A_803 = vector.shape_cast %mul3A_798 : vector<16xf32> to vector<1x16xf32>
          tpu.vector_store %arg13[%swap3A_799, %swap3A_800], %swap3A_803 {strides = array<i32>} : memref<128x128xf32, #tpu.memory_space<vmem>>, vector<1x16xf32>,
          %mul3A_804 = arith.constant 16 : i32
          %mul3A_805 = arith.muli %scan3A_155, %mul3A_804 : i32
          %add3A_806 = arith.constant 7 : i32
          %add3A_807 = arith.addi %mul3A_805, %add3A_806 : i32
          %slice3A_808 = vector.extract_strided_slice %div3A_195 {offsets = [7], sizes = [1], strides = [1]} : vector<16xf32> to vector<1xf32>
          %squeeze3A_809 = vector.extract %slice3A_808[0] : f32 from vector<1xf32>
          %broadcast_in_dim3A_810 = vector.broadcast %squeeze3A_809 : f32 to vector<16xf32>
          %get3A_811 = arith.index_cast %add3A_807 : i32 to index
          %get3A_812 = arith.constant 0 : index
          %get3A_813 = tpu.vector_load %arg13[%get3A_811, %get3A_812] {strides = array<i32>} : memref<128x128xf32, #tpu.memory_space<vmem>>, vector<1x16xf32>,
          %get3A_814 = vector.shape_cast %get3A_813 : vector<1x16xf32> to vector<16xf32>
          %mul3A_815 = arith.mulf %get3A_814, %broadcast_in_dim3A_810 : vector<16xf32>
          %swap3A_816 = arith.index_cast %add3A_807 : i32 to index
          %swap3A_817 = arith.constant 0 : index
          %swap3A_818 = tpu.vector_load %arg13[%swap3A_816, %swap3A_817] {strides = array<i32>} : memref<128x128xf32, #tpu.memory_space<vmem>>, vector<1x16xf32>,
          %swap3A_819 = vector.shape_cast %swap3A_818 : vector<1x16xf32> to vector<16xf32>
          %swap3A_820 = vector.shape_cast %mul3A_815 : vector<16xf32> to vector<1x16xf32>
          tpu.vector_store %arg13[%swap3A_816, %swap3A_817], %swap3A_820 {strides = array<i32>} : memref<128x128xf32, #tpu.memory_space<vmem>>, vector<1x16xf32>,
          %get3A_821 = arith.index_cast %add3A_807 : i32 to index
          %get3A_822 = arith.constant 16 : index
          %get3A_823 = tpu.vector_load %arg13[%get3A_821, %get3A_822] {strides = array<i32>} : memref<128x128xf32, #tpu.memory_space<vmem>>, vector<1x16xf32>,
          %get3A_824 = vector.shape_cast %get3A_823 : vector<1x16xf32> to vector<16xf32>
          %mul3A_825 = arith.mulf %get3A_824, %broadcast_in_dim3A_810 : vector<16xf32>
          %swap3A_826 = arith.index_cast %add3A_807 : i32 to index
          %swap3A_827 = arith.constant 16 : index
          %swap3A_828 = tpu.vector_load %arg13[%swap3A_826, %swap3A_827] {strides = array<i32>} : memref<128x128xf32, #tpu.memory_space<vmem>>, vector<1x16xf32>,
          %swap3A_829 = vector.shape_cast %swap3A_828 : vector<1x16xf32> to vector<16xf32>
          %swap3A_830 = vector.shape_cast %mul3A_825 : vector<16xf32> to vector<1x16xf32>
          tpu.vector_store %arg13[%swap3A_826, %swap3A_827], %swap3A_830 {strides = array<i32>} : memref<128x128xf32, #tpu.memory_space<vmem>>, vector<1x16xf32>,
          %get3A_831 = arith.index_cast %add3A_807 : i32 to index
          %get3A_832 = arith.constant 32 : index
          %get3A_833 = tpu.vector_load %arg13[%get3A_831, %get3A_832] {strides = array<i32>} : memref<128x128xf32, #tpu.memory_space<vmem>>, vector<1x16xf32>,
          %get3A_834 = vector.shape_cast %get3A_833 : vector<1x16xf32> to vector<16xf32>
          %mul3A_835 = arith.mulf %get3A_834, %broadcast_in_dim3A_810 : vector<16xf32>
          %swap3A_836 = arith.index_cast %add3A_807 : i32 to index
          %swap3A_837 = arith.constant 32 : index
          %swap3A_838 = tpu.vector_load %arg13[%swap3A_836, %swap3A_837] {strides = array<i32>} : memref<128x128xf32, #tpu.memory_space<vmem>>, vector<1x16xf32>,
          %swap3A_839 = vector.shape_cast %swap3A_838 : vector<1x16xf32> to vector<16xf32>
          %swap3A_840 = vector.shape_cast %mul3A_835 : vector<16xf32> to vector<1x16xf32>
          tpu.vector_store %arg13[%swap3A_836, %swap3A_837], %swap3A_840 {strides = array<i32>} : memref<128x128xf32, #tpu.memory_space<vmem>>, vector<1x16xf32>,
          %get3A_841 = arith.index_cast %add3A_807 : i32 to index
          %get3A_842 = arith.constant 48 : index
          %get3A_843 = tpu.vector_load %arg13[%get3A_841, %get3A_842] {strides = array<i32>} : memref<128x128xf32, #tpu.memory_space<vmem>>, vector<1x16xf32>,
          %get3A_844 = vector.shape_cast %get3A_843 : vector<1x16xf32> to vector<16xf32>
          %mul3A_845 = arith.mulf %get3A_844, %broadcast_in_dim3A_810 : vector<16xf32>
          %swap3A_846 = arith.index_cast %add3A_807 : i32 to index
          %swap3A_847 = arith.constant 48 : index
          %swap3A_848 = tpu.vector_load %arg13[%swap3A_846, %swap3A_847] {strides = array<i32>} : memref<128x128xf32, #tpu.memory_space<vmem>>, vector<1x16xf32>,
          %swap3A_849 = vector.shape_cast %swap3A_848 : vector<1x16xf32> to vector<16xf32>
          %swap3A_850 = vector.shape_cast %mul3A_845 : vector<16xf32> to vector<1x16xf32>
          tpu.vector_store %arg13[%swap3A_846, %swap3A_847], %swap3A_850 {strides = array<i32>} : memref<128x128xf32, #tpu.memory_space<vmem>>, vector<1x16xf32>,
          %get3A_851 = arith.index_cast %add3A_807 : i32 to index
          %get3A_852 = arith.constant 64 : index
          %get3A_853 = tpu.vector_load %arg13[%get3A_851, %get3A_852] {strides = array<i32>} : memref<128x128xf32, #tpu.memory_space<vmem>>, vector<1x16xf32>,
          %get3A_854 = vector.shape_cast %get3A_853 : vector<1x16xf32> to vector<16xf32>
          %mul3A_855 = arith.mulf %get3A_854, %broadcast_in_dim3A_810 : vector<16xf32>
          %swap3A_856 = arith.index_cast %add3A_807 : i32 to index
          %swap3A_857 = arith.constant 64 : index
          %swap3A_858 = tpu.vector_load %arg13[%swap3A_856, %swap3A_857] {strides = array<i32>} : memref<128x128xf32, #tpu.memory_space<vmem>>, vector<1x16xf32>,
          %swap3A_859 = vector.shape_cast %swap3A_858 : vector<1x16xf32> to vector<16xf32>
          %swap3A_860 = vector.shape_cast %mul3A_855 : vector<16xf32> to vector<1x16xf32>
          tpu.vector_store %arg13[%swap3A_856, %swap3A_857], %swap3A_860 {strides = array<i32>} : memref<128x128xf32, #tpu.memory_space<vmem>>, vector<1x16xf32>,
          %get3A_861 = arith.index_cast %add3A_807 : i32 to index
          %get3A_862 = arith.constant 80 : index
          %get3A_863 = tpu.vector_load %arg13[%get3A_861, %get3A_862] {strides = array<i32>} : memref<128x128xf32, #tpu.memory_space<vmem>>, vector<1x16xf32>,
          %get3A_864 = vector.shape_cast %get3A_863 : vector<1x16xf32> to vector<16xf32>
          %mul3A_865 = arith.mulf %get3A_864, %broadcast_in_dim3A_810 : vector<16xf32>
          %swap3A_866 = arith.index_cast %add3A_807 : i32 to index
          %swap3A_867 = arith.constant 80 : index
          %swap3A_868 = tpu.vector_load %arg13[%swap3A_866, %swap3A_867] {strides = array<i32>} : memref<128x128xf32, #tpu.memory_space<vmem>>, vector<1x16xf32>,
          %swap3A_869 = vector.shape_cast %swap3A_868 : vector<1x16xf32> to vector<16xf32>
          %swap3A_870 = vector.shape_cast %mul3A_865 : vector<16xf32> to vector<1x16xf32>
          tpu.vector_store %arg13[%swap3A_866, %swap3A_867], %swap3A_870 {strides = array<i32>} : memref<128x128xf32, #tpu.memory_space<vmem>>, vector<1x16xf32>,
          %get3A_871 = arith.index_cast %add3A_807 : i32 to index
          %get3A_872 = arith.constant 96 : index
          %get3A_873 = tpu.vector_load %arg13[%get3A_871, %get3A_872] {strides = array<i32>} : memref<128x128xf32, #tpu.memory_space<vmem>>, vector<1x16xf32>,
          %get3A_874 = vector.shape_cast %get3A_873 : vector<1x16xf32> to vector<16xf32>
          %mul3A_875 = arith.mulf %get3A_874, %broadcast_in_dim3A_810 : vector<16xf32>
          %swap3A_876 = arith.index_cast %add3A_807 : i32 to index
          %swap3A_877 = arith.constant 96 : index
          %swap3A_878 = tpu.vector_load %arg13[%swap3A_876, %swap3A_877] {strides = array<i32>} : memref<128x128xf32, #tpu.memory_space<vmem>>, vector<1x16xf32>,
          %swap3A_879 = vector.shape_cast %swap3A_878 : vector<1x16xf32> to vector<16xf32>
          %swap3A_880 = vector.shape_cast %mul3A_875 : vector<16xf32> to vector<1x16xf32>
          tpu.vector_store %arg13[%swap3A_876, %swap3A_877], %swap3A_880 {strides = array<i32>} : memref<128x128xf32, #tpu.memory_space<vmem>>, vector<1x16xf32>,
          %get3A_881 = arith.index_cast %add3A_807 : i32 to index
          %get3A_882 = arith.constant 112 : index
          %get3A_883 = tpu.vector_load %arg13[%get3A_881, %get3A_882] {strides = array<i32>} : memref<128x128xf32, #tpu.memory_space<vmem>>, vector<1x16xf32>,
          %get3A_884 = vector.shape_cast %get3A_883 : vector<1x16xf32> to vector<16xf32>
          %mul3A_885 = arith.mulf %get3A_884, %broadcast_in_dim3A_810 : vector<16xf32>
          %swap3A_886 = arith.index_cast %add3A_807 : i32 to index
          %swap3A_887 = arith.constant 112 : index
          %swap3A_888 = tpu.vector_load %arg13[%swap3A_886, %swap3A_887] {strides = array<i32>} : memref<128x128xf32, #tpu.memory_space<vmem>>, vector<1x16xf32>,
          %swap3A_889 = vector.shape_cast %swap3A_888 : vector<1x16xf32> to vector<16xf32>
          %swap3A_890 = vector.shape_cast %mul3A_885 : vector<16xf32> to vector<1x16xf32>
          tpu.vector_store %arg13[%swap3A_886, %swap3A_887], %swap3A_890 {strides = array<i32>} : memref<128x128xf32, #tpu.memory_space<vmem>>, vector<1x16xf32>,
          %mul3A_891 = arith.constant 16 : i32
          %mul3A_892 = arith.muli %scan3A_155, %mul3A_891 : i32
          %add3A_893 = arith.constant 8 : i32
          %add3A_894 = arith.addi %mul3A_892, %add3A_893 : i32
          %slice3A_895 = vector.extract_strided_slice %div3A_195 {offsets = [8], sizes = [1], strides = [1]} : vector<16xf32> to vector<1xf32>
          %squeeze3A_896 = vector.extract %slice3A_895[0] : f32 from vector<1xf32>
          %broadcast_in_dim3A_897 = vector.broadcast %squeeze3A_896 : f32 to vector<16xf32>
          %get3A_898 = arith.index_cast %add3A_894 : i32 to index
          %get3A_899 = arith.constant 0 : index
          %get3A_900 = tpu.vector_load %arg13[%get3A_898, %get3A_899] {strides = array<i32>} : memref<128x128xf32, #tpu.memory_space<vmem>>, vector<1x16xf32>,
          %get3A_901 = vector.shape_cast %get3A_900 : vector<1x16xf32> to vector<16xf32>
          %mul3A_902 = arith.mulf %get3A_901, %broadcast_in_dim3A_897 : vector<16xf32>
          %swap3A_903 = arith.index_cast %add3A_894 : i32 to index
          %swap3A_904 = arith.constant 0 : index
          %swap3A_905 = tpu.vector_load %arg13[%swap3A_903, %swap3A_904] {strides = array<i32>} : memref<128x128xf32, #tpu.memory_space<vmem>>, vector<1x16xf32>,
          %swap3A_906 = vector.shape_cast %swap3A_905 : vector<1x16xf32> to vector<16xf32>
          %swap3A_907 = vector.shape_cast %mul3A_902 : vector<16xf32> to vector<1x16xf32>
          tpu.vector_store %arg13[%swap3A_903, %swap3A_904], %swap3A_907 {strides = array<i32>} : memref<128x128xf32, #tpu.memory_space<vmem>>, vector<1x16xf32>,
          %get3A_908 = arith.index_cast %add3A_894 : i32 to index
          %get3A_909 = arith.constant 16 : index
          %get3A_910 = tpu.vector_load %arg13[%get3A_908, %get3A_909] {strides = array<i32>} : memref<128x128xf32, #tpu.memory_space<vmem>>, vector<1x16xf32>,
          %get3A_911 = vector.shape_cast %get3A_910 : vector<1x16xf32> to vector<16xf32>
          %mul3A_912 = arith.mulf %get3A_911, %broadcast_in_dim3A_897 : vector<16xf32>
          %swap3A_913 = arith.index_cast %add3A_894 : i32 to index
          %swap3A_914 = arith.constant 16 : index
          %swap3A_915 = tpu.vector_load %arg13[%swap3A_913, %swap3A_914] {strides = array<i32>} : memref<128x128xf32, #tpu.memory_space<vmem>>, vector<1x16xf32>,
          %swap3A_916 = vector.shape_cast %swap3A_915 : vector<1x16xf32> to vector<16xf32>
          %swap3A_917 = vector.shape_cast %mul3A_912 : vector<16xf32> to vector<1x16xf32>
          tpu.vector_store %arg13[%swap3A_913, %swap3A_914], %swap3A_917 {strides = array<i32>} : memref<128x128xf32, #tpu.memory_space<vmem>>, vector<1x16xf32>,
          %get3A_918 = arith.index_cast %add3A_894 : i32 to index
          %get3A_919 = arith.constant 32 : index
          %get3A_920 = tpu.vector_load %arg13[%get3A_918, %get3A_919] {strides = array<i32>} : memref<128x128xf32, #tpu.memory_space<vmem>>, vector<1x16xf32>,
          %get3A_921 = vector.shape_cast %get3A_920 : vector<1x16xf32> to vector<16xf32>
          %mul3A_922 = arith.mulf %get3A_921, %broadcast_in_dim3A_897 : vector<16xf32>
          %swap3A_923 = arith.index_cast %add3A_894 : i32 to index
          %swap3A_924 = arith.constant 32 : index
          %swap3A_925 = tpu.vector_load %arg13[%swap3A_923, %swap3A_924] {strides = array<i32>} : memref<128x128xf32, #tpu.memory_space<vmem>>, vector<1x16xf32>,
          %swap3A_926 = vector.shape_cast %swap3A_925 : vector<1x16xf32> to vector<16xf32>
          %swap3A_927 = vector.shape_cast %mul3A_922 : vector<16xf32> to vector<1x16xf32>
          tpu.vector_store %arg13[%swap3A_923, %swap3A_924], %swap3A_927 {strides = array<i32>} : memref<128x128xf32, #tpu.memory_space<vmem>>, vector<1x16xf32>,
          %get3A_928 = arith.index_cast %add3A_894 : i32 to index
          %get3A_929 = arith.constant 48 : index
          %get3A_930 = tpu.vector_load %arg13[%get3A_928, %get3A_929] {strides = array<i32>} : memref<128x128xf32, #tpu.memory_space<vmem>>, vector<1x16xf32>,
          %get3A_931 = vector.shape_cast %get3A_930 : vector<1x16xf32> to vector<16xf32>
          %mul3A_932 = arith.mulf %get3A_931, %broadcast_in_dim3A_897 : vector<16xf32>
          %swap3A_933 = arith.index_cast %add3A_894 : i32 to index
          %swap3A_934 = arith.constant 48 : index
          %swap3A_935 = tpu.vector_load %arg13[%swap3A_933, %swap3A_934] {strides = array<i32>} : memref<128x128xf32, #tpu.memory_space<vmem>>, vector<1x16xf32>,
          %swap3A_936 = vector.shape_cast %swap3A_935 : vector<1x16xf32> to vector<16xf32>
          %swap3A_937 = vector.shape_cast %mul3A_932 : vector<16xf32> to vector<1x16xf32>
          tpu.vector_store %arg13[%swap3A_933, %swap3A_934], %swap3A_937 {strides = array<i32>} : memref<128x128xf32, #tpu.memory_space<vmem>>, vector<1x16xf32>,
          %get3A_938 = arith.index_cast %add3A_894 : i32 to index
          %get3A_939 = arith.constant 64 : index
          %get3A_940 = tpu.vector_load %arg13[%get3A_938, %get3A_939] {strides = array<i32>} : memref<128x128xf32, #tpu.memory_space<vmem>>, vector<1x16xf32>,
          %get3A_941 = vector.shape_cast %get3A_940 : vector<1x16xf32> to vector<16xf32>
          %mul3A_942 = arith.mulf %get3A_941, %broadcast_in_dim3A_897 : vector<16xf32>
          %swap3A_943 = arith.index_cast %add3A_894 : i32 to index
          %swap3A_944 = arith.constant 64 : index
          %swap3A_945 = tpu.vector_load %arg13[%swap3A_943, %swap3A_944] {strides = array<i32>} : memref<128x128xf32, #tpu.memory_space<vmem>>, vector<1x16xf32>,
          %swap3A_946 = vector.shape_cast %swap3A_945 : vector<1x16xf32> to vector<16xf32>
          %swap3A_947 = vector.shape_cast %mul3A_942 : vector<16xf32> to vector<1x16xf32>
          tpu.vector_store %arg13[%swap3A_943, %swap3A_944], %swap3A_947 {strides = array<i32>} : memref<128x128xf32, #tpu.memory_space<vmem>>, vector<1x16xf32>,
          %get3A_948 = arith.index_cast %add3A_894 : i32 to index
          %get3A_949 = arith.constant 80 : index
          %get3A_950 = tpu.vector_load %arg13[%get3A_948, %get3A_949] {strides = array<i32>} : memref<128x128xf32, #tpu.memory_space<vmem>>, vector<1x16xf32>,
          %get3A_951 = vector.shape_cast %get3A_950 : vector<1x16xf32> to vector<16xf32>
          %mul3A_952 = arith.mulf %get3A_951, %broadcast_in_dim3A_897 : vector<16xf32>
          %swap3A_953 = arith.index_cast %add3A_894 : i32 to index
          %swap3A_954 = arith.constant 80 : index
          %swap3A_955 = tpu.vector_load %arg13[%swap3A_953, %swap3A_954] {strides = array<i32>} : memref<128x128xf32, #tpu.memory_space<vmem>>, vector<1x16xf32>,
          %swap3A_956 = vector.shape_cast %swap3A_955 : vector<1x16xf32> to vector<16xf32>
          %swap3A_957 = vector.shape_cast %mul3A_952 : vector<16xf32> to vector<1x16xf32>
          tpu.vector_store %arg13[%swap3A_953, %swap3A_954], %swap3A_957 {strides = array<i32>} : memref<128x128xf32, #tpu.memory_space<vmem>>, vector<1x16xf32>,
          %get3A_958 = arith.index_cast %add3A_894 : i32 to index
          %get3A_959 = arith.constant 96 : index
          %get3A_960 = tpu.vector_load %arg13[%get3A_958, %get3A_959] {strides = array<i32>} : memref<128x128xf32, #tpu.memory_space<vmem>>, vector<1x16xf32>,
          %get3A_961 = vector.shape_cast %get3A_960 : vector<1x16xf32> to vector<16xf32>
          %mul3A_962 = arith.mulf %get3A_961, %broadcast_in_dim3A_897 : vector<16xf32>
          %swap3A_963 = arith.index_cast %add3A_894 : i32 to index
          %swap3A_964 = arith.constant 96 : index
          %swap3A_965 = tpu.vector_load %arg13[%swap3A_963, %swap3A_964] {strides = array<i32>} : memref<128x128xf32, #tpu.memory_space<vmem>>, vector<1x16xf32>,
          %swap3A_966 = vector.shape_cast %swap3A_965 : vector<1x16xf32> to vector<16xf32>
          %swap3A_967 = vector.shape_cast %mul3A_962 : vector<16xf32> to vector<1x16xf32>
          tpu.vector_store %arg13[%swap3A_963, %swap3A_964], %swap3A_967 {strides = array<i32>} : memref<128x128xf32, #tpu.memory_space<vmem>>, vector<1x16xf32>,
          %get3A_968 = arith.index_cast %add3A_894 : i32 to index
          %get3A_969 = arith.constant 112 : index
          %get3A_970 = tpu.vector_load %arg13[%get3A_968, %get3A_969] {strides = array<i32>} : memref<128x128xf32, #tpu.memory_space<vmem>>, vector<1x16xf32>,
          %get3A_971 = vector.shape_cast %get3A_970 : vector<1x16xf32> to vector<16xf32>
          %mul3A_972 = arith.mulf %get3A_971, %broadcast_in_dim3A_897 : vector<16xf32>
          %swap3A_973 = arith.index_cast %add3A_894 : i32 to index
          %swap3A_974 = arith.constant 112 : index
          %swap3A_975 = tpu.vector_load %arg13[%swap3A_973, %swap3A_974] {strides = array<i32>} : memref<128x128xf32, #tpu.memory_space<vmem>>, vector<1x16xf32>,
          %swap3A_976 = vector.shape_cast %swap3A_975 : vector<1x16xf32> to vector<16xf32>
          %swap3A_977 = vector.shape_cast %mul3A_972 : vector<16xf32> to vector<1x16xf32>
          tpu.vector_store %arg13[%swap3A_973, %swap3A_974], %swap3A_977 {strides = array<i32>} : memref<128x128xf32, #tpu.memory_space<vmem>>, vector<1x16xf32>,
          %mul3A_978 = arith.constant 16 : i32
          %mul3A_979 = arith.muli %scan3A_155, %mul3A_978 : i32
          %add3A_980 = arith.constant 9 : i32
          %add3A_981 = arith.addi %mul3A_979, %add3A_980 : i32
          %slice3A_982 = vector.extract_strided_slice %div3A_195 {offsets = [9], sizes = [1], strides = [1]} : vector<16xf32> to vector<1xf32>
          %squeeze3A_983 = vector.extract %slice3A_982[0] : f32 from vector<1xf32>
          %broadcast_in_dim3A_984 = vector.broadcast %squeeze3A_983 : f32 to vector<16xf32>
          %get3A_985 = arith.index_cast %add3A_981 : i32 to index
          %get3A_986 = arith.constant 0 : index
          %get3A_987 = tpu.vector_load %arg13[%get3A_985, %get3A_986] {strides = array<i32>} : memref<128x128xf32, #tpu.memory_space<vmem>>, vector<1x16xf32>,
          %get3A_988 = vector.shape_cast %get3A_987 : vector<1x16xf32> to vector<16xf32>
          %mul3A_989 = arith.mulf %get3A_988, %broadcast_in_dim3A_984 : vector<16xf32>
          %swap3A_990 = arith.index_cast %add3A_981 : i32 to index
          %swap3A_991 = arith.constant 0 : index
          %swap3A_992 = tpu.vector_load %arg13[%swap3A_990, %swap3A_991] {strides = array<i32>} : memref<128x128xf32, #tpu.memory_space<vmem>>, vector<1x16xf32>,
          %swap3A_993 = vector.shape_cast %swap3A_992 : vector<1x16xf32> to vector<16xf32>
          %swap3A_994 = vector.shape_cast %mul3A_989 : vector<16xf32> to vector<1x16xf32>
          tpu.vector_store %arg13[%swap3A_990, %swap3A_991], %swap3A_994 {strides = array<i32>} : memref<128x128xf32, #tpu.memory_space<vmem>>, vector<1x16xf32>,
          %get3A_995 = arith.index_cast %add3A_981 : i32 to index
          %get3A_996 = arith.constant 16 : index
          %get3A_997 = tpu.vector_load %arg13[%get3A_995, %get3A_996] {strides = array<i32>} : memref<128x128xf32, #tpu.memory_space<vmem>>, vector<1x16xf32>,
          %get3A_998 = vector.shape_cast %get3A_997 : vector<1x16xf32> to vector<16xf32>
          %mul3A_999 = arith.mulf %get3A_998, %broadcast_in_dim3A_984 : vector<16xf32>
          %swap3A_1000 = arith.index_cast %add3A_981 : i32 to index
          %swap3A_1001 = arith.constant 16 : index
          %swap3A_1002 = tpu.vector_load %arg13[%swap3A_1000, %swap3A_1001] {strides = array<i32>} : memref<128x128xf32, #tpu.memory_space<vmem>>, vector<1x16xf32>,
          %swap3A_1003 = vector.shape_cast %swap3A_1002 : vector<1x16xf32> to vector<16xf32>
          %swap3A_1004 = vector.shape_cast %mul3A_999 : vector<16xf32> to vector<1x16xf32>
          tpu.vector_store %arg13[%swap3A_1000, %swap3A_1001], %swap3A_1004 {strides = array<i32>} : memref<128x128xf32, #tpu.memory_space<vmem>>, vector<1x16xf32>,
          %get3A_1005 = arith.index_cast %add3A_981 : i32 to index
          %get3A_1006 = arith.constant 32 : index
          %get3A_1007 = tpu.vector_load %arg13[%get3A_1005, %get3A_1006] {strides = array<i32>} : memref<128x128xf32, #tpu.memory_space<vmem>>, vector<1x16xf32>,
          %get3A_1008 = vector.shape_cast %get3A_1007 : vector<1x16xf32> to vector<16xf32>
          %mul3A_1009 = arith.mulf %get3A_1008, %broadcast_in_dim3A_984 : vector<16xf32>
          %swap3A_1010 = arith.index_cast %add3A_981 : i32 to index
          %swap3A_1011 = arith.constant 32 : index
          %swap3A_1012 = tpu.vector_load %arg13[%swap3A_1010, %swap3A_1011] {strides = array<i32>} : memref<128x128xf32, #tpu.memory_space<vmem>>, vector<1x16xf32>,
          %swap3A_1013 = vector.shape_cast %swap3A_1012 : vector<1x16xf32> to vector<16xf32>
          %swap3A_1014 = vector.shape_cast %mul3A_1009 : vector<16xf32> to vector<1x16xf32>
          tpu.vector_store %arg13[%swap3A_1010, %swap3A_1011], %swap3A_1014 {strides = array<i32>} : memref<128x128xf32, #tpu.memory_space<vmem>>, vector<1x16xf32>,
          %get3A_1015 = arith.index_cast %add3A_981 : i32 to index
          %get3A_1016 = arith.constant 48 : index
          %get3A_1017 = tpu.vector_load %arg13[%get3A_1015, %get3A_1016] {strides = array<i32>} : memref<128x128xf32, #tpu.memory_space<vmem>>, vector<1x16xf32>,
          %get3A_1018 = vector.shape_cast %get3A_1017 : vector<1x16xf32> to vector<16xf32>
          %mul3A_1019 = arith.mulf %get3A_1018, %broadcast_in_dim3A_984 : vector<16xf32>
          %swap3A_1020 = arith.index_cast %add3A_981 : i32 to index
          %swap3A_1021 = arith.constant 48 : index
          %swap3A_1022 = tpu.vector_load %arg13[%swap3A_1020, %swap3A_1021] {strides = array<i32>} : memref<128x128xf32, #tpu.memory_space<vmem>>, vector<1x16xf32>,
          %swap3A_1023 = vector.shape_cast %swap3A_1022 : vector<1x16xf32> to vector<16xf32>
          %swap3A_1024 = vector.shape_cast %mul3A_1019 : vector<16xf32> to vector<1x16xf32>
          tpu.vector_store %arg13[%swap3A_1020, %swap3A_1021], %swap3A_1024 {strides = array<i32>} : memref<128x128xf32, #tpu.memory_space<vmem>>, vector<1x16xf32>,
          %get3A_1025 = arith.index_cast %add3A_981 : i32 to index
          %get3A_1026 = arith.constant 64 : index
          %get3A_1027 = tpu.vector_load %arg13[%get3A_1025, %get3A_1026] {strides = array<i32>} : memref<128x128xf32, #tpu.memory_space<vmem>>, vector<1x16xf32>,
          %get3A_1028 = vector.shape_cast %get3A_1027 : vector<1x16xf32> to vector<16xf32>
          %mul3A_1029 = arith.mulf %get3A_1028, %broadcast_in_dim3A_984 : vector<16xf32>
          %swap3A_1030 = arith.index_cast %add3A_981 : i32 to index
          %swap3A_1031 = arith.constant 64 : index
          %swap3A_1032 = tpu.vector_load %arg13[%swap3A_1030, %swap3A_1031] {strides = array<i32>} : memref<128x128xf32, #tpu.memory_space<vmem>>, vector<1x16xf32>,
          %swap3A_1033 = vector.shape_cast %swap3A_1032 : vector<1x16xf32> to vector<16xf32>
          %swap3A_1034 = vector.shape_cast %mul3A_1029 : vector<16xf32> to vector<1x16xf32>
          tpu.vector_store %arg13[%swap3A_1030, %swap3A_1031], %swap3A_1034 {strides = array<i32>} : memref<128x128xf32, #tpu.memory_space<vmem>>, vector<1x16xf32>,
          %get3A_1035 = arith.index_cast %add3A_981 : i32 to index
          %get3A_1036 = arith.constant 80 : index
          %get3A_1037 = tpu.vector_load %arg13[%get3A_1035, %get3A_1036] {strides = array<i32>} : memref<128x128xf32, #tpu.memory_space<vmem>>, vector<1x16xf32>,
          %get3A_1038 = vector.shape_cast %get3A_1037 : vector<1x16xf32> to vector<16xf32>
          %mul3A_1039 = arith.mulf %get3A_1038, %broadcast_in_dim3A_984 : vector<16xf32>
          %swap3A_1040 = arith.index_cast %add3A_981 : i32 to index
          %swap3A_1041 = arith.constant 80 : index
          %swap3A_1042 = tpu.vector_load %arg13[%swap3A_1040, %swap3A_1041] {strides = array<i32>} : memref<128x128xf32, #tpu.memory_space<vmem>>, vector<1x16xf32>,
          %swap3A_1043 = vector.shape_cast %swap3A_1042 : vector<1x16xf32> to vector<16xf32>
          %swap3A_1044 = vector.shape_cast %mul3A_1039 : vector<16xf32> to vector<1x16xf32>
          tpu.vector_store %arg13[%swap3A_1040, %swap3A_1041], %swap3A_1044 {strides = array<i32>} : memref<128x128xf32, #tpu.memory_space<vmem>>, vector<1x16xf32>,
          %get3A_1045 = arith.index_cast %add3A_981 : i32 to index
          %get3A_1046 = arith.constant 96 : index
          %get3A_1047 = tpu.vector_load %arg13[%get3A_1045, %get3A_1046] {strides = array<i32>} : memref<128x128xf32, #tpu.memory_space<vmem>>, vector<1x16xf32>,
          %get3A_1048 = vector.shape_cast %get3A_1047 : vector<1x16xf32> to vector<16xf32>
          %mul3A_1049 = arith.mulf %get3A_1048, %broadcast_in_dim3A_984 : vector<16xf32>
          %swap3A_1050 = arith.index_cast %add3A_981 : i32 to index
          %swap3A_1051 = arith.constant 96 : index
          %swap3A_1052 = tpu.vector_load %arg13[%swap3A_1050, %swap3A_1051] {strides = array<i32>} : memref<128x128xf32, #tpu.memory_space<vmem>>, vector<1x16xf32>,
          %swap3A_1053 = vector.shape_cast %swap3A_1052 : vector<1x16xf32> to vector<16xf32>
          %swap3A_1054 = vector.shape_cast %mul3A_1049 : vector<16xf32> to vector<1x16xf32>
          tpu.vector_store %arg13[%swap3A_1050, %swap3A_1051], %swap3A_1054 {strides = array<i32>} : memref<128x128xf32, #tpu.memory_space<vmem>>, vector<1x16xf32>,
          %get3A_1055 = arith.index_cast %add3A_981 : i32 to index
          %get3A_1056 = arith.constant 112 : index
          %get3A_1057 = tpu.vector_load %arg13[%get3A_1055, %get3A_1056] {strides = array<i32>} : memref<128x128xf32, #tpu.memory_space<vmem>>, vector<1x16xf32>,
          %get3A_1058 = vector.shape_cast %get3A_1057 : vector<1x16xf32> to vector<16xf32>
          %mul3A_1059 = arith.mulf %get3A_1058, %broadcast_in_dim3A_984 : vector<16xf32>
          %swap3A_1060 = arith.index_cast %add3A_981 : i32 to index
          %swap3A_1061 = arith.constant 112 : index
          %swap3A_1062 = tpu.vector_load %arg13[%swap3A_1060, %swap3A_1061] {strides = array<i32>} : memref<128x128xf32, #tpu.memory_space<vmem>>, vector<1x16xf32>,
          %swap3A_1063 = vector.shape_cast %swap3A_1062 : vector<1x16xf32> to vector<16xf32>
          %swap3A_1064 = vector.shape_cast %mul3A_1059 : vector<16xf32> to vector<1x16xf32>
          tpu.vector_store %arg13[%swap3A_1060, %swap3A_1061], %swap3A_1064 {strides = array<i32>} : memref<128x128xf32, #tpu.memory_space<vmem>>, vector<1x16xf32>,
          %mul3A_1065 = arith.constant 16 : i32
          %mul3A_1066 = arith.muli %scan3A_155, %mul3A_1065 : i32
          %add3A_1067 = arith.constant 10 : i32
          %add3A_1068 = arith.addi %mul3A_1066, %add3A_1067 : i32
          %slice3A_1069 = vector.extract_strided_slice %div3A_195 {offsets = [10], sizes = [1], strides = [1]} : vector<16xf32> to vector<1xf32>
          %squeeze3A_1070 = vector.extract %slice3A_1069[0] : f32 from vector<1xf32>
          %broadcast_in_dim3A_1071 = vector.broadcast %squeeze3A_1070 : f32 to vector<16xf32>
          %get3A_1072 = arith.index_cast %add3A_1068 : i32 to index
          %get3A_1073 = arith.constant 0 : index
          %get3A_1074 = tpu.vector_load %arg13[%get3A_1072, %get3A_1073] {strides = array<i32>} : memref<128x128xf32, #tpu.memory_space<vmem>>, vector<1x16xf32>,
          %get3A_1075 = vector.shape_cast %get3A_1074 : vector<1x16xf32> to vector<16xf32>
          %mul3A_1076 = arith.mulf %get3A_1075, %broadcast_in_dim3A_1071 : vector<16xf32>
          %swap3A_1077 = arith.index_cast %add3A_1068 : i32 to index
          %swap3A_1078 = arith.constant 0 : index
          %swap3A_1079 = tpu.vector_load %arg13[%swap3A_1077, %swap3A_1078] {strides = array<i32>} : memref<128x128xf32, #tpu.memory_space<vmem>>, vector<1x16xf32>,
          %swap3A_1080 = vector.shape_cast %swap3A_1079 : vector<1x16xf32> to vector<16xf32>
          %swap3A_1081 = vector.shape_cast %mul3A_1076 : vector<16xf32> to vector<1x16xf32>
          tpu.vector_store %arg13[%swap3A_1077, %swap3A_1078], %swap3A_1081 {strides = array<i32>} : memref<128x128xf32, #tpu.memory_space<vmem>>, vector<1x16xf32>,
          %get3A_1082 = arith.index_cast %add3A_1068 : i32 to index
          %get3A_1083 = arith.constant 16 : index
          %get3A_1084 = tpu.vector_load %arg13[%get3A_1082, %get3A_1083] {strides = array<i32>} : memref<128x128xf32, #tpu.memory_space<vmem>>, vector<1x16xf32>,
          %get3A_1085 = vector.shape_cast %get3A_1084 : vector<1x16xf32> to vector<16xf32>
          %mul3A_1086 = arith.mulf %get3A_1085, %broadcast_in_dim3A_1071 : vector<16xf32>
          %swap3A_1087 = arith.index_cast %add3A_1068 : i32 to index
          %swap3A_1088 = arith.constant 16 : index
          %swap3A_1089 = tpu.vector_load %arg13[%swap3A_1087, %swap3A_1088] {strides = array<i32>} : memref<128x128xf32, #tpu.memory_space<vmem>>, vector<1x16xf32>,
          %swap3A_1090 = vector.shape_cast %swap3A_1089 : vector<1x16xf32> to vector<16xf32>
          %swap3A_1091 = vector.shape_cast %mul3A_1086 : vector<16xf32> to vector<1x16xf32>
          tpu.vector_store %arg13[%swap3A_1087, %swap3A_1088], %swap3A_1091 {strides = array<i32>} : memref<128x128xf32, #tpu.memory_space<vmem>>, vector<1x16xf32>,
          %get3A_1092 = arith.index_cast %add3A_1068 : i32 to index
          %get3A_1093 = arith.constant 32 : index
          %get3A_1094 = tpu.vector_load %arg13[%get3A_1092, %get3A_1093] {strides = array<i32>} : memref<128x128xf32, #tpu.memory_space<vmem>>, vector<1x16xf32>,
          %get3A_1095 = vector.shape_cast %get3A_1094 : vector<1x16xf32> to vector<16xf32>
          %mul3A_1096 = arith.mulf %get3A_1095, %broadcast_in_dim3A_1071 : vector<16xf32>
          %swap3A_1097 = arith.index_cast %add3A_1068 : i32 to index
          %swap3A_1098 = arith.constant 32 : index
          %swap3A_1099 = tpu.vector_load %arg13[%swap3A_1097, %swap3A_1098] {strides = array<i32>} : memref<128x128xf32, #tpu.memory_space<vmem>>, vector<1x16xf32>,
          %swap3A_1100 = vector.shape_cast %swap3A_1099 : vector<1x16xf32> to vector<16xf32>
          %swap3A_1101 = vector.shape_cast %mul3A_1096 : vector<16xf32> to vector<1x16xf32>
          tpu.vector_store %arg13[%swap3A_1097, %swap3A_1098], %swap3A_1101 {strides = array<i32>} : memref<128x128xf32, #tpu.memory_space<vmem>>, vector<1x16xf32>,
          %get3A_1102 = arith.index_cast %add3A_1068 : i32 to index
          %get3A_1103 = arith.constant 48 : index
          %get3A_1104 = tpu.vector_load %arg13[%get3A_1102, %get3A_1103] {strides = array<i32>} : memref<128x128xf32, #tpu.memory_space<vmem>>, vector<1x16xf32>,
          %get3A_1105 = vector.shape_cast %get3A_1104 : vector<1x16xf32> to vector<16xf32>
          %mul3A_1106 = arith.mulf %get3A_1105, %broadcast_in_dim3A_1071 : vector<16xf32>
          %swap3A_1107 = arith.index_cast %add3A_1068 : i32 to index
          %swap3A_1108 = arith.constant 48 : index
          %swap3A_1109 = tpu.vector_load %arg13[%swap3A_1107, %swap3A_1108] {strides = array<i32>} : memref<128x128xf32, #tpu.memory_space<vmem>>, vector<1x16xf32>,
          %swap3A_1110 = vector.shape_cast %swap3A_1109 : vector<1x16xf32> to vector<16xf32>
          %swap3A_1111 = vector.shape_cast %mul3A_1106 : vector<16xf32> to vector<1x16xf32>
          tpu.vector_store %arg13[%swap3A_1107, %swap3A_1108], %swap3A_1111 {strides = array<i32>} : memref<128x128xf32, #tpu.memory_space<vmem>>, vector<1x16xf32>,
          %get3A_1112 = arith.index_cast %add3A_1068 : i32 to index
          %get3A_1113 = arith.constant 64 : index
          %get3A_1114 = tpu.vector_load %arg13[%get3A_1112, %get3A_1113] {strides = array<i32>} : memref<128x128xf32, #tpu.memory_space<vmem>>, vector<1x16xf32>,
          %get3A_1115 = vector.shape_cast %get3A_1114 : vector<1x16xf32> to vector<16xf32>
          %mul3A_1116 = arith.mulf %get3A_1115, %broadcast_in_dim3A_1071 : vector<16xf32>
          %swap3A_1117 = arith.index_cast %add3A_1068 : i32 to index
          %swap3A_1118 = arith.constant 64 : index
          %swap3A_1119 = tpu.vector_load %arg13[%swap3A_1117, %swap3A_1118] {strides = array<i32>} : memref<128x128xf32, #tpu.memory_space<vmem>>, vector<1x16xf32>,
          %swap3A_1120 = vector.shape_cast %swap3A_1119 : vector<1x16xf32> to vector<16xf32>
          %swap3A_1121 = vector.shape_cast %mul3A_1116 : vector<16xf32> to vector<1x16xf32>
          tpu.vector_store %arg13[%swap3A_1117, %swap3A_1118], %swap3A_1121 {strides = array<i32>} : memref<128x128xf32, #tpu.memory_space<vmem>>, vector<1x16xf32>,
          %get3A_1122 = arith.index_cast %add3A_1068 : i32 to index
          %get3A_1123 = arith.constant 80 : index
          %get3A_1124 = tpu.vector_load %arg13[%get3A_1122, %get3A_1123] {strides = array<i32>} : memref<128x128xf32, #tpu.memory_space<vmem>>, vector<1x16xf32>,
          %get3A_1125 = vector.shape_cast %get3A_1124 : vector<1x16xf32> to vector<16xf32>
          %mul3A_1126 = arith.mulf %get3A_1125, %broadcast_in_dim3A_1071 : vector<16xf32>
          %swap3A_1127 = arith.index_cast %add3A_1068 : i32 to index
          %swap3A_1128 = arith.constant 80 : index
          %swap3A_1129 = tpu.vector_load %arg13[%swap3A_1127, %swap3A_1128] {strides = array<i32>} : memref<128x128xf32, #tpu.memory_space<vmem>>, vector<1x16xf32>,
          %swap3A_1130 = vector.shape_cast %swap3A_1129 : vector<1x16xf32> to vector<16xf32>
          %swap3A_1131 = vector.shape_cast %mul3A_1126 : vector<16xf32> to vector<1x16xf32>
          tpu.vector_store %arg13[%swap3A_1127, %swap3A_1128], %swap3A_1131 {strides = array<i32>} : memref<128x128xf32, #tpu.memory_space<vmem>>, vector<1x16xf32>,
          %get3A_1132 = arith.index_cast %add3A_1068 : i32 to index
          %get3A_1133 = arith.constant 96 : index
          %get3A_1134 = tpu.vector_load %arg13[%get3A_1132, %get3A_1133] {strides = array<i32>} : memref<128x128xf32, #tpu.memory_space<vmem>>, vector<1x16xf32>,
          %get3A_1135 = vector.shape_cast %get3A_1134 : vector<1x16xf32> to vector<16xf32>
          %mul3A_1136 = arith.mulf %get3A_1135, %broadcast_in_dim3A_1071 : vector<16xf32>
          %swap3A_1137 = arith.index_cast %add3A_1068 : i32 to index
          %swap3A_1138 = arith.constant 96 : index
          %swap3A_1139 = tpu.vector_load %arg13[%swap3A_1137, %swap3A_1138] {strides = array<i32>} : memref<128x128xf32, #tpu.memory_space<vmem>>, vector<1x16xf32>,
          %swap3A_1140 = vector.shape_cast %swap3A_1139 : vector<1x16xf32> to vector<16xf32>
          %swap3A_1141 = vector.shape_cast %mul3A_1136 : vector<16xf32> to vector<1x16xf32>
          tpu.vector_store %arg13[%swap3A_1137, %swap3A_1138], %swap3A_1141 {strides = array<i32>} : memref<128x128xf32, #tpu.memory_space<vmem>>, vector<1x16xf32>,
          %get3A_1142 = arith.index_cast %add3A_1068 : i32 to index
          %get3A_1143 = arith.constant 112 : index
          %get3A_1144 = tpu.vector_load %arg13[%get3A_1142, %get3A_1143] {strides = array<i32>} : memref<128x128xf32, #tpu.memory_space<vmem>>, vector<1x16xf32>,
          %get3A_1145 = vector.shape_cast %get3A_1144 : vector<1x16xf32> to vector<16xf32>
          %mul3A_1146 = arith.mulf %get3A_1145, %broadcast_in_dim3A_1071 : vector<16xf32>
          %swap3A_1147 = arith.index_cast %add3A_1068 : i32 to index
          %swap3A_1148 = arith.constant 112 : index
          %swap3A_1149 = tpu.vector_load %arg13[%swap3A_1147, %swap3A_1148] {strides = array<i32>} : memref<128x128xf32, #tpu.memory_space<vmem>>, vector<1x16xf32>,
          %swap3A_1150 = vector.shape_cast %swap3A_1149 : vector<1x16xf32> to vector<16xf32>
          %swap3A_1151 = vector.shape_cast %mul3A_1146 : vector<16xf32> to vector<1x16xf32>
          tpu.vector_store %arg13[%swap3A_1147, %swap3A_1148], %swap3A_1151 {strides = array<i32>} : memref<128x128xf32, #tpu.memory_space<vmem>>, vector<1x16xf32>,
          %mul3A_1152 = arith.constant 16 : i32
          %mul3A_1153 = arith.muli %scan3A_155, %mul3A_1152 : i32
          %add3A_1154 = arith.constant 11 : i32
          %add3A_1155 = arith.addi %mul3A_1153, %add3A_1154 : i32
          %slice3A_1156 = vector.extract_strided_slice %div3A_195 {offsets = [11], sizes = [1], strides = [1]} : vector<16xf32> to vector<1xf32>
          %squeeze3A_1157 = vector.extract %slice3A_1156[0] : f32 from vector<1xf32>
          %broadcast_in_dim3A_1158 = vector.broadcast %squeeze3A_1157 : f32 to vector<16xf32>
          %get3A_1159 = arith.index_cast %add3A_1155 : i32 to index
          %get3A_1160 = arith.constant 0 : index
          %get3A_1161 = tpu.vector_load %arg13[%get3A_1159, %get3A_1160] {strides = array<i32>} : memref<128x128xf32, #tpu.memory_space<vmem>>, vector<1x16xf32>,
          %get3A_1162 = vector.shape_cast %get3A_1161 : vector<1x16xf32> to vector<16xf32>
          %mul3A_1163 = arith.mulf %get3A_1162, %broadcast_in_dim3A_1158 : vector<16xf32>
          %swap3A_1164 = arith.index_cast %add3A_1155 : i32 to index
          %swap3A_1165 = arith.constant 0 : index
          %swap3A_1166 = tpu.vector_load %arg13[%swap3A_1164, %swap3A_1165] {strides = array<i32>} : memref<128x128xf32, #tpu.memory_space<vmem>>, vector<1x16xf32>,
          %swap3A_1167 = vector.shape_cast %swap3A_1166 : vector<1x16xf32> to vector<16xf32>
          %swap3A_1168 = vector.shape_cast %mul3A_1163 : vector<16xf32> to vector<1x16xf32>
          tpu.vector_store %arg13[%swap3A_1164, %swap3A_1165], %swap3A_1168 {strides = array<i32>} : memref<128x128xf32, #tpu.memory_space<vmem>>, vector<1x16xf32>,
          %get3A_1169 = arith.index_cast %add3A_1155 : i32 to index
          %get3A_1170 = arith.constant 16 : index
          %get3A_1171 = tpu.vector_load %arg13[%get3A_1169, %get3A_1170] {strides = array<i32>} : memref<128x128xf32, #tpu.memory_space<vmem>>, vector<1x16xf32>,
          %get3A_1172 = vector.shape_cast %get3A_1171 : vector<1x16xf32> to vector<16xf32>
          %mul3A_1173 = arith.mulf %get3A_1172, %broadcast_in_dim3A_1158 : vector<16xf32>
          %swap3A_1174 = arith.index_cast %add3A_1155 : i32 to index
          %swap3A_1175 = arith.constant 16 : index
          %swap3A_1176 = tpu.vector_load %arg13[%swap3A_1174, %swap3A_1175] {strides = array<i32>} : memref<128x128xf32, #tpu.memory_space<vmem>>, vector<1x16xf32>,
          %swap3A_1177 = vector.shape_cast %swap3A_1176 : vector<1x16xf32> to vector<16xf32>
          %swap3A_1178 = vector.shape_cast %mul3A_1173 : vector<16xf32> to vector<1x16xf32>
          tpu.vector_store %arg13[%swap3A_1174, %swap3A_1175], %swap3A_1178 {strides = array<i32>} : memref<128x128xf32, #tpu.memory_space<vmem>>, vector<1x16xf32>,
          %get3A_1179 = arith.index_cast %add3A_1155 : i32 to index
          %get3A_1180 = arith.constant 32 : index
          %get3A_1181 = tpu.vector_load %arg13[%get3A_1179, %get3A_1180] {strides = array<i32>} : memref<128x128xf32, #tpu.memory_space<vmem>>, vector<1x16xf32>,
          %get3A_1182 = vector.shape_cast %get3A_1181 : vector<1x16xf32> to vector<16xf32>
          %mul3A_1183 = arith.mulf %get3A_1182, %broadcast_in_dim3A_1158 : vector<16xf32>
          %swap3A_1184 = arith.index_cast %add3A_1155 : i32 to index
          %swap3A_1185 = arith.constant 32 : index
          %swap3A_1186 = tpu.vector_load %arg13[%swap3A_1184, %swap3A_1185] {strides = array<i32>} : memref<128x128xf32, #tpu.memory_space<vmem>>, vector<1x16xf32>,
          %swap3A_1187 = vector.shape_cast %swap3A_1186 : vector<1x16xf32> to vector<16xf32>
          %swap3A_1188 = vector.shape_cast %mul3A_1183 : vector<16xf32> to vector<1x16xf32>
          tpu.vector_store %arg13[%swap3A_1184, %swap3A_1185], %swap3A_1188 {strides = array<i32>} : memref<128x128xf32, #tpu.memory_space<vmem>>, vector<1x16xf32>,
          %get3A_1189 = arith.index_cast %add3A_1155 : i32 to index
          %get3A_1190 = arith.constant 48 : index
          %get3A_1191 = tpu.vector_load %arg13[%get3A_1189, %get3A_1190] {strides = array<i32>} : memref<128x128xf32, #tpu.memory_space<vmem>>, vector<1x16xf32>,
          %get3A_1192 = vector.shape_cast %get3A_1191 : vector<1x16xf32> to vector<16xf32>
          %mul3A_1193 = arith.mulf %get3A_1192, %broadcast_in_dim3A_1158 : vector<16xf32>
          %swap3A_1194 = arith.index_cast %add3A_1155 : i32 to index
          %swap3A_1195 = arith.constant 48 : index
          %swap3A_1196 = tpu.vector_load %arg13[%swap3A_1194, %swap3A_1195] {strides = array<i32>} : memref<128x128xf32, #tpu.memory_space<vmem>>, vector<1x16xf32>,
          %swap3A_1197 = vector.shape_cast %swap3A_1196 : vector<1x16xf32> to vector<16xf32>
          %swap3A_1198 = vector.shape_cast %mul3A_1193 : vector<16xf32> to vector<1x16xf32>
          tpu.vector_store %arg13[%swap3A_1194, %swap3A_1195], %swap3A_1198 {strides = array<i32>} : memref<128x128xf32, #tpu.memory_space<vmem>>, vector<1x16xf32>,
          %get3A_1199 = arith.index_cast %add3A_1155 : i32 to index
          %get3A_1200 = arith.constant 64 : index
          %get3A_1201 = tpu.vector_load %arg13[%get3A_1199, %get3A_1200] {strides = array<i32>} : memref<128x128xf32, #tpu.memory_space<vmem>>, vector<1x16xf32>,
          %get3A_1202 = vector.shape_cast %get3A_1201 : vector<1x16xf32> to vector<16xf32>
          %mul3A_1203 = arith.mulf %get3A_1202, %broadcast_in_dim3A_1158 : vector<16xf32>
          %swap3A_1204 = arith.index_cast %add3A_1155 : i32 to index
          %swap3A_1205 = arith.constant 64 : index
          %swap3A_1206 = tpu.vector_load %arg13[%swap3A_1204, %swap3A_1205] {strides = array<i32>} : memref<128x128xf32, #tpu.memory_space<vmem>>, vector<1x16xf32>,
          %swap3A_1207 = vector.shape_cast %swap3A_1206 : vector<1x16xf32> to vector<16xf32>
          %swap3A_1208 = vector.shape_cast %mul3A_1203 : vector<16xf32> to vector<1x16xf32>
          tpu.vector_store %arg13[%swap3A_1204, %swap3A_1205], %swap3A_1208 {strides = array<i32>} : memref<128x128xf32, #tpu.memory_space<vmem>>, vector<1x16xf32>,
          %get3A_1209 = arith.index_cast %add3A_1155 : i32 to index
          %get3A_1210 = arith.constant 80 : index
          %get3A_1211 = tpu.vector_load %arg13[%get3A_1209, %get3A_1210] {strides = array<i32>} : memref<128x128xf32, #tpu.memory_space<vmem>>, vector<1x16xf32>,
          %get3A_1212 = vector.shape_cast %get3A_1211 : vector<1x16xf32> to vector<16xf32>
          %mul3A_1213 = arith.mulf %get3A_1212, %broadcast_in_dim3A_1158 : vector<16xf32>
          %swap3A_1214 = arith.index_cast %add3A_1155 : i32 to index
          %swap3A_1215 = arith.constant 80 : index
          %swap3A_1216 = tpu.vector_load %arg13[%swap3A_1214, %swap3A_1215] {strides = array<i32>} : memref<128x128xf32, #tpu.memory_space<vmem>>, vector<1x16xf32>,
          %swap3A_1217 = vector.shape_cast %swap3A_1216 : vector<1x16xf32> to vector<16xf32>
          %swap3A_1218 = vector.shape_cast %mul3A_1213 : vector<16xf32> to vector<1x16xf32>
          tpu.vector_store %arg13[%swap3A_1214, %swap3A_1215], %swap3A_1218 {strides = array<i32>} : memref<128x128xf32, #tpu.memory_space<vmem>>, vector<1x16xf32>,
          %get3A_1219 = arith.index_cast %add3A_1155 : i32 to index
          %get3A_1220 = arith.constant 96 : index
          %get3A_1221 = tpu.vector_load %arg13[%get3A_1219, %get3A_1220] {strides = array<i32>} : memref<128x128xf32, #tpu.memory_space<vmem>>, vector<1x16xf32>,
          %get3A_1222 = vector.shape_cast %get3A_1221 : vector<1x16xf32> to vector<16xf32>
          %mul3A_1223 = arith.mulf %get3A_1222, %broadcast_in_dim3A_1158 : vector<16xf32>
          %swap3A_1224 = arith.index_cast %add3A_1155 : i32 to index
          %swap3A_1225 = arith.constant 96 : index
          %swap3A_1226 = tpu.vector_load %arg13[%swap3A_1224, %swap3A_1225] {strides = array<i32>} : memref<128x128xf32, #tpu.memory_space<vmem>>, vector<1x16xf32>,
          %swap3A_1227 = vector.shape_cast %swap3A_1226 : vector<1x16xf32> to vector<16xf32>
          %swap3A_1228 = vector.shape_cast %mul3A_1223 : vector<16xf32> to vector<1x16xf32>
          tpu.vector_store %arg13[%swap3A_1224, %swap3A_1225], %swap3A_1228 {strides = array<i32>} : memref<128x128xf32, #tpu.memory_space<vmem>>, vector<1x16xf32>,
          %get3A_1229 = arith.index_cast %add3A_1155 : i32 to index
          %get3A_1230 = arith.constant 112 : index
          %get3A_1231 = tpu.vector_load %arg13[%get3A_1229, %get3A_1230] {strides = array<i32>} : memref<128x128xf32, #tpu.memory_space<vmem>>, vector<1x16xf32>,
          %get3A_1232 = vector.shape_cast %get3A_1231 : vector<1x16xf32> to vector<16xf32>
          %mul3A_1233 = arith.mulf %get3A_1232, %broadcast_in_dim3A_1158 : vector<16xf32>
          %swap3A_1234 = arith.index_cast %add3A_1155 : i32 to index
          %swap3A_1235 = arith.constant 112 : index
          %swap3A_1236 = tpu.vector_load %arg13[%swap3A_1234, %swap3A_1235] {strides = array<i32>} : memref<128x128xf32, #tpu.memory_space<vmem>>, vector<1x16xf32>,
          %swap3A_1237 = vector.shape_cast %swap3A_1236 : vector<1x16xf32> to vector<16xf32>
          %swap3A_1238 = vector.shape_cast %mul3A_1233 : vector<16xf32> to vector<1x16xf32>
          tpu.vector_store %arg13[%swap3A_1234, %swap3A_1235], %swap3A_1238 {strides = array<i32>} : memref<128x128xf32, #tpu.memory_space<vmem>>, vector<1x16xf32>,
          %mul3A_1239 = arith.constant 16 : i32
          %mul3A_1240 = arith.muli %scan3A_155, %mul3A_1239 : i32
          %add3A_1241 = arith.constant 12 : i32
          %add3A_1242 = arith.addi %mul3A_1240, %add3A_1241 : i32
          %slice3A_1243 = vector.extract_strided_slice %div3A_195 {offsets = [12], sizes = [1], strides = [1]} : vector<16xf32> to vector<1xf32>
          %squeeze3A_1244 = vector.extract %slice3A_1243[0] : f32 from vector<1xf32>
          %broadcast_in_dim3A_1245 = vector.broadcast %squeeze3A_1244 : f32 to vector<16xf32>
          %get3A_1246 = arith.index_cast %add3A_1242 : i32 to index
          %get3A_1247 = arith.constant 0 : index
          %get3A_1248 = tpu.vector_load %arg13[%get3A_1246, %get3A_1247] {strides = array<i32>} : memref<128x128xf32, #tpu.memory_space<vmem>>, vector<1x16xf32>,
          %get3A_1249 = vector.shape_cast %get3A_1248 : vector<1x16xf32> to vector<16xf32>
          %mul3A_1250 = arith.mulf %get3A_1249, %broadcast_in_dim3A_1245 : vector<16xf32>
          %swap3A_1251 = arith.index_cast %add3A_1242 : i32 to index
          %swap3A_1252 = arith.constant 0 : index
          %swap3A_1253 = tpu.vector_load %arg13[%swap3A_1251, %swap3A_1252] {strides = array<i32>} : memref<128x128xf32, #tpu.memory_space<vmem>>, vector<1x16xf32>,
          %swap3A_1254 = vector.shape_cast %swap3A_1253 : vector<1x16xf32> to vector<16xf32>
          %swap3A_1255 = vector.shape_cast %mul3A_1250 : vector<16xf32> to vector<1x16xf32>
          tpu.vector_store %arg13[%swap3A_1251, %swap3A_1252], %swap3A_1255 {strides = array<i32>} : memref<128x128xf32, #tpu.memory_space<vmem>>, vector<1x16xf32>,
          %get3A_1256 = arith.index_cast %add3A_1242 : i32 to index
          %get3A_1257 = arith.constant 16 : index
          %get3A_1258 = tpu.vector_load %arg13[%get3A_1256, %get3A_1257] {strides = array<i32>} : memref<128x128xf32, #tpu.memory_space<vmem>>, vector<1x16xf32>,
          %get3A_1259 = vector.shape_cast %get3A_1258 : vector<1x16xf32> to vector<16xf32>
          %mul3A_1260 = arith.mulf %get3A_1259, %broadcast_in_dim3A_1245 : vector<16xf32>
          %swap3A_1261 = arith.index_cast %add3A_1242 : i32 to index
          %swap3A_1262 = arith.constant 16 : index
          %swap3A_1263 = tpu.vector_load %arg13[%swap3A_1261, %swap3A_1262] {strides = array<i32>} : memref<128x128xf32, #tpu.memory_space<vmem>>, vector<1x16xf32>,
          %swap3A_1264 = vector.shape_cast %swap3A_1263 : vector<1x16xf32> to vector<16xf32>
          %swap3A_1265 = vector.shape_cast %mul3A_1260 : vector<16xf32> to vector<1x16xf32>
          tpu.vector_store %arg13[%swap3A_1261, %swap3A_1262], %swap3A_1265 {strides = array<i32>} : memref<128x128xf32, #tpu.memory_space<vmem>>, vector<1x16xf32>,
          %get3A_1266 = arith.index_cast %add3A_1242 : i32 to index
          %get3A_1267 = arith.constant 32 : index
          %get3A_1268 = tpu.vector_load %arg13[%get3A_1266, %get3A_1267] {strides = array<i32>} : memref<128x128xf32, #tpu.memory_space<vmem>>, vector<1x16xf32>,
          %get3A_1269 = vector.shape_cast %get3A_1268 : vector<1x16xf32> to vector<16xf32>
          %mul3A_1270 = arith.mulf %get3A_1269, %broadcast_in_dim3A_1245 : vector<16xf32>
          %swap3A_1271 = arith.index_cast %add3A_1242 : i32 to index
          %swap3A_1272 = arith.constant 32 : index
          %swap3A_1273 = tpu.vector_load %arg13[%swap3A_1271, %swap3A_1272] {strides = array<i32>} : memref<128x128xf32, #tpu.memory_space<vmem>>, vector<1x16xf32>,
          %swap3A_1274 = vector.shape_cast %swap3A_1273 : vector<1x16xf32> to vector<16xf32>
          %swap3A_1275 = vector.shape_cast %mul3A_1270 : vector<16xf32> to vector<1x16xf32>
          tpu.vector_store %arg13[%swap3A_1271, %swap3A_1272], %swap3A_1275 {strides = array<i32>} : memref<128x128xf32, #tpu.memory_space<vmem>>, vector<1x16xf32>,
          %get3A_1276 = arith.index_cast %add3A_1242 : i32 to index
          %get3A_1277 = arith.constant 48 : index
          %get3A_1278 = tpu.vector_load %arg13[%get3A_1276, %get3A_1277] {strides = array<i32>} : memref<128x128xf32, #tpu.memory_space<vmem>>, vector<1x16xf32>,
          %get3A_1279 = vector.shape_cast %get3A_1278 : vector<1x16xf32> to vector<16xf32>
          %mul3A_1280 = arith.mulf %get3A_1279, %broadcast_in_dim3A_1245 : vector<16xf32>
          %swap3A_1281 = arith.index_cast %add3A_1242 : i32 to index
          %swap3A_1282 = arith.constant 48 : index
          %swap3A_1283 = tpu.vector_load %arg13[%swap3A_1281, %swap3A_1282] {strides = array<i32>} : memref<128x128xf32, #tpu.memory_space<vmem>>, vector<1x16xf32>,
          %swap3A_1284 = vector.shape_cast %swap3A_1283 : vector<1x16xf32> to vector<16xf32>
          %swap3A_1285 = vector.shape_cast %mul3A_1280 : vector<16xf32> to vector<1x16xf32>
          tpu.vector_store %arg13[%swap3A_1281, %swap3A_1282], %swap3A_1285 {strides = array<i32>} : memref<128x128xf32, #tpu.memory_space<vmem>>, vector<1x16xf32>,
          %get3A_1286 = arith.index_cast %add3A_1242 : i32 to index
          %get3A_1287 = arith.constant 64 : index
          %get3A_1288 = tpu.vector_load %arg13[%get3A_1286, %get3A_1287] {strides = array<i32>} : memref<128x128xf32, #tpu.memory_space<vmem>>, vector<1x16xf32>,
          %get3A_1289 = vector.shape_cast %get3A_1288 : vector<1x16xf32> to vector<16xf32>
          %mul3A_1290 = arith.mulf %get3A_1289, %broadcast_in_dim3A_1245 : vector<16xf32>
          %swap3A_1291 = arith.index_cast %add3A_1242 : i32 to index
          %swap3A_1292 = arith.constant 64 : index
          %swap3A_1293 = tpu.vector_load %arg13[%swap3A_1291, %swap3A_1292] {strides = array<i32>} : memref<128x128xf32, #tpu.memory_space<vmem>>, vector<1x16xf32>,
          %swap3A_1294 = vector.shape_cast %swap3A_1293 : vector<1x16xf32> to vector<16xf32>
          %swap3A_1295 = vector.shape_cast %mul3A_1290 : vector<16xf32> to vector<1x16xf32>
          tpu.vector_store %arg13[%swap3A_1291, %swap3A_1292], %swap3A_1295 {strides = array<i32>} : memref<128x128xf32, #tpu.memory_space<vmem>>, vector<1x16xf32>,
          %get3A_1296 = arith.index_cast %add3A_1242 : i32 to index
          %get3A_1297 = arith.constant 80 : index
          %get3A_1298 = tpu.vector_load %arg13[%get3A_1296, %get3A_1297] {strides = array<i32>} : memref<128x128xf32, #tpu.memory_space<vmem>>, vector<1x16xf32>,
          %get3A_1299 = vector.shape_cast %get3A_1298 : vector<1x16xf32> to vector<16xf32>
          %mul3A_1300 = arith.mulf %get3A_1299, %broadcast_in_dim3A_1245 : vector<16xf32>
          %swap3A_1301 = arith.index_cast %add3A_1242 : i32 to index
          %swap3A_1302 = arith.constant 80 : index
          %swap3A_1303 = tpu.vector_load %arg13[%swap3A_1301, %swap3A_1302] {strides = array<i32>} : memref<128x128xf32, #tpu.memory_space<vmem>>, vector<1x16xf32>,
          %swap3A_1304 = vector.shape_cast %swap3A_1303 : vector<1x16xf32> to vector<16xf32>
          %swap3A_1305 = vector.shape_cast %mul3A_1300 : vector<16xf32> to vector<1x16xf32>
          tpu.vector_store %arg13[%swap3A_1301, %swap3A_1302], %swap3A_1305 {strides = array<i32>} : memref<128x128xf32, #tpu.memory_space<vmem>>, vector<1x16xf32>,
          %get3A_1306 = arith.index_cast %add3A_1242 : i32 to index
          %get3A_1307 = arith.constant 96 : index
          %get3A_1308 = tpu.vector_load %arg13[%get3A_1306, %get3A_1307] {strides = array<i32>} : memref<128x128xf32, #tpu.memory_space<vmem>>, vector<1x16xf32>,
          %get3A_1309 = vector.shape_cast %get3A_1308 : vector<1x16xf32> to vector<16xf32>
          %mul3A_1310 = arith.mulf %get3A_1309, %broadcast_in_dim3A_1245 : vector<16xf32>
          %swap3A_1311 = arith.index_cast %add3A_1242 : i32 to index
          %swap3A_1312 = arith.constant 96 : index
          %swap3A_1313 = tpu.vector_load %arg13[%swap3A_1311, %swap3A_1312] {strides = array<i32>} : memref<128x128xf32, #tpu.memory_space<vmem>>, vector<1x16xf32>,
          %swap3A_1314 = vector.shape_cast %swap3A_1313 : vector<1x16xf32> to vector<16xf32>
          %swap3A_1315 = vector.shape_cast %mul3A_1310 : vector<16xf32> to vector<1x16xf32>
          tpu.vector_store %arg13[%swap3A_1311, %swap3A_1312], %swap3A_1315 {strides = array<i32>} : memref<128x128xf32, #tpu.memory_space<vmem>>, vector<1x16xf32>,
          %get3A_1316 = arith.index_cast %add3A_1242 : i32 to index
          %get3A_1317 = arith.constant 112 : index
          %get3A_1318 = tpu.vector_load %arg13[%get3A_1316, %get3A_1317] {strides = array<i32>} : memref<128x128xf32, #tpu.memory_space<vmem>>, vector<1x16xf32>,
          %get3A_1319 = vector.shape_cast %get3A_1318 : vector<1x16xf32> to vector<16xf32>
          %mul3A_1320 = arith.mulf %get3A_1319, %broadcast_in_dim3A_1245 : vector<16xf32>
          %swap3A_1321 = arith.index_cast %add3A_1242 : i32 to index
          %swap3A_1322 = arith.constant 112 : index
          %swap3A_1323 = tpu.vector_load %arg13[%swap3A_1321, %swap3A_1322] {strides = array<i32>} : memref<128x128xf32, #tpu.memory_space<vmem>>, vector<1x16xf32>,
          %swap3A_1324 = vector.shape_cast %swap3A_1323 : vector<1x16xf32> to vector<16xf32>
          %swap3A_1325 = vector.shape_cast %mul3A_1320 : vector<16xf32> to vector<1x16xf32>
          tpu.vector_store %arg13[%swap3A_1321, %swap3A_1322], %swap3A_1325 {strides = array<i32>} : memref<128x128xf32, #tpu.memory_space<vmem>>, vector<1x16xf32>,
          %mul3A_1326 = arith.constant 16 : i32
          %mul3A_1327 = arith.muli %scan3A_155, %mul3A_1326 : i32
          %add3A_1328 = arith.constant 13 : i32
          %add3A_1329 = arith.addi %mul3A_1327, %add3A_1328 : i32
          %slice3A_1330 = vector.extract_strided_slice %div3A_195 {offsets = [13], sizes = [1], strides = [1]} : vector<16xf32> to vector<1xf32>
          %squeeze3A_1331 = vector.extract %slice3A_1330[0] : f32 from vector<1xf32>
          %broadcast_in_dim3A_1332 = vector.broadcast %squeeze3A_1331 : f32 to vector<16xf32>
          %get3A_1333 = arith.index_cast %add3A_1329 : i32 to index
          %get3A_1334 = arith.constant 0 : index
          %get3A_1335 = tpu.vector_load %arg13[%get3A_1333, %get3A_1334] {strides = array<i32>} : memref<128x128xf32, #tpu.memory_space<vmem>>, vector<1x16xf32>,
          %get3A_1336 = vector.shape_cast %get3A_1335 : vector<1x16xf32> to vector<16xf32>
          %mul3A_1337 = arith.mulf %get3A_1336, %broadcast_in_dim3A_1332 : vector<16xf32>
          %swap3A_1338 = arith.index_cast %add3A_1329 : i32 to index
          %swap3A_1339 = arith.constant 0 : index
          %swap3A_1340 = tpu.vector_load %arg13[%swap3A_1338, %swap3A_1339] {strides = array<i32>} : memref<128x128xf32, #tpu.memory_space<vmem>>, vector<1x16xf32>,
          %swap3A_1341 = vector.shape_cast %swap3A_1340 : vector<1x16xf32> to vector<16xf32>
          %swap3A_1342 = vector.shape_cast %mul3A_1337 : vector<16xf32> to vector<1x16xf32>
          tpu.vector_store %arg13[%swap3A_1338, %swap3A_1339], %swap3A_1342 {strides = array<i32>} : memref<128x128xf32, #tpu.memory_space<vmem>>, vector<1x16xf32>,
          %get3A_1343 = arith.index_cast %add3A_1329 : i32 to index
          %get3A_1344 = arith.constant 16 : index
          %get3A_1345 = tpu.vector_load %arg13[%get3A_1343, %get3A_1344] {strides = array<i32>} : memref<128x128xf32, #tpu.memory_space<vmem>>, vector<1x16xf32>,
          %get3A_1346 = vector.shape_cast %get3A_1345 : vector<1x16xf32> to vector<16xf32>
          %mul3A_1347 = arith.mulf %get3A_1346, %broadcast_in_dim3A_1332 : vector<16xf32>
          %swap3A_1348 = arith.index_cast %add3A_1329 : i32 to index
          %swap3A_1349 = arith.constant 16 : index
          %swap3A_1350 = tpu.vector_load %arg13[%swap3A_1348, %swap3A_1349] {strides = array<i32>} : memref<128x128xf32, #tpu.memory_space<vmem>>, vector<1x16xf32>,
          %swap3A_1351 = vector.shape_cast %swap3A_1350 : vector<1x16xf32> to vector<16xf32>
          %swap3A_1352 = vector.shape_cast %mul3A_1347 : vector<16xf32> to vector<1x16xf32>
          tpu.vector_store %arg13[%swap3A_1348, %swap3A_1349], %swap3A_1352 {strides = array<i32>} : memref<128x128xf32, #tpu.memory_space<vmem>>, vector<1x16xf32>,
          %get3A_1353 = arith.index_cast %add3A_1329 : i32 to index
          %get3A_1354 = arith.constant 32 : index
          %get3A_1355 = tpu.vector_load %arg13[%get3A_1353, %get3A_1354] {strides = array<i32>} : memref<128x128xf32, #tpu.memory_space<vmem>>, vector<1x16xf32>,
          %get3A_1356 = vector.shape_cast %get3A_1355 : vector<1x16xf32> to vector<16xf32>
          %mul3A_1357 = arith.mulf %get3A_1356, %broadcast_in_dim3A_1332 : vector<16xf32>
          %swap3A_1358 = arith.index_cast %add3A_1329 : i32 to index
          %swap3A_1359 = arith.constant 32 : index
          %swap3A_1360 = tpu.vector_load %arg13[%swap3A_1358, %swap3A_1359] {strides = array<i32>} : memref<128x128xf32, #tpu.memory_space<vmem>>, vector<1x16xf32>,
          %swap3A_1361 = vector.shape_cast %swap3A_1360 : vector<1x16xf32> to vector<16xf32>
          %swap3A_1362 = vector.shape_cast %mul3A_1357 : vector<16xf32> to vector<1x16xf32>
          tpu.vector_store %arg13[%swap3A_1358, %swap3A_1359], %swap3A_1362 {strides = array<i32>} : memref<128x128xf32, #tpu.memory_space<vmem>>, vector<1x16xf32>,
          %get3A_1363 = arith.index_cast %add3A_1329 : i32 to index
          %get3A_1364 = arith.constant 48 : index
          %get3A_1365 = tpu.vector_load %arg13[%get3A_1363, %get3A_1364] {strides = array<i32>} : memref<128x128xf32, #tpu.memory_space<vmem>>, vector<1x16xf32>,
          %get3A_1366 = vector.shape_cast %get3A_1365 : vector<1x16xf32> to vector<16xf32>
          %mul3A_1367 = arith.mulf %get3A_1366, %broadcast_in_dim3A_1332 : vector<16xf32>
          %swap3A_1368 = arith.index_cast %add3A_1329 : i32 to index
          %swap3A_1369 = arith.constant 48 : index
          %swap3A_1370 = tpu.vector_load %arg13[%swap3A_1368, %swap3A_1369] {strides = array<i32>} : memref<128x128xf32, #tpu.memory_space<vmem>>, vector<1x16xf32>,
          %swap3A_1371 = vector.shape_cast %swap3A_1370 : vector<1x16xf32> to vector<16xf32>
          %swap3A_1372 = vector.shape_cast %mul3A_1367 : vector<16xf32> to vector<1x16xf32>
          tpu.vector_store %arg13[%swap3A_1368, %swap3A_1369], %swap3A_1372 {strides = array<i32>} : memref<128x128xf32, #tpu.memory_space<vmem>>, vector<1x16xf32>,
          %get3A_1373 = arith.index_cast %add3A_1329 : i32 to index
          %get3A_1374 = arith.constant 64 : index
          %get3A_1375 = tpu.vector_load %arg13[%get3A_1373, %get3A_1374] {strides = array<i32>} : memref<128x128xf32, #tpu.memory_space<vmem>>, vector<1x16xf32>,
          %get3A_1376 = vector.shape_cast %get3A_1375 : vector<1x16xf32> to vector<16xf32>
          %mul3A_1377 = arith.mulf %get3A_1376, %broadcast_in_dim3A_1332 : vector<16xf32>
          %swap3A_1378 = arith.index_cast %add3A_1329 : i32 to index
          %swap3A_1379 = arith.constant 64 : index
          %swap3A_1380 = tpu.vector_load %arg13[%swap3A_1378, %swap3A_1379] {strides = array<i32>} : memref<128x128xf32, #tpu.memory_space<vmem>>, vector<1x16xf32>,
          %swap3A_1381 = vector.shape_cast %swap3A_1380 : vector<1x16xf32> to vector<16xf32>
          %swap3A_1382 = vector.shape_cast %mul3A_1377 : vector<16xf32> to vector<1x16xf32>
          tpu.vector_store %arg13[%swap3A_1378, %swap3A_1379], %swap3A_1382 {strides = array<i32>} : memref<128x128xf32, #tpu.memory_space<vmem>>, vector<1x16xf32>,
          %get3A_1383 = arith.index_cast %add3A_1329 : i32 to index
          %get3A_1384 = arith.constant 80 : index
          %get3A_1385 = tpu.vector_load %arg13[%get3A_1383, %get3A_1384] {strides = array<i32>} : memref<128x128xf32, #tpu.memory_space<vmem>>, vector<1x16xf32>,
          %get3A_1386 = vector.shape_cast %get3A_1385 : vector<1x16xf32> to vector<16xf32>
          %mul3A_1387 = arith.mulf %get3A_1386, %broadcast_in_dim3A_1332 : vector<16xf32>
          %swap3A_1388 = arith.index_cast %add3A_1329 : i32 to index
          %swap3A_1389 = arith.constant 80 : index
          %swap3A_1390 = tpu.vector_load %arg13[%swap3A_1388, %swap3A_1389] {strides = array<i32>} : memref<128x128xf32, #tpu.memory_space<vmem>>, vector<1x16xf32>,
          %swap3A_1391 = vector.shape_cast %swap3A_1390 : vector<1x16xf32> to vector<16xf32>
          %swap3A_1392 = vector.shape_cast %mul3A_1387 : vector<16xf32> to vector<1x16xf32>
          tpu.vector_store %arg13[%swap3A_1388, %swap3A_1389], %swap3A_1392 {strides = array<i32>} : memref<128x128xf32, #tpu.memory_space<vmem>>, vector<1x16xf32>,
          %get3A_1393 = arith.index_cast %add3A_1329 : i32 to index
          %get3A_1394 = arith.constant 96 : index
          %get3A_1395 = tpu.vector_load %arg13[%get3A_1393, %get3A_1394] {strides = array<i32>} : memref<128x128xf32, #tpu.memory_space<vmem>>, vector<1x16xf32>,
          %get3A_1396 = vector.shape_cast %get3A_1395 : vector<1x16xf32> to vector<16xf32>
          %mul3A_1397 = arith.mulf %get3A_1396, %broadcast_in_dim3A_1332 : vector<16xf32>
          %swap3A_1398 = arith.index_cast %add3A_1329 : i32 to index
          %swap3A_1399 = arith.constant 96 : index
          %swap3A_1400 = tpu.vector_load %arg13[%swap3A_1398, %swap3A_1399] {strides = array<i32>} : memref<128x128xf32, #tpu.memory_space<vmem>>, vector<1x16xf32>,
          %swap3A_1401 = vector.shape_cast %swap3A_1400 : vector<1x16xf32> to vector<16xf32>
          %swap3A_1402 = vector.shape_cast %mul3A_1397 : vector<16xf32> to vector<1x16xf32>
          tpu.vector_store %arg13[%swap3A_1398, %swap3A_1399], %swap3A_1402 {strides = array<i32>} : memref<128x128xf32, #tpu.memory_space<vmem>>, vector<1x16xf32>,
          %get3A_1403 = arith.index_cast %add3A_1329 : i32 to index
          %get3A_1404 = arith.constant 112 : index
          %get3A_1405 = tpu.vector_load %arg13[%get3A_1403, %get3A_1404] {strides = array<i32>} : memref<128x128xf32, #tpu.memory_space<vmem>>, vector<1x16xf32>,
          %get3A_1406 = vector.shape_cast %get3A_1405 : vector<1x16xf32> to vector<16xf32>
          %mul3A_1407 = arith.mulf %get3A_1406, %broadcast_in_dim3A_1332 : vector<16xf32>
          %swap3A_1408 = arith.index_cast %add3A_1329 : i32 to index
          %swap3A_1409 = arith.constant 112 : index
          %swap3A_1410 = tpu.vector_load %arg13[%swap3A_1408, %swap3A_1409] {strides = array<i32>} : memref<128x128xf32, #tpu.memory_space<vmem>>, vector<1x16xf32>,
          %swap3A_1411 = vector.shape_cast %swap3A_1410 : vector<1x16xf32> to vector<16xf32>
          %swap3A_1412 = vector.shape_cast %mul3A_1407 : vector<16xf32> to vector<1x16xf32>
          tpu.vector_store %arg13[%swap3A_1408, %swap3A_1409], %swap3A_1412 {strides = array<i32>} : memref<128x128xf32, #tpu.memory_space<vmem>>, vector<1x16xf32>,
          %mul3A_1413 = arith.constant 16 : i32
          %mul3A_1414 = arith.muli %scan3A_155, %mul3A_1413 : i32
          %add3A_1415 = arith.constant 14 : i32
          %add3A_1416 = arith.addi %mul3A_1414, %add3A_1415 : i32
          %slice3A_1417 = vector.extract_strided_slice %div3A_195 {offsets = [14], sizes = [1], strides = [1]} : vector<16xf32> to vector<1xf32>
          %squeeze3A_1418 = vector.extract %slice3A_1417[0] : f32 from vector<1xf32>
          %broadcast_in_dim3A_1419 = vector.broadcast %squeeze3A_1418 : f32 to vector<16xf32>
          %get3A_1420 = arith.index_cast %add3A_1416 : i32 to index
          %get3A_1421 = arith.constant 0 : index
          %get3A_1422 = tpu.vector_load %arg13[%get3A_1420, %get3A_1421] {strides = array<i32>} : memref<128x128xf32, #tpu.memory_space<vmem>>, vector<1x16xf32>,
          %get3A_1423 = vector.shape_cast %get3A_1422 : vector<1x16xf32> to vector<16xf32>
          %mul3A_1424 = arith.mulf %get3A_1423, %broadcast_in_dim3A_1419 : vector<16xf32>
          %swap3A_1425 = arith.index_cast %add3A_1416 : i32 to index
          %swap3A_1426 = arith.constant 0 : index
          %swap3A_1427 = tpu.vector_load %arg13[%swap3A_1425, %swap3A_1426] {strides = array<i32>} : memref<128x128xf32, #tpu.memory_space<vmem>>, vector<1x16xf32>,
          %swap3A_1428 = vector.shape_cast %swap3A_1427 : vector<1x16xf32> to vector<16xf32>
          %swap3A_1429 = vector.shape_cast %mul3A_1424 : vector<16xf32> to vector<1x16xf32>
          tpu.vector_store %arg13[%swap3A_1425, %swap3A_1426], %swap3A_1429 {strides = array<i32>} : memref<128x128xf32, #tpu.memory_space<vmem>>, vector<1x16xf32>,
          %get3A_1430 = arith.index_cast %add3A_1416 : i32 to index
          %get3A_1431 = arith.constant 16 : index
          %get3A_1432 = tpu.vector_load %arg13[%get3A_1430, %get3A_1431] {strides = array<i32>} : memref<128x128xf32, #tpu.memory_space<vmem>>, vector<1x16xf32>,
          %get3A_1433 = vector.shape_cast %get3A_1432 : vector<1x16xf32> to vector<16xf32>
          %mul3A_1434 = arith.mulf %get3A_1433, %broadcast_in_dim3A_1419 : vector<16xf32>
          %swap3A_1435 = arith.index_cast %add3A_1416 : i32 to index
          %swap3A_1436 = arith.constant 16 : index
          %swap3A_1437 = tpu.vector_load %arg13[%swap3A_1435, %swap3A_1436] {strides = array<i32>} : memref<128x128xf32, #tpu.memory_space<vmem>>, vector<1x16xf32>,
          %swap3A_1438 = vector.shape_cast %swap3A_1437 : vector<1x16xf32> to vector<16xf32>
          %swap3A_1439 = vector.shape_cast %mul3A_1434 : vector<16xf32> to vector<1x16xf32>
          tpu.vector_store %arg13[%swap3A_1435, %swap3A_1436], %swap3A_1439 {strides = array<i32>} : memref<128x128xf32, #tpu.memory_space<vmem>>, vector<1x16xf32>,
          %get3A_1440 = arith.index_cast %add3A_1416 : i32 to index
          %get3A_1441 = arith.constant 32 : index
          %get3A_1442 = tpu.vector_load %arg13[%get3A_1440, %get3A_1441] {strides = array<i32>} : memref<128x128xf32, #tpu.memory_space<vmem>>, vector<1x16xf32>,
          %get3A_1443 = vector.shape_cast %get3A_1442 : vector<1x16xf32> to vector<16xf32>
          %mul3A_1444 = arith.mulf %get3A_1443, %broadcast_in_dim3A_1419 : vector<16xf32>
          %swap3A_1445 = arith.index_cast %add3A_1416 : i32 to index
          %swap3A_1446 = arith.constant 32 : index
          %swap3A_1447 = tpu.vector_load %arg13[%swap3A_1445, %swap3A_1446] {strides = array<i32>} : memref<128x128xf32, #tpu.memory_space<vmem>>, vector<1x16xf32>,
          %swap3A_1448 = vector.shape_cast %swap3A_1447 : vector<1x16xf32> to vector<16xf32>
          %swap3A_1449 = vector.shape_cast %mul3A_1444 : vector<16xf32> to vector<1x16xf32>
          tpu.vector_store %arg13[%swap3A_1445, %swap3A_1446], %swap3A_1449 {strides = array<i32>} : memref<128x128xf32, #tpu.memory_space<vmem>>, vector<1x16xf32>,
          %get3A_1450 = arith.index_cast %add3A_1416 : i32 to index
          %get3A_1451 = arith.constant 48 : index
          %get3A_1452 = tpu.vector_load %arg13[%get3A_1450, %get3A_1451] {strides = array<i32>} : memref<128x128xf32, #tpu.memory_space<vmem>>, vector<1x16xf32>,
          %get3A_1453 = vector.shape_cast %get3A_1452 : vector<1x16xf32> to vector<16xf32>
          %mul3A_1454 = arith.mulf %get3A_1453, %broadcast_in_dim3A_1419 : vector<16xf32>
          %swap3A_1455 = arith.index_cast %add3A_1416 : i32 to index
          %swap3A_1456 = arith.constant 48 : index
          %swap3A_1457 = tpu.vector_load %arg13[%swap3A_1455, %swap3A_1456] {strides = array<i32>} : memref<128x128xf32, #tpu.memory_space<vmem>>, vector<1x16xf32>,
          %swap3A_1458 = vector.shape_cast %swap3A_1457 : vector<1x16xf32> to vector<16xf32>
          %swap3A_1459 = vector.shape_cast %mul3A_1454 : vector<16xf32> to vector<1x16xf32>
          tpu.vector_store %arg13[%swap3A_1455, %swap3A_1456], %swap3A_1459 {strides = array<i32>} : memref<128x128xf32, #tpu.memory_space<vmem>>, vector<1x16xf32>,
          %get3A_1460 = arith.index_cast %add3A_1416 : i32 to index
          %get3A_1461 = arith.constant 64 : index
          %get3A_1462 = tpu.vector_load %arg13[%get3A_1460, %get3A_1461] {strides = array<i32>} : memref<128x128xf32, #tpu.memory_space<vmem>>, vector<1x16xf32>,
          %get3A_1463 = vector.shape_cast %get3A_1462 : vector<1x16xf32> to vector<16xf32>
          %mul3A_1464 = arith.mulf %get3A_1463, %broadcast_in_dim3A_1419 : vector<16xf32>
          %swap3A_1465 = arith.index_cast %add3A_1416 : i32 to index
          %swap3A_1466 = arith.constant 64 : index
          %swap3A_1467 = tpu.vector_load %arg13[%swap3A_1465, %swap3A_1466] {strides = array<i32>} : memref<128x128xf32, #tpu.memory_space<vmem>>, vector<1x16xf32>,
          %swap3A_1468 = vector.shape_cast %swap3A_1467 : vector<1x16xf32> to vector<16xf32>
          %swap3A_1469 = vector.shape_cast %mul3A_1464 : vector<16xf32> to vector<1x16xf32>
          tpu.vector_store %arg13[%swap3A_1465, %swap3A_1466], %swap3A_1469 {strides = array<i32>} : memref<128x128xf32, #tpu.memory_space<vmem>>, vector<1x16xf32>,
          %get3A_1470 = arith.index_cast %add3A_1416 : i32 to index
          %get3A_1471 = arith.constant 80 : index
          %get3A_1472 = tpu.vector_load %arg13[%get3A_1470, %get3A_1471] {strides = array<i32>} : memref<128x128xf32, #tpu.memory_space<vmem>>, vector<1x16xf32>,
          %get3A_1473 = vector.shape_cast %get3A_1472 : vector<1x16xf32> to vector<16xf32>
          %mul3A_1474 = arith.mulf %get3A_1473, %broadcast_in_dim3A_1419 : vector<16xf32>
          %swap3A_1475 = arith.index_cast %add3A_1416 : i32 to index
          %swap3A_1476 = arith.constant 80 : index
          %swap3A_1477 = tpu.vector_load %arg13[%swap3A_1475, %swap3A_1476] {strides = array<i32>} : memref<128x128xf32, #tpu.memory_space<vmem>>, vector<1x16xf32>,
          %swap3A_1478 = vector.shape_cast %swap3A_1477 : vector<1x16xf32> to vector<16xf32>
          %swap3A_1479 = vector.shape_cast %mul3A_1474 : vector<16xf32> to vector<1x16xf32>
          tpu.vector_store %arg13[%swap3A_1475, %swap3A_1476], %swap3A_1479 {strides = array<i32>} : memref<128x128xf32, #tpu.memory_space<vmem>>, vector<1x16xf32>,
          %get3A_1480 = arith.index_cast %add3A_1416 : i32 to index
          %get3A_1481 = arith.constant 96 : index
          %get3A_1482 = tpu.vector_load %arg13[%get3A_1480, %get3A_1481] {strides = array<i32>} : memref<128x128xf32, #tpu.memory_space<vmem>>, vector<1x16xf32>,
          %get3A_1483 = vector.shape_cast %get3A_1482 : vector<1x16xf32> to vector<16xf32>
          %mul3A_1484 = arith.mulf %get3A_1483, %broadcast_in_dim3A_1419 : vector<16xf32>
          %swap3A_1485 = arith.index_cast %add3A_1416 : i32 to index
          %swap3A_1486 = arith.constant 96 : index
          %swap3A_1487 = tpu.vector_load %arg13[%swap3A_1485, %swap3A_1486] {strides = array<i32>} : memref<128x128xf32, #tpu.memory_space<vmem>>, vector<1x16xf32>,
          %swap3A_1488 = vector.shape_cast %swap3A_1487 : vector<1x16xf32> to vector<16xf32>
          %swap3A_1489 = vector.shape_cast %mul3A_1484 : vector<16xf32> to vector<1x16xf32>
          tpu.vector_store %arg13[%swap3A_1485, %swap3A_1486], %swap3A_1489 {strides = array<i32>} : memref<128x128xf32, #tpu.memory_space<vmem>>, vector<1x16xf32>,
          %get3A_1490 = arith.index_cast %add3A_1416 : i32 to index
          %get3A_1491 = arith.constant 112 : index
          %get3A_1492 = tpu.vector_load %arg13[%get3A_1490, %get3A_1491] {strides = array<i32>} : memref<128x128xf32, #tpu.memory_space<vmem>>, vector<1x16xf32>,
          %get3A_1493 = vector.shape_cast %get3A_1492 : vector<1x16xf32> to vector<16xf32>
          %mul3A_1494 = arith.mulf %get3A_1493, %broadcast_in_dim3A_1419 : vector<16xf32>
          %swap3A_1495 = arith.index_cast %add3A_1416 : i32 to index
          %swap3A_1496 = arith.constant 112 : index
          %swap3A_1497 = tpu.vector_load %arg13[%swap3A_1495, %swap3A_1496] {strides = array<i32>} : memref<128x128xf32, #tpu.memory_space<vmem>>, vector<1x16xf32>,
          %swap3A_1498 = vector.shape_cast %swap3A_1497 : vector<1x16xf32> to vector<16xf32>
          %swap3A_1499 = vector.shape_cast %mul3A_1494 : vector<16xf32> to vector<1x16xf32>
          tpu.vector_store %arg13[%swap3A_1495, %swap3A_1496], %swap3A_1499 {strides = array<i32>} : memref<128x128xf32, #tpu.memory_space<vmem>>, vector<1x16xf32>,
          %mul3A_1500 = arith.constant 16 : i32
          %mul3A_1501 = arith.muli %scan3A_155, %mul3A_1500 : i32
          %add3A_1502 = arith.constant 15 : i32
          %add3A_1503 = arith.addi %mul3A_1501, %add3A_1502 : i32
          %slice3A_1504 = vector.extract_strided_slice %div3A_195 {offsets = [15], sizes = [1], strides = [1]} : vector<16xf32> to vector<1xf32>
          %squeeze3A_1505 = vector.extract %slice3A_1504[0] : f32 from vector<1xf32>
          %broadcast_in_dim3A_1506 = vector.broadcast %squeeze3A_1505 : f32 to vector<16xf32>
          %get3A_1507 = arith.index_cast %add3A_1503 : i32 to index
          %get3A_1508 = arith.constant 0 : index
          %get3A_1509 = tpu.vector_load %arg13[%get3A_1507, %get3A_1508] {strides = array<i32>} : memref<128x128xf32, #tpu.memory_space<vmem>>, vector<1x16xf32>,
          %get3A_1510 = vector.shape_cast %get3A_1509 : vector<1x16xf32> to vector<16xf32>
          %mul3A_1511 = arith.mulf %get3A_1510, %broadcast_in_dim3A_1506 : vector<16xf32>
          %swap3A_1512 = arith.index_cast %add3A_1503 : i32 to index
          %swap3A_1513 = arith.constant 0 : index
          %swap3A_1514 = tpu.vector_load %arg13[%swap3A_1512, %swap3A_1513] {strides = array<i32>} : memref<128x128xf32, #tpu.memory_space<vmem>>, vector<1x16xf32>,
          %swap3A_1515 = vector.shape_cast %swap3A_1514 : vector<1x16xf32> to vector<16xf32>
          %swap3A_1516 = vector.shape_cast %mul3A_1511 : vector<16xf32> to vector<1x16xf32>
          tpu.vector_store %arg13[%swap3A_1512, %swap3A_1513], %swap3A_1516 {strides = array<i32>} : memref<128x128xf32, #tpu.memory_space<vmem>>, vector<1x16xf32>,
          %get3A_1517 = arith.index_cast %add3A_1503 : i32 to index
          %get3A_1518 = arith.constant 16 : index
          %get3A_1519 = tpu.vector_load %arg13[%get3A_1517, %get3A_1518] {strides = array<i32>} : memref<128x128xf32, #tpu.memory_space<vmem>>, vector<1x16xf32>,
          %get3A_1520 = vector.shape_cast %get3A_1519 : vector<1x16xf32> to vector<16xf32>
          %mul3A_1521 = arith.mulf %get3A_1520, %broadcast_in_dim3A_1506 : vector<16xf32>
          %swap3A_1522 = arith.index_cast %add3A_1503 : i32 to index
          %swap3A_1523 = arith.constant 16 : index
          %swap3A_1524 = tpu.vector_load %arg13[%swap3A_1522, %swap3A_1523] {strides = array<i32>} : memref<128x128xf32, #tpu.memory_space<vmem>>, vector<1x16xf32>,
          %swap3A_1525 = vector.shape_cast %swap3A_1524 : vector<1x16xf32> to vector<16xf32>
          %swap3A_1526 = vector.shape_cast %mul3A_1521 : vector<16xf32> to vector<1x16xf32>
          tpu.vector_store %arg13[%swap3A_1522, %swap3A_1523], %swap3A_1526 {strides = array<i32>} : memref<128x128xf32, #tpu.memory_space<vmem>>, vector<1x16xf32>,
          %get3A_1527 = arith.index_cast %add3A_1503 : i32 to index
          %get3A_1528 = arith.constant 32 : index
          %get3A_1529 = tpu.vector_load %arg13[%get3A_1527, %get3A_1528] {strides = array<i32>} : memref<128x128xf32, #tpu.memory_space<vmem>>, vector<1x16xf32>,
          %get3A_1530 = vector.shape_cast %get3A_1529 : vector<1x16xf32> to vector<16xf32>
          %mul3A_1531 = arith.mulf %get3A_1530, %broadcast_in_dim3A_1506 : vector<16xf32>
          %swap3A_1532 = arith.index_cast %add3A_1503 : i32 to index
          %swap3A_1533 = arith.constant 32 : index
          %swap3A_1534 = tpu.vector_load %arg13[%swap3A_1532, %swap3A_1533] {strides = array<i32>} : memref<128x128xf32, #tpu.memory_space<vmem>>, vector<1x16xf32>,
          %swap3A_1535 = vector.shape_cast %swap3A_1534 : vector<1x16xf32> to vector<16xf32>
          %swap3A_1536 = vector.shape_cast %mul3A_1531 : vector<16xf32> to vector<1x16xf32>
          tpu.vector_store %arg13[%swap3A_1532, %swap3A_1533], %swap3A_1536 {strides = array<i32>} : memref<128x128xf32, #tpu.memory_space<vmem>>, vector<1x16xf32>,
          %get3A_1537 = arith.index_cast %add3A_1503 : i32 to index
          %get3A_1538 = arith.constant 48 : index
          %get3A_1539 = tpu.vector_load %arg13[%get3A_1537, %get3A_1538] {strides = array<i32>} : memref<128x128xf32, #tpu.memory_space<vmem>>, vector<1x16xf32>,
          %get3A_1540 = vector.shape_cast %get3A_1539 : vector<1x16xf32> to vector<16xf32>
          %mul3A_1541 = arith.mulf %get3A_1540, %broadcast_in_dim3A_1506 : vector<16xf32>
          %swap3A_1542 = arith.index_cast %add3A_1503 : i32 to index
          %swap3A_1543 = arith.constant 48 : index
          %swap3A_1544 = tpu.vector_load %arg13[%swap3A_1542, %swap3A_1543] {strides = array<i32>} : memref<128x128xf32, #tpu.memory_space<vmem>>, vector<1x16xf32>,
          %swap3A_1545 = vector.shape_cast %swap3A_1544 : vector<1x16xf32> to vector<16xf32>
          %swap3A_1546 = vector.shape_cast %mul3A_1541 : vector<16xf32> to vector<1x16xf32>
          tpu.vector_store %arg13[%swap3A_1542, %swap3A_1543], %swap3A_1546 {strides = array<i32>} : memref<128x128xf32, #tpu.memory_space<vmem>>, vector<1x16xf32>,
          %get3A_1547 = arith.index_cast %add3A_1503 : i32 to index
          %get3A_1548 = arith.constant 64 : index
          %get3A_1549 = tpu.vector_load %arg13[%get3A_1547, %get3A_1548] {strides = array<i32>} : memref<128x128xf32, #tpu.memory_space<vmem>>, vector<1x16xf32>,
          %get3A_1550 = vector.shape_cast %get3A_1549 : vector<1x16xf32> to vector<16xf32>
          %mul3A_1551 = arith.mulf %get3A_1550, %broadcast_in_dim3A_1506 : vector<16xf32>
          %swap3A_1552 = arith.index_cast %add3A_1503 : i32 to index
          %swap3A_1553 = arith.constant 64 : index
          %swap3A_1554 = tpu.vector_load %arg13[%swap3A_1552, %swap3A_1553] {strides = array<i32>} : memref<128x128xf32, #tpu.memory_space<vmem>>, vector<1x16xf32>,
          %swap3A_1555 = vector.shape_cast %swap3A_1554 : vector<1x16xf32> to vector<16xf32>
          %swap3A_1556 = vector.shape_cast %mul3A_1551 : vector<16xf32> to vector<1x16xf32>
          tpu.vector_store %arg13[%swap3A_1552, %swap3A_1553], %swap3A_1556 {strides = array<i32>} : memref<128x128xf32, #tpu.memory_space<vmem>>, vector<1x16xf32>,
          %get3A_1557 = arith.index_cast %add3A_1503 : i32 to index
          %get3A_1558 = arith.constant 80 : index
          %get3A_1559 = tpu.vector_load %arg13[%get3A_1557, %get3A_1558] {strides = array<i32>} : memref<128x128xf32, #tpu.memory_space<vmem>>, vector<1x16xf32>,
          %get3A_1560 = vector.shape_cast %get3A_1559 : vector<1x16xf32> to vector<16xf32>
          %mul3A_1561 = arith.mulf %get3A_1560, %broadcast_in_dim3A_1506 : vector<16xf32>
          %swap3A_1562 = arith.index_cast %add3A_1503 : i32 to index
          %swap3A_1563 = arith.constant 80 : index
          %swap3A_1564 = tpu.vector_load %arg13[%swap3A_1562, %swap3A_1563] {strides = array<i32>} : memref<128x128xf32, #tpu.memory_space<vmem>>, vector<1x16xf32>,
          %swap3A_1565 = vector.shape_cast %swap3A_1564 : vector<1x16xf32> to vector<16xf32>
          %swap3A_1566 = vector.shape_cast %mul3A_1561 : vector<16xf32> to vector<1x16xf32>
          tpu.vector_store %arg13[%swap3A_1562, %swap3A_1563], %swap3A_1566 {strides = array<i32>} : memref<128x128xf32, #tpu.memory_space<vmem>>, vector<1x16xf32>,
          %get3A_1567 = arith.index_cast %add3A_1503 : i32 to index
          %get3A_1568 = arith.constant 96 : index
          %get3A_1569 = tpu.vector_load %arg13[%get3A_1567, %get3A_1568] {strides = array<i32>} : memref<128x128xf32, #tpu.memory_space<vmem>>, vector<1x16xf32>,
          %get3A_1570 = vector.shape_cast %get3A_1569 : vector<1x16xf32> to vector<16xf32>
          %mul3A_1571 = arith.mulf %get3A_1570, %broadcast_in_dim3A_1506 : vector<16xf32>
          %swap3A_1572 = arith.index_cast %add3A_1503 : i32 to index
          %swap3A_1573 = arith.constant 96 : index
          %swap3A_1574 = tpu.vector_load %arg13[%swap3A_1572, %swap3A_1573] {strides = array<i32>} : memref<128x128xf32, #tpu.memory_space<vmem>>, vector<1x16xf32>,
          %swap3A_1575 = vector.shape_cast %swap3A_1574 : vector<1x16xf32> to vector<16xf32>
          %swap3A_1576 = vector.shape_cast %mul3A_1571 : vector<16xf32> to vector<1x16xf32>
          tpu.vector_store %arg13[%swap3A_1572, %swap3A_1573], %swap3A_1576 {strides = array<i32>} : memref<128x128xf32, #tpu.memory_space<vmem>>, vector<1x16xf32>,
          %get3A_1577 = arith.index_cast %add3A_1503 : i32 to index
          %get3A_1578 = arith.constant 112 : index
          %get3A_1579 = tpu.vector_load %arg13[%get3A_1577, %get3A_1578] {strides = array<i32>} : memref<128x128xf32, #tpu.memory_space<vmem>>, vector<1x16xf32>,
          %get3A_1580 = vector.shape_cast %get3A_1579 : vector<1x16xf32> to vector<16xf32>
          %mul3A_1581 = arith.mulf %get3A_1580, %broadcast_in_dim3A_1506 : vector<16xf32>
          %swap3A_1582 = arith.index_cast %add3A_1503 : i32 to index
          %swap3A_1583 = arith.constant 112 : index
          %swap3A_1584 = tpu.vector_load %arg13[%swap3A_1582, %swap3A_1583] {strides = array<i32>} : memref<128x128xf32, #tpu.memory_space<vmem>>, vector<1x16xf32>,
          %swap3A_1585 = vector.shape_cast %swap3A_1584 : vector<1x16xf32> to vector<16xf32>
          %swap3A_1586 = vector.shape_cast %mul3A_1581 : vector<16xf32> to vector<1x16xf32>
          tpu.vector_store %arg13[%swap3A_1582, %swap3A_1583], %swap3A_1586 {strides = array<i32>} : memref<128x128xf32, #tpu.memory_space<vmem>>, vector<1x16xf32>,
        }
        %scan3A_140 = arith.constant 8 : i32
        %rem3A_141 = arith.constant 4 : i32
        %rem3A_142 = arith.remsi %add3A_121, %rem3A_141 : i32
        %dma_start3A_143 = arith.constant 0 : i32
        %dma_start3A_144 = tpu.memref_slice %arg14[%rem3A_142, %dma_start3A_143] : memref<4x128xi32, #tpu.memory_space<vmem>> -> memref<1x128xi32, #tpu.memory_space<vmem>>
        %dma_start3A_145 = tpu.memref_squeeze %dma_start3A_144 : memref<1x128xi32, #tpu.memory_space<vmem>> -> memref<128xi32, #tpu.memory_space<vmem>>
        %dma_start3A_146 = arith.constant 0 : i32
        %dma_start3A_147 = arith.constant 0 : i32
        %dma_start3A_148 = tpu.memref_slice %arg16[%dma_start3A_146, %dma_start3A_147] : memref<10240x128xf32, #tpu.memory_space<vmem_shared>> -> memref<10240x128xf32, #tpu.memory_space<vmem_shared>>
        tpu.enqueue_indirect_dma source(%arg13 : memref<128x128xf32, #tpu.memory_space<vmem>>) target(%dma_start3A_148 : memref<10240x128xf32, #tpu.memory_space<vmem_shared>>) offsets(%dma_start3A_145 : memref<128xi32, #tpu.memory_space<vmem>>) semaphore(%arg21 : memref<!tpu.dma_semaphore, #tpu.memory_space<semaphore_mem>>) {add = true}
        %add3A_149 = arith.constant 2 : i32
        %add3A_150 = arith.addi %add3A_121, %add3A_149 : i32
        %lt3A_151 = arith.cmpi slt, %add3A_150, %add3A_61 : i32
        %convert_element_type3A_152 = arith.extui %lt3A_151 : i1 to i32
        %cond3A_153 = arith.constant 0 : i32
        %cond3A_154 = arith.cmpi ne, %convert_element_type3A_152, %cond3A_153 : i32
        scf.if %cond3A_154 {
          %add3A_155 = arith.constant 2 : i32
          %add3A_156 = arith.addi %add3A_121, %add3A_155 : i32
          %mul3A_157 = arith.constant 32 : i32
          %mul3A_158 = arith.muli %add3A_156, %mul3A_157 : i32
          %add3A_159 = arith.addi %add3A, %mul3A_158 : i32
          %mul3A_160 = arith.constant 128 : i32
          %mul3A_161 = arith.muli %add3A_159, %mul3A_160 : i32
          %dma_start3A_162 = arith.constant 0 : i32
          %dma_start3A_163 = arith.constant 0 : i32
          %dma_start3A_164 = tpu.memref_slice %arg11[%dma_start3A_162, %dma_start3A_163] : memref<1x128xi32, #tpu.memory_space<vmem>> -> memref<1x128xi32, #tpu.memory_space<vmem>>
          %dma_start3A_165 = tpu.memref_squeeze %dma_start3A_164 : memref<1x128xi32, #tpu.memory_space<vmem>> -> memref<128xi32, #tpu.memory_space<vmem>>
          %dma_start3A_166 = tpu.memref_slice %arg3[%mul3A_161] : memref<640000xi32, #tpu.memory_space<hbm>> -> memref<128xi32, #tpu.memory_space<hbm>>
          %dma_start3A_167 = arith.constant 0 : i32
          %dma_start3A_168 = tpu.memref_slice %arg11[%dma_start3A_162, %dma_start3A_167] : memref<1x128xi32, #tpu.memory_space<vmem>> -> memref<1x128xi32, #tpu.memory_space<vmem>>
          %dma_start3A_169 = tpu.memref_squeeze %dma_start3A_168 : memref<1x128xi32, #tpu.memory_space<vmem>> -> memref<128xi32, #tpu.memory_space<vmem>>
          %dma_start3A_170 = tpu.memref_slice %arg3[%mul3A_161] : memref<640000xi32, #tpu.memory_space<hbm>> -> memref<128xi32, #tpu.memory_space<hbm>>
          tpu.enqueue_dma source(%dma_start3A_170 : memref<128xi32, #tpu.memory_space<hbm>>) target(%dma_start3A_169 : memref<128xi32, #tpu.memory_space<vmem>>) target_semaphore(%arg18 : memref<!tpu.dma_semaphore, #tpu.memory_space<semaphore_mem>>)
          %add3A_171 = arith.constant 320000 : i32
          %add3A_172 = arith.addi %add3A_171, %mul3A_161 : i32
          %rem3A_173 = arith.constant 4 : i32
          %rem3A_174 = arith.remsi %add3A_156, %rem3A_173 : i32
          %dma_start3A_175 = arith.constant 0 : i32
          %dma_start3A_176 = tpu.memref_slice %arg14[%rem3A_174, %dma_start3A_175] : memref<4x128xi32, #tpu.memory_space<vmem>> -> memref<1x128xi32, #tpu.memory_space<vmem>>
          %dma_start3A_177 = tpu.memref_squeeze %dma_start3A_176 : memref<1x128xi32, #tpu.memory_space<vmem>> -> memref<128xi32, #tpu.memory_space<vmem>>
          %dma_start3A_178 = tpu.memref_slice %arg3[%add3A_172] : memref<640000xi32, #tpu.memory_space<hbm>> -> memref<128xi32, #tpu.memory_space<hbm>>
          %dma_start3A_179 = arith.constant 0 : i32
          %dma_start3A_180 = tpu.memref_slice %arg14[%rem3A_174, %dma_start3A_179] : memref<4x128xi32, #tpu.memory_space<vmem>> -> memref<1x128xi32, #tpu.memory_space<vmem>>
          %dma_start3A_181 = tpu.memref_squeeze %dma_start3A_180 : memref<1x128xi32, #tpu.memory_space<vmem>> -> memref<128xi32, #tpu.memory_space<vmem>>
          %dma_start3A_182 = tpu.memref_slice %arg3[%add3A_172] : memref<640000xi32, #tpu.memory_space<hbm>> -> memref<128xi32, #tpu.memory_space<hbm>>
          tpu.enqueue_dma source(%dma_start3A_182 : memref<128xi32, #tpu.memory_space<hbm>>) target(%dma_start3A_181 : memref<128xi32, #tpu.memory_space<vmem>>) target_semaphore(%arg18 : memref<!tpu.dma_semaphore, #tpu.memory_space<semaphore_mem>>)
          %dma_start3A_183 = arith.constant 0 : i32
          %dma_start3A_184 = tpu.memref_slice %arg4[%dma_start3A_183, %mul3A_161] : memref<4x320000xf32, #tpu.memory_space<hbm>> -> memref<4x128xf32, #tpu.memory_space<hbm>>
          %dma_start3A_185 = arith.constant 0 : i32
          %dma_start3A_186 = tpu.memref_slice %arg4[%dma_start3A_185, %mul3A_161] : memref<4x320000xf32, #tpu.memory_space<hbm>> -> memref<4x128xf32, #tpu.memory_space<hbm>>
          tpu.enqueue_dma source(%dma_start3A_186 : memref<4x128xf32, #tpu.memory_space<hbm>>) target(%arg12 : memref<4x128xf32, #tpu.memory_space<vmem>>) target_semaphore(%arg18 : memref<!tpu.dma_semaphore, #tpu.memory_space<semaphore_mem>>)
        } else {
        }
      } else {
      }
    }
    %scan3A_84 = arith.constant 40 : i32
    %dma_wait3A = arith.constant 0 : i32
    %dma_wait3A_85 = arith.constant 0 : i32
    %dma_wait3A_86 = tpu.memref_slice %arg14[%dma_wait3A, %dma_wait3A_85] : memref<4x128xi32, #tpu.memory_space<vmem>> -> memref<1x128xi32, #tpu.memory_space<vmem>>
    %dma_wait3A_87 = tpu.memref_squeeze %dma_wait3A_86 : memref<1x128xi32, #tpu.memory_space<vmem>> -> memref<128xi32, #tpu.memory_space<vmem>>
    %dma_wait3A_88 = arith.constant 0 : i32
    %dma_wait3A_89 = arith.constant 0 : i32
    %dma_wait3A_90 = tpu.memref_slice %arg16[%dma_wait3A_88, %dma_wait3A_89] : memref<10240x128xf32, #tpu.memory_space<vmem_shared>> -> memref<10240x128xf32, #tpu.memory_space<vmem_shared>>
    tpu.wait_indirect_dma semaphore(%arg21 : memref<!tpu.dma_semaphore, #tpu.memory_space<semaphore_mem>>) src(%arg10 : memref<128x128xf32, #tpu.memory_space<vmem>>) dst(%dma_wait3A_90 : memref<10240x128xf32, #tpu.memory_space<vmem_shared>>)
    %dma_wait3A_91 = arith.constant 0 : i32
    %dma_wait3A_92 = arith.constant 0 : i32
    %dma_wait3A_93 = tpu.memref_slice %arg14[%dma_wait3A_91, %dma_wait3A_92] : memref<4x128xi32, #tpu.memory_space<vmem>> -> memref<1x128xi32, #tpu.memory_space<vmem>>
    %dma_wait3A_94 = tpu.memref_squeeze %dma_wait3A_93 : memref<1x128xi32, #tpu.memory_space<vmem>> -> memref<128xi32, #tpu.memory_space<vmem>>
    %dma_wait3A_95 = arith.constant 0 : i32
    %dma_wait3A_96 = arith.constant 0 : i32
    %dma_wait3A_97 = tpu.memref_slice %arg16[%dma_wait3A_95, %dma_wait3A_96] : memref<10240x128xf32, #tpu.memory_space<vmem_shared>> -> memref<10240x128xf32, #tpu.memory_space<vmem_shared>>
    tpu.wait_indirect_dma semaphore(%arg21 : memref<!tpu.dma_semaphore, #tpu.memory_space<semaphore_mem>>) src(%arg13 : memref<128x128xf32, #tpu.memory_space<vmem>>) dst(%dma_wait3A_97 : memref<10240x128xf32, #tpu.memory_space<vmem_shared>>)
    %barrier3A_98 = arith.constant 0 : index
    tpu.barrier barrier_id(%barrier3A_98)
    %eq3A = arith.constant 0 : i32
    %eq3A_99 = arith.cmpi eq, %arg0, %eq3A : i32
    %convert_element_type3A_100 = arith.extui %eq3A_99 : i1 to i32
    %cond3A_101 = arith.constant 0 : i32
    %cond3A_102 = arith.cmpi ne, %convert_element_type3A_100, %cond3A_101 : i32
    scf.if %cond3A_102 {
      %mul3A_108 = arith.constant 640 : i32
      %mul3A_109 = arith.muli %arg1, %mul3A_108 : i32
      %add3A_110 = arith.constant 0 : i32
      %add3A_111 = arith.addi %mul3A_109, %add3A_110 : i32
      "tpu.region"() ({
        %run_scoped3A_128 = tpu.sem_alloc : memref<!tpu.dma_semaphore, #tpu.memory_space<semaphore_mem>>
        %dma_start3A_129 = arith.constant 0 : i32
        %dma_start3A_130 = tpu.memref_slice %arg6[%add3A_111, %dma_start3A_129] : memref<10240x128xf32, #tpu.memory_space<hbm>> -> memref<128x128xf32, #tpu.memory_space<hbm>>
        %dma_start3A_131 = arith.constant 0 : i32
        %dma_start3A_132 = tpu.memref_slice %arg16[%add3A_111, %dma_start3A_131] : memref<10240x128xf32, #tpu.memory_space<vmem_shared>> -> memref<128x128xf32, #tpu.memory_space<vmem_shared>>
        tpu.enqueue_dma source(%dma_start3A_132 : memref<128x128xf32, #tpu.memory_space<vmem_shared>>) target(%dma_start3A_130 : memref<128x128xf32, #tpu.memory_space<hbm>>) target_semaphore(%run_scoped3A_128 : memref<!tpu.dma_semaphore, #tpu.memory_space<semaphore_mem>>)
        %dma_wait3A_133 = arith.constant 0 : i32
        %dma_wait3A_134 = tpu.memref_slice %arg6[%add3A_111, %dma_wait3A_133] : memref<10240x128xf32, #tpu.memory_space<hbm>> -> memref<128x128xf32, #tpu.memory_space<hbm>>
        %dma_wait3A_135 = arith.constant 0 : i32
        %dma_wait3A_136 = tpu.memref_slice %arg16[%add3A_111, %dma_wait3A_135] : memref<10240x128xf32, #tpu.memory_space<vmem_shared>> -> memref<128x128xf32, #tpu.memory_space<vmem_shared>>
        tpu.wait_dma2 semaphore(%run_scoped3A_128 : memref<!tpu.dma_semaphore, #tpu.memory_space<semaphore_mem>>) src(%dma_wait3A_136 : memref<128x128xf32, #tpu.memory_space<vmem_shared>>) dst(%dma_wait3A_134 : memref<128x128xf32, #tpu.memory_space<hbm>>)
        tpu.yield
      }) : () -> ()
      %mul3A_112 = arith.constant 640 : i32
      %mul3A_113 = arith.muli %arg1, %mul3A_112 : i32
      %add3A_114 = arith.constant 128 : i32
      %add3A_115 = arith.addi %mul3A_113, %add3A_114 : i32
      "tpu.region"() ({
        %run_scoped3A_128 = tpu.sem_alloc : memref<!tpu.dma_semaphore, #tpu.memory_space<semaphore_mem>>
        %dma_start3A_129 = arith.constant 0 : i32
        %dma_start3A_130 = tpu.memref_slice %arg6[%add3A_115, %dma_start3A_129] : memref<10240x128xf32, #tpu.memory_space<hbm>> -> memref<128x128xf32, #tpu.memory_space<hbm>>
        %dma_start3A_131 = arith.constant 0 : i32
        %dma_start3A_132 = tpu.memref_slice %arg16[%add3A_115, %dma_start3A_131] : memref<10240x128xf32, #tpu.memory_space<vmem_shared>> -> memref<128x128xf32, #tpu.memory_space<vmem_shared>>
        tpu.enqueue_dma source(%dma_start3A_132 : memref<128x128xf32, #tpu.memory_space<vmem_shared>>) target(%dma_start3A_130 : memref<128x128xf32, #tpu.memory_space<hbm>>) target_semaphore(%run_scoped3A_128 : memref<!tpu.dma_semaphore, #tpu.memory_space<semaphore_mem>>)
        %dma_wait3A_133 = arith.constant 0 : i32
        %dma_wait3A_134 = tpu.memref_slice %arg6[%add3A_115, %dma_wait3A_133] : memref<10240x128xf32, #tpu.memory_space<hbm>> -> memref<128x128xf32, #tpu.memory_space<hbm>>
        %dma_wait3A_135 = arith.constant 0 : i32
        %dma_wait3A_136 = tpu.memref_slice %arg16[%add3A_115, %dma_wait3A_135] : memref<10240x128xf32, #tpu.memory_space<vmem_shared>> -> memref<128x128xf32, #tpu.memory_space<vmem_shared>>
        tpu.wait_dma2 semaphore(%run_scoped3A_128 : memref<!tpu.dma_semaphore, #tpu.memory_space<semaphore_mem>>) src(%dma_wait3A_136 : memref<128x128xf32, #tpu.memory_space<vmem_shared>>) dst(%dma_wait3A_134 : memref<128x128xf32, #tpu.memory_space<hbm>>)
        tpu.yield
      }) : () -> ()
      %mul3A_116 = arith.constant 640 : i32
      %mul3A_117 = arith.muli %arg1, %mul3A_116 : i32
      %add3A_118 = arith.constant 256 : i32
      %add3A_119 = arith.addi %mul3A_117, %add3A_118 : i32
      "tpu.region"() ({
        %run_scoped3A_128 = tpu.sem_alloc : memref<!tpu.dma_semaphore, #tpu.memory_space<semaphore_mem>>
        %dma_start3A_129 = arith.constant 0 : i32
        %dma_start3A_130 = tpu.memref_slice %arg6[%add3A_119, %dma_start3A_129] : memref<10240x128xf32, #tpu.memory_space<hbm>> -> memref<128x128xf32, #tpu.memory_space<hbm>>
        %dma_start3A_131 = arith.constant 0 : i32
        %dma_start3A_132 = tpu.memref_slice %arg16[%add3A_119, %dma_start3A_131] : memref<10240x128xf32, #tpu.memory_space<vmem_shared>> -> memref<128x128xf32, #tpu.memory_space<vmem_shared>>
        tpu.enqueue_dma source(%dma_start3A_132 : memref<128x128xf32, #tpu.memory_space<vmem_shared>>) target(%dma_start3A_130 : memref<128x128xf32, #tpu.memory_space<hbm>>) target_semaphore(%run_scoped3A_128 : memref<!tpu.dma_semaphore, #tpu.memory_space<semaphore_mem>>)
        %dma_wait3A_133 = arith.constant 0 : i32
        %dma_wait3A_134 = tpu.memref_slice %arg6[%add3A_119, %dma_wait3A_133] : memref<10240x128xf32, #tpu.memory_space<hbm>> -> memref<128x128xf32, #tpu.memory_space<hbm>>
        %dma_wait3A_135 = arith.constant 0 : i32
        %dma_wait3A_136 = tpu.memref_slice %arg16[%add3A_119, %dma_wait3A_135] : memref<10240x128xf32, #tpu.memory_space<vmem_shared>> -> memref<128x128xf32, #tpu.memory_space<vmem_shared>>
        tpu.wait_dma2 semaphore(%run_scoped3A_128 : memref<!tpu.dma_semaphore, #tpu.memory_space<semaphore_mem>>) src(%dma_wait3A_136 : memref<128x128xf32, #tpu.memory_space<vmem_shared>>) dst(%dma_wait3A_134 : memref<128x128xf32, #tpu.memory_space<hbm>>)
        tpu.yield
      }) : () -> ()
      %mul3A_120 = arith.constant 640 : i32
      %mul3A_121 = arith.muli %arg1, %mul3A_120 : i32
      %add3A_122 = arith.constant 384 : i32
      %add3A_123 = arith.addi %mul3A_121, %add3A_122 : i32
      "tpu.region"() ({
        %run_scoped3A_128 = tpu.sem_alloc : memref<!tpu.dma_semaphore, #tpu.memory_space<semaphore_mem>>
        %dma_start3A_129 = arith.constant 0 : i32
        %dma_start3A_130 = tpu.memref_slice %arg6[%add3A_123, %dma_start3A_129] : memref<10240x128xf32, #tpu.memory_space<hbm>> -> memref<128x128xf32, #tpu.memory_space<hbm>>
        %dma_start3A_131 = arith.constant 0 : i32
        %dma_start3A_132 = tpu.memref_slice %arg16[%add3A_123, %dma_start3A_131] : memref<10240x128xf32, #tpu.memory_space<vmem_shared>> -> memref<128x128xf32, #tpu.memory_space<vmem_shared>>
        tpu.enqueue_dma source(%dma_start3A_132 : memref<128x128xf32, #tpu.memory_space<vmem_shared>>) target(%dma_start3A_130 : memref<128x128xf32, #tpu.memory_space<hbm>>) target_semaphore(%run_scoped3A_128 : memref<!tpu.dma_semaphore, #tpu.memory_space<semaphore_mem>>)
        %dma_wait3A_133 = arith.constant 0 : i32
        %dma_wait3A_134 = tpu.memref_slice %arg6[%add3A_123, %dma_wait3A_133] : memref<10240x128xf32, #tpu.memory_space<hbm>> -> memref<128x128xf32, #tpu.memory_space<hbm>>
        %dma_wait3A_135 = arith.constant 0 : i32
        %dma_wait3A_136 = tpu.memref_slice %arg16[%add3A_123, %dma_wait3A_135] : memref<10240x128xf32, #tpu.memory_space<vmem_shared>> -> memref<128x128xf32, #tpu.memory_space<vmem_shared>>
        tpu.wait_dma2 semaphore(%run_scoped3A_128 : memref<!tpu.dma_semaphore, #tpu.memory_space<semaphore_mem>>) src(%dma_wait3A_136 : memref<128x128xf32, #tpu.memory_space<vmem_shared>>) dst(%dma_wait3A_134 : memref<128x128xf32, #tpu.memory_space<hbm>>)
        tpu.yield
      }) : () -> ()
      %mul3A_124 = arith.constant 640 : i32
      %mul3A_125 = arith.muli %arg1, %mul3A_124 : i32
      %add3A_126 = arith.constant 512 : i32
      %add3A_127 = arith.addi %mul3A_125, %add3A_126 : i32
      "tpu.region"() ({
        %run_scoped3A_128 = tpu.sem_alloc : memref<!tpu.dma_semaphore, #tpu.memory_space<semaphore_mem>>
        %dma_start3A_129 = arith.constant 0 : i32
        %dma_start3A_130 = tpu.memref_slice %arg6[%add3A_127, %dma_start3A_129] : memref<10240x128xf32, #tpu.memory_space<hbm>> -> memref<128x128xf32, #tpu.memory_space<hbm>>
        %dma_start3A_131 = arith.constant 0 : i32
        %dma_start3A_132 = tpu.memref_slice %arg16[%add3A_127, %dma_start3A_131] : memref<10240x128xf32, #tpu.memory_space<vmem_shared>> -> memref<128x128xf32, #tpu.memory_space<vmem_shared>>
        tpu.enqueue_dma source(%dma_start3A_132 : memref<128x128xf32, #tpu.memory_space<vmem_shared>>) target(%dma_start3A_130 : memref<128x128xf32, #tpu.memory_space<hbm>>) target_semaphore(%run_scoped3A_128 : memref<!tpu.dma_semaphore, #tpu.memory_space<semaphore_mem>>)
        %dma_wait3A_133 = arith.constant 0 : i32
        %dma_wait3A_134 = tpu.memref_slice %arg6[%add3A_127, %dma_wait3A_133] : memref<10240x128xf32, #tpu.memory_space<hbm>> -> memref<128x128xf32, #tpu.memory_space<hbm>>
        %dma_wait3A_135 = arith.constant 0 : i32
        %dma_wait3A_136 = tpu.memref_slice %arg16[%add3A_127, %dma_wait3A_135] : memref<10240x128xf32, #tpu.memory_space<vmem_shared>> -> memref<128x128xf32, #tpu.memory_space<vmem_shared>>
        tpu.wait_dma2 semaphore(%run_scoped3A_128 : memref<!tpu.dma_semaphore, #tpu.memory_space<semaphore_mem>>) src(%dma_wait3A_136 : memref<128x128xf32, #tpu.memory_space<vmem_shared>>) dst(%dma_wait3A_134 : memref<128x128xf32, #tpu.memory_space<hbm>>)
        tpu.yield
      }) : () -> ()
    } else {
    }
    %eq3A_103 = arith.constant 1 : i32
    %eq3A_104 = arith.cmpi eq, %arg0, %eq3A_103 : i32
    %convert_element_type3A_105 = arith.extui %eq3A_104 : i1 to i32
    %cond3A_106 = arith.constant 0 : i32
    %cond3A_107 = arith.cmpi ne, %convert_element_type3A_105, %cond3A_106 : i32
    scf.if %cond3A_107 {
      %mul3A_108 = arith.constant 640 : i32
      %mul3A_109 = arith.muli %arg1, %mul3A_108 : i32
      %add3A_110 = arith.constant 0 : i32
      %add3A_111 = arith.addi %mul3A_109, %add3A_110 : i32
      "tpu.region"() ({
        %run_scoped3A_128 = tpu.sem_alloc : memref<!tpu.dma_semaphore, #tpu.memory_space<semaphore_mem>>
        %dma_start3A_129 = arith.constant 0 : i32
        %dma_start3A_130 = tpu.memref_slice %arg7[%add3A_111, %dma_start3A_129] : memref<10240x128xf32, #tpu.memory_space<hbm>> -> memref<128x128xf32, #tpu.memory_space<hbm>>
        %dma_start3A_131 = arith.constant 0 : i32
        %dma_start3A_132 = tpu.memref_slice %arg16[%add3A_111, %dma_start3A_131] : memref<10240x128xf32, #tpu.memory_space<vmem_shared>> -> memref<128x128xf32, #tpu.memory_space<vmem_shared>>
        tpu.enqueue_dma source(%dma_start3A_132 : memref<128x128xf32, #tpu.memory_space<vmem_shared>>) target(%dma_start3A_130 : memref<128x128xf32, #tpu.memory_space<hbm>>) target_semaphore(%run_scoped3A_128 : memref<!tpu.dma_semaphore, #tpu.memory_space<semaphore_mem>>)
        %dma_wait3A_133 = arith.constant 0 : i32
        %dma_wait3A_134 = tpu.memref_slice %arg7[%add3A_111, %dma_wait3A_133] : memref<10240x128xf32, #tpu.memory_space<hbm>> -> memref<128x128xf32, #tpu.memory_space<hbm>>
        %dma_wait3A_135 = arith.constant 0 : i32
        %dma_wait3A_136 = tpu.memref_slice %arg16[%add3A_111, %dma_wait3A_135] : memref<10240x128xf32, #tpu.memory_space<vmem_shared>> -> memref<128x128xf32, #tpu.memory_space<vmem_shared>>
        tpu.wait_dma2 semaphore(%run_scoped3A_128 : memref<!tpu.dma_semaphore, #tpu.memory_space<semaphore_mem>>) src(%dma_wait3A_136 : memref<128x128xf32, #tpu.memory_space<vmem_shared>>) dst(%dma_wait3A_134 : memref<128x128xf32, #tpu.memory_space<hbm>>)
        tpu.yield
      }) : () -> ()
      %mul3A_112 = arith.constant 640 : i32
      %mul3A_113 = arith.muli %arg1, %mul3A_112 : i32
      %add3A_114 = arith.constant 128 : i32
      %add3A_115 = arith.addi %mul3A_113, %add3A_114 : i32
      "tpu.region"() ({
        %run_scoped3A_128 = tpu.sem_alloc : memref<!tpu.dma_semaphore, #tpu.memory_space<semaphore_mem>>
        %dma_start3A_129 = arith.constant 0 : i32
        %dma_start3A_130 = tpu.memref_slice %arg7[%add3A_115, %dma_start3A_129] : memref<10240x128xf32, #tpu.memory_space<hbm>> -> memref<128x128xf32, #tpu.memory_space<hbm>>
        %dma_start3A_131 = arith.constant 0 : i32
        %dma_start3A_132 = tpu.memref_slice %arg16[%add3A_115, %dma_start3A_131] : memref<10240x128xf32, #tpu.memory_space<vmem_shared>> -> memref<128x128xf32, #tpu.memory_space<vmem_shared>>
        tpu.enqueue_dma source(%dma_start3A_132 : memref<128x128xf32, #tpu.memory_space<vmem_shared>>) target(%dma_start3A_130 : memref<128x128xf32, #tpu.memory_space<hbm>>) target_semaphore(%run_scoped3A_128 : memref<!tpu.dma_semaphore, #tpu.memory_space<semaphore_mem>>)
        %dma_wait3A_133 = arith.constant 0 : i32
        %dma_wait3A_134 = tpu.memref_slice %arg7[%add3A_115, %dma_wait3A_133] : memref<10240x128xf32, #tpu.memory_space<hbm>> -> memref<128x128xf32, #tpu.memory_space<hbm>>
        %dma_wait3A_135 = arith.constant 0 : i32
        %dma_wait3A_136 = tpu.memref_slice %arg16[%add3A_115, %dma_wait3A_135] : memref<10240x128xf32, #tpu.memory_space<vmem_shared>> -> memref<128x128xf32, #tpu.memory_space<vmem_shared>>
        tpu.wait_dma2 semaphore(%run_scoped3A_128 : memref<!tpu.dma_semaphore, #tpu.memory_space<semaphore_mem>>) src(%dma_wait3A_136 : memref<128x128xf32, #tpu.memory_space<vmem_shared>>) dst(%dma_wait3A_134 : memref<128x128xf32, #tpu.memory_space<hbm>>)
        tpu.yield
      }) : () -> ()
      %mul3A_116 = arith.constant 640 : i32
      %mul3A_117 = arith.muli %arg1, %mul3A_116 : i32
      %add3A_118 = arith.constant 256 : i32
      %add3A_119 = arith.addi %mul3A_117, %add3A_118 : i32
      "tpu.region"() ({
        %run_scoped3A_128 = tpu.sem_alloc : memref<!tpu.dma_semaphore, #tpu.memory_space<semaphore_mem>>
        %dma_start3A_129 = arith.constant 0 : i32
        %dma_start3A_130 = tpu.memref_slice %arg7[%add3A_119, %dma_start3A_129] : memref<10240x128xf32, #tpu.memory_space<hbm>> -> memref<128x128xf32, #tpu.memory_space<hbm>>
        %dma_start3A_131 = arith.constant 0 : i32
        %dma_start3A_132 = tpu.memref_slice %arg16[%add3A_119, %dma_start3A_131] : memref<10240x128xf32, #tpu.memory_space<vmem_shared>> -> memref<128x128xf32, #tpu.memory_space<vmem_shared>>
        tpu.enqueue_dma source(%dma_start3A_132 : memref<128x128xf32, #tpu.memory_space<vmem_shared>>) target(%dma_start3A_130 : memref<128x128xf32, #tpu.memory_space<hbm>>) target_semaphore(%run_scoped3A_128 : memref<!tpu.dma_semaphore, #tpu.memory_space<semaphore_mem>>)
        %dma_wait3A_133 = arith.constant 0 : i32
        %dma_wait3A_134 = tpu.memref_slice %arg7[%add3A_119, %dma_wait3A_133] : memref<10240x128xf32, #tpu.memory_space<hbm>> -> memref<128x128xf32, #tpu.memory_space<hbm>>
        %dma_wait3A_135 = arith.constant 0 : i32
        %dma_wait3A_136 = tpu.memref_slice %arg16[%add3A_119, %dma_wait3A_135] : memref<10240x128xf32, #tpu.memory_space<vmem_shared>> -> memref<128x128xf32, #tpu.memory_space<vmem_shared>>
        tpu.wait_dma2 semaphore(%run_scoped3A_128 : memref<!tpu.dma_semaphore, #tpu.memory_space<semaphore_mem>>) src(%dma_wait3A_136 : memref<128x128xf32, #tpu.memory_space<vmem_shared>>) dst(%dma_wait3A_134 : memref<128x128xf32, #tpu.memory_space<hbm>>)
        tpu.yield
      }) : () -> ()
      %mul3A_120 = arith.constant 640 : i32
      %mul3A_121 = arith.muli %arg1, %mul3A_120 : i32
      %add3A_122 = arith.constant 384 : i32
      %add3A_123 = arith.addi %mul3A_121, %add3A_122 : i32
      "tpu.region"() ({
        %run_scoped3A_128 = tpu.sem_alloc : memref<!tpu.dma_semaphore, #tpu.memory_space<semaphore_mem>>
        %dma_start3A_129 = arith.constant 0 : i32
        %dma_start3A_130 = tpu.memref_slice %arg7[%add3A_123, %dma_start3A_129] : memref<10240x128xf32, #tpu.memory_space<hbm>> -> memref<128x128xf32, #tpu.memory_space<hbm>>
        %dma_start3A_131 = arith.constant 0 : i32
        %dma_start3A_132 = tpu.memref_slice %arg16[%add3A_123, %dma_start3A_131] : memref<10240x128xf32, #tpu.memory_space<vmem_shared>> -> memref<128x128xf32, #tpu.memory_space<vmem_shared>>
        tpu.enqueue_dma source(%dma_start3A_132 : memref<128x128xf32, #tpu.memory_space<vmem_shared>>) target(%dma_start3A_130 : memref<128x128xf32, #tpu.memory_space<hbm>>) target_semaphore(%run_scoped3A_128 : memref<!tpu.dma_semaphore, #tpu.memory_space<semaphore_mem>>)
        %dma_wait3A_133 = arith.constant 0 : i32
        %dma_wait3A_134 = tpu.memref_slice %arg7[%add3A_123, %dma_wait3A_133] : memref<10240x128xf32, #tpu.memory_space<hbm>> -> memref<128x128xf32, #tpu.memory_space<hbm>>
        %dma_wait3A_135 = arith.constant 0 : i32
        %dma_wait3A_136 = tpu.memref_slice %arg16[%add3A_123, %dma_wait3A_135] : memref<10240x128xf32, #tpu.memory_space<vmem_shared>> -> memref<128x128xf32, #tpu.memory_space<vmem_shared>>
        tpu.wait_dma2 semaphore(%run_scoped3A_128 : memref<!tpu.dma_semaphore, #tpu.memory_space<semaphore_mem>>) src(%dma_wait3A_136 : memref<128x128xf32, #tpu.memory_space<vmem_shared>>) dst(%dma_wait3A_134 : memref<128x128xf32, #tpu.memory_space<hbm>>)
        tpu.yield
      }) : () -> ()
      %mul3A_124 = arith.constant 640 : i32
      %mul3A_125 = arith.muli %arg1, %mul3A_124 : i32
      %add3A_126 = arith.constant 512 : i32
      %add3A_127 = arith.addi %mul3A_125, %add3A_126 : i32
      "tpu.region"() ({
        %run_scoped3A_128 = tpu.sem_alloc : memref<!tpu.dma_semaphore, #tpu.memory_space<semaphore_mem>>
        %dma_start3A_129 = arith.constant 0 : i32
        %dma_start3A_130 = tpu.memref_slice %arg7[%add3A_127, %dma_start3A_129] : memref<10240x128xf32, #tpu.memory_space<hbm>> -> memref<128x128xf32, #tpu.memory_space<hbm>>
        %dma_start3A_131 = arith.constant 0 : i32
        %dma_start3A_132 = tpu.memref_slice %arg16[%add3A_127, %dma_start3A_131] : memref<10240x128xf32, #tpu.memory_space<vmem_shared>> -> memref<128x128xf32, #tpu.memory_space<vmem_shared>>
        tpu.enqueue_dma source(%dma_start3A_132 : memref<128x128xf32, #tpu.memory_space<vmem_shared>>) target(%dma_start3A_130 : memref<128x128xf32, #tpu.memory_space<hbm>>) target_semaphore(%run_scoped3A_128 : memref<!tpu.dma_semaphore, #tpu.memory_space<semaphore_mem>>)
        %dma_wait3A_133 = arith.constant 0 : i32
        %dma_wait3A_134 = tpu.memref_slice %arg7[%add3A_127, %dma_wait3A_133] : memref<10240x128xf32, #tpu.memory_space<hbm>> -> memref<128x128xf32, #tpu.memory_space<hbm>>
        %dma_wait3A_135 = arith.constant 0 : i32
        %dma_wait3A_136 = tpu.memref_slice %arg16[%add3A_127, %dma_wait3A_135] : memref<10240x128xf32, #tpu.memory_space<vmem_shared>> -> memref<128x128xf32, #tpu.memory_space<vmem_shared>>
        tpu.wait_dma2 semaphore(%run_scoped3A_128 : memref<!tpu.dma_semaphore, #tpu.memory_space<semaphore_mem>>) src(%dma_wait3A_136 : memref<128x128xf32, #tpu.memory_space<vmem_shared>>) dst(%dma_wait3A_134 : memref<128x128xf32, #tpu.memory_space<hbm>>)
        tpu.yield
      }) : () -> ()
    } else {
    }
    return
  }
}

module attributes {stable_mosaic.version = 14 : i64} {
  func.func @_xw_body(%arg0: i32, %arg1: memref<2000x128xf32, #tpu.memory_space<vmem>>, %arg2: memref<128x128xf32, #tpu.memory_space<vmem>>, %arg3: memref<1x128xf32, #tpu.memory_space<vmem>>, %arg4: memref<2000x128xf32, #tpu.memory_space<vmem>>) attributes {dimension_semantics = [#tpu.dimension_semantics<arbitrary>], iteration_bounds = array<i64: 5>, scalar_prefetch = 0 : i64, scratch_operands = 0 : i64, tpu.core_type = #tpu.core_type<tc>, window_params = [{transform_indices = @transform_0, window_bounds = array<i64: 2000, 128>}, {pipeline_mode = #tpu.pipeline_mode<synchronous>, transform_indices = @transform_1, window_bounds = array<i64: 128, 128>}, {pipeline_mode = #tpu.pipeline_mode<synchronous>, transform_indices = @transform_2, window_bounds = array<i64: 1, 128>}, {transform_indices = @transform_3, window_bounds = array<i64: 2000, 128>}]} {
    %get3A = arith.constant 0 : index
    %get3A_0 = arith.constant 0 : index
    %get3A_1 = vector.load %arg1[%get3A, %get3A_0] : memref<2000x128xf32, #tpu.memory_space<vmem>>, vector<2000x128xf32>
    %get3A_2 = arith.constant 0 : index
    %get3A_3 = arith.constant 0 : index
    %get3A_4 = vector.load %arg2[%get3A_2, %get3A_3] : memref<128x128xf32, #tpu.memory_space<vmem>>, vector<128x128xf32>
    %dot_general3A = arith.constant dense<0.000000e+00> : vector<2000x128xf32>
    %dot_general3A_5 = tpu.matmul %get3A_1, %get3A_4, %dot_general3A {dimension_numbers = #tpu.dot_dimension_numbers<[1], [0], [0], [1], [0, 0, 1, 1], [], []>, transpose_lhs_hint = false} : vector<2000x128xf32>, vector<128x128xf32>, vector<2000x128xf32> -> vector<2000x128xf32>
    %get3A_6 = arith.constant 0 : index
    %get3A_7 = arith.constant 0 : index
    %get3A_8 = vector.load %arg3[%get3A_6, %get3A_7] : memref<1x128xf32, #tpu.memory_space<vmem>>, vector<1x128xf32>
    %add3A = vector.broadcast %get3A_8 : vector<1x128xf32> to vector<2000x128xf32>
    %add3A_9 = arith.addf %dot_general3A_5, %add3A : vector<2000x128xf32>
    %swap3A = arith.constant 0 : index
    %swap3A_10 = arith.constant 0 : index
    %swap3A_11 = vector.load %arg4[%swap3A, %swap3A_10] : memref<2000x128xf32, #tpu.memory_space<vmem>>, vector<2000x128xf32>
    tpu.vector_store %arg4[%swap3A, %swap3A_10], %add3A_9 {strides = array<i32>} : memref<2000x128xf32, #tpu.memory_space<vmem>>, vector<2000x128xf32>,
    return
  }
  func.func @transform_0(%arg0: i32) -> (i32, i32) {
    %c0_i32 = arith.constant 0 : i32
    %c0_i32_0 = arith.constant 0 : i32
    return %arg0, %c0_i32 : i32, i32
  }
  func.func @transform_1(%arg0: i32) -> (i32, i32) {
    %c0_i32 = arith.constant 0 : i32
    %c0_i32_0 = arith.constant 0 : i32
    %c0_i32_1 = arith.constant 0 : i32
    return %c0_i32, %c0_i32_0 : i32, i32
  }
  func.func @transform_2(%arg0: i32) -> (i32, i32) {
    %c0_i32 = arith.constant 0 : i32
    %c0_i32_0 = arith.constant 0 : i32
    %c0_i32_1 = arith.constant 0 : i32
    return %c0_i32, %c0_i32_0 : i32, i32
  }
  func.func @transform_3(%arg0: i32) -> (i32, i32) {
    %c0_i32 = arith.constant 0 : i32
    %c0_i32_0 = arith.constant 0 : i32
    return %arg0, %c0_i32 : i32, i32
  }
}

module attributes {stable_mosaic.version = 14 : i64} {
  func.func @_out_body(%arg0: i32, %arg1: memref<2000x128xf32, #tpu.memory_space<vmem>>, %arg2: memref<2000x128xf32, #tpu.memory_space<vmem>>, %arg3: memref<2000x128xf32, #tpu.memory_space<vmem>>, %arg4: memref<128x128xf32, #tpu.memory_space<vmem>>, %arg5: memref<2000x128xf32, #tpu.memory_space<vmem>>) attributes {dimension_semantics = [#tpu.dimension_semantics<arbitrary>], iteration_bounds = array<i64: 5>, scalar_prefetch = 0 : i64, scratch_operands = 0 : i64, tpu.core_type = #tpu.core_type<tc>, window_params = [{transform_indices = @transform_0, window_bounds = array<i64: 2000, 128>}, {transform_indices = @transform_1, window_bounds = array<i64: 2000, 128>}, {transform_indices = @transform_2, window_bounds = array<i64: 2000, 128>}, {pipeline_mode = #tpu.pipeline_mode<synchronous>, transform_indices = @transform_3, window_bounds = array<i64: 128, 128>}, {transform_indices = @transform_4, window_bounds = array<i64: 2000, 128>}]} {
    %get3A = arith.constant 0 : index
    %get3A_0 = arith.constant 0 : index
    %get3A_1 = vector.load %arg2[%get3A, %get3A_0] : memref<2000x128xf32, #tpu.memory_space<vmem>>, vector<2000x128xf32>
    %get3A_2 = arith.constant 0 : index
    %get3A_3 = arith.constant 0 : index
    %get3A_4 = vector.load %arg3[%get3A_2, %get3A_3] : memref<2000x128xf32, #tpu.memory_space<vmem>>, vector<2000x128xf32>
    %add3A = arith.addf %get3A_1, %get3A_4 : vector<2000x128xf32>
    %get3A_5 = arith.constant 0 : index
    %get3A_6 = arith.constant 0 : index
    %get3A_7 = vector.load %arg1[%get3A_5, %get3A_6] : memref<2000x128xf32, #tpu.memory_space<vmem>>, vector<2000x128xf32>
    %get3A_8 = arith.constant 0 : index
    %get3A_9 = arith.constant 0 : index
    %get3A_10 = vector.load %arg4[%get3A_8, %get3A_9] : memref<128x128xf32, #tpu.memory_space<vmem>>, vector<128x128xf32>
    %dot_general3A = arith.constant dense<0.000000e+00> : vector<2000x128xf32>
    %dot_general3A_11 = tpu.matmul %add3A, %get3A_10, %dot_general3A {dimension_numbers = #tpu.dot_dimension_numbers<[1], [0], [0], [1], [0, 0, 1, 1], [], []>, transpose_lhs_hint = false} : vector<2000x128xf32>, vector<128x128xf32>, vector<2000x128xf32> -> vector<2000x128xf32>
    %add3A_12 = arith.addf %get3A_7, %dot_general3A_11 : vector<2000x128xf32>
    %swap3A = arith.constant 0 : index
    %swap3A_13 = arith.constant 0 : index
    %swap3A_14 = vector.load %arg5[%swap3A, %swap3A_13] : memref<2000x128xf32, #tpu.memory_space<vmem>>, vector<2000x128xf32>
    tpu.vector_store %arg5[%swap3A, %swap3A_13], %add3A_12 {strides = array<i32>} : memref<2000x128xf32, #tpu.memory_space<vmem>>, vector<2000x128xf32>,
    return
  }
  func.func @transform_0(%arg0: i32) -> (i32, i32) {
    %c0_i32 = arith.constant 0 : i32
    %c0_i32_0 = arith.constant 0 : i32
    return %arg0, %c0_i32 : i32, i32
  }
  func.func @transform_1(%arg0: i32) -> (i32, i32) {
    %c0_i32 = arith.constant 0 : i32
    %c0_i32_0 = arith.constant 0 : i32
    return %arg0, %c0_i32 : i32, i32
  }
  func.func @transform_2(%arg0: i32) -> (i32, i32) {
    %c0_i32 = arith.constant 0 : i32
    %c0_i32_0 = arith.constant 0 : i32
    return %arg0, %c0_i32 : i32, i32
  }
  func.func @transform_3(%arg0: i32) -> (i32, i32) {
    %c0_i32 = arith.constant 0 : i32
    %c0_i32_0 = arith.constant 0 : i32
    %c0_i32_1 = arith.constant 0 : i32
    return %c0_i32, %c0_i32_0 : i32, i32
  }
  func.func @transform_4(%arg0: i32) -> (i32, i32) {
    %c0_i32 = arith.constant 0 : i32
    %c0_i32_0 = arith.constant 0 : i32
    return %arg0, %c0_i32 : i32, i32
  }
}

</mosaic_0001>

<sc_bundles>
// kernel: kernel.5.cloned.1.call-start
scs
__scs_entry_jumppad:
0x0: {  	(pc) =	sbr.rel $0x88, $3  }
0x1: {  	(tag) =	ssettag $0x0;
	lr =	simm.s32 $0x1  }
0x2: {  	[smem:$0x3F9A] =	sst lr;
	_ =	strace $0xD0000000  }
0x3: {  	_ = 	snop  }
0x4: {  	_ = 	snop  }
0x5: {  	_ = 	snop  }
0x6: {  	_ = 	snop  }
0x7: {  	_ = 	snop  }
__scs_overlays_trampoline_lowered:
0x8: {  	[smem:$0x3FA9] =	sst s0  }
0x9: {  	[smem:$0x3FAA] =	sst s1  }
0xa: {  	[smem:$0x3FAB] =	sst s2  }
0xb: {  	[smem:$0x3FAC] =	sst s3  }
0xc: {  	[smem:$0x3FAD] =	sst s4  }
0xd: {  	[smem:$0x3FAE] =	sst s5  }
0xe: {  	[smem:$0x3FAF] =	sst s6  }
0xf: {  	[smem:$0x3FB0] =	sst s7  }
0x10: {  	[smem:$0x3FB1] =	sst s8  }
0x11: {  	[smem:$0x3FB2] =	sst s9;
	s0 =	simm.s32 @!p0 $0x0  }
0x12: {  	s1 =	sld [smem:$0x3F98];
	s0 =	simm.s32 @p0 $0x1  }
0x13: {  	[smem:$0x3FB3] =	sst s0;
	s0 =	simm.s32 @!p1 $0x0  }
0x14: {  	s2 =	sld [smem:$0x3F97];
	s0 =	simm.s32 @p1 $0x1  }
0x15: {  	[smem:$0x3FB4] =	sst s0;
	s0 =	simm.s32 @!p2 $0x0  }
0x16: {  	s3 =	sld [smem:$0x3FDB];
	s0 =	simm.s32 @p2 $0x1  }
0x17: {  	s4 =	simm.s32 $0x1BF5;
	[smem:$0x3FB6] =	sst s0  }
0x18: {  	s0 =	sld [smem:$0x3F99];
	_ =	swait.ge [sflag:s4], $0x0  }
0x19: {  	s7 =	sld [smem:$0x3F9A]  }
0x1a: {  	s8 =	sadd.s32 $0xFFFFE003, lr  }
0x1b: {  	s9 =	sadd.s32 $0xFFFFFEF7, lr;
	s5 =	simm.s32 $0xFFFFFFFF;
	p2 =	slt.u32 s8, $0xFFFFF086  }
0x1c: {  	p1 =	slt.u32 s9, $0xF7A;
	s5 =	simm.s32 @!p2 $0x0  }
0x1d: {  	s5 =	simm.s32 @p1 $0x1;
	p0 =	seq.s32 s7, s2  }
0x1e: {  	s7 =	smul.u32 @!p0 $0xF7A, s2;
	p2 =	seq.s32 @!p0 s5, $0x0  }
0x1f: {  	s9 =	smul.u32 $0xF7A, s1;
	s8 =	simm.s32 @!p0 $0x1BF5;
	p2 =	por !p2, p0  }
0x20: {  	[sflag:s8] =	ssyncset.s32 @!p0 $0xFFFFF086;
	s6 =	sadd.s32 @!p0 s3, s7;
	s7 =	simm.s32 @!p0 $0x108  }
0x21: {  	s3 =	sadd.s32 s3, s9;
	s6 =	sadd.s32 @!p0 $0x88, s6;
	s7 =	simm.s32 @p2 $0x1082  }
0x22: {  	[simem:s7], [sflag:s8] =	dma.local @!p0 [hbm:s6], $0xF7A  }
0x23: {  	s9 =	sor.u32 $0xD0000000, s2;
	s6 =	simm.s32 $0x108;
	_ =	swait.ge @!p0 [sflag:s8], $0x0  }
0x24: {  	s3 =	sadd.s32 $0x88, s3;
	s6 =	simm.s32 @!p1 $0x1082;
	[sflag:s4] =	ssyncset.s32 $0xFFFFF086  }
0x25: {  	[simem:s6], [sflag:s4] =	dma.local [hbm:s3], $0xF7A  }
0x26: {  	[smem:$0x3F9A] =	sst s1;
	(tag) =	ssettag s2;
	_ =	strace s9  }
0x27: {  	s1 =	sld [smem:$0x3FAA]  }
0x28: {  	s2 =	sld [smem:$0x3FAB]  }
0x29: {  	s4 =	sld [smem:$0x3FAD]  }
0x2a: {  	p0 =	seq.s32 s5, $0x0;
	s5 =	sld [smem:$0x3FAE]  }
0x2b: {  	s6 =	sld [smem:$0x3FAF]  }
0x2c: {  	s7 =	sld [smem:$0x3FB0]  }
0x2d: {  	s3 =	simm.s32 $0x108;
	s8 =	sld [smem:$0x3FB1]  }
0x2e: {  	s3 =	simm.s32 @!p0 $0x1082;
	s9 =	sld [smem:$0x3FB2]  }
0x2f: {  	lr =	sadd.s32 s0, s3;
	s0 =	sld [smem:$0x3FA9]  }
0x30: {  	s3 =	sld [smem:$0x3FAC]  }
0x31: {  	[smem:$0x3FB5] =	sst s10  }
0x32: {  	s10 =	sld [smem:$0x3FB3];
	_ =	sdelay $0x3  }
0x33: {  	p0 =	seq.s32 s10, $0x1;
	s10 =	sld [smem:$0x3FB5];
	_ =	sdelay $0x3  }
0x34: {  	[smem:$0x3FB5] =	sst s10  }
0x35: {  	s10 =	sld [smem:$0x3FB4];
	_ =	sdelay $0x3  }
0x36: {  	p1 =	seq.s32 s10, $0x1;
	s10 =	sld [smem:$0x3FB5];
	_ =	sdelay $0x3  }
0x37: {  	[smem:$0x3FB5] =	sst s10  }
0x38: {  	s10 =	sld [smem:$0x3FB6]  }
0x39: {  	_ = 	snop;
	(pc) =	sbr.ind lr, $3  }
0x3a: {  	_ = 	snop  }
0x3b: {  	_ = 	snop  }
0x3c: {  	p2 =	seq.s32 s10, $0x1;
	s10 =	sld [smem:$0x3FB5]  }
0x3d: {  	_ =	shalt  }
0x3e: {  	_ =	shalt  }
0x3f: {  	_ =	shalt  }
0x40: {  	_ =	shalt  }
0x41: {  	_ =	shalt  }
0x42: {  	_ =	shalt  }
0x43: {  	_ =	shalt  }
0x44: {  	_ =	shalt  }
0x45: {  	_ =	shalt  }
0x46: {  	_ =	shalt  }
0x47: {  	_ =	shalt  }
0x48: {  	_ =	shalt  }
0x49: {  	_ =	shalt  }
0x4a: {  	_ =	shalt  }
0x4b: {  	_ =	shalt  }
0x4c: {  	_ =	shalt  }
0x4d: {  	_ =	shalt  }
0x4e: {  	_ =	shalt  }
0x4f: {  	_ =	shalt  }
0x50: {  	_ =	shalt  }
0x51: {  	_ =	shalt  }
0x52: {  	_ =	shalt  }
0x53: {  	_ =	shalt  }
0x54: {  	_ =	shalt  }
0x55: {  	_ =	shalt  }
0x56: {  	_ =	shalt  }
0x57: {  	_ =	shalt  }
0x58: {  	_ =	shalt  }
0x59: {  	_ =	shalt  }
0x5a: {  	_ =	shalt  }
0x5b: {  	_ =	shalt  }
0x5c: {  	_ =	shalt  }
0x5d: {  	_ =	shalt  }
0x5e: {  	_ =	shalt  }
0x5f: {  	_ =	shalt  }
0x60: {  	_ =	shalt  }
0x61: {  	_ =	shalt  }
0x62: {  	_ =	shalt  }
0x63: {  	_ =	shalt  }
0x64: {  	_ =	shalt  }
0x65: {  	_ =	shalt  }
0x66: {  	_ =	shalt  }
0x67: {  	_ =	shalt  }
0x68: {  	_ =	shalt  }
0x69: {  	_ =	shalt  }
0x6a: {  	_ =	shalt  }
0x6b: {  	_ =	shalt  }
0x6c: {  	_ =	shalt  }
0x6d: {  	_ =	shalt  }
0x6e: {  	_ =	shalt  }
0x6f: {  	_ =	shalt  }
0x70: {  	_ =	shalt  }
0x71: {  	_ =	shalt  }
0x72: {  	_ =	shalt  }
0x73: {  	_ =	shalt  }
0x74: {  	_ =	shalt  }
0x75: {  	_ =	shalt  }
0x76: {  	_ =	shalt  }
0x77: {  	_ =	shalt  }
0x78: {  	_ =	shalt  }
0x79: {  	_ =	shalt  }
0x7a: {  	_ =	shalt  }
0x7b: {  	_ =	shalt  }
0x7c: {  	_ =	shalt  }
0x7d: {  	_ =	shalt  }
0x7e: {  	_ =	shalt  }
0x7f: {  	_ =	shalt  }
0x80: {  	_ =	shalt  }
0x81: {  	_ =	shalt  }
0x82: {  	_ =	shalt  }
0x83: {  	_ =	shalt  }
0x84: {  	_ =	shalt  }
0x85: {  	_ =	shalt  }
0x86: {  	_ =	shalt  }
0x87: {  	_ =	shalt  }
.Lfunc_end0:
.L_simem_size_0:
called_computation_lowered:
.L_overlay_start_0:
0x88: {  	s2 =	sld [smem:$0x3FD9]  }
0x89: {  	s3 =	sld [smem:$0x3FFE];
	_ =	sdelay $0x1  }
0x8a: {  	s1 =	srdreg.scid  }
0x8b: {  	s0 =	sand.u32 $0x1, s1  }
0x8c: {  	s17 =	sshll.u32 s0, $0xA;
	s2 =	sadd.s32 s3, s2  }
0x8d: {  	s2 =	sadd.s32 s2, s17  }
0x8e: {  	[smem:$0x3FC1] =	sst s2  }
0x8f: {  	_ = 	snop  }
0x90: {  	s2 =	sld [smem:$0x3FC9]  }
0x91: {  	s18 =	sld [smem:$0x3FC7]  }
0x92: {  	s4 =	sld [smem:$0x3FD0];
	(tm) =	ssettm $0x1  }
0x93: {  	s5 =	sld [smem:$0x3FFB];
	_ =	sdelay $0x3  }
0x94: {  	_ =	strace s5  }
0x95: {  	s5 =	sld [smem:$0x3FFC];
	_ =	sdelay $0x3  }
0x96: {  	_ =	strace s5  }
0x97: {  	s5 =	sld [smem:$0x3FFD];
	_ =	sdelay $0x3  }
0x98: {  	_ =	strace s5  }
0x99: {  	_ =	strace $0x8FFFFFFF  }
0x9a: {  	s19 =	sld [smem:$0x3FDB];
	_ =	sdelay $0x1  }
0x9b: {  	s6 =	simm.s32 $_scs_section_size  }
0x9c: {  	s7 =	simm.s32 $_size__tile_overlayer_lowered;
	s8 =	simm.s32 $_tile_overlayer_lowered  }
0x9d: {  	s22 =	simm.s32 $0x1BFF;
	s21 =	sshll.u32 s8, $0x1;
	s5 =	sadd.s32 s6, s19  }
0x9e: {  	s9 =	simm.s32 $0x0;
	s20 =	sshll.u32 s7, $0x1;
	s7 =	sadd.s32 s21, s5  }
0x9f: {  	[timem:s9], [sflag:s22] =	dma.local [hbm:s7], s20  }
0xa0: {  	_ =	swait.ge [sflag:s22], s20  }
0xa1: {  	s6 =	ssub.s32 $0x0, s20;
	[sflag:s22] =	ssyncset.done $0x0  }
0xa2: {  	[sflag:s22] =	ssyncadd.s32 s6;
	_ =	sdelay $0x1  }
0xa3: {  	s23 =	simm.s32 $0x1B8B  }
0xa4: {  	_ =	swait.ge [sflag:s23], $0x1  }
0xa5: {  	[sflag:s23] =	ssyncset.done $0x0  }
0xa6: {  	s25 =	simm.s32 $0x1B8E;
	s24 =	sld [smem:$0x3FFE];
	[sflag:s23] =	ssyncadd.s32 $0xFFFFFFFF  }
0xa7: {  	s26 =	simm.s32 $execute0_lowered;
	[smem:$0x3FD2] =	sst s25  }
0xa8: {  	s7 =	sshll.u32 s26, $0x1;
	_ =	strace $0x80000046;
	[dreg:$0x1] =	wrdreg $0xFFFFFFFF  }
0xa9: {  	s28 =	simm.s32 $_size_execute0_lowered;
	s5 =	sadd.s32 s5, s7;
	[dreg:$0x0] =	wrdreg $0x0  }
0xaa: {  	s7 =	sshll.u32 s28, $0x1;
	[dreg:$0x2] =	wrdreg s5  }
0xab: {  	[dreg:$0x3] =	wrdreg s7  }
0xac: {  	[dreg:$0x4] =	wrdreg $0xC0  }
0xad: {  	_ =	task [dreg:s9], $0x5FFFF  }
0xae: {  	[dreg:$0x1] =	wrdreg $0xFFFFFFFF  }
0xaf: {  	[dreg:$0x0] =	wrdreg $0x60  }
0xb0: {  	[dreg:$0x2] =	wrdreg s2  }
0xb1: {  	[dreg:$0x3] =	wrdreg s4  }
0xb2: {  	[dreg:$0x4] =	wrdreg s18  }
0xb3: {  	[dreg:$0x5] =	wrdreg s24  }
0xb4: {  	[dreg:$0x6] =	wrdreg $0x87800  }
0xb5: {  	[dreg:$0x7] =	wrdreg $0x9  }
0xb6: {  	_ =	task.clear_ibuf [dreg:s9], $0x8FFFF;
	_ =	strace $0x90000046  }
0xb7: {  	s29 =	simm.s32 $0x9;
	_ =	strace $0x80000048  }
0xb8: {  	_ =	swait.ge [sflag:s29], $0x1  }
0xb9: {  	[sflag:s29] =	ssyncadd.s32 $0xFFFFFFFF  }
0xba: {  	_ =	strace $0x90000048  }
0xbb: {  	_ =	sfence  }
0xbc: {  	s30 =	sld [smem:$0x0];
	_ =	sdelay $0x2  }
0xbd: {  	s31 =	sshll.u32 s1, $0xD;
	s1 =	sshrl.u32 s1, $0x2  }
0xbe: {  	s3 =	sand.u32 $0x4000, s31;
	s1 =	sadd.s32 s1, s30  }
0xbf: {  	s0 =	sor.u32 s3, s0;
	s1 =	sshll.u32 s1, $0x11  }
0xc0: {  	s0 =	sor.u32 s1, s0  }
0xc1: {  	s0 =	sadd.s32 $0x8F2B, s0  }
0xc2: {  	[sflag:s0] =	ssyncadd.remote.s32 $0x1  }
0xc3: {  	_ =	sfence.sel $0xFFFF  }
0xc4: {  	[dreg:$0x0] =	wrdreg $0xFFFFFFFF;
	(pc) =	sbr.abs _section_cstart, $3  }
0xc5: {  	[dreg:$0x1] =	wrdreg $0xFFFFFFFF  }
0xc6: {  	_ =	task.clear_ibuf [dreg:s9], $0x2FFFF;
	_ =	strace $0x9FFFFFFF  }
0xc7: {  	(tm) =	ssettm $0x7FFFFFFF  }
tec
execute0_lowered:
.L_overlay_start_1:
0x0: {  	(tag) =	ssettag $0x1  }
0x1: {  	s1 =	rddreg [dreg:$0x0]  }
0x2: {  	s2 =	rddreg [dreg:$0x1]  }
0x3: {  	s3 =	rddreg [dreg:$0x2]  }
0x4: {  	s0 =	rddreg [dreg:$0x3]  }
0x5: {  	s5 =	rddreg [dreg:$0x4];
	s4 =	srdreg.scid;
	s6 =	simm.s32 $0x0  }
0x6: {  	s20 =	stileid.u32;
	s30 =	simm.s32 $0x6;
	s31 =	simm.s32 $0x280  }
0x7: {  	s29 =	simm.s32 $0x4500;
	s4 =	sand.u32 $0x1, s4;
	s7 =	smul.u32 $0x280, s20  }
0x8: {  	[smem:$0x7FF] =	sst s6;
	s9 =	smul.u32 $0x50000, s20;
	s10 =	sadd.s32 $0x1C00, s0  }
0x9: {  	s22 =	sshll.u32 s20, $0x1;
	s26 =	smul.u32 $0x2800, s20;
	s21 =	ssub.s32 $0x2, s4  }
0xa: {  	_ =	strace $0x80000047;
	[dreg:$0x6] =	wrdreg s10;
	s16 =	sor.u32 s4, s22  }
0xb: {  	p0 =	seq.s32 s4, $0x1;
	s4 =	simm.s32 $0x29E00;
	s8 =	sshrl.u32 s21, $0x1  }
0xc: {  	s15 =	sadd.s32 $0x80, s7;
	s9 =	sshrl.u32 s9, $0x2;
	s17 =	sadd.s32 $0x100, s7  }
0xd: {  	s18 =	sadd.s32 $0x180, s7;
	s7 =	sadd.s32 $0x200, s7;
	s14 =	ssub.s32 $0x9C3, s16  }
0xe: {  	s19 =	sshll.u32 s16, $0x4;
	s13 =	sshll.u32 s16, $0x7;
	s16 =	sshll.u32 s16, $0x6  }
0xf: {  	s4 =	simm.s32 @!p0 $0x1E00;
	s6 =	ssub.s32 s21, s8;
	s23 =	sshll.u32 s15, $0x7  }
0x10: {  	s8 =	sadd.s32 s9, s5;
	s24 =	sshll.u32 s17, $0x7;
	s11 =	sshll.u32 s18, $0x7  }
0x11: {  	s12 =	sshll.u32 s7, $0x7;
	s14 =	sshrl.u32 s14, $0x5;
	s19 =	sadd.s32 s2, s19  }
0x12: {  	s25 =	sshrl.u32 s13, $0x3;
	s0 =	sadd.s32 s4, s0;
	s15 =	sshll.u32 s15, $0x4  }
0x13: {  	s17 =	sshll.u32 s17, $0x4;
	s18 =	sshll.u32 s18, $0x4;
	s7 =	sshll.u32 s7, $0x4  }
0x14: {  	s9 =	sadd.s32 s23, s5;
	s10 =	sadd.s32 s24, s5;
	s11 =	sadd.s32 s11, s5  }
0x15: {  	s12 =	sadd.s32 s12, s5;
	[dreg:$0x7] =	wrdreg s19;
	s4 =	sadd.s32 s0, s26  }
0x16: {  	s19 =	sadd.s32 s2, s25;
	s20 =	sadd.s32 s0, s15;
	[dreg:$0x8] =	wrdreg s4  }
0x17: {  	s23 =	sor.u32 $0x1000, s13;
	s21 =	sadd.s32 s0, s17;
	[dreg:$0x9] =	wrdreg s20  }
0x18: {  	s22 =	sadd.s32 s0, s18;
	s0 =	sadd.s32 s0, s7;
	[dreg:$0xa] =	wrdreg s21  }
0x19: {  	s25 =	sadd.s32 s3, s16;
	s28 =	sadd.s32 $0xFFFFFFFE, s14;
	[dreg:$0xb] =	wrdreg s22  }
.Ltmp0:
0x1a: {  	s7 =	simm.s32 $0x3;
	[dreg:$0xc] =	wrdreg s0;
	(pc) =	sbr.rel .LBB2_1-.Ltmp0, $4  }
0x1b: {  	s15 =	simm.s32 $0x0;
	s24 =	sshrl.u32 s23, $0x3;
	[dreg:$0xd] =	wrdreg s25  }
0x1c: {  	s26 =	sshrl.u32 s23, $0x1;
	s23 =	sadd.s32 $0x9C40, s19;
	s0 =	simm.s32 $0x4  }
0x1d: {  	s4 =	simm.s32 $0x5;
	s22 =	sadd.s32 s2, s24;
	s24 =	sadd.s32 $0x9E40, s19  }
0x1e: {  	v0 =	vimm.f32 $0.0e+00;
	s25 =	sadd.s32 s3, s26;
	s26 =	smax.u32 s6, $0x1;
	s6 =	simm.s32 $0x80  }
.LBB2_13:
0x1f: {  	_ =	swait.ge [sflag:s4], $0x4000  }
0x20: {  	[sflag:s4] =	ssyncset.done $0x0  }
0x21: {  	[sflag:s4] =	ssyncadd.s32 $0xFFFFC000  }
0x22: {  	_ =	swait.ge [sflag:s4], $0x4000  }
0x23: {  	[sflag:s4] =	ssyncset.done $0x0  }
0x24: {  	s16 =	stileid.u32;
	[sflag:s4] =	ssyncadd.s32 $0xFFFFC000  }
0x25: {  	s16 =	sshll.u32 s16, $0x6;
	[bflag:$0x0] =	sbarrier.arrive $0xFFFF  }
0x26: {  	s17 =	sshrl.u32 s8, $0x3;
	s16 =	sor.u32 $0x1C06, s16;
	s18 =	rddreg [dreg:$0x8]  }
0x27: {  	[hbm:s18], [sflag:s16] =	dma.local [spmem:s17], $0x800  }
0x28: {  	_ =	swait.ge [sflag:s30], $0x800  }
0x29: {  	[sflag:s30] =	ssyncset.done $0x0  }
0x2a: {  	s18 =	sshrl.u32 s9, $0x3;
	s19 =	rddreg [dreg:$0x9];
	[sflag:s30] =	ssyncadd.s32 $0xFFFFF800  }
0x2b: {  	[hbm:s19], [sflag:s16] =	dma.local [spmem:s18], $0x800  }
0x2c: {  	_ =	swait.ge [sflag:s30], $0x800  }
0x2d: {  	[sflag:s30] =	ssyncset.done $0x0  }
0x2e: {  	s20 =	sshrl.u32 s10, $0x3;
	s21 =	rddreg [dreg:$0xa];
	[sflag:s30] =	ssyncadd.s32 $0xFFFFF800  }
0x2f: {  	[hbm:s21], [sflag:s16] =	dma.local [spmem:s20], $0x800  }
0x30: {  	_ =	swait.ge [sflag:s30], $0x800  }
0x31: {  	[sflag:s30] =	ssyncset.done $0x0  }
0x32: {  	s18 =	sshrl.u32 s11, $0x3;
	s19 =	rddreg [dreg:$0xb];
	[sflag:s30] =	ssyncadd.s32 $0xFFFFF800  }
0x33: {  	[hbm:s19], [sflag:s16] =	dma.local [spmem:s18], $0x800  }
0x34: {  	s15 =	sadd.s32 $0x1, s15;
	_ =	swait.ge [sflag:s30], $0x800  }
0x35: {  	p0 =	sne.s32 s15, s26;
	s20 =	sshrl.u32 s12, $0x3;
	[sflag:s30] =	ssyncset.done $0x0  }
.Ltmp1:
0x36: {  	s21 =	rddreg [dreg:$0xc];
	[sflag:s30] =	ssyncadd.s32 $0xFFFFF800;
	(pc) =	sbr.rel @!p0 .LBB2_14-.Ltmp1, $4  }
0x37: {  	[hbm:s21], [sflag:s16] =	dma.local [spmem:s20], $0x800  }
0x38: {  	_ =	swait.ge [sflag:s30], $0x800  }
0x39: {  	[sflag:s30] =	ssyncset.done $0x0  }
0x3a: {  	[sflag:s30] =	ssyncadd.s32 $0xFFFFF800  }
.LBB2_1:
0x3b: {  	s16 =	simm.s32 $0x0;
	s17 =	rddreg [dreg:$0x6];
	s18 =	simm.s32 $0x8700  }
0x3c: {  	[tilespmem:s18], [sflag:$0x6] =	stream.linear.gather [hbm4b:s17+s16], $0x80, $0x38;
	[tilespmem:$0x1C780] =	vst v63  }
0x3d: {  	_ =	swait.ge [sflag:s30], $0x80  }
0x3e: {  	[sflag:s30] =	ssyncset.done $0x0  }
0x3f: {  	[sflag:s30] =	ssyncadd.s32 $0xFFFFFF80  }
0x40: {  	s16 =	simm.s32 $0x0;
	s17 =	simm.s32 $0x200;
	v5 =	vld [tilespmem:$0x8700]  }
.LBB2_2:
0x41: {  	p0 =	sne.s32 s17, $0xFE00;
	[tilespmem:s16+$0x2F0] =	vst v0  }
0x42: {  	[tilespmem:s16+$0x280] =	vst v0  }
0x43: {  	[tilespmem:s16+$0x290] =	vst v0  }
.Ltmp2:
0x44: {  	[tilespmem:s16+$0x2A0] =	vst v0;
	(pc) =	sbr.rel @p0 .LBB2_2-.Ltmp2, $4  }
0x45: {  	[tilespmem:s16+$0x2B0] =	vst v0  }
0x46: {  	[tilespmem:s16+$0x2C0] =	vst v0  }
0x47: {  	[tilespmem:s16+$0x2D0] =	vst v0  }
0x48: {  	[tilespmem:s16+$0x2E0] =	vst v0;
	s16 =	sshra.s32 s17, $0x2;
	s17 =	sadd.s32 $0x200, s17  }
0x49: {  	[tilespmem:s16+$0x2F0] =	vst v0  }
0x4a: {  	[tilespmem:s16+$0x280] =	vst v0  }
0x4b: {  	[tilespmem:s16+$0x290] =	vst v0  }
0x4c: {  	[tilespmem:s16+$0x2A0] =	vst v0  }
0x4d: {  	[tilespmem:s16+$0x2B0] =	vst v0  }
0x4e: {  	[tilespmem:s16+$0x2C0] =	vst v0  }
0x4f: {  	[tilespmem:s16+$0x2D0] =	vst v0  }
0x50: {  	[tilespmem:s16+$0x2E0] =	vst v0  }
0x51: {  	[spmem:s8] =	stream.linear.scatter [tilespmem:s31], [sflag:$0x6], $0x4000, $0x38;
	[tilespmem:$0x1C780] =	vst v63  }
0x52: {  	_ =	swait.ge [sflag:s30], $0x4000  }
0x53: {  	[sflag:s30] =	ssyncset.done $0x0  }
0x54: {  	[sflag:s30] =	ssyncadd.s32 $0xFFFFC000  }
0x55: {  	[spmem:s9] =	stream.linear.scatter [tilespmem:s31], [sflag:$0x6], $0x4000, $0x38;
	[tilespmem:$0x1C780] =	vst v63  }
0x56: {  	_ =	swait.ge [sflag:s30], $0x4000  }
0x57: {  	[sflag:s30] =	ssyncset.done $0x0  }
0x58: {  	[sflag:s30] =	ssyncadd.s32 $0xFFFFC000  }
0x59: {  	[spmem:s10] =	stream.linear.scatter [tilespmem:s31], [sflag:$0x6], $0x4000, $0x38;
	[tilespmem:$0x1C780] =	vst v63  }
0x5a: {  	_ =	swait.ge [sflag:s30], $0x4000  }
0x5b: {  	[sflag:s30] =	ssyncset.done $0x0  }
0x5c: {  	[sflag:s30] =	ssyncadd.s32 $0xFFFFC000  }
0x5d: {  	[spmem:s11] =	stream.linear.scatter [tilespmem:s31], [sflag:$0x6], $0x4000, $0x38;
	[tilespmem:$0x1C780] =	vst v63  }
0x5e: {  	_ =	swait.ge [sflag:s30], $0x4000  }
0x5f: {  	[sflag:s30] =	ssyncset.done $0x0  }
0x60: {  	[sflag:s30] =	ssyncadd.s32 $0xFFFFC000  }
0x61: {  	[spmem:s12] =	stream.linear.scatter [tilespmem:s31], [sflag:$0x6], $0x4000, $0x38;
	[tilespmem:$0x1C780] =	vst v63  }
0x62: {  	_ =	swait.ge [sflag:s30], $0x4000  }
0x63: {  	[sflag:s30] =	ssyncset.done $0x0  }
0x64: {  	[sflag:s30] =	ssyncadd.s32 $0xFFFFC000  }
0x65: {  	[bflag:$0x0] =	sbarrier.arrive $0xFFFF  }
0x66: {  	s16 =	simm.s32 $0x0;
	s17 =	rddreg [dreg:$0x7]  }
0x67: {  	[tilespmem:s16], [sflag:$0x6] =	stream.linear.gather [hbm4b:s17+s16], $0x80, $0x38;
	[tilespmem:$0x1C780] =	vst v63  }
0x68: {  	_ =	swait.ge [sflag:s30], $0x80  }
0x69: {  	[sflag:s30] =	ssyncset.done $0x0  }
0x6a: {  	s21 =	simm.s32 $0x8500;
	[sflag:s30] =	ssyncadd.s32 $0xFFFFFF80  }
0x6b: {  	[tilespmem:s21], [sflag:$0x6] =	stream.linear.gather [hbm4b:s23+s16], $0x80, $0x38;
	[tilespmem:$0x1C780] =	vst v63  }
0x6c: {  	_ =	swait.ge [sflag:s30], $0x80  }
0x6d: {  	[sflag:s30] =	ssyncset.done $0x0  }
0x6e: {  	s18 =	rddreg [dreg:$0xd];
	[sflag:s30] =	ssyncadd.s32 $0xFFFFFF80  }
0x6f: {  	[tilespmem:s6], [sflag:$0x6] =	stream.linear.gather [hbm4b:s18+s16], $0x200, $0x38;
	[tilespmem:$0x1C780] =	vst v63  }
0x70: {  	_ =	swait.ge [sflag:s30], $0x200  }
0x71: {  	[sflag:s30] =	ssyncset.done $0x0  }
0x72: {  	[sflag:s30] =	ssyncadd.s32 $0xFFFFFE00  }
0x73: {  	[tilespmem:s31], [sflag:$0x3] =	stream.indirect.gather [hbm4b:s1+s6], $0x80, s16, s6, $0xb8;
	[tilespmem:$0x1C780] =	vst v63  }
0x74: {  	s19 =	simm.s32 $0x4280  }
0x75: {  	[tilespmem:s19], [sflag:$0x2] =	stream.linear.gather [hbm4b:s22+s16], $0x80, $0x38;
	[tilespmem:$0x1C780] =	vst v63  }
.Ltmp3:
0x76: {  	_ = 	snop;
	(pc) =	sbr.rel .LBB2_4-.Ltmp3, $4  }
0x77: {  	s20 =	simm.s32 $0x8580  }
0x78: {  	v1 =	vbroadcast v5, $0x0;
	[tilespmem:s20], [sflag:$0x2] =	stream.linear.gather [hbm4b:s24+s16], $0x80, $0x38;
	[tilespmem:$0x1C780] =	vst v63  }
0x79: {  	v2 =	vbroadcast v5, $0x1;
	v3 =	vbroadcast v5, $0x2;
	s21 =	simm.s32 $0x4300  }
0x7a: {  	v4 =	vbroadcast v5, $0x3;
	v5 =	vbroadcast v5, $0x4;
	[tilespmem:s21], [sflag:$0x2] =	stream.linear.gather [hbm4b:s25+s16], $0x200, $0x38;
	[tilespmem:$0x1C780] =	vst v63  }
.LBB2_12:
0x7b: {  	s16 =	sadd.s32 $0x1, s16  }
0x7c: {  	p0 =	sne.s32 s16, $0x28  }
.Ltmp4:
0x7d: {  	_ = 	snop;
	(pc) =	sbr.rel @!p0 .LBB2_13-.Ltmp4, $1  }
0x7e: {  	_ =	sdelay $0x3  }
.LBB2_4:
0x7f: {  	s17 =	sshll.u32 s16, $0x1  }
0x80: {  	p0 =	sgt.u32 s17, s14  }
.Ltmp5:
0x81: {  	_ = 	snop;
	(pc) =	sbr.rel @p0 .LBB2_8-.Ltmp5, $1  }
0x82: {  	_ =	sdelay $0x3  }
0x83: {  	p0 =	sge.u32 s17, s14  }
0x84: {  	s18 =	simm.s32 @!p0 $0x2  }
0x85: {  	_ =	swait.ge @!p0 [sflag:s18], $0x80  }
0x86: {  	[sflag:s18] =	ssyncset.done @!p0 $0x0  }
0x87: {  	[sflag:s18] =	ssyncadd.s32 @!p0 $0xFFFFFF80  }
0x88: {  	_ =	swait.ge @!p0 [sflag:s18], $0x80  }
0x89: {  	[sflag:s18] =	ssyncset.done @!p0 $0x0  }
0x8a: {  	[sflag:s18] =	ssyncadd.s32 @!p0 $0xFFFFFF80  }
0x8b: {  	p1 =	seq.s32 @!p0 s16, $0x0;
	_ =	swait.ge @!p0 [sflag:s18], $0x200  }
0x8c: {  	p1 =	por p1, p0;
	[sflag:s18] =	ssyncset.done @!p0 $0x0  }
0x8d: {  	[sflag:s18] =	ssyncadd.s32 @!p0 $0xFFFFFE00;
	s18 =	simm.s32 @!p1 $0x5  }
0x8e: {  	_ =	swait.ge @!p1 [sflag:s18], $0x4000  }
0x8f: {  	s19 =	simm.s32 @!p0 $0x4280;
	[sflag:s18] =	ssyncset.done @!p1 $0x0  }
0x90: {  	s20 =	simm.s32 @!p0 $0x4500;
	[sflag:s18] =	ssyncadd.s32 @!p1 $0xFFFFC000;
	s18 =	simm.s32 @!p0 $0x80  }
0x91: {  	[tilespmem:s20], [sflag:$0x4] =	stream.indirect.gather @!p0 [hbm4b:s1+s18], $0x80, s19, s18, $0xb8;
	[tilespmem:$0x1C780] =	vst v63  }
0x92: {  	_ =	swait.ge [sflag:s7], $0x4000  }
0x93: {  	[sflag:s7] =	ssyncset.done $0x0  }
0x94: {  	s18 =	simm.s32 $0x0;
	[sflag:s7] =	ssyncadd.s32 $0xFFFFC000  }
.LBB2_6:
0x95: {  	s19 =	sshll.u32 s18, $0x4  }
0x96: {  	v6 =	vld [tilespmem:s19+$0x80];
	_ =	sdelay $0x1  }
0x97: {  	v7 =	vld [tilespmem:s19+$0x100];
	_ =	sdelay $0x1  }
0x98: {  	v8 =	vld [tilespmem:s19+$0x180]  }
0x99: {  	v6 =	vmul.f32 v6, v1  }
0x9a: {  	v9 =	vld [tilespmem:s19+$0x200]  }
0x9b: {  	v7 =	vmul.f32 v7, v2;
	v6 =	vadd.f32 v6, v5;
	_ =	sdelay $0x1  }
0x9c: {  	v6 =	vadd.f32 v7, v6;
	v7 =	vmul.f32 v8, v3;
	_ =	sdelay $0x1  }
0x9d: {  	v6 =	vadd.f32 v7, v6;
	v7 =	vmul.f32 v9, v4;
	_ =	sdelay $0x1  }
0x9e: {  	v6 =	vadd.f32 v7, v6;
	_ =	sdelay $0x1  }
0x9f: {  	v6 =	vsub.f32 $0.0e+00, v6;
	_ =	sdelay $0x1  }
0xa0: {  	v6 =	vmul.f32 $1.442695020e+00, v6;
	_ =	sdelay $0x1  }
0xa1: {  	(erf) = vpow2.f32 v6;
	_ =	sdelay $0x8  }
0xa2: {  	v6 =	vpop (erf)  }
0xa3: {  	v6 =	vadd.f32 $1.000000000e+00, v6;
	_ =	sdelay $0x1  }
0xa4: {  	(erf) = vrcp.f32 v6;
	_ =	sdelay $0x4  }
0xa5: {  	s21 =	sshll.u32 s18, $0xB  }
0xa6: {  	s19 =	sand.u32 $0x3FFFF800, s21  }
0xa7: {  	v7 =	vld [tilespmem:s19+$0x280]  }
0xa8: {  	v52 =	vld [tilespmem:s19+$0x290]  }
0xa9: {  	v53 =	vld [tilespmem:s19+$0x2A0];
	v6 =	vpop (erf)  }
0xaa: {  	v11 =	vld [tilespmem:s19+$0x2B0];
	v10 =	vbroadcast v6, $0x0  }
0xab: {  	v12 =	vld [tilespmem:s19+$0x2C0]  }
0xac: {  	v13 =	vld [tilespmem:s19+$0x2D0];
	v7 =	vmul.f32 v10, v7  }
0xad: {  	v14 =	vld [tilespmem:s19+$0x2E0];
	v8 =	vmul.f32 v10, v52  }
0xae: {  	v54 =	vld [tilespmem:s19+$0x2F0];
	[tilespmem:s19+$0x280] =	vst v7;
	v7 =	vmul.f32 v10, v53  }
0xaf: {  	v56 =	vld [tilespmem:s19+$0x300];
	v55 =	vmul.f32 v10, v11;
	[tilespmem:s19+$0x290] =	vst v8  }
0xb0: {  	v57 =	vld [tilespmem:s19+$0x310];
	[tilespmem:s19+$0x2A0] =	vst v7;
	v7 =	vmul.f32 v12, v10  }
0xb1: {  	v59 =	vld [tilespmem:s19+$0x320];
	v58 =	vmul.f32 v13, v10;
	[tilespmem:s19+$0x2B0] =	vst v55  }
0xb2: {  	v15 =	vld [tilespmem:s19+$0x330];
	v60 =	vbroadcast v6, $0x1;
	[tilespmem:s19+$0x2C0] =	vst v7;
	v7 =	vmul.f32 v14, v10  }
0xb3: {  	v62 =	vld [tilespmem:s19+$0x340];
	v61 =	vmul.f32 v54, v10;
	[tilespmem:s19+$0x2D0] =	vst v58  }
0xb4: {  	v63 =	vld [tilespmem:s19+$0x350];
	[tilespmem:s19+$0x2E0] =	vst v7;
	v7 =	vmul.f32 v56, v60  }
0xb5: {  	v17 =	vld [tilespmem:s19+$0x360];
	v16 =	vmul.f32 v57, v60;
	[tilespmem:s19+$0x2F0] =	vst v61  }
0xb6: {  	v18 =	vld [tilespmem:s19+$0x370];
	[tilespmem:s19+$0x300] =	vst v7;
	v7 =	vmul.f32 v59, v60  }
0xb7: {  	v20 =	vld [tilespmem:s19+$0x380];
	v19 =	vmul.f32 v15, v60;
	[tilespmem:s19+$0x310] =	vst v16  }
0xb8: {  	v21 =	vld [tilespmem:s19+$0x390];
	[tilespmem:s19+$0x320] =	vst v7;
	v7 =	vmul.f32 v62, v60  }
0xb9: {  	v23 =	vld [tilespmem:s19+$0x3A0];
	v22 =	vmul.f32 v63, v60;
	[tilespmem:s19+$0x330] =	vst v19  }
0xba: {  	v25 =	vld [tilespmem:s19+$0x3B0];
	v24 =	vbroadcast v6, $0x2;
	[tilespmem:s19+$0x340] =	vst v7;
	v7 =	vmul.f32 v17, v60  }
0xbb: {  	v27 =	vld [tilespmem:s19+$0x3C0];
	v26 =	vmul.f32 v18, v60;
	[tilespmem:s19+$0x350] =	vst v22  }
0xbc: {  	v28 =	vld [tilespmem:s19+$0x3D0];
	[tilespmem:s19+$0x360] =	vst v7;
	v7 =	vmul.f32 v20, v24  }
0xbd: {  	v30 =	vld [tilespmem:s19+$0x3E0];
	v29 =	vmul.f32 v21, v24;
	[tilespmem:s19+$0x370] =	vst v26  }
0xbe: {  	v31 =	vld [tilespmem:s19+$0x3F0];
	[tilespmem:s19+$0x380] =	vst v7;
	v7 =	vmul.f32 v23, v24  }
0xbf: {  	v33 =	vld [tilespmem:s19+$0x400];
	v32 =	vmul.f32 v25, v24;
	[tilespmem:s19+$0x390] =	vst v29  }
0xc0: {  	v34 =	vld [tilespmem:s19+$0x410];
	[tilespmem:s19+$0x3A0] =	vst v7;
	v7 =	vmul.f32 v27, v24  }
0xc1: {  	v36 =	vld [tilespmem:s19+$0x420];
	v35 =	vmul.f32 v28, v24;
	[tilespmem:s19+$0x3B0] =	vst v32  }
0xc2: {  	v38 =	vld [tilespmem:s19+$0x430];
	v37 =	vbroadcast v6, $0x3;
	[tilespmem:s19+$0x3C0] =	vst v7;
	v7 =	vmul.f32 v30, v24  }
0xc3: {  	v40 =	vld [tilespmem:s19+$0x440];
	v39 =	vmul.f32 v31, v24;
	[tilespmem:s19+$0x3D0] =	vst v35  }
0xc4: {  	v41 =	vld [tilespmem:s19+$0x450];
	[tilespmem:s19+$0x3E0] =	vst v7;
	v7 =	vmul.f32 v33, v37  }
0xc5: {  	v43 =	vld [tilespmem:s19+$0x460];
	v42 =	vmul.f32 v34, v37;
	[tilespmem:s19+$0x3F0] =	vst v39  }
0xc6: {  	v44 =	vld [tilespmem:s19+$0x470];
	[tilespmem:s19+$0x400] =	vst v7;
	v7 =	vmul.f32 v36, v37  }
0xc7: {  	v46 =	vld [tilespmem:s19+$0x480];
	v45 =	vmul.f32 v38, v37;
	[tilespmem:s19+$0x410] =	vst v42  }
0xc8: {  	v47 =	vld [tilespmem:s19+$0x490];
	[tilespmem:s19+$0x420] =	vst v7;
	v7 =	vmul.f32 v40, v37  }
0xc9: {  	v49 =	vld [tilespmem:s19+$0x4A0];
	v48 =	vmul.f32 v41, v37;
	[tilespmem:s19+$0x430] =	vst v45  }
0xca: {  	v51 =	vld [tilespmem:s19+$0x4B0];
	v50 =	vbroadcast v6, $0x4;
	[tilespmem:s19+$0x440] =	vst v7;
	v7 =	vmul.f32 v43, v37  }
0xcb: {  	v52 =	vmul.f32 v44, v37;
	[tilespmem:s19+$0x450] =	vst v48;
	v53 =	vld [tilespmem:s19+$0x4C0]  }
0xcc: {  	v54 =	vld [tilespmem:s19+$0x4D0];
	[tilespmem:s19+$0x460] =	vst v7;
	v7 =	vmul.f32 v46, v50  }
0xcd: {  	[tilespmem:s19+$0x470] =	vst v52;
	v55 =	vmul.f32 v47, v50;
	v56 =	vld [tilespmem:s19+$0x4E0]  }
0xce: {  	v57 =	vld [tilespmem:s19+$0x4F0];
	[tilespmem:s19+$0x480] =	vst v7;
	v7 =	vmul.f32 v49, v50  }
0xcf: {  	v58 =	vmul.f32 v51, v50;
	[tilespmem:s19+$0x490] =	vst v55;
	v59 =	vld [tilespmem:s19+$0x500]  }
0xd0: {  	v18 =	vld [tilespmem:s19+$0x530];
	[tilespmem:s19+$0x4A0] =	vst v7;
	v7 =	vmul.f32 v53, v50  }
0xd1: {  	[tilespmem:s19+$0x4B0] =	vst v58;
	v61 =	vmul.f32 v54, v50;
	v62 =	vld [tilespmem:s19+$0x520]  }
0xd2: {  	v63 =	vbroadcast v6, $0x5;
	v21 =	vld [tilespmem:s19+$0x550];
	[tilespmem:s19+$0x4C0] =	vst v7;
	v7 =	vmul.f32 v56, v50  }
0xd3: {  	v19 =	vmul.f32 v57, v50;
	[tilespmem:s19+$0x4D0] =	vst v61;
	v20 =	vld [tilespmem:s19+$0x540]  }
0xd4: {  	v60 =	vld [tilespmem:s19+$0x510];
	[tilespmem:s19+$0x4E0] =	vst v7;
	v7 =	vmul.f32 v59, v63  }
0xd5: {  	v25 =	vmul.f32 v18, v63;
	[tilespmem:s19+$0x4F0] =	vst v19;
	v23 =	vld [tilespmem:s19+$0x560]  }
0xd6: {  	v31 =	vld [tilespmem:s19+$0x5B0];
	[tilespmem:s19+$0x500] =	vst v7;
	v7 =	vmul.f32 v62, v63  }
0xd7: {  	v26 =	vld [tilespmem:s19+$0x580];
	v28 =	vmul.f32 v21, v63;
	[tilespmem:s19+$0x530] =	vst v25  }
0xd8: {  	v34 =	vld [tilespmem:s19+$0x5D0];
	[tilespmem:s19+$0x520] =	vst v7;
	v7 =	vmul.f32 v20, v63  }
0xd9: {  	v29 =	vld [tilespmem:s19+$0x5A0];
	[tilespmem:s19+$0x550] =	vst v28;
	v22 =	vmul.f32 v60, v63;
	v30 =	vbroadcast v6, $0x6  }
0xda: {  	v27 =	vld [tilespmem:s19+$0x590];
	[tilespmem:s19+$0x540] =	vst v7;
	v7 =	vmul.f32 v23, v63  }
0xdb: {  	[tilespmem:s19+$0x510] =	vst v22;
	v33 =	vld [tilespmem:s19+$0x5C0];
	v38 =	vmul.f32 v31, v30  }
0xdc: {  	v24 =	vld [tilespmem:s19+$0x570];
	[tilespmem:s19+$0x560] =	vst v7;
	v7 =	vmul.f32 v26, v30  }
0xdd: {  	v41 =	vmul.f32 v34, v30;
	v36 =	vld [tilespmem:s19+$0x5E0];
	[tilespmem:s19+$0x5B0] =	vst v38  }
0xde: {  	v44 =	vld [tilespmem:s19+$0x630];
	[tilespmem:s19+$0x580] =	vst v7;
	v7 =	vmul.f32 v29, v30  }
0xdf: {  	v39 =	vld [tilespmem:s19+$0x600];
	v35 =	vmul.f32 v27, v30;
	[tilespmem:s19+$0x5D0] =	vst v41  }
0xe0: {  	v47 =	vld [tilespmem:s19+$0x650];
	[tilespmem:s19+$0x5A0] =	vst v7;
	v7 =	vmul.f32 v33, v30  }
0xe1: {  	v42 =	vld [tilespmem:s19+$0x620];
	v32 =	vmul.f32 v24, v63;
	[tilespmem:s19+$0x590] =	vst v35;
	v43 =	vbroadcast v6, $0x7  }
0xe2: {  	v40 =	vld [tilespmem:s19+$0x610];
	[tilespmem:s19+$0x5C0] =	vst v7;
	v7 =	vmul.f32 v36, v30  }
0xe3: {  	[tilespmem:s19+$0x570] =	vst v32;
	v46 =	vld [tilespmem:s19+$0x640];
	v51 =	vmul.f32 v44, v43  }
0xe4: {  	v37 =	vld [tilespmem:s19+$0x5F0];
	[tilespmem:s19+$0x5E0] =	vst v7;
	v7 =	vmul.f32 v39, v43  }
0xe5: {  	v54 =	vmul.f32 v47, v43;
	v49 =	vld [tilespmem:s19+$0x660];
	[tilespmem:s19+$0x630] =	vst v51  }
0xe6: {  	v57 =	vld [tilespmem:s19+$0x6B0];
	[tilespmem:s19+$0x600] =	vst v7;
	v7 =	vmul.f32 v42, v43  }
0xe7: {  	v52 =	vld [tilespmem:s19+$0x680];
	v48 =	vmul.f32 v40, v43;
	[tilespmem:s19+$0x650] =	vst v54  }
0xe8: {  	v60 =	vld [tilespmem:s19+$0x6D0];
	[tilespmem:s19+$0x620] =	vst v7;
	v7 =	vmul.f32 v46, v43  }
0xe9: {  	v55 =	vld [tilespmem:s19+$0x6A0];
	v45 =	vmul.f32 v37, v30;
	[tilespmem:s19+$0x610] =	vst v48;
	v56 =	vbroadcast v6, $0x8  }
0xea: {  	v53 =	vld [tilespmem:s19+$0x690];
	[tilespmem:s19+$0x640] =	vst v7;
	v7 =	vmul.f32 v49, v43  }
0xeb: {  	[tilespmem:s19+$0x5F0] =	vst v45;
	v59 =	vld [tilespmem:s19+$0x6C0];
	v18 =	vmul.f32 v57, v56  }
0xec: {  	v50 =	vld [tilespmem:s19+$0x670];
	[tilespmem:s19+$0x660] =	vst v7;
	v7 =	vmul.f32 v52, v56  }
0xed: {  	v21 =	vmul.f32 v60, v56;
	v62 =	vld [tilespmem:s19+$0x6E0];
	[tilespmem:s19+$0x6B0] =	vst v18  }
0xee: {  	v24 =	vld [tilespmem:s19+$0x730];
	[tilespmem:s19+$0x680] =	vst v7;
	v7 =	vmul.f32 v55, v56  }
0xef: {  	v19 =	vld [tilespmem:s19+$0x700];
	v61 =	vmul.f32 v53, v56;
	[tilespmem:s19+$0x6D0] =	vst v21  }
0xf0: {  	v27 =	vld [tilespmem:s19+$0x750];
	[tilespmem:s19+$0x6A0] =	vst v7;
	v7 =	vmul.f32 v59, v56  }
0xf1: {  	v22 =	vld [tilespmem:s19+$0x720];
	v58 =	vmul.f32 v50, v43;
	[tilespmem:s19+$0x690] =	vst v61;
	v23 =	vbroadcast v6, $0x9  }
0xf2: {  	v20 =	vld [tilespmem:s19+$0x710];
	[tilespmem:s19+$0x6C0] =	vst v7;
	v7 =	vmul.f32 v62, v56  }
0xf3: {  	[tilespmem:s19+$0x670] =	vst v58;
	v26 =	vld [tilespmem:s19+$0x740];
	v31 =	vmul.f32 v24, v23  }
0xf4: {  	v63 =	vld [tilespmem:s19+$0x6F0];
	[tilespmem:s19+$0x6E0] =	vst v7;
	v7 =	vmul.f32 v19, v23  }
0xf5: {  	v34 =	vmul.f32 v27, v23;
	v29 =	vld [tilespmem:s19+$0x760];
	[tilespmem:s19+$0x730] =	vst v31  }
0xf6: {  	v37 =	vld [tilespmem:s19+$0x7B0];
	[tilespmem:s19+$0x700] =	vst v7;
	v7 =	vmul.f32 v22, v23  }
0xf7: {  	v32 =	vld [tilespmem:s19+$0x780];
	v28 =	vmul.f32 v20, v23;
	[tilespmem:s19+$0x750] =	vst v34  }
0xf8: {  	v40 =	vld [tilespmem:s19+$0x7D0];
	[tilespmem:s19+$0x720] =	vst v7;
	v7 =	vmul.f32 v26, v23  }
0xf9: {  	v35 =	vld [tilespmem:s19+$0x7A0];
	v25 =	vmul.f32 v63, v56;
	[tilespmem:s19+$0x710] =	vst v28;
	v36 =	vbroadcast v6, $0xA  }
0xfa: {  	v33 =	vld [tilespmem:s19+$0x790];
	[tilespmem:s19+$0x740] =	vst v7;
	v7 =	vmul.f32 v29, v23  }
0xfb: {  	[tilespmem:s19+$0x6F0] =	vst v25;
	v39 =	vld [tilespmem:s19+$0x7C0];
	v44 =	vmul.f32 v37, v36  }
0xfc: {  	v30 =	vld [tilespmem:s19+$0x770];
	[tilespmem:s19+$0x760] =	vst v7;
	v7 =	vmul.f32 v32, v36  }
0xfd: {  	v47 =	vmul.f32 v40, v36;
	v42 =	vld [tilespmem:s19+$0x7E0];
	[tilespmem:s19+$0x7B0] =	vst v44  }
0xfe: {  	v50 =	vld [tilespmem:s19+$0x830];
	[tilespmem:s19+$0x780] =	vst v7;
	v7 =	vmul.f32 v35, v36  }
0xff: {  	v45 =	vld [tilespmem:s19+$0x800];
	v41 =	vmul.f32 v33, v36;
	[tilespmem:s19+$0x7D0] =	vst v47  }
0x100: {  	v53 =	vld [tilespmem:s19+$0x850];
	[tilespmem:s19+$0x7A0] =	vst v7;
	v7 =	vmul.f32 v39, v36  }
0x101: {  	v48 =	vld [tilespmem:s19+$0x820];
	v38 =	vmul.f32 v30, v23;
	[tilespmem:s19+$0x790] =	vst v41;
	v49 =	vbroadcast v6, $0xB  }
0x102: {  	v46 =	vld [tilespmem:s19+$0x810];
	[tilespmem:s19+$0x7C0] =	vst v7;
	v7 =	vmul.f32 v42, v36  }
0x103: {  	[tilespmem:s19+$0x770] =	vst v38;
	v52 =	vld [tilespmem:s19+$0x840];
	v57 =	vmul.f32 v50, v49  }
0x104: {  	v43 =	vld [tilespmem:s19+$0x7F0];
	[tilespmem:s19+$0x7E0] =	vst v7;
	v7 =	vmul.f32 v45, v49  }
0x105: {  	v60 =	vmul.f32 v53, v49;
	v55 =	vld [tilespmem:s19+$0x860];
	[tilespmem:s19+$0x830] =	vst v57  }
0x106: {  	v63 =	vld [tilespmem:s19+$0x8B0];
	[tilespmem:s19+$0x800] =	vst v7;
	v7 =	vmul.f32 v48, v49  }
0x107: {  	v58 =	vld [tilespmem:s19+$0x880];
	v54 =	vmul.f32 v46, v49;
	[tilespmem:s19+$0x850] =	vst v60  }
0x108: {  	v20 =	vld [tilespmem:s19+$0x8D0];
	[tilespmem:s19+$0x820] =	vst v7;
	v7 =	vmul.f32 v52, v49  }
0x109: {  	v61 =	vld [tilespmem:s19+$0x8A0];
	v51 =	vmul.f32 v43, v36;
	[tilespmem:s19+$0x810] =	vst v54;
	v62 =	vbroadcast v6, $0xC  }
0x10a: {  	v59 =	vld [tilespmem:s19+$0x890];
	[tilespmem:s19+$0x840] =	vst v7;
	v7 =	vmul.f32 v55, v49  }
0x10b: {  	[tilespmem:s19+$0x7F0] =	vst v51;
	v19 =	vld [tilespmem:s19+$0x8C0];
	v24 =	vmul.f32 v63, v62  }
0x10c: {  	v56 =	vld [tilespmem:s19+$0x870];
	[tilespmem:s19+$0x860] =	vst v7;
	v7 =	vmul.f32 v58, v62  }
0x10d: {  	v27 =	vmul.f32 v20, v62;
	v22 =	vld [tilespmem:s19+$0x8E0];
	[tilespmem:s19+$0x8B0] =	vst v24  }
0x10e: {  	v30 =	vld [tilespmem:s19+$0x930];
	[tilespmem:s19+$0x880] =	vst v7;
	v7 =	vmul.f32 v61, v62  }
0x10f: {  	v25 =	vld [tilespmem:s19+$0x900];
	v21 =	vmul.f32 v59, v62;
	[tilespmem:s19+$0x8D0] =	vst v27  }
0x110: {  	v33 =	vld [tilespmem:s19+$0x950];
	[tilespmem:s19+$0x8A0] =	vst v7;
	v7 =	vmul.f32 v19, v62  }
0x111: {  	v28 =	vld [tilespmem:s19+$0x920];
	v18 =	vmul.f32 v56, v49;
	[tilespmem:s19+$0x890] =	vst v21;
	v29 =	vbroadcast v6, $0xD  }
0x112: {  	v26 =	vld [tilespmem:s19+$0x910];
	[tilespmem:s19+$0x8C0] =	vst v7;
	v7 =	vmul.f32 v22, v62  }
0x113: {  	[tilespmem:s19+$0x870] =	vst v18;
	v32 =	vld [tilespmem:s19+$0x940];
	v37 =	vmul.f32 v30, v29  }
0x114: {  	v23 =	vld [tilespmem:s19+$0x8F0];
	[tilespmem:s19+$0x8E0] =	vst v7;
	v7 =	vmul.f32 v25, v29  }
0x115: {  	v40 =	vmul.f32 v33, v29;
	v35 =	vld [tilespmem:s19+$0x960];
	[tilespmem:s19+$0x930] =	vst v37  }
0x116: {  	v43 =	vld [tilespmem:s19+$0x9B0];
	[tilespmem:s19+$0x900] =	vst v7;
	v7 =	vmul.f32 v28, v29  }
0x117: {  	v38 =	vld [tilespmem:s19+$0x980];
	v34 =	vmul.f32 v26, v29;
	[tilespmem:s19+$0x950] =	vst v40  }
0x118: {  	v46 =	vld [tilespmem:s19+$0x9D0];
	[tilespmem:s19+$0x920] =	vst v7;
	v7 =	vmul.f32 v32, v29  }
0x119: {  	v41 =	vld [tilespmem:s19+$0x9A0];
	v31 =	vmul.f32 v23, v62;
	[tilespmem:s19+$0x910] =	vst v34;
	v42 =	vbroadcast v6, $0xE  }
0x11a: {  	v39 =	vld [tilespmem:s19+$0x990];
	[tilespmem:s19+$0x940] =	vst v7;
	v7 =	vmul.f32 v35, v29  }
0x11b: {  	[tilespmem:s19+$0x8F0] =	vst v31;
	v45 =	vld [tilespmem:s19+$0x9C0];
	v50 =	vmul.f32 v43, v42  }
0x11c: {  	v36 =	vld [tilespmem:s19+$0x970];
	[tilespmem:s19+$0x960] =	vst v7;
	v7 =	vmul.f32 v38, v42  }
0x11d: {  	v53 =	vmul.f32 v46, v42;
	v48 =	vld [tilespmem:s19+$0x9E0];
	[tilespmem:s19+$0x9B0] =	vst v50  }
0x11e: {  	v52 =	vld [tilespmem:s19+$0xA10];
	[tilespmem:s19+$0x980] =	vst v7;
	v7 =	vmul.f32 v41, v42  }
0x11f: {  	v51 =	vld [tilespmem:s19+$0xA00];
	v47 =	vmul.f32 v39, v42;
	[tilespmem:s19+$0x9D0] =	vst v53  }
0x120: {  	v49 =	vld [tilespmem:s19+$0x9F0];
	[tilespmem:s19+$0x9A0] =	vst v7;
	v7 =	vmul.f32 v45, v42  }
0x121: {  	v54 =	vld [tilespmem:s19+$0xA20];
	v6 =	vbroadcast v6, $0xF;
	v44 =	vmul.f32 v36, v29;
	[tilespmem:s19+$0x990] =	vst v47  }
0x122: {  	v58 =	vld [tilespmem:s19+$0xA50];
	[tilespmem:s19+$0x9C0] =	vst v7;
	v7 =	vmul.f32 v48, v42  }
0x123: {  	v57 =	vld [tilespmem:s19+$0xA40];
	[tilespmem:s19+$0x970] =	vst v44;
	v59 =	vmul.f32 v52, v6  }
0x124: {  	v55 =	vld [tilespmem:s19+$0xA30];
	[tilespmem:s19+$0x9E0] =	vst v7;
	v7 =	vmul.f32 v51, v6  }
0x125: {  	v60 =	vld [tilespmem:s19+$0xA60];
	v56 =	vmul.f32 v49, v42;
	[tilespmem:s19+$0xA10] =	vst v59  }
0x126: {  	v61 =	vld [tilespmem:s19+$0xA70];
	[tilespmem:s19+$0xA00] =	vst v7;
	v7 =	vmul.f32 v54, v6  }
0x127: {  	[tilespmem:s19+$0x9F0] =	vst v56;
	v63 =	vmul.f32 v58, v6  }
0x128: {  	p0 =	sne.s32 s18, $0x7;
	[tilespmem:s19+$0xA20] =	vst v7;
	v7 =	vmul.f32 v57, v6  }
.Ltmp6:
0x129: {  	v62 =	vmul.f32 v55, v6;
	[tilespmem:s19+$0xA50] =	vst v63;
	(pc) =	sbr.rel @p0 .LBB2_6-.Ltmp6, $4  }
0x12a: {  	[tilespmem:s19+$0xA40] =	vst v7;
	v7 =	vmul.f32 v60, v6  }
0x12b: {  	[tilespmem:s19+$0xA30] =	vst v62;
	v6 =	vmul.f32 v61, v6  }
0x12c: {  	[tilespmem:s19+$0xA60] =	vst v7  }
0x12d: {  	s18 =	sadd.s32 $0x1, s18;
	[tilespmem:s19+$0xA70] =	vst v6  }
0x12e: {  	s18 =	sshll.u32 s16, $0x8  }
0x12f: {  	s18 =	sand.u32 $0x100, s18  }
0x130: {  	s18 =	sadd.s32 $0x8500, s18  }
0x131: {  	[spmem:s5] =	stream.indirect.scatter.add.f32 [tilespmem:s31], [sflag:$0x5], $0x80, s18, s6, $0xb8;
	[tilespmem:$0x1C780] =	vst v63  }
0x132: {  	s18 =	sadd.s32 $0x2, s17  }
0x133: {  	p0 =	sgt.u32 s18, s14  }
0x134: {  	s19 =	sshll.u32 @!p0 s18, $0xC  }
0x135: {  	s19 =	sor.u32 @!p0 s13, s19  }
0x136: {  	s18 =	sshll.u32 @!p0 s18, $0x7;
	s20 =	sshrl.u32 @!p0 s19, $0x3  }
0x137: {  	s21 =	simm.s32 @!p0 $0x0;
	s18 =	sand.u32 @!p0 $0x100, s18;
	s20 =	sadd.s32 @!p0 s2, s20  }
0x138: {  	[tilespmem:s21], [sflag:$0x1] =	stream.linear.gather @!p0 [hbm4b:s20+s21], $0x80, $0x38;
	[tilespmem:$0x1C780] =	vst v63  }
0x139: {  	s18 =	sadd.s32 @!p0 $0x8500, s18;
	s20 =	sadd.s32 @!p0 $0x9C40, s20  }
0x13a: {  	[tilespmem:s18], [sflag:$0x1] =	stream.linear.gather @!p0 [hbm4b:s20+s21], $0x80, $0x38;
	[tilespmem:$0x1C780] =	vst v63  }
0x13b: {  	s18 =	sshrl.u32 @!p0 s19, $0x1  }
0x13c: {  	s19 =	simm.s32 @!p0 $0x80;
	s18 =	sadd.s32 @!p0 s3, s18  }
0x13d: {  	[tilespmem:s19], [sflag:$0x1] =	stream.linear.gather @!p0 [hbm4b:s18+s21], $0x200, $0x38;
	[tilespmem:$0x1C780] =	vst v63  }
.LBB2_8:
0x13e: {  	p0 =	sge.u32 s17, s14  }
.Ltmp7:
0x13f: {  	_ = 	snop;
	(pc) =	sbr.rel @p0 .LBB2_12-.Ltmp7, $1  }
0x140: {  	_ =	sdelay $0x3  }
0x141: {  	p0 =	sgt.u32 s17, s28  }
0x142: {  	s18 =	simm.s32 @!p0 $0x1  }
0x143: {  	_ =	swait.ge @!p0 [sflag:s18], $0x80  }
0x144: {  	[sflag:s18] =	ssyncset.done @!p0 $0x0  }
0x145: {  	[sflag:s18] =	ssyncadd.s32 @!p0 $0xFFFFFF80  }
0x146: {  	_ =	swait.ge @!p0 [sflag:s18], $0x80  }
0x147: {  	[sflag:s18] =	ssyncset.done @!p0 $0x0  }
0x148: {  	[sflag:s18] =	ssyncadd.s32 @!p0 $0xFFFFFF80  }
0x149: {  	_ =	swait.ge @!p0 [sflag:s18], $0x200  }
0x14a: {  	[sflag:s18] =	ssyncset.done @!p0 $0x0  }
0x14b: {  	[sflag:s18] =	ssyncadd.s32 @!p0 $0xFFFFFE00;
	s18 =	simm.s32 @!p0 $0x5  }
0x14c: {  	_ =	swait.ge @!p0 [sflag:s18], $0x4000  }
0x14d: {  	s19 =	simm.s32 @!p0 $0x0;
	[sflag:s18] =	ssyncset.done @!p0 $0x0  }
0x14e: {  	s20 =	simm.s32 @!p0 $0x280;
	[sflag:s18] =	ssyncadd.s32 @!p0 $0xFFFFC000;
	s18 =	simm.s32 @!p0 $0x80  }
0x14f: {  	[tilespmem:s20], [sflag:$0x3] =	stream.indirect.gather @!p0 [hbm4b:s1+s18], $0x80, s19, s18, $0xb8;
	[tilespmem:$0x1C780] =	vst v63  }
0x150: {  	_ =	swait.ge [sflag:s0], $0x4000  }
0x151: {  	[sflag:s0] =	ssyncset.done $0x0  }
0x152: {  	s18 =	simm.s32 $0x0;
	[sflag:s0] =	ssyncadd.s32 $0xFFFFC000  }
.LBB2_10:
0x153: {  	s19 =	sshll.u32 s18, $0x4  }
0x154: {  	v6 =	vld [tilespmem:s19+$0x4300];
	_ =	sdelay $0x1  }
0x155: {  	v7 =	vld [tilespmem:s19+$0x4380];
	_ =	sdelay $0x1  }
0x156: {  	v8 =	vld [tilespmem:s19+$0x4400]  }
0x157: {  	v6 =	vmul.f32 v6, v1  }
0x158: {  	v9 =	vld [tilespmem:s19+$0x4480]  }
0x159: {  	v7 =	vmul.f32 v7, v2;
	v6 =	vadd.f32 v6, v5;
	_ =	sdelay $0x1  }
0x15a: {  	v6 =	vadd.f32 v7, v6;
	v7 =	vmul.f32 v8, v3;
	_ =	sdelay $0x1  }
0x15b: {  	v6 =	vadd.f32 v7, v6;
	v7 =	vmul.f32 v9, v4;
	_ =	sdelay $0x1  }
0x15c: {  	v6 =	vadd.f32 v7, v6;
	_ =	sdelay $0x1  }
0x15d: {  	v6 =	vsub.f32 $0.0e+00, v6;
	_ =	sdelay $0x1  }
0x15e: {  	v6 =	vmul.f32 $1.442695020e+00, v6;
	_ =	sdelay $0x1  }
0x15f: {  	(erf) = vpow2.f32 v6;
	_ =	sdelay $0x8  }
0x160: {  	v6 =	vpop (erf)  }
0x161: {  	v6 =	vadd.f32 $1.000000000e+00, v6;
	_ =	sdelay $0x1  }
0x162: {  	(erf) = vrcp.f32 v6;
	_ =	sdelay $0x4  }
0x163: {  	s21 =	sshll.u32 s18, $0xB  }
0x164: {  	s19 =	sand.u32 $0x3FFFF800, s21  }
0x165: {  	v7 =	vld [tilespmem:s19+$0x4500]  }
0x166: {  	v52 =	vld [tilespmem:s19+$0x4510]  }
0x167: {  	v53 =	vld [tilespmem:s19+$0x4520];
	v6 =	vpop (erf)  }
0x168: {  	v11 =	vld [tilespmem:s19+$0x4530];
	v10 =	vbroadcast v6, $0x0  }
0x169: {  	v12 =	vld [tilespmem:s19+$0x4540]  }
0x16a: {  	v13 =	vld [tilespmem:s19+$0x4550];
	v7 =	vmul.f32 v10, v7  }
0x16b: {  	v14 =	vld [tilespmem:s19+$0x4560];
	v8 =	vmul.f32 v10, v52  }
0x16c: {  	v54 =	vld [tilespmem:s19+$0x4570];
	[tilespmem:s19+$0x4500] =	vst v7;
	v7 =	vmul.f32 v10, v53  }
0x16d: {  	v56 =	vld [tilespmem:s19+$0x4580];
	v55 =	vmul.f32 v10, v11;
	[tilespmem:s19+$0x4510] =	vst v8  }
0x16e: {  	v57 =	vld [tilespmem:s19+$0x4590];
	[tilespmem:s19+$0x4520] =	vst v7;
	v7 =	vmul.f32 v12, v10  }
0x16f: {  	v59 =	vld [tilespmem:s19+$0x45A0];
	v58 =	vmul.f32 v13, v10;
	[tilespmem:s19+$0x4530] =	vst v55  }
0x170: {  	v15 =	vld [tilespmem:s19+$0x45B0];
	v60 =	vbroadcast v6, $0x1;
	[tilespmem:s19+$0x4540] =	vst v7;
	v7 =	vmul.f32 v14, v10  }
0x171: {  	v62 =	vld [tilespmem:s19+$0x45C0];
	v61 =	vmul.f32 v54, v10;
	[tilespmem:s19+$0x4550] =	vst v58  }
0x172: {  	v63 =	vld [tilespmem:s19+$0x45D0];
	[tilespmem:s19+$0x4560] =	vst v7;
	v7 =	vmul.f32 v56, v60  }
0x173: {  	v17 =	vld [tilespmem:s19+$0x45E0];
	v16 =	vmul.f32 v57, v60;
	[tilespmem:s19+$0x4570] =	vst v61  }
0x174: {  	v18 =	vld [tilespmem:s19+$0x45F0];
	[tilespmem:s19+$0x4580] =	vst v7;
	v7 =	vmul.f32 v59, v60  }
0x175: {  	v20 =	vld [tilespmem:s19+$0x4600];
	v19 =	vmul.f32 v15, v60;
	[tilespmem:s19+$0x4590] =	vst v16  }
0x176: {  	v21 =	vld [tilespmem:s19+$0x4610];
	[tilespmem:s19+$0x45A0] =	vst v7;
	v7 =	vmul.f32 v62, v60  }
0x177: {  	v23 =	vld [tilespmem:s19+$0x4620];
	v22 =	vmul.f32 v63, v60;
	[tilespmem:s19+$0x45B0] =	vst v19  }
0x178: {  	v25 =	vld [tilespmem:s19+$0x4630];
	v24 =	vbroadcast v6, $0x2;
	[tilespmem:s19+$0x45C0] =	vst v7;
	v7 =	vmul.f32 v17, v60  }
0x179: {  	v27 =	vld [tilespmem:s19+$0x4640];
	v26 =	vmul.f32 v18, v60;
	[tilespmem:s19+$0x45D0] =	vst v22  }
0x17a: {  	v28 =	vld [tilespmem:s19+$0x4650];
	[tilespmem:s19+$0x45E0] =	vst v7;
	v7 =	vmul.f32 v20, v24  }
0x17b: {  	v30 =	vld [tilespmem:s19+$0x4660];
	v29 =	vmul.f32 v21, v24;
	[tilespmem:s19+$0x45F0] =	vst v26  }
0x17c: {  	v31 =	vld [tilespmem:s19+$0x4670];
	[tilespmem:s19+$0x4600] =	vst v7;
	v7 =	vmul.f32 v23, v24  }
0x17d: {  	v33 =	vld [tilespmem:s19+$0x4680];
	v32 =	vmul.f32 v25, v24;
	[tilespmem:s19+$0x4610] =	vst v29  }
0x17e: {  	v34 =	vld [tilespmem:s19+$0x4690];
	[tilespmem:s19+$0x4620] =	vst v7;
	v7 =	vmul.f32 v27, v24  }
0x17f: {  	v36 =	vld [tilespmem:s19+$0x46A0];
	v35 =	vmul.f32 v28, v24;
	[tilespmem:s19+$0x4630] =	vst v32  }
0x180: {  	v38 =	vld [tilespmem:s19+$0x46B0];
	v37 =	vbroadcast v6, $0x3;
	[tilespmem:s19+$0x4640] =	vst v7;
	v7 =	vmul.f32 v30, v24  }
0x181: {  	v40 =	vld [tilespmem:s19+$0x46C0];
	v39 =	vmul.f32 v31, v24;
	[tilespmem:s19+$0x4650] =	vst v35  }
0x182: {  	v41 =	vld [tilespmem:s19+$0x46D0];
	[tilespmem:s19+$0x4660] =	vst v7;
	v7 =	vmul.f32 v33, v37  }
0x183: {  	v43 =	vld [tilespmem:s19+$0x46E0];
	v42 =	vmul.f32 v34, v37;
	[tilespmem:s19+$0x4670] =	vst v39  }
0x184: {  	v44 =	vld [tilespmem:s19+$0x46F0];
	[tilespmem:s19+$0x4680] =	vst v7;
	v7 =	vmul.f32 v36, v37  }
0x185: {  	v46 =	vld [tilespmem:s19+$0x4700];
	v45 =	vmul.f32 v38, v37;
	[tilespmem:s19+$0x4690] =	vst v42  }
0x186: {  	v47 =	vld [tilespmem:s19+$0x4710];
	[tilespmem:s19+$0x46A0] =	vst v7;
	v7 =	vmul.f32 v40, v37  }
0x187: {  	v49 =	vld [tilespmem:s19+$0x4720];
	v48 =	vmul.f32 v41, v37;
	[tilespmem:s19+$0x46B0] =	vst v45  }
0x188: {  	v51 =	vld [tilespmem:s19+$0x4730];
	v50 =	vbroadcast v6, $0x4;
	[tilespmem:s19+$0x46C0] =	vst v7;
	v7 =	vmul.f32 v43, v37  }
0x189: {  	v52 =	vmul.f32 v44, v37;
	[tilespmem:s19+$0x46D0] =	vst v48;
	v53 =	vld [tilespmem:s19+$0x4740]  }
0x18a: {  	v54 =	vld [tilespmem:s19+$0x4750];
	[tilespmem:s19+$0x46E0] =	vst v7;
	v7 =	vmul.f32 v46, v50  }
0x18b: {  	[tilespmem:s19+$0x46F0] =	vst v52;
	v55 =	vmul.f32 v47, v50;
	v56 =	vld [tilespmem:s19+$0x4760]  }
0x18c: {  	v57 =	vld [tilespmem:s19+$0x4770];
	[tilespmem:s19+$0x4700] =	vst v7;
	v7 =	vmul.f32 v49, v50  }
0x18d: {  	v58 =	vmul.f32 v51, v50;
	[tilespmem:s19+$0x4710] =	vst v55;
	v59 =	vld [tilespmem:s19+$0x4780]  }
0x18e: {  	v18 =	vld [tilespmem:s19+$0x47B0];
	[tilespmem:s19+$0x4720] =	vst v7;
	v7 =	vmul.f32 v53, v50  }
0x18f: {  	[tilespmem:s19+$0x4730] =	vst v58;
	v61 =	vmul.f32 v54, v50;
	v62 =	vld [tilespmem:s19+$0x47A0]  }
0x190: {  	v63 =	vbroadcast v6, $0x5;
	v21 =	vld [tilespmem:s19+$0x47D0];
	[tilespmem:s19+$0x4740] =	vst v7;
	v7 =	vmul.f32 v56, v50  }
0x191: {  	v19 =	vmul.f32 v57, v50;
	[tilespmem:s19+$0x4750] =	vst v61;
	v20 =	vld [tilespmem:s19+$0x47C0]  }
0x192: {  	v60 =	vld [tilespmem:s19+$0x4790];
	[tilespmem:s19+$0x4760] =	vst v7;
	v7 =	vmul.f32 v59, v63  }
0x193: {  	v25 =	vmul.f32 v18, v63;
	[tilespmem:s19+$0x4770] =	vst v19;
	v23 =	vld [tilespmem:s19+$0x47E0]  }
0x194: {  	v31 =	vld [tilespmem:s19+$0x4830];
	[tilespmem:s19+$0x4780] =	vst v7;
	v7 =	vmul.f32 v62, v63  }
0x195: {  	v26 =	vld [tilespmem:s19+$0x4800];
	v28 =	vmul.f32 v21, v63;
	[tilespmem:s19+$0x47B0] =	vst v25  }
0x196: {  	v34 =	vld [tilespmem:s19+$0x4850];
	[tilespmem:s19+$0x47A0] =	vst v7;
	v7 =	vmul.f32 v20, v63  }
0x197: {  	v29 =	vld [tilespmem:s19+$0x4820];
	[tilespmem:s19+$0x47D0] =	vst v28;
	v22 =	vmul.f32 v60, v63;
	v30 =	vbroadcast v6, $0x6  }
0x198: {  	v27 =	vld [tilespmem:s19+$0x4810];
	[tilespmem:s19+$0x47C0] =	vst v7;
	v7 =	vmul.f32 v23, v63  }
0x199: {  	[tilespmem:s19+$0x4790] =	vst v22;
	v33 =	vld [tilespmem:s19+$0x4840];
	v38 =	vmul.f32 v31, v30  }
0x19a: {  	v24 =	vld [tilespmem:s19+$0x47F0];
	[tilespmem:s19+$0x47E0] =	vst v7;
	v7 =	vmul.f32 v26, v30  }
0x19b: {  	v41 =	vmul.f32 v34, v30;
	v36 =	vld [tilespmem:s19+$0x4860];
	[tilespmem:s19+$0x4830] =	vst v38  }
0x19c: {  	v44 =	vld [tilespmem:s19+$0x48B0];
	[tilespmem:s19+$0x4800] =	vst v7;
	v7 =	vmul.f32 v29, v30  }
0x19d: {  	v39 =	vld [tilespmem:s19+$0x4880];
	v35 =	vmul.f32 v27, v30;
	[tilespmem:s19+$0x4850] =	vst v41  }
0x19e: {  	v47 =	vld [tilespmem:s19+$0x48D0];
	[tilespmem:s19+$0x4820] =	vst v7;
	v7 =	vmul.f32 v33, v30  }
0x19f: {  	v42 =	vld [tilespmem:s19+$0x48A0];
	v32 =	vmul.f32 v24, v63;
	[tilespmem:s19+$0x4810] =	vst v35;
	v43 =	vbroadcast v6, $0x7  }
0x1a0: {  	v40 =	vld [tilespmem:s19+$0x4890];
	[tilespmem:s19+$0x4840] =	vst v7;
	v7 =	vmul.f32 v36, v30  }
0x1a1: {  	[tilespmem:s19+$0x47F0] =	vst v32;
	v46 =	vld [tilespmem:s19+$0x48C0];
	v51 =	vmul.f32 v44, v43  }
0x1a2: {  	v37 =	vld [tilespmem:s19+$0x4870];
	[tilespmem:s19+$0x4860] =	vst v7;
	v7 =	vmul.f32 v39, v43  }
0x1a3: {  	v54 =	vmul.f32 v47, v43;
	v49 =	vld [tilespmem:s19+$0x48E0];
	[tilespmem:s19+$0x48B0] =	vst v51  }
0x1a4: {  	v57 =	vld [tilespmem:s19+$0x4930];
	[tilespmem:s19+$0x4880] =	vst v7;
	v7 =	vmul.f32 v42, v43  }
0x1a5: {  	v52 =	vld [tilespmem:s19+$0x4900];
	v48 =	vmul.f32 v40, v43;
	[tilespmem:s19+$0x48D0] =	vst v54  }
0x1a6: {  	v60 =	vld [tilespmem:s19+$0x4950];
	[tilespmem:s19+$0x48A0] =	vst v7;
	v7 =	vmul.f32 v46, v43  }
0x1a7: {  	v55 =	vld [tilespmem:s19+$0x4920];
	v45 =	vmul.f32 v37, v30;
	[tilespmem:s19+$0x4890] =	vst v48;
	v56 =	vbroadcast v6, $0x8  }
0x1a8: {  	v53 =	vld [tilespmem:s19+$0x4910];
	[tilespmem:s19+$0x48C0] =	vst v7;
	v7 =	vmul.f32 v49, v43  }
0x1a9: {  	[tilespmem:s19+$0x4870] =	vst v45;
	v59 =	vld [tilespmem:s19+$0x4940];
	v18 =	vmul.f32 v57, v56  }
0x1aa: {  	v50 =	vld [tilespmem:s19+$0x48F0];
	[tilespmem:s19+$0x48E0] =	vst v7;
	v7 =	vmul.f32 v52, v56  }
0x1ab: {  	v21 =	vmul.f32 v60, v56;
	v62 =	vld [tilespmem:s19+$0x4960];
	[tilespmem:s19+$0x4930] =	vst v18  }
0x1ac: {  	v24 =	vld [tilespmem:s19+$0x49B0];
	[tilespmem:s19+$0x4900] =	vst v7;
	v7 =	vmul.f32 v55, v56  }
0x1ad: {  	v19 =	vld [tilespmem:s19+$0x4980];
	v61 =	vmul.f32 v53, v56;
	[tilespmem:s19+$0x4950] =	vst v21  }
0x1ae: {  	v27 =	vld [tilespmem:s19+$0x49D0];
	[tilespmem:s19+$0x4920] =	vst v7;
	v7 =	vmul.f32 v59, v56  }
0x1af: {  	v22 =	vld [tilespmem:s19+$0x49A0];
	v58 =	vmul.f32 v50, v43;
	[tilespmem:s19+$0x4910] =	vst v61;
	v23 =	vbroadcast v6, $0x9  }
0x1b0: {  	v20 =	vld [tilespmem:s19+$0x4990];
	[tilespmem:s19+$0x4940] =	vst v7;
	v7 =	vmul.f32 v62, v56  }
0x1b1: {  	[tilespmem:s19+$0x48F0] =	vst v58;
	v26 =	vld [tilespmem:s19+$0x49C0];
	v31 =	vmul.f32 v24, v23  }
0x1b2: {  	v63 =	vld [tilespmem:s19+$0x4970];
	[tilespmem:s19+$0x4960] =	vst v7;
	v7 =	vmul.f32 v19, v23  }
0x1b3: {  	v34 =	vmul.f32 v27, v23;
	v29 =	vld [tilespmem:s19+$0x49E0];
	[tilespmem:s19+$0x49B0] =	vst v31  }
0x1b4: {  	v37 =	vld [tilespmem:s19+$0x4A30];
	[tilespmem:s19+$0x4980] =	vst v7;
	v7 =	vmul.f32 v22, v23  }
0x1b5: {  	v32 =	vld [tilespmem:s19+$0x4A00];
	v28 =	vmul.f32 v20, v23;
	[tilespmem:s19+$0x49D0] =	vst v34  }
0x1b6: {  	v40 =	vld [tilespmem:s19+$0x4A50];
	[tilespmem:s19+$0x49A0] =	vst v7;
	v7 =	vmul.f32 v26, v23  }
0x1b7: {  	v35 =	vld [tilespmem:s19+$0x4A20];
	v25 =	vmul.f32 v63, v56;
	[tilespmem:s19+$0x4990] =	vst v28;
	v36 =	vbroadcast v6, $0xA  }
0x1b8: {  	v33 =	vld [tilespmem:s19+$0x4A10];
	[tilespmem:s19+$0x49C0] =	vst v7;
	v7 =	vmul.f32 v29, v23  }
0x1b9: {  	[tilespmem:s19+$0x4970] =	vst v25;
	v39 =	vld [tilespmem:s19+$0x4A40];
	v44 =	vmul.f32 v37, v36  }
0x1ba: {  	v30 =	vld [tilespmem:s19+$0x49F0];
	[tilespmem:s19+$0x49E0] =	vst v7;
	v7 =	vmul.f32 v32, v36  }
0x1bb: {  	v47 =	vmul.f32 v40, v36;
	v42 =	vld [tilespmem:s19+$0x4A60];
	[tilespmem:s19+$0x4A30] =	vst v44  }
0x1bc: {  	v50 =	vld [tilespmem:s19+$0x4AB0];
	[tilespmem:s19+$0x4A00] =	vst v7;
	v7 =	vmul.f32 v35, v36  }
0x1bd: {  	v45 =	vld [tilespmem:s19+$0x4A80];
	v41 =	vmul.f32 v33, v36;
	[tilespmem:s19+$0x4A50] =	vst v47  }
0x1be: {  	v53 =	vld [tilespmem:s19+$0x4AD0];
	[tilespmem:s19+$0x4A20] =	vst v7;
	v7 =	vmul.f32 v39, v36  }
0x1bf: {  	v48 =	vld [tilespmem:s19+$0x4AA0];
	v38 =	vmul.f32 v30, v23;
	[tilespmem:s19+$0x4A10] =	vst v41;
	v49 =	vbroadcast v6, $0xB  }
0x1c0: {  	v46 =	vld [tilespmem:s19+$0x4A90];
	[tilespmem:s19+$0x4A40] =	vst v7;
	v7 =	vmul.f32 v42, v36  }
0x1c1: {  	[tilespmem:s19+$0x49F0] =	vst v38;
	v52 =	vld [tilespmem:s19+$0x4AC0];
	v57 =	vmul.f32 v50, v49  }
0x1c2: {  	v43 =	vld [tilespmem:s19+$0x4A70];
	[tilespmem:s19+$0x4A60] =	vst v7;
	v7 =	vmul.f32 v45, v49  }
0x1c3: {  	v60 =	vmul.f32 v53, v49;
	v55 =	vld [tilespmem:s19+$0x4AE0];
	[tilespmem:s19+$0x4AB0] =	vst v57  }
0x1c4: {  	v63 =	vld [tilespmem:s19+$0x4B30];
	[tilespmem:s19+$0x4A80] =	vst v7;
	v7 =	vmul.f32 v48, v49  }
0x1c5: {  	v58 =	vld [tilespmem:s19+$0x4B00];
	v54 =	vmul.f32 v46, v49;
	[tilespmem:s19+$0x4AD0] =	vst v60  }
0x1c6: {  	v20 =	vld [tilespmem:s19+$0x4B50];
	[tilespmem:s19+$0x4AA0] =	vst v7;
	v7 =	vmul.f32 v52, v49  }
0x1c7: {  	v61 =	vld [tilespmem:s19+$0x4B20];
	v51 =	vmul.f32 v43, v36;
	[tilespmem:s19+$0x4A90] =	vst v54;
	v62 =	vbroadcast v6, $0xC  }
0x1c8: {  	v59 =	vld [tilespmem:s19+$0x4B10];
	[tilespmem:s19+$0x4AC0] =	vst v7;
	v7 =	vmul.f32 v55, v49  }
0x1c9: {  	[tilespmem:s19+$0x4A70] =	vst v51;
	v19 =	vld [tilespmem:s19+$0x4B40];
	v24 =	vmul.f32 v63, v62  }
0x1ca: {  	v56 =	vld [tilespmem:s19+$0x4AF0];
	[tilespmem:s19+$0x4AE0] =	vst v7;
	v7 =	vmul.f32 v58, v62  }
0x1cb: {  	v27 =	vmul.f32 v20, v62;
	v22 =	vld [tilespmem:s19+$0x4B60];
	[tilespmem:s19+$0x4B30] =	vst v24  }
0x1cc: {  	v30 =	vld [tilespmem:s19+$0x4BB0];
	[tilespmem:s19+$0x4B00] =	vst v7;
	v7 =	vmul.f32 v61, v62  }
0x1cd: {  	v25 =	vld [tilespmem:s19+$0x4B80];
	v21 =	vmul.f32 v59, v62;
	[tilespmem:s19+$0x4B50] =	vst v27  }
0x1ce: {  	v33 =	vld [tilespmem:s19+$0x4BD0];
	[tilespmem:s19+$0x4B20] =	vst v7;
	v7 =	vmul.f32 v19, v62  }
0x1cf: {  	v28 =	vld [tilespmem:s19+$0x4BA0];
	v18 =	vmul.f32 v56, v49;
	[tilespmem:s19+$0x4B10] =	vst v21;
	v29 =	vbroadcast v6, $0xD  }
0x1d0: {  	v26 =	vld [tilespmem:s19+$0x4B90];
	[tilespmem:s19+$0x4B40] =	vst v7;
	v7 =	vmul.f32 v22, v62  }
0x1d1: {  	[tilespmem:s19+$0x4AF0] =	vst v18;
	v32 =	vld [tilespmem:s19+$0x4BC0];
	v37 =	vmul.f32 v30, v29  }
0x1d2: {  	v23 =	vld [tilespmem:s19+$0x4B70];
	[tilespmem:s19+$0x4B60] =	vst v7;
	v7 =	vmul.f32 v25, v29  }
0x1d3: {  	v40 =	vmul.f32 v33, v29;
	v35 =	vld [tilespmem:s19+$0x4BE0];
	[tilespmem:s19+$0x4BB0] =	vst v37  }
0x1d4: {  	v43 =	vld [tilespmem:s19+$0x4C30];
	[tilespmem:s19+$0x4B80] =	vst v7;
	v7 =	vmul.f32 v28, v29  }
0x1d5: {  	v38 =	vld [tilespmem:s19+$0x4C00];
	v34 =	vmul.f32 v26, v29;
	[tilespmem:s19+$0x4BD0] =	vst v40  }
0x1d6: {  	v46 =	vld [tilespmem:s19+$0x4C50];
	[tilespmem:s19+$0x4BA0] =	vst v7;
	v7 =	vmul.f32 v32, v29  }
0x1d7: {  	v41 =	vld [tilespmem:s19+$0x4C20];
	v31 =	vmul.f32 v23, v62;
	[tilespmem:s19+$0x4B90] =	vst v34;
	v42 =	vbroadcast v6, $0xE  }
0x1d8: {  	v39 =	vld [tilespmem:s19+$0x4C10];
	[tilespmem:s19+$0x4BC0] =	vst v7;
	v7 =	vmul.f32 v35, v29  }
0x1d9: {  	[tilespmem:s19+$0x4B70] =	vst v31;
	v45 =	vld [tilespmem:s19+$0x4C40];
	v50 =	vmul.f32 v43, v42  }
0x1da: {  	v36 =	vld [tilespmem:s19+$0x4BF0];
	[tilespmem:s19+$0x4BE0] =	vst v7;
	v7 =	vmul.f32 v38, v42  }
0x1db: {  	v53 =	vmul.f32 v46, v42;
	v48 =	vld [tilespmem:s19+$0x4C60];
	[tilespmem:s19+$0x4C30] =	vst v50  }
0x1dc: {  	v52 =	vld [tilespmem:s19+$0x4C90];
	[tilespmem:s19+$0x4C00] =	vst v7;
	v7 =	vmul.f32 v41, v42  }
0x1dd: {  	v51 =	vld [tilespmem:s19+$0x4C80];
	v47 =	vmul.f32 v39, v42;
	[tilespmem:s19+$0x4C50] =	vst v53  }
0x1de: {  	v49 =	vld [tilespmem:s19+$0x4C70];
	[tilespmem:s19+$0x4C20] =	vst v7;
	v7 =	vmul.f32 v45, v42  }
0x1df: {  	v54 =	vld [tilespmem:s19+$0x4CA0];
	v6 =	vbroadcast v6, $0xF;
	v44 =	vmul.f32 v36, v29;
	[tilespmem:s19+$0x4C10] =	vst v47  }
0x1e0: {  	v58 =	vld [tilespmem:s19+$0x4CD0];
	[tilespmem:s19+$0x4C40] =	vst v7;
	v7 =	vmul.f32 v48, v42  }
0x1e1: {  	v57 =	vld [tilespmem:s19+$0x4CC0];
	[tilespmem:s19+$0x4BF0] =	vst v44;
	v59 =	vmul.f32 v52, v6  }
0x1e2: {  	v55 =	vld [tilespmem:s19+$0x4CB0];
	[tilespmem:s19+$0x4C60] =	vst v7;
	v7 =	vmul.f32 v51, v6  }
0x1e3: {  	v60 =	vld [tilespmem:s19+$0x4CE0];
	v56 =	vmul.f32 v49, v42;
	[tilespmem:s19+$0x4C90] =	vst v59  }
0x1e4: {  	v61 =	vld [tilespmem:s19+$0x4CF0];
	[tilespmem:s19+$0x4C80] =	vst v7;
	v7 =	vmul.f32 v54, v6  }
0x1e5: {  	[tilespmem:s19+$0x4C70] =	vst v56;
	v63 =	vmul.f32 v58, v6  }
0x1e6: {  	p0 =	sne.s32 s18, $0x7;
	[tilespmem:s19+$0x4CA0] =	vst v7;
	v7 =	vmul.f32 v57, v6  }
.Ltmp8:
0x1e7: {  	v62 =	vmul.f32 v55, v6;
	[tilespmem:s19+$0x4CD0] =	vst v63;
	(pc) =	sbr.rel @p0 .LBB2_10-.Ltmp8, $4  }
0x1e8: {  	[tilespmem:s19+$0x4CC0] =	vst v7;
	v7 =	vmul.f32 v60, v6  }
0x1e9: {  	[tilespmem:s19+$0x4CB0] =	vst v62;
	v6 =	vmul.f32 v61, v6  }
0x1ea: {  	[tilespmem:s19+$0x4CE0] =	vst v7  }
0x1eb: {  	s18 =	sadd.s32 $0x1, s18;
	[tilespmem:s19+$0x4CF0] =	vst v6  }
0x1ec: {  	s18 =	sshll.u32 s16, $0x8  }
0x1ed: {  	s17 =	sadd.s32 $0x3, s17;
	s18 =	sand.u32 $0x100, s18  }
0x1ee: {  	p0 =	sgt.u32 s17, s14;
	s18 =	sadd.s32 $0x8580, s18  }
0x1ef: {  	[spmem:s5] =	stream.indirect.scatter.add.f32 [tilespmem:s29], [sflag:$0x5], $0x80, s18, s6, $0xb8;
	[tilespmem:$0x1C780] =	vst v63  }
0x1f0: {  	s18 =	sshll.u32 @!p0 s17, $0xC  }
0x1f1: {  	s18 =	sor.u32 @!p0 s13, s18  }
0x1f2: {  	s20 =	simm.s32 @!p0 $0x0;
	s17 =	sshll.u32 @!p0 s17, $0x7;
	s19 =	sshrl.u32 @!p0 s18, $0x3  }
0x1f3: {  	s21 =	simm.s32 @!p0 $0x4280;
	s17 =	sand.u32 @!p0 $0x180, s17;
	s19 =	sadd.s32 @!p0 s2, s19  }
0x1f4: {  	[tilespmem:s21], [sflag:$0x2] =	stream.linear.gather @!p0 [hbm4b:s19+s20], $0x80, $0x38;
	[tilespmem:$0x1C780] =	vst v63  }
.Ltmp9:
0x1f5: {  	s17 =	sadd.s32 @!p0 $0x8500, s17;
	s19 =	sadd.s32 @!p0 $0x9C40, s19;
	(pc) =	sbr.rel .LBB2_12-.Ltmp9, $4  }
0x1f6: {  	[tilespmem:s17], [sflag:$0x2] =	stream.linear.gather @!p0 [hbm4b:s19+s20], $0x80, $0x38;
	[tilespmem:$0x1C780] =	vst v63  }
0x1f7: {  	s17 =	sshrl.u32 @!p0 s18, $0x1  }
0x1f8: {  	s18 =	simm.s32 @!p0 $0x4300;
	s17 =	sadd.s32 @!p0 s3, s17  }
0x1f9: {  	[tilespmem:s18], [sflag:$0x2] =	stream.linear.gather @!p0 [hbm4b:s17+s20], $0x200, $0x38;
	[tilespmem:$0x1C780] =	vst v63  }
.LBB2_14:
0x1fa: {  	_ =	sfence.sel $0x180000  }
0x1fb: {  	[bflag:$0x0] =	sbarrier.arrive $0xFFFF  }
0x1fc: {  	_ =	strace $0x90000047  }
0x1fd: {  	s0 =	stileid.u32;
	[bflag:$0x2] =	sbarrier.arrive $0xFFFF  }
0x1fe: {  	p0 =	sne.s32 s0, $0x0;
	s0 =	rddreg [dreg:$0x5]  }
0x1ff: {  	s0 =	sadd.s32 @!p0 $0x100000, s0  }
0x200: {  	[sflag:s0] =	ssyncadd.tile.s32 @!p0 $0x1;
	_ =	shalt  }
.Lfunc_end2:
_tile_overlayer_lowered:
.L_overlay_start_2:
0x201: {  	(tag) =	ssettag $0x2  }
0x202: {  	s0 =	rddreg [dreg:$0x0];
	s2 =	stileid.u32  }
0x203: {  	s1 =	rddreg [dreg:$0x1];
	p0 =	sne.s32 s2, $0x0  }
0x204: {  	s3 =	rddreg [dreg:$0x2];
	[bflag:$0x3] =	sbarrier.arrive $0xFFFF;
	s2 =	simm.s32 @!p0 $0x1C06  }
0x205: {  	[timem:s3], [sflag:s2] =	dma.local @!p0 [hbm:s0], s1  }
0x206: {  	s0 =	simm.s32 @!p0 $0x6  }
0x207: {  	_ =	swait.ge @!p0 [sflag:s0], s1  }
0x208: {  	s1 =	ssub.s32 @!p0 $0x0, s1;
	[sflag:s0] =	ssyncset.done @!p0 $0x0  }
0x209: {  	[sflag:s0] =	ssyncadd.s32 @!p0 s1  }
0x20a: {  	[bflag:$0x3] =	sbarrier.arrive $0xFFFF  }
0x20b: {  	_ =	shalt  }

</sc_bundles>
